<compile_context>
chip_gen: v7x
topology: tpu7x:2x2x1
jax: 0.10.2.dev20260603
libtpu: 0.0.44.dev20260713+nightly
codegen_flags: <defaults>
</compile_context>

<pallas_src>
import functools

import jax
import jax.numpy as jnp
from jax import lax
from jax.experimental import pallas as pl
from jax.experimental.pallas import tpu as pltpu
from jax.experimental.pallas import tpu_sc as plsc

N_NODES = 10000
D = 128
DH = D // 2
NC = 2
NS = 16
EB = 128
NBUF = 4
N_PAD = 10240
ROWS_PER_TILE = N_PAD // NS
RB = 1000



def _make_sc_agg(nb, with_counts):
  assert nb % (2 * NBUF) == 0
  nb2 = nb // 2
  mesh = plsc.VectorSubcoreMesh(core_axis_name="c", subcore_axis_name="s")

  out_type = [jax.ShapeDtypeStruct((NC, N_PAD, DH), jnp.float32)]
  scratch = [
      pltpu.VMEM((nb2, EB), jnp.int32),
      pltpu.VMEM((nb2, EB), jnp.int32),
  ]
  scratch += [pltpu.VMEM((EB, DH), jnp.float32) for _ in range(NBUF)]
  scratch += [pltpu.SemaphoreType.DMA for _ in range(NBUF)]
  scratch += [
      pltpu.VMEM((EB, 16), jnp.float32),
      pltpu.VMEM((EB, 16), jnp.float32),
      pltpu.VMEM_SHARED((N_PAD, DH), jnp.float32),
  ]
  if with_counts:
    out_type.append(jax.ShapeDtypeStruct((NC, N_PAD, 16), jnp.float32))
    scratch.append(pltpu.VMEM_SHARED((N_PAD, 16), jnp.float32))

  def body(src_hbm, dst_hbm, table_hbm, zeros_hbm, zeros16_hbm, ones_hbm,
           *rest):
    if with_counts:
      p_hbm, cnt_hbm = rest[0], rest[1]
      rest = rest[2:]
    else:
      p_hbm = rest[0]
      rest = rest[1:]
    src_v, dst_v = rest[0], rest[1]
    rows = list(rest[2:2 + NBUF])
    sems = list(rest[2 + NBUF:2 + 2 * NBUF])
    ones_v = rest[2 + 2 * NBUF]
    cbuf = rest[3 + 2 * NBUF]
    acc = rest[4 + 2 * NBUF]
    cacc = rest[5 + 2 * NBUF] if with_counts else None

    c = lax.axis_index("c")
    s = lax.axis_index("s")
    row0 = s * ROWS_PER_TILE
    table_c = table_hbm.at[c]

    pltpu.sync_copy(zeros_hbm, rows[0])
    for t in range(ROWS_PER_TILE // 128):
      pltpu.sync_copy(rows[0], acc.at[pl.ds(row0 + t * 128, 128)])
    if with_counts:
      pltpu.sync_copy(ones_hbm, ones_v)
      pltpu.sync_copy(zeros16_hbm, cbuf)
      for t in range(ROWS_PER_TILE // 128):
        pltpu.sync_copy(cbuf, cacc.at[pl.ds(row0 + t * 128, 128)])

    for h in range(2):
      pltpu.sync_copy(src_hbm.at[s, pl.ds(h * nb2, nb2)], src_v)
      pltpu.sync_copy(dst_hbm.at[s, pl.ds(h * nb2, nb2)], dst_v)

      for b in range(NBUF):
        pltpu.async_copy(table_c.at[src_v.at[b]], rows[b], sems[b])

      if h == 0:
        plsc.subcore_barrier()

      def loop_body(i, carry):
        for b in range(NBUF):
          j = NBUF * i + b
          pltpu.make_async_copy(table_c.at[src_v.at[b]], rows[b],
                                sems[b]).wait()
          pltpu.sync_copy(rows[b], acc.at[dst_v.at[j]], add=True)
          if with_counts:
            pltpu.sync_copy(ones_v, cacc.at[dst_v.at[j]], add=True)
          jn = jnp.minimum(j + NBUF, nb2 - 1)
          pltpu.async_copy(table_c.at[src_v.at[jn]], rows[b], sems[b])
        return carry

      lax.fori_loop(0, nb2 // NBUF, loop_body, 0)
      for b in range(NBUF):
        pltpu.make_async_copy(table_c.at[src_v.at[b]], rows[b],
                              sems[b]).wait()

    plsc.subcore_barrier()

    for t in range(ROWS_PER_TILE // 128):
      sl = pl.ds(row0 + t * 128, 128)
      pltpu.sync_copy(acc.at[sl], rows[0])
      pltpu.sync_copy(rows[0], p_hbm.at[c, sl])
      if with_counts:
        pltpu.sync_copy(cacc.at[sl], cbuf)
        pltpu.sync_copy(cbuf, cnt_hbm.at[c, sl])

  return pl.kernel(
      body, out_type=tuple(out_type), mesh=mesh, scratch_types=scratch,
      compiler_params=pltpu.CompilerParams(use_tc_tiling_on_sc=False))



def _mm2_body(x_ref, w_ref, ol_ref, or_ref):
  y = jnp.dot(x_ref[...], w_ref[...], preferred_element_type=jnp.float32)
  ol_ref[0] = y[:, :DH]
  ol_ref[1] = y[:, DH:D]
  or_ref[...] = y[:, D:]


def _mid_body(p_ref, cnt_ref, xr_ref, b_ref, w_ref, ol_ref, or_ref):
  cnt = cnt_ref[0, :, 0:1]
  rc = 1.0 / jnp.maximum(cnt, 1.0)
  mean = jnp.concatenate([p_ref[0], p_ref[1]], axis=1) * rc
  h = jnp.maximum(mean + xr_ref[...] + b_ref[...], 0.0)
  y = jnp.dot(h, w_ref[...], preferred_element_type=jnp.float32)
  ol_ref[0] = y[:, :DH]
  ol_ref[1] = y[:, DH:D]
  or_ref[...] = y[:, D:]


def _fin_body(q_ref, cnt_ref, hr_ref, b_ref, o_ref):
  cnt = cnt_ref[0, :, 0:1]
  rc = 1.0 / jnp.maximum(cnt, 1.0)
  agg = jnp.concatenate([q_ref[0], q_ref[1]], axis=1)
  o_ref[...] = agg * rc + hr_ref[...] + b_ref[...]


def _row_spec(shape3=None):
  if shape3 is None:
    return pl.BlockSpec((RB, D), lambda i: (i, 0))
  return pl.BlockSpec(shape3, lambda i: (0, i, 0))


def _tc_mm2(x, wcat):
  grid = (N_NODES // RB,)
  return pl.pallas_call(
      _mm2_body,
      grid=grid,
      in_specs=[_row_spec(), pl.BlockSpec((D, 2 * D), lambda i: (0, 0))],
      out_specs=[_row_spec((NC, RB, DH)), _row_spec()],
      out_shape=[jax.ShapeDtypeStruct((NC, N_NODES, DH), jnp.float32),
                 jax.ShapeDtypeStruct((N_NODES, D), jnp.float32)],
  )(x, wcat)


def _tc_mid(p, cnt, xr, b, wcat):
  grid = (N_NODES // RB,)
  return pl.pallas_call(
      _mid_body,
      grid=grid,
      in_specs=[
          _row_spec((NC, RB, DH)),
          _row_spec((1, RB, 16)),
          _row_spec(),
          pl.BlockSpec((1, D), lambda i: (0, 0)),
          pl.BlockSpec((D, 2 * D), lambda i: (0, 0)),
      ],
      out_specs=[_row_spec((NC, RB, DH)), _row_spec()],
      out_shape=[jax.ShapeDtypeStruct((NC, N_NODES, DH), jnp.float32),
                 jax.ShapeDtypeStruct((N_NODES, D), jnp.float32)],
  )(p, cnt, xr, b, wcat)


def _tc_fin(q, cnt, hr, b):
  grid = (N_NODES // RB,)
  return pl.pallas_call(
      _fin_body,
      grid=grid,
      in_specs=[
          _row_spec((NC, RB, DH)),
          _row_spec((1, RB, 16)),
          _row_spec(),
          pl.BlockSpec((1, D), lambda i: (0, 0)),
      ],
      out_specs=_row_spec(),
      out_shape=jax.ShapeDtypeStruct((N_NODES, D), jnp.float32),
  )(q, cnt, hr, b)



@jax.jit
def _run(x, src, dst, W1l, b1, W1r, W2l, b2, W2r):
  e = src.shape[0]
  nb = -(-e // (NS * EB * 2 * NBUF)) * 2 * NBUF
  e_pad = NS * EB * nb
  src_p = jnp.concatenate(
      [src, jnp.zeros((e_pad - e,), jnp.int32)]).reshape(NS, nb, EB)
  dst_p = jnp.concatenate(
      [dst, jnp.full((e_pad - e,), N_NODES, jnp.int32)]).reshape(NS, nb, EB)

  zeros = jnp.zeros((128, DH), jnp.float32)
  zeros16 = jnp.zeros((128, 16), jnp.float32)
  ones16 = jnp.ones((128, 16), jnp.float32)
  wcat1 = jnp.concatenate([W1l.T, W1r.T], axis=1)
  wcat2 = jnp.concatenate([W2l.T, W2r.T], axis=1)

  agg_cnt = _make_sc_agg(nb, True)
  agg = _make_sc_agg(nb, False)

  xl, xr = _tc_mm2(x, wcat1)
  p, cnt = agg_cnt(src_p, dst_p, xl, zeros, zeros16, ones16)
  hl, hr = _tc_mid(p, cnt, xr, b1.reshape(1, D), wcat2)
  (q,) = agg(src_p, dst_p, hl, zeros, zeros16, ones16)
  return _tc_fin(q, cnt, hr, b2.reshape(1, D))


def kernel(x, edge_index, W1l, b1, W1r, W2l, b2, W2r):
  src = edge_index[0].astype(jnp.int32)
  dst = edge_index[1].astype(jnp.int32)
  return _run(x, src, dst, W1l, b1, W1r, W2l, b2, W2r)

# --- scband reference (transcript-rebuilt; emitter-appended) ---
"""Pipeline reference for scband-simple-net-41575283425666 (READ-ONLY COPY).

The authoritative reference and input builder live on the scoring server;
editing this copy changes nothing except your own understanding.
"""

import jax, jax.numpy as jnp
import numpy as np

N = 10000
E = 320000
D_IN = 128
D_HID = 128
D_OUT = 128


def setup_inputs(seed: int = 0) -> dict:
    key = jax.random.key(seed)
    ks = jax.random.split(key, 9)
    x = jax.random.normal(ks[0], (N, D_IN), dtype=jnp.float32)
    edge_index = jax.random.randint(ks[1], (2, E), 0, N, dtype=jnp.int64)
    # SAGEConv layer 1: lin_l (applied to aggregated neighbors, has bias), lin_r (root, no bias)
    s1 = 1.0 / np.sqrt(D_IN)
    W1l = jax.random.uniform(ks[2], (D_HID, D_IN), jnp.float32, -s1, s1)
    b1 = jax.random.uniform(ks[3], (D_HID,), jnp.float32, -s1, s1)
    W1r = jax.random.uniform(ks[4], (D_HID, D_IN), jnp.float32, -s1, s1)
    # SAGEConv layer 2
    s2 = 1.0 / np.sqrt(D_HID)
    W2l = jax.random.uniform(ks[5], (D_OUT, D_HID), jnp.float32, -s2, s2)
    b2 = jax.random.uniform(ks[6], (D_OUT,), jnp.float32, -s2, s2)
    W2r = jax.random.uniform(ks[7], (D_OUT, D_HID), jnp.float32, -s2, s2)
    return {"x": x, "edge_index": edge_index, "W1l": W1l, "b1": b1, "W1r": W1r,
            "W2l": W2l, "b2": b2, "W2r": W2r}


def _sage_conv(x, src, dst, Wl, b, Wr, n_nodes):
    # mean aggregation of neighbor messages (src -> dst)
    msg = jnp.take(x, src, axis=0)
    agg = jax.ops.segment_sum(msg, dst, num_segments=n_nodes)
    cnt = jax.ops.segment_sum(jnp.ones((src.shape[0],), dtype=x.dtype), dst, num_segments=n_nodes)
    mean = agg / jnp.clip(cnt, 1.0, None)[:, None]
    return mean @ Wl.T + b + x @ Wr.T


def reference(x, edge_index, W1l, b1, W1r, W2l, b2, W2r):
    src = edge_index[0]
    dst = edge_index[1]
    n_nodes = x.shape[0]
    h = _sage_conv(x, src, dst, W1l, b1, W1r, n_nodes)
    h = jax.nn.relu(h)
    out = _sage_conv(h, src, dst, W2l, b2, W2r, n_nodes)
    return out

if __name__ == "__main__":
    import jax
    _d = setup_inputs()
    print(jax.jit(kernel)(*tuple(_d.values())))

</pallas_src>

<mosaic_0001>
#map = affine_map<(d0, d1) -> (0, 0, 0)>
#map1 = affine_map<(d0, d1) -> (0, 0)>
module attributes {stable_mosaic.version = 14 : i64} {
  func.func @body(%arg0: i32, %arg1: i32, %arg2: memref<16x160x128xi32, #tpu.memory_space<hbm>>, %arg3: memref<16x160x128xi32, #tpu.memory_space<hbm>>, %arg4: memref<2x10000x64xf32, #tpu.memory_space<hbm>>, %arg5: memref<128x64xf32, #tpu.memory_space<hbm>>, %arg6: memref<128x16xf32, #tpu.memory_space<hbm>>, %arg7: memref<128x16xf32, #tpu.memory_space<hbm>>, %arg8: memref<2x10240x64xf32, #tpu.memory_space<hbm>>, %arg9: memref<2x10240x16xf32, #tpu.memory_space<hbm>>, %arg10: memref<80x128xi32, #tpu.memory_space<vmem>>, %arg11: memref<80x128xi32, #tpu.memory_space<vmem>>, %arg12: memref<128x64xf32, #tpu.memory_space<vmem>>, %arg13: memref<128x64xf32, #tpu.memory_space<vmem>>, %arg14: memref<128x64xf32, #tpu.memory_space<vmem>>, %arg15: memref<128x64xf32, #tpu.memory_space<vmem>>, %arg16: memref<!tpu.dma_semaphore, #tpu.memory_space<semaphore_mem>>, %arg17: memref<!tpu.dma_semaphore, #tpu.memory_space<semaphore_mem>>, %arg18: memref<!tpu.dma_semaphore, #tpu.memory_space<semaphore_mem>>, %arg19: memref<!tpu.dma_semaphore, #tpu.memory_space<semaphore_mem>>, %arg20: memref<128x16xf32, #tpu.memory_space<vmem>>, %arg21: memref<128x16xf32, #tpu.memory_space<vmem>>, %arg22: memref<10240x64xf32, #tpu.memory_space<vmem_shared>>, %arg23: memref<10240x16xf32, #tpu.memory_space<vmem_shared>>) attributes {dimension_semantics = [#tpu.dimension_semantics<core_parallel>, #tpu.dimension_semantics<subcore_parallel>], iteration_bounds = array<i64: 2, 16>, scalar_prefetch = 0 : i64, scratch_operands = 14 : i64, tpu.core_type = #tpu.core_type<sc_vector_subcore>, window_params = [{transform_indices = #map}, {transform_indices = #map}, {transform_indices = #map}, {transform_indices = #map1}, {transform_indices = #map1}, {transform_indices = #map1}, {transform_indices = #map}, {transform_indices = #map}]} {
    %mul3A = arith.constant 640 : i32
    %mul3A_0 = arith.muli %arg1, %mul3A : i32
    "tpu.region"() ({
      %run_scoped3A = tpu.sem_alloc : memref<!tpu.dma_semaphore, #tpu.memory_space<semaphore_mem>>
      tpu.enqueue_dma source(%arg5 : memref<128x64xf32, #tpu.memory_space<hbm>>) target(%arg12 : memref<128x64xf32, #tpu.memory_space<vmem>>) target_semaphore(%run_scoped3A : memref<!tpu.dma_semaphore, #tpu.memory_space<semaphore_mem>>)
      tpu.wait_dma2 semaphore(%run_scoped3A : memref<!tpu.dma_semaphore, #tpu.memory_space<semaphore_mem>>) src(%arg5 : memref<128x64xf32, #tpu.memory_space<hbm>>) dst(%arg12 : memref<128x64xf32, #tpu.memory_space<vmem>>)
      tpu.yield
    }) : () -> ()
    %add3A = arith.constant 0 : i32
    %add3A_1 = arith.addi %mul3A_0, %add3A : i32
    "tpu.region"() ({
      %run_scoped3A = tpu.sem_alloc : memref<!tpu.dma_semaphore, #tpu.memory_space<semaphore_mem>>
      %dma_start3A_216 = arith.constant 0 : i32
      %dma_start3A_217 = tpu.memref_slice %arg22[%add3A_1, %dma_start3A_216] : memref<10240x64xf32, #tpu.memory_space<vmem_shared>> -> memref<128x64xf32, #tpu.memory_space<vmem_shared>>
      %dma_start3A_218 = arith.constant 0 : i32
      %dma_start3A_219 = tpu.memref_slice %arg22[%add3A_1, %dma_start3A_218] : memref<10240x64xf32, #tpu.memory_space<vmem_shared>> -> memref<128x64xf32, #tpu.memory_space<vmem_shared>>
      tpu.enqueue_dma source(%arg12 : memref<128x64xf32, #tpu.memory_space<vmem>>) target(%dma_start3A_219 : memref<128x64xf32, #tpu.memory_space<vmem_shared>>) target_semaphore(%run_scoped3A : memref<!tpu.dma_semaphore, #tpu.memory_space<semaphore_mem>>)
      %dma_wait3A_220 = arith.constant 0 : i32
      %dma_wait3A_221 = tpu.memref_slice %arg22[%add3A_1, %dma_wait3A_220] : memref<10240x64xf32, #tpu.memory_space<vmem_shared>> -> memref<128x64xf32, #tpu.memory_space<vmem_shared>>
      %dma_wait3A_222 = arith.constant 0 : i32
      %dma_wait3A_223 = tpu.memref_slice %arg22[%add3A_1, %dma_wait3A_222] : memref<10240x64xf32, #tpu.memory_space<vmem_shared>> -> memref<128x64xf32, #tpu.memory_space<vmem_shared>>
      tpu.wait_dma2 semaphore(%run_scoped3A : memref<!tpu.dma_semaphore, #tpu.memory_space<semaphore_mem>>) src(%arg12 : memref<128x64xf32, #tpu.memory_space<vmem>>) dst(%dma_wait3A_223 : memref<128x64xf32, #tpu.memory_space<vmem_shared>>)
      tpu.yield
    }) : () -> ()
    %add3A_2 = arith.constant 128 : i32
    %add3A_3 = arith.addi %mul3A_0, %add3A_2 : i32
    "tpu.region"() ({
      %run_scoped3A = tpu.sem_alloc : memref<!tpu.dma_semaphore, #tpu.memory_space<semaphore_mem>>
      %dma_start3A_216 = arith.constant 0 : i32
      %dma_start3A_217 = tpu.memref_slice %arg22[%add3A_3, %dma_start3A_216] : memref<10240x64xf32, #tpu.memory_space<vmem_shared>> -> memref<128x64xf32, #tpu.memory_space<vmem_shared>>
      %dma_start3A_218 = arith.constant 0 : i32
      %dma_start3A_219 = tpu.memref_slice %arg22[%add3A_3, %dma_start3A_218] : memref<10240x64xf32, #tpu.memory_space<vmem_shared>> -> memref<128x64xf32, #tpu.memory_space<vmem_shared>>
      tpu.enqueue_dma source(%arg12 : memref<128x64xf32, #tpu.memory_space<vmem>>) target(%dma_start3A_219 : memref<128x64xf32, #tpu.memory_space<vmem_shared>>) target_semaphore(%run_scoped3A : memref<!tpu.dma_semaphore, #tpu.memory_space<semaphore_mem>>)
      %dma_wait3A_220 = arith.constant 0 : i32
      %dma_wait3A_221 = tpu.memref_slice %arg22[%add3A_3, %dma_wait3A_220] : memref<10240x64xf32, #tpu.memory_space<vmem_shared>> -> memref<128x64xf32, #tpu.memory_space<vmem_shared>>
      %dma_wait3A_222 = arith.constant 0 : i32
      %dma_wait3A_223 = tpu.memref_slice %arg22[%add3A_3, %dma_wait3A_222] : memref<10240x64xf32, #tpu.memory_space<vmem_shared>> -> memref<128x64xf32, #tpu.memory_space<vmem_shared>>
      tpu.wait_dma2 semaphore(%run_scoped3A : memref<!tpu.dma_semaphore, #tpu.memory_space<semaphore_mem>>) src(%arg12 : memref<128x64xf32, #tpu.memory_space<vmem>>) dst(%dma_wait3A_223 : memref<128x64xf32, #tpu.memory_space<vmem_shared>>)
      tpu.yield
    }) : () -> ()
    %add3A_4 = arith.constant 256 : i32
    %add3A_5 = arith.addi %mul3A_0, %add3A_4 : i32
    "tpu.region"() ({
      %run_scoped3A = tpu.sem_alloc : memref<!tpu.dma_semaphore, #tpu.memory_space<semaphore_mem>>
      %dma_start3A_216 = arith.constant 0 : i32
      %dma_start3A_217 = tpu.memref_slice %arg22[%add3A_5, %dma_start3A_216] : memref<10240x64xf32, #tpu.memory_space<vmem_shared>> -> memref<128x64xf32, #tpu.memory_space<vmem_shared>>
      %dma_start3A_218 = arith.constant 0 : i32
      %dma_start3A_219 = tpu.memref_slice %arg22[%add3A_5, %dma_start3A_218] : memref<10240x64xf32, #tpu.memory_space<vmem_shared>> -> memref<128x64xf32, #tpu.memory_space<vmem_shared>>
      tpu.enqueue_dma source(%arg12 : memref<128x64xf32, #tpu.memory_space<vmem>>) target(%dma_start3A_219 : memref<128x64xf32, #tpu.memory_space<vmem_shared>>) target_semaphore(%run_scoped3A : memref<!tpu.dma_semaphore, #tpu.memory_space<semaphore_mem>>)
      %dma_wait3A_220 = arith.constant 0 : i32
      %dma_wait3A_221 = tpu.memref_slice %arg22[%add3A_5, %dma_wait3A_220] : memref<10240x64xf32, #tpu.memory_space<vmem_shared>> -> memref<128x64xf32, #tpu.memory_space<vmem_shared>>
      %dma_wait3A_222 = arith.constant 0 : i32
      %dma_wait3A_223 = tpu.memref_slice %arg22[%add3A_5, %dma_wait3A_222] : memref<10240x64xf32, #tpu.memory_space<vmem_shared>> -> memref<128x64xf32, #tpu.memory_space<vmem_shared>>
      tpu.wait_dma2 semaphore(%run_scoped3A : memref<!tpu.dma_semaphore, #tpu.memory_space<semaphore_mem>>) src(%arg12 : memref<128x64xf32, #tpu.memory_space<vmem>>) dst(%dma_wait3A_223 : memref<128x64xf32, #tpu.memory_space<vmem_shared>>)
      tpu.yield
    }) : () -> ()
    %add3A_6 = arith.constant 384 : i32
    %add3A_7 = arith.addi %mul3A_0, %add3A_6 : i32
    "tpu.region"() ({
      %run_scoped3A = tpu.sem_alloc : memref<!tpu.dma_semaphore, #tpu.memory_space<semaphore_mem>>
      %dma_start3A_216 = arith.constant 0 : i32
      %dma_start3A_217 = tpu.memref_slice %arg22[%add3A_7, %dma_start3A_216] : memref<10240x64xf32, #tpu.memory_space<vmem_shared>> -> memref<128x64xf32, #tpu.memory_space<vmem_shared>>
      %dma_start3A_218 = arith.constant 0 : i32
      %dma_start3A_219 = tpu.memref_slice %arg22[%add3A_7, %dma_start3A_218] : memref<10240x64xf32, #tpu.memory_space<vmem_shared>> -> memref<128x64xf32, #tpu.memory_space<vmem_shared>>
      tpu.enqueue_dma source(%arg12 : memref<128x64xf32, #tpu.memory_space<vmem>>) target(%dma_start3A_219 : memref<128x64xf32, #tpu.memory_space<vmem_shared>>) target_semaphore(%run_scoped3A : memref<!tpu.dma_semaphore, #tpu.memory_space<semaphore_mem>>)
      %dma_wait3A_220 = arith.constant 0 : i32
      %dma_wait3A_221 = tpu.memref_slice %arg22[%add3A_7, %dma_wait3A_220] : memref<10240x64xf32, #tpu.memory_space<vmem_shared>> -> memref<128x64xf32, #tpu.memory_space<vmem_shared>>
      %dma_wait3A_222 = arith.constant 0 : i32
      %dma_wait3A_223 = tpu.memref_slice %arg22[%add3A_7, %dma_wait3A_222] : memref<10240x64xf32, #tpu.memory_space<vmem_shared>> -> memref<128x64xf32, #tpu.memory_space<vmem_shared>>
      tpu.wait_dma2 semaphore(%run_scoped3A : memref<!tpu.dma_semaphore, #tpu.memory_space<semaphore_mem>>) src(%arg12 : memref<128x64xf32, #tpu.memory_space<vmem>>) dst(%dma_wait3A_223 : memref<128x64xf32, #tpu.memory_space<vmem_shared>>)
      tpu.yield
    }) : () -> ()
    %add3A_8 = arith.constant 512 : i32
    %add3A_9 = arith.addi %mul3A_0, %add3A_8 : i32
    "tpu.region"() ({
      %run_scoped3A = tpu.sem_alloc : memref<!tpu.dma_semaphore, #tpu.memory_space<semaphore_mem>>
      %dma_start3A_216 = arith.constant 0 : i32
      %dma_start3A_217 = tpu.memref_slice %arg22[%add3A_9, %dma_start3A_216] : memref<10240x64xf32, #tpu.memory_space<vmem_shared>> -> memref<128x64xf32, #tpu.memory_space<vmem_shared>>
      %dma_start3A_218 = arith.constant 0 : i32
      %dma_start3A_219 = tpu.memref_slice %arg22[%add3A_9, %dma_start3A_218] : memref<10240x64xf32, #tpu.memory_space<vmem_shared>> -> memref<128x64xf32, #tpu.memory_space<vmem_shared>>
      tpu.enqueue_dma source(%arg12 : memref<128x64xf32, #tpu.memory_space<vmem>>) target(%dma_start3A_219 : memref<128x64xf32, #tpu.memory_space<vmem_shared>>) target_semaphore(%run_scoped3A : memref<!tpu.dma_semaphore, #tpu.memory_space<semaphore_mem>>)
      %dma_wait3A_220 = arith.constant 0 : i32
      %dma_wait3A_221 = tpu.memref_slice %arg22[%add3A_9, %dma_wait3A_220] : memref<10240x64xf32, #tpu.memory_space<vmem_shared>> -> memref<128x64xf32, #tpu.memory_space<vmem_shared>>
      %dma_wait3A_222 = arith.constant 0 : i32
      %dma_wait3A_223 = tpu.memref_slice %arg22[%add3A_9, %dma_wait3A_222] : memref<10240x64xf32, #tpu.memory_space<vmem_shared>> -> memref<128x64xf32, #tpu.memory_space<vmem_shared>>
      tpu.wait_dma2 semaphore(%run_scoped3A : memref<!tpu.dma_semaphore, #tpu.memory_space<semaphore_mem>>) src(%arg12 : memref<128x64xf32, #tpu.memory_space<vmem>>) dst(%dma_wait3A_223 : memref<128x64xf32, #tpu.memory_space<vmem_shared>>)
      tpu.yield
    }) : () -> ()
    "tpu.region"() ({
      %run_scoped3A = tpu.sem_alloc : memref<!tpu.dma_semaphore, #tpu.memory_space<semaphore_mem>>
      tpu.enqueue_dma source(%arg7 : memref<128x16xf32, #tpu.memory_space<hbm>>) target(%arg20 : memref<128x16xf32, #tpu.memory_space<vmem>>) target_semaphore(%run_scoped3A : memref<!tpu.dma_semaphore, #tpu.memory_space<semaphore_mem>>)
      tpu.wait_dma2 semaphore(%run_scoped3A : memref<!tpu.dma_semaphore, #tpu.memory_space<semaphore_mem>>) src(%arg7 : memref<128x16xf32, #tpu.memory_space<hbm>>) dst(%arg20 : memref<128x16xf32, #tpu.memory_space<vmem>>)
      tpu.yield
    }) : () -> ()
    "tpu.region"() ({
      %run_scoped3A = tpu.sem_alloc : memref<!tpu.dma_semaphore, #tpu.memory_space<semaphore_mem>>
      tpu.enqueue_dma source(%arg6 : memref<128x16xf32, #tpu.memory_space<hbm>>) target(%arg21 : memref<128x16xf32, #tpu.memory_space<vmem>>) target_semaphore(%run_scoped3A : memref<!tpu.dma_semaphore, #tpu.memory_space<semaphore_mem>>)
      tpu.wait_dma2 semaphore(%run_scoped3A : memref<!tpu.dma_semaphore, #tpu.memory_space<semaphore_mem>>) src(%arg6 : memref<128x16xf32, #tpu.memory_space<hbm>>) dst(%arg21 : memref<128x16xf32, #tpu.memory_space<vmem>>)
      tpu.yield
    }) : () -> ()
    %add3A_10 = arith.constant 0 : i32
    %add3A_11 = arith.addi %mul3A_0, %add3A_10 : i32
    "tpu.region"() ({
      %run_scoped3A = tpu.sem_alloc : memref<!tpu.dma_semaphore, #tpu.memory_space<semaphore_mem>>
      %dma_start3A_216 = arith.constant 0 : i32
      %dma_start3A_217 = tpu.memref_slice %arg23[%add3A_11, %dma_start3A_216] : memref<10240x16xf32, #tpu.memory_space<vmem_shared>> -> memref<128x16xf32, #tpu.memory_space<vmem_shared>>
      %dma_start3A_218 = arith.constant 0 : i32
      %dma_start3A_219 = tpu.memref_slice %arg23[%add3A_11, %dma_start3A_218] : memref<10240x16xf32, #tpu.memory_space<vmem_shared>> -> memref<128x16xf32, #tpu.memory_space<vmem_shared>>
      tpu.enqueue_dma source(%arg21 : memref<128x16xf32, #tpu.memory_space<vmem>>) target(%dma_start3A_219 : memref<128x16xf32, #tpu.memory_space<vmem_shared>>) target_semaphore(%run_scoped3A : memref<!tpu.dma_semaphore, #tpu.memory_space<semaphore_mem>>)
      %dma_wait3A_220 = arith.constant 0 : i32
      %dma_wait3A_221 = tpu.memref_slice %arg23[%add3A_11, %dma_wait3A_220] : memref<10240x16xf32, #tpu.memory_space<vmem_shared>> -> memref<128x16xf32, #tpu.memory_space<vmem_shared>>
      %dma_wait3A_222 = arith.constant 0 : i32
      %dma_wait3A_223 = tpu.memref_slice %arg23[%add3A_11, %dma_wait3A_222] : memref<10240x16xf32, #tpu.memory_space<vmem_shared>> -> memref<128x16xf32, #tpu.memory_space<vmem_shared>>
      tpu.wait_dma2 semaphore(%run_scoped3A : memref<!tpu.dma_semaphore, #tpu.memory_space<semaphore_mem>>) src(%arg21 : memref<128x16xf32, #tpu.memory_space<vmem>>) dst(%dma_wait3A_223 : memref<128x16xf32, #tpu.memory_space<vmem_shared>>)
      tpu.yield
    }) : () -> ()
    %add3A_12 = arith.constant 128 : i32
    %add3A_13 = arith.addi %mul3A_0, %add3A_12 : i32
    "tpu.region"() ({
      %run_scoped3A = tpu.sem_alloc : memref<!tpu.dma_semaphore, #tpu.memory_space<semaphore_mem>>
      %dma_start3A_216 = arith.constant 0 : i32
      %dma_start3A_217 = tpu.memref_slice %arg23[%add3A_13, %dma_start3A_216] : memref<10240x16xf32, #tpu.memory_space<vmem_shared>> -> memref<128x16xf32, #tpu.memory_space<vmem_shared>>
      %dma_start3A_218 = arith.constant 0 : i32
      %dma_start3A_219 = tpu.memref_slice %arg23[%add3A_13, %dma_start3A_218] : memref<10240x16xf32, #tpu.memory_space<vmem_shared>> -> memref<128x16xf32, #tpu.memory_space<vmem_shared>>
      tpu.enqueue_dma source(%arg21 : memref<128x16xf32, #tpu.memory_space<vmem>>) target(%dma_start3A_219 : memref<128x16xf32, #tpu.memory_space<vmem_shared>>) target_semaphore(%run_scoped3A : memref<!tpu.dma_semaphore, #tpu.memory_space<semaphore_mem>>)
      %dma_wait3A_220 = arith.constant 0 : i32
      %dma_wait3A_221 = tpu.memref_slice %arg23[%add3A_13, %dma_wait3A_220] : memref<10240x16xf32, #tpu.memory_space<vmem_shared>> -> memref<128x16xf32, #tpu.memory_space<vmem_shared>>
      %dma_wait3A_222 = arith.constant 0 : i32
      %dma_wait3A_223 = tpu.memref_slice %arg23[%add3A_13, %dma_wait3A_222] : memref<10240x16xf32, #tpu.memory_space<vmem_shared>> -> memref<128x16xf32, #tpu.memory_space<vmem_shared>>
      tpu.wait_dma2 semaphore(%run_scoped3A : memref<!tpu.dma_semaphore, #tpu.memory_space<semaphore_mem>>) src(%arg21 : memref<128x16xf32, #tpu.memory_space<vmem>>) dst(%dma_wait3A_223 : memref<128x16xf32, #tpu.memory_space<vmem_shared>>)
      tpu.yield
    }) : () -> ()
    %add3A_14 = arith.constant 256 : i32
    %add3A_15 = arith.addi %mul3A_0, %add3A_14 : i32
    "tpu.region"() ({
      %run_scoped3A = tpu.sem_alloc : memref<!tpu.dma_semaphore, #tpu.memory_space<semaphore_mem>>
      %dma_start3A_216 = arith.constant 0 : i32
      %dma_start3A_217 = tpu.memref_slice %arg23[%add3A_15, %dma_start3A_216] : memref<10240x16xf32, #tpu.memory_space<vmem_shared>> -> memref<128x16xf32, #tpu.memory_space<vmem_shared>>
      %dma_start3A_218 = arith.constant 0 : i32
      %dma_start3A_219 = tpu.memref_slice %arg23[%add3A_15, %dma_start3A_218] : memref<10240x16xf32, #tpu.memory_space<vmem_shared>> -> memref<128x16xf32, #tpu.memory_space<vmem_shared>>
      tpu.enqueue_dma source(%arg21 : memref<128x16xf32, #tpu.memory_space<vmem>>) target(%dma_start3A_219 : memref<128x16xf32, #tpu.memory_space<vmem_shared>>) target_semaphore(%run_scoped3A : memref<!tpu.dma_semaphore, #tpu.memory_space<semaphore_mem>>)
      %dma_wait3A_220 = arith.constant 0 : i32
      %dma_wait3A_221 = tpu.memref_slice %arg23[%add3A_15, %dma_wait3A_220] : memref<10240x16xf32, #tpu.memory_space<vmem_shared>> -> memref<128x16xf32, #tpu.memory_space<vmem_shared>>
      %dma_wait3A_222 = arith.constant 0 : i32
      %dma_wait3A_223 = tpu.memref_slice %arg23[%add3A_15, %dma_wait3A_222] : memref<10240x16xf32, #tpu.memory_space<vmem_shared>> -> memref<128x16xf32, #tpu.memory_space<vmem_shared>>
      tpu.wait_dma2 semaphore(%run_scoped3A : memref<!tpu.dma_semaphore, #tpu.memory_space<semaphore_mem>>) src(%arg21 : memref<128x16xf32, #tpu.memory_space<vmem>>) dst(%dma_wait3A_223 : memref<128x16xf32, #tpu.memory_space<vmem_shared>>)
      tpu.yield
    }) : () -> ()
    %add3A_16 = arith.constant 384 : i32
    %add3A_17 = arith.addi %mul3A_0, %add3A_16 : i32
    "tpu.region"() ({
      %run_scoped3A = tpu.sem_alloc : memref<!tpu.dma_semaphore, #tpu.memory_space<semaphore_mem>>
      %dma_start3A_216 = arith.constant 0 : i32
      %dma_start3A_217 = tpu.memref_slice %arg23[%add3A_17, %dma_start3A_216] : memref<10240x16xf32, #tpu.memory_space<vmem_shared>> -> memref<128x16xf32, #tpu.memory_space<vmem_shared>>
      %dma_start3A_218 = arith.constant 0 : i32
      %dma_start3A_219 = tpu.memref_slice %arg23[%add3A_17, %dma_start3A_218] : memref<10240x16xf32, #tpu.memory_space<vmem_shared>> -> memref<128x16xf32, #tpu.memory_space<vmem_shared>>
      tpu.enqueue_dma source(%arg21 : memref<128x16xf32, #tpu.memory_space<vmem>>) target(%dma_start3A_219 : memref<128x16xf32, #tpu.memory_space<vmem_shared>>) target_semaphore(%run_scoped3A : memref<!tpu.dma_semaphore, #tpu.memory_space<semaphore_mem>>)
      %dma_wait3A_220 = arith.constant 0 : i32
      %dma_wait3A_221 = tpu.memref_slice %arg23[%add3A_17, %dma_wait3A_220] : memref<10240x16xf32, #tpu.memory_space<vmem_shared>> -> memref<128x16xf32, #tpu.memory_space<vmem_shared>>
      %dma_wait3A_222 = arith.constant 0 : i32
      %dma_wait3A_223 = tpu.memref_slice %arg23[%add3A_17, %dma_wait3A_222] : memref<10240x16xf32, #tpu.memory_space<vmem_shared>> -> memref<128x16xf32, #tpu.memory_space<vmem_shared>>
      tpu.wait_dma2 semaphore(%run_scoped3A : memref<!tpu.dma_semaphore, #tpu.memory_space<semaphore_mem>>) src(%arg21 : memref<128x16xf32, #tpu.memory_space<vmem>>) dst(%dma_wait3A_223 : memref<128x16xf32, #tpu.memory_space<vmem_shared>>)
      tpu.yield
    }) : () -> ()
    %add3A_18 = arith.constant 512 : i32
    %add3A_19 = arith.addi %mul3A_0, %add3A_18 : i32
    "tpu.region"() ({
      %run_scoped3A = tpu.sem_alloc : memref<!tpu.dma_semaphore, #tpu.memory_space<semaphore_mem>>
      %dma_start3A_216 = arith.constant 0 : i32
      %dma_start3A_217 = tpu.memref_slice %arg23[%add3A_19, %dma_start3A_216] : memref<10240x16xf32, #tpu.memory_space<vmem_shared>> -> memref<128x16xf32, #tpu.memory_space<vmem_shared>>
      %dma_start3A_218 = arith.constant 0 : i32
      %dma_start3A_219 = tpu.memref_slice %arg23[%add3A_19, %dma_start3A_218] : memref<10240x16xf32, #tpu.memory_space<vmem_shared>> -> memref<128x16xf32, #tpu.memory_space<vmem_shared>>
      tpu.enqueue_dma source(%arg21 : memref<128x16xf32, #tpu.memory_space<vmem>>) target(%dma_start3A_219 : memref<128x16xf32, #tpu.memory_space<vmem_shared>>) target_semaphore(%run_scoped3A : memref<!tpu.dma_semaphore, #tpu.memory_space<semaphore_mem>>)
      %dma_wait3A_220 = arith.constant 0 : i32
      %dma_wait3A_221 = tpu.memref_slice %arg23[%add3A_19, %dma_wait3A_220] : memref<10240x16xf32, #tpu.memory_space<vmem_shared>> -> memref<128x16xf32, #tpu.memory_space<vmem_shared>>
      %dma_wait3A_222 = arith.constant 0 : i32
      %dma_wait3A_223 = tpu.memref_slice %arg23[%add3A_19, %dma_wait3A_222] : memref<10240x16xf32, #tpu.memory_space<vmem_shared>> -> memref<128x16xf32, #tpu.memory_space<vmem_shared>>
      tpu.wait_dma2 semaphore(%run_scoped3A : memref<!tpu.dma_semaphore, #tpu.memory_space<semaphore_mem>>) src(%arg21 : memref<128x16xf32, #tpu.memory_space<vmem>>) dst(%dma_wait3A_223 : memref<128x16xf32, #tpu.memory_space<vmem_shared>>)
      tpu.yield
    }) : () -> ()
    "tpu.region"() ({
      %run_scoped3A = tpu.sem_alloc : memref<!tpu.dma_semaphore, #tpu.memory_space<semaphore_mem>>
      %dma_start3A_216 = arith.constant 0 : i32
      %dma_start3A_217 = arith.constant 0 : i32
      %dma_start3A_218 = tpu.memref_slice %arg2[%arg1, %dma_start3A_216, %dma_start3A_217] : memref<16x160x128xi32, #tpu.memory_space<hbm>> -> memref<1x80x128xi32, #tpu.memory_space<hbm>>
      %dma_start3A_219 = tpu.memref_squeeze %dma_start3A_218 : memref<1x80x128xi32, #tpu.memory_space<hbm>> -> memref<80x128xi32, #tpu.memory_space<hbm>>
      %dma_start3A_220 = arith.constant 0 : i32
      %dma_start3A_221 = arith.constant 0 : i32
      %dma_start3A_222 = tpu.memref_slice %arg2[%arg1, %dma_start3A_220, %dma_start3A_221] : memref<16x160x128xi32, #tpu.memory_space<hbm>> -> memref<1x80x128xi32, #tpu.memory_space<hbm>>
      %dma_start3A_223 = tpu.memref_squeeze %dma_start3A_222 : memref<1x80x128xi32, #tpu.memory_space<hbm>> -> memref<80x128xi32, #tpu.memory_space<hbm>>
      tpu.enqueue_dma source(%dma_start3A_223 : memref<80x128xi32, #tpu.memory_space<hbm>>) target(%arg10 : memref<80x128xi32, #tpu.memory_space<vmem>>) target_semaphore(%run_scoped3A : memref<!tpu.dma_semaphore, #tpu.memory_space<semaphore_mem>>)
      %dma_wait3A_224 = arith.constant 0 : i32
      %dma_wait3A_225 = arith.constant 0 : i32
      %dma_wait3A_226 = tpu.memref_slice %arg2[%arg1, %dma_wait3A_224, %dma_wait3A_225] : memref<16x160x128xi32, #tpu.memory_space<hbm>> -> memref<1x80x128xi32, #tpu.memory_space<hbm>>
      %dma_wait3A_227 = tpu.memref_squeeze %dma_wait3A_226 : memref<1x80x128xi32, #tpu.memory_space<hbm>> -> memref<80x128xi32, #tpu.memory_space<hbm>>
      %dma_wait3A_228 = arith.constant 0 : i32
      %dma_wait3A_229 = arith.constant 0 : i32
      %dma_wait3A_230 = tpu.memref_slice %arg2[%arg1, %dma_wait3A_228, %dma_wait3A_229] : memref<16x160x128xi32, #tpu.memory_space<hbm>> -> memref<1x80x128xi32, #tpu.memory_space<hbm>>
      %dma_wait3A_231 = tpu.memref_squeeze %dma_wait3A_230 : memref<1x80x128xi32, #tpu.memory_space<hbm>> -> memref<80x128xi32, #tpu.memory_space<hbm>>
      tpu.wait_dma2 semaphore(%run_scoped3A : memref<!tpu.dma_semaphore, #tpu.memory_space<semaphore_mem>>) src(%dma_wait3A_231 : memref<80x128xi32, #tpu.memory_space<hbm>>) dst(%arg10 : memref<80x128xi32, #tpu.memory_space<vmem>>)
      tpu.yield
    }) : () -> ()
    "tpu.region"() ({
      %run_scoped3A = tpu.sem_alloc : memref<!tpu.dma_semaphore, #tpu.memory_space<semaphore_mem>>
      %dma_start3A_216 = arith.constant 0 : i32
      %dma_start3A_217 = arith.constant 0 : i32
      %dma_start3A_218 = tpu.memref_slice %arg3[%arg1, %dma_start3A_216, %dma_start3A_217] : memref<16x160x128xi32, #tpu.memory_space<hbm>> -> memref<1x80x128xi32, #tpu.memory_space<hbm>>
      %dma_start3A_219 = tpu.memref_squeeze %dma_start3A_218 : memref<1x80x128xi32, #tpu.memory_space<hbm>> -> memref<80x128xi32, #tpu.memory_space<hbm>>
      %dma_start3A_220 = arith.constant 0 : i32
      %dma_start3A_221 = arith.constant 0 : i32
      %dma_start3A_222 = tpu.memref_slice %arg3[%arg1, %dma_start3A_220, %dma_start3A_221] : memref<16x160x128xi32, #tpu.memory_space<hbm>> -> memref<1x80x128xi32, #tpu.memory_space<hbm>>
      %dma_start3A_223 = tpu.memref_squeeze %dma_start3A_222 : memref<1x80x128xi32, #tpu.memory_space<hbm>> -> memref<80x128xi32, #tpu.memory_space<hbm>>
      tpu.enqueue_dma source(%dma_start3A_223 : memref<80x128xi32, #tpu.memory_space<hbm>>) target(%arg11 : memref<80x128xi32, #tpu.memory_space<vmem>>) target_semaphore(%run_scoped3A : memref<!tpu.dma_semaphore, #tpu.memory_space<semaphore_mem>>)
      %dma_wait3A_224 = arith.constant 0 : i32
      %dma_wait3A_225 = arith.constant 0 : i32
      %dma_wait3A_226 = tpu.memref_slice %arg3[%arg1, %dma_wait3A_224, %dma_wait3A_225] : memref<16x160x128xi32, #tpu.memory_space<hbm>> -> memref<1x80x128xi32, #tpu.memory_space<hbm>>
      %dma_wait3A_227 = tpu.memref_squeeze %dma_wait3A_226 : memref<1x80x128xi32, #tpu.memory_space<hbm>> -> memref<80x128xi32, #tpu.memory_space<hbm>>
      %dma_wait3A_228 = arith.constant 0 : i32
      %dma_wait3A_229 = arith.constant 0 : i32
      %dma_wait3A_230 = tpu.memref_slice %arg3[%arg1, %dma_wait3A_228, %dma_wait3A_229] : memref<16x160x128xi32, #tpu.memory_space<hbm>> -> memref<1x80x128xi32, #tpu.memory_space<hbm>>
      %dma_wait3A_231 = tpu.memref_squeeze %dma_wait3A_230 : memref<1x80x128xi32, #tpu.memory_space<hbm>> -> memref<80x128xi32, #tpu.memory_space<hbm>>
      tpu.wait_dma2 semaphore(%run_scoped3A : memref<!tpu.dma_semaphore, #tpu.memory_space<semaphore_mem>>) src(%dma_wait3A_231 : memref<80x128xi32, #tpu.memory_space<hbm>>) dst(%arg11 : memref<80x128xi32, #tpu.memory_space<vmem>>)
      tpu.yield
    }) : () -> ()
    %dma_start3A = arith.constant 0 : i32
    %dma_start3A_20 = arith.constant 0 : i32
    %dma_start3A_21 = tpu.memref_slice %arg10[%dma_start3A, %dma_start3A_20] : memref<80x128xi32, #tpu.memory_space<vmem>> -> memref<1x128xi32, #tpu.memory_space<vmem>>
    %dma_start3A_22 = tpu.memref_squeeze %dma_start3A_21 : memref<1x128xi32, #tpu.memory_space<vmem>> -> memref<128xi32, #tpu.memory_space<vmem>>
    %dma_start3A_23 = arith.constant 0 : i32
    %dma_start3A_24 = arith.constant 0 : i32
    %dma_start3A_25 = tpu.memref_slice %arg4[%arg0, %dma_start3A_23, %dma_start3A_24] : memref<2x10000x64xf32, #tpu.memory_space<hbm>> -> memref<1x10000x64xf32, #tpu.memory_space<hbm>>
    %dma_start3A_26 = tpu.memref_squeeze %dma_start3A_25 : memref<1x10000x64xf32, #tpu.memory_space<hbm>> -> memref<10000x64xf32, #tpu.memory_space<hbm>>
    %dma_start3A_27 = arith.constant 0 : i32
    %dma_start3A_28 = arith.constant 0 : i32
    %dma_start3A_29 = tpu.memref_slice %dma_start3A_26[%dma_start3A_27, %dma_start3A_28] : memref<10000x64xf32, #tpu.memory_space<hbm>> -> memref<10000x64xf32, #tpu.memory_space<hbm>>
    tpu.enqueue_indirect_dma source(%dma_start3A_29 : memref<10000x64xf32, #tpu.memory_space<hbm>>) target(%arg12 : memref<128x64xf32, #tpu.memory_space<vmem>>) offsets(%dma_start3A_22 : memref<128xi32, #tpu.memory_space<vmem>>) semaphore(%arg16 : memref<!tpu.dma_semaphore, #tpu.memory_space<semaphore_mem>>)
    %dma_start3A_30 = arith.constant 1 : i32
    %dma_start3A_31 = arith.constant 0 : i32
    %dma_start3A_32 = tpu.memref_slice %arg10[%dma_start3A_30, %dma_start3A_31] : memref<80x128xi32, #tpu.memory_space<vmem>> -> memref<1x128xi32, #tpu.memory_space<vmem>>
    %dma_start3A_33 = tpu.memref_squeeze %dma_start3A_32 : memref<1x128xi32, #tpu.memory_space<vmem>> -> memref<128xi32, #tpu.memory_space<vmem>>
    %dma_start3A_34 = arith.constant 0 : i32
    %dma_start3A_35 = arith.constant 0 : i32
    %dma_start3A_36 = tpu.memref_slice %arg4[%arg0, %dma_start3A_34, %dma_start3A_35] : memref<2x10000x64xf32, #tpu.memory_space<hbm>> -> memref<1x10000x64xf32, #tpu.memory_space<hbm>>
    %dma_start3A_37 = tpu.memref_squeeze %dma_start3A_36 : memref<1x10000x64xf32, #tpu.memory_space<hbm>> -> memref<10000x64xf32, #tpu.memory_space<hbm>>
    %dma_start3A_38 = arith.constant 0 : i32
    %dma_start3A_39 = arith.constant 0 : i32
    %dma_start3A_40 = tpu.memref_slice %dma_start3A_37[%dma_start3A_38, %dma_start3A_39] : memref<10000x64xf32, #tpu.memory_space<hbm>> -> memref<10000x64xf32, #tpu.memory_space<hbm>>
    tpu.enqueue_indirect_dma source(%dma_start3A_40 : memref<10000x64xf32, #tpu.memory_space<hbm>>) target(%arg13 : memref<128x64xf32, #tpu.memory_space<vmem>>) offsets(%dma_start3A_33 : memref<128xi32, #tpu.memory_space<vmem>>) semaphore(%arg17 : memref<!tpu.dma_semaphore, #tpu.memory_space<semaphore_mem>>)
    %dma_start3A_41 = arith.constant 2 : i32
    %dma_start3A_42 = arith.constant 0 : i32
    %dma_start3A_43 = tpu.memref_slice %arg10[%dma_start3A_41, %dma_start3A_42] : memref<80x128xi32, #tpu.memory_space<vmem>> -> memref<1x128xi32, #tpu.memory_space<vmem>>
    %dma_start3A_44 = tpu.memref_squeeze %dma_start3A_43 : memref<1x128xi32, #tpu.memory_space<vmem>> -> memref<128xi32, #tpu.memory_space<vmem>>
    %dma_start3A_45 = arith.constant 0 : i32
    %dma_start3A_46 = arith.constant 0 : i32
    %dma_start3A_47 = tpu.memref_slice %arg4[%arg0, %dma_start3A_45, %dma_start3A_46] : memref<2x10000x64xf32, #tpu.memory_space<hbm>> -> memref<1x10000x64xf32, #tpu.memory_space<hbm>>
    %dma_start3A_48 = tpu.memref_squeeze %dma_start3A_47 : memref<1x10000x64xf32, #tpu.memory_space<hbm>> -> memref<10000x64xf32, #tpu.memory_space<hbm>>
    %dma_start3A_49 = arith.constant 0 : i32
    %dma_start3A_50 = arith.constant 0 : i32
    %dma_start3A_51 = tpu.memref_slice %dma_start3A_48[%dma_start3A_49, %dma_start3A_50] : memref<10000x64xf32, #tpu.memory_space<hbm>> -> memref<10000x64xf32, #tpu.memory_space<hbm>>
    tpu.enqueue_indirect_dma source(%dma_start3A_51 : memref<10000x64xf32, #tpu.memory_space<hbm>>) target(%arg14 : memref<128x64xf32, #tpu.memory_space<vmem>>) offsets(%dma_start3A_44 : memref<128xi32, #tpu.memory_space<vmem>>) semaphore(%arg18 : memref<!tpu.dma_semaphore, #tpu.memory_space<semaphore_mem>>)
    %dma_start3A_52 = arith.constant 3 : i32
    %dma_start3A_53 = arith.constant 0 : i32
    %dma_start3A_54 = tpu.memref_slice %arg10[%dma_start3A_52, %dma_start3A_53] : memref<80x128xi32, #tpu.memory_space<vmem>> -> memref<1x128xi32, #tpu.memory_space<vmem>>
    %dma_start3A_55 = tpu.memref_squeeze %dma_start3A_54 : memref<1x128xi32, #tpu.memory_space<vmem>> -> memref<128xi32, #tpu.memory_space<vmem>>
    %dma_start3A_56 = arith.constant 0 : i32
    %dma_start3A_57 = arith.constant 0 : i32
    %dma_start3A_58 = tpu.memref_slice %arg4[%arg0, %dma_start3A_56, %dma_start3A_57] : memref<2x10000x64xf32, #tpu.memory_space<hbm>> -> memref<1x10000x64xf32, #tpu.memory_space<hbm>>
    %dma_start3A_59 = tpu.memref_squeeze %dma_start3A_58 : memref<1x10000x64xf32, #tpu.memory_space<hbm>> -> memref<10000x64xf32, #tpu.memory_space<hbm>>
    %dma_start3A_60 = arith.constant 0 : i32
    %dma_start3A_61 = arith.constant 0 : i32
    %dma_start3A_62 = tpu.memref_slice %dma_start3A_59[%dma_start3A_60, %dma_start3A_61] : memref<10000x64xf32, #tpu.memory_space<hbm>> -> memref<10000x64xf32, #tpu.memory_space<hbm>>
    tpu.enqueue_indirect_dma source(%dma_start3A_62 : memref<10000x64xf32, #tpu.memory_space<hbm>>) target(%arg15 : memref<128x64xf32, #tpu.memory_space<vmem>>) offsets(%dma_start3A_55 : memref<128xi32, #tpu.memory_space<vmem>>) semaphore(%arg19 : memref<!tpu.dma_semaphore, #tpu.memory_space<semaphore_mem>>)
    %barrier3A = arith.constant 0 : index
    tpu.barrier barrier_id(%barrier3A)
    %scan3A = arith.constant 0 : i32
    %scan3A_63 = arith.constant 0 : i32
    %scan3A_64 = arith.constant 20 : i32
    %scan3A_65 = arith.addi %scan3A_63, %scan3A_64 : i32
    %scan3A_66 = arith.constant 1 : i32
    scf.for %scan3A_216 = %scan3A_63 to %scan3A_65 step %scan3A_66  : i32 {
      %mul3A_217 = arith.constant 4 : i32
      %mul3A_218 = arith.muli %mul3A_217, %scan3A_216 : i32
      %add3A_219 = arith.constant 0 : i32
      %add3A_220 = arith.addi %mul3A_218, %add3A_219 : i32
      %dma_wait3A_221 = arith.constant 0 : i32
      %dma_wait3A_222 = arith.constant 0 : i32
      %dma_wait3A_223 = tpu.memref_slice %arg10[%dma_wait3A_221, %dma_wait3A_222] : memref<80x128xi32, #tpu.memory_space<vmem>> -> memref<1x128xi32, #tpu.memory_space<vmem>>
      %dma_wait3A_224 = tpu.memref_squeeze %dma_wait3A_223 : memref<1x128xi32, #tpu.memory_space<vmem>> -> memref<128xi32, #tpu.memory_space<vmem>>
      %dma_wait3A_225 = arith.constant 0 : i32
      %dma_wait3A_226 = arith.constant 0 : i32
      %dma_wait3A_227 = tpu.memref_slice %arg4[%arg0, %dma_wait3A_225, %dma_wait3A_226] : memref<2x10000x64xf32, #tpu.memory_space<hbm>> -> memref<1x10000x64xf32, #tpu.memory_space<hbm>>
      %dma_wait3A_228 = tpu.memref_squeeze %dma_wait3A_227 : memref<1x10000x64xf32, #tpu.memory_space<hbm>> -> memref<10000x64xf32, #tpu.memory_space<hbm>>
      %dma_wait3A_229 = arith.constant 0 : i32
      %dma_wait3A_230 = arith.constant 0 : i32
      %dma_wait3A_231 = tpu.memref_slice %dma_wait3A_228[%dma_wait3A_229, %dma_wait3A_230] : memref<10000x64xf32, #tpu.memory_space<hbm>> -> memref<10000x64xf32, #tpu.memory_space<hbm>>
      tpu.wait_indirect_dma semaphore(%arg16 : memref<!tpu.dma_semaphore, #tpu.memory_space<semaphore_mem>>) src(%dma_wait3A_231 : memref<10000x64xf32, #tpu.memory_space<hbm>>) dst(%arg12 : memref<128x64xf32, #tpu.memory_space<vmem>>)
      "tpu.region"() ({
        %run_scoped3A = tpu.sem_alloc : memref<!tpu.dma_semaphore, #tpu.memory_space<semaphore_mem>>
        %dma_start3A_332 = arith.constant 0 : i32
        %dma_start3A_333 = tpu.memref_slice %arg11[%add3A_220, %dma_start3A_332] : memref<80x128xi32, #tpu.memory_space<vmem>> -> memref<1x128xi32, #tpu.memory_space<vmem>>
        %dma_start3A_334 = tpu.memref_squeeze %dma_start3A_333 : memref<1x128xi32, #tpu.memory_space<vmem>> -> memref<128xi32, #tpu.memory_space<vmem>>
        %dma_start3A_335 = arith.constant 0 : i32
        %dma_start3A_336 = arith.constant 0 : i32
        %dma_start3A_337 = tpu.memref_slice %arg22[%dma_start3A_335, %dma_start3A_336] : memref<10240x64xf32, #tpu.memory_space<vmem_shared>> -> memref<10240x64xf32, #tpu.memory_space<vmem_shared>>
        tpu.enqueue_indirect_dma source(%arg12 : memref<128x64xf32, #tpu.memory_space<vmem>>) target(%dma_start3A_337 : memref<10240x64xf32, #tpu.memory_space<vmem_shared>>) offsets(%dma_start3A_334 : memref<128xi32, #tpu.memory_space<vmem>>) semaphore(%run_scoped3A : memref<!tpu.dma_semaphore, #tpu.memory_space<semaphore_mem>>) {add = true}
        %dma_wait3A_338 = arith.constant 0 : i32
        %dma_wait3A_339 = tpu.memref_slice %arg11[%add3A_220, %dma_wait3A_338] : memref<80x128xi32, #tpu.memory_space<vmem>> -> memref<1x128xi32, #tpu.memory_space<vmem>>
        %dma_wait3A_340 = tpu.memref_squeeze %dma_wait3A_339 : memref<1x128xi32, #tpu.memory_space<vmem>> -> memref<128xi32, #tpu.memory_space<vmem>>
        %dma_wait3A_341 = arith.constant 0 : i32
        %dma_wait3A_342 = arith.constant 0 : i32
        %dma_wait3A_343 = tpu.memref_slice %arg22[%dma_wait3A_341, %dma_wait3A_342] : memref<10240x64xf32, #tpu.memory_space<vmem_shared>> -> memref<10240x64xf32, #tpu.memory_space<vmem_shared>>
        tpu.wait_indirect_dma semaphore(%run_scoped3A : memref<!tpu.dma_semaphore, #tpu.memory_space<semaphore_mem>>) src(%arg12 : memref<128x64xf32, #tpu.memory_space<vmem>>) dst(%dma_wait3A_343 : memref<10240x64xf32, #tpu.memory_space<vmem_shared>>)
        tpu.yield
      }) : () -> ()
      "tpu.region"() ({
        %run_scoped3A = tpu.sem_alloc : memref<!tpu.dma_semaphore, #tpu.memory_space<semaphore_mem>>
        %dma_start3A_332 = arith.constant 0 : i32
        %dma_start3A_333 = tpu.memref_slice %arg11[%add3A_220, %dma_start3A_332] : memref<80x128xi32, #tpu.memory_space<vmem>> -> memref<1x128xi32, #tpu.memory_space<vmem>>
        %dma_start3A_334 = tpu.memref_squeeze %dma_start3A_333 : memref<1x128xi32, #tpu.memory_space<vmem>> -> memref<128xi32, #tpu.memory_space<vmem>>
        %dma_start3A_335 = arith.constant 0 : i32
        %dma_start3A_336 = arith.constant 0 : i32
        %dma_start3A_337 = tpu.memref_slice %arg23[%dma_start3A_335, %dma_start3A_336] : memref<10240x16xf32, #tpu.memory_space<vmem_shared>> -> memref<10240x16xf32, #tpu.memory_space<vmem_shared>>
        tpu.enqueue_indirect_dma source(%arg20 : memref<128x16xf32, #tpu.memory_space<vmem>>) target(%dma_start3A_337 : memref<10240x16xf32, #tpu.memory_space<vmem_shared>>) offsets(%dma_start3A_334 : memref<128xi32, #tpu.memory_space<vmem>>) semaphore(%run_scoped3A : memref<!tpu.dma_semaphore, #tpu.memory_space<semaphore_mem>>) {add = true}
        %dma_wait3A_338 = arith.constant 0 : i32
        %dma_wait3A_339 = tpu.memref_slice %arg11[%add3A_220, %dma_wait3A_338] : memref<80x128xi32, #tpu.memory_space<vmem>> -> memref<1x128xi32, #tpu.memory_space<vmem>>
        %dma_wait3A_340 = tpu.memref_squeeze %dma_wait3A_339 : memref<1x128xi32, #tpu.memory_space<vmem>> -> memref<128xi32, #tpu.memory_space<vmem>>
        %dma_wait3A_341 = arith.constant 0 : i32
        %dma_wait3A_342 = arith.constant 0 : i32
        %dma_wait3A_343 = tpu.memref_slice %arg23[%dma_wait3A_341, %dma_wait3A_342] : memref<10240x16xf32, #tpu.memory_space<vmem_shared>> -> memref<10240x16xf32, #tpu.memory_space<vmem_shared>>
        tpu.wait_indirect_dma semaphore(%run_scoped3A : memref<!tpu.dma_semaphore, #tpu.memory_space<semaphore_mem>>) src(%arg20 : memref<128x16xf32, #tpu.memory_space<vmem>>) dst(%dma_wait3A_343 : memref<10240x16xf32, #tpu.memory_space<vmem_shared>>)
        tpu.yield
      }) : () -> ()
      %add3A_232 = arith.constant 4 : i32
      %add3A_233 = arith.addi %add3A_220, %add3A_232 : i32
      %min3A = arith.constant 79 : i32
      %min3A_234 = arith.minsi %add3A_233, %min3A : i32
      %dma_start3A_235 = arith.constant 0 : i32
      %dma_start3A_236 = tpu.memref_slice %arg10[%min3A_234, %dma_start3A_235] : memref<80x128xi32, #tpu.memory_space<vmem>> -> memref<1x128xi32, #tpu.memory_space<vmem>>
      %dma_start3A_237 = tpu.memref_squeeze %dma_start3A_236 : memref<1x128xi32, #tpu.memory_space<vmem>> -> memref<128xi32, #tpu.memory_space<vmem>>
      %dma_start3A_238 = arith.constant 0 : i32
      %dma_start3A_239 = arith.constant 0 : i32
      %dma_start3A_240 = tpu.memref_slice %arg4[%arg0, %dma_start3A_238, %dma_start3A_239] : memref<2x10000x64xf32, #tpu.memory_space<hbm>> -> memref<1x10000x64xf32, #tpu.memory_space<hbm>>
      %dma_start3A_241 = tpu.memref_squeeze %dma_start3A_240 : memref<1x10000x64xf32, #tpu.memory_space<hbm>> -> memref<10000x64xf32, #tpu.memory_space<hbm>>
      %dma_start3A_242 = arith.constant 0 : i32
      %dma_start3A_243 = arith.constant 0 : i32
      %dma_start3A_244 = tpu.memref_slice %dma_start3A_241[%dma_start3A_242, %dma_start3A_243] : memref<10000x64xf32, #tpu.memory_space<hbm>> -> memref<10000x64xf32, #tpu.memory_space<hbm>>
      tpu.enqueue_indirect_dma source(%dma_start3A_244 : memref<10000x64xf32, #tpu.memory_space<hbm>>) target(%arg12 : memref<128x64xf32, #tpu.memory_space<vmem>>) offsets(%dma_start3A_237 : memref<128xi32, #tpu.memory_space<vmem>>) semaphore(%arg16 : memref<!tpu.dma_semaphore, #tpu.memory_space<semaphore_mem>>)
      %mul3A_245 = arith.constant 4 : i32
      %mul3A_246 = arith.muli %mul3A_245, %scan3A_216 : i32
      %add3A_247 = arith.constant 1 : i32
      %add3A_248 = arith.addi %mul3A_246, %add3A_247 : i32
      %dma_wait3A_249 = arith.constant 1 : i32
      %dma_wait3A_250 = arith.constant 0 : i32
      %dma_wait3A_251 = tpu.memref_slice %arg10[%dma_wait3A_249, %dma_wait3A_250] : memref<80x128xi32, #tpu.memory_space<vmem>> -> memref<1x128xi32, #tpu.memory_space<vmem>>
      %dma_wait3A_252 = tpu.memref_squeeze %dma_wait3A_251 : memref<1x128xi32, #tpu.memory_space<vmem>> -> memref<128xi32, #tpu.memory_space<vmem>>
      %dma_wait3A_253 = arith.constant 0 : i32
      %dma_wait3A_254 = arith.constant 0 : i32
      %dma_wait3A_255 = tpu.memref_slice %arg4[%arg0, %dma_wait3A_253, %dma_wait3A_254] : memref<2x10000x64xf32, #tpu.memory_space<hbm>> -> memref<1x10000x64xf32, #tpu.memory_space<hbm>>
      %dma_wait3A_256 = tpu.memref_squeeze %dma_wait3A_255 : memref<1x10000x64xf32, #tpu.memory_space<hbm>> -> memref<10000x64xf32, #tpu.memory_space<hbm>>
      %dma_wait3A_257 = arith.constant 0 : i32
      %dma_wait3A_258 = arith.constant 0 : i32
      %dma_wait3A_259 = tpu.memref_slice %dma_wait3A_256[%dma_wait3A_257, %dma_wait3A_258] : memref<10000x64xf32, #tpu.memory_space<hbm>> -> memref<10000x64xf32, #tpu.memory_space<hbm>>
      tpu.wait_indirect_dma semaphore(%arg17 : memref<!tpu.dma_semaphore, #tpu.memory_space<semaphore_mem>>) src(%dma_wait3A_259 : memref<10000x64xf32, #tpu.memory_space<hbm>>) dst(%arg13 : memref<128x64xf32, #tpu.memory_space<vmem>>)
      "tpu.region"() ({
        %run_scoped3A = tpu.sem_alloc : memref<!tpu.dma_semaphore, #tpu.memory_space<semaphore_mem>>
        %dma_start3A_332 = arith.constant 0 : i32
        %dma_start3A_333 = tpu.memref_slice %arg11[%add3A_248, %dma_start3A_332] : memref<80x128xi32, #tpu.memory_space<vmem>> -> memref<1x128xi32, #tpu.memory_space<vmem>>
        %dma_start3A_334 = tpu.memref_squeeze %dma_start3A_333 : memref<1x128xi32, #tpu.memory_space<vmem>> -> memref<128xi32, #tpu.memory_space<vmem>>
        %dma_start3A_335 = arith.constant 0 : i32
        %dma_start3A_336 = arith.constant 0 : i32
        %dma_start3A_337 = tpu.memref_slice %arg22[%dma_start3A_335, %dma_start3A_336] : memref<10240x64xf32, #tpu.memory_space<vmem_shared>> -> memref<10240x64xf32, #tpu.memory_space<vmem_shared>>
        tpu.enqueue_indirect_dma source(%arg13 : memref<128x64xf32, #tpu.memory_space<vmem>>) target(%dma_start3A_337 : memref<10240x64xf32, #tpu.memory_space<vmem_shared>>) offsets(%dma_start3A_334 : memref<128xi32, #tpu.memory_space<vmem>>) semaphore(%run_scoped3A : memref<!tpu.dma_semaphore, #tpu.memory_space<semaphore_mem>>) {add = true}
        %dma_wait3A_338 = arith.constant 0 : i32
        %dma_wait3A_339 = tpu.memref_slice %arg11[%add3A_248, %dma_wait3A_338] : memref<80x128xi32, #tpu.memory_space<vmem>> -> memref<1x128xi32, #tpu.memory_space<vmem>>
        %dma_wait3A_340 = tpu.memref_squeeze %dma_wait3A_339 : memref<1x128xi32, #tpu.memory_space<vmem>> -> memref<128xi32, #tpu.memory_space<vmem>>
        %dma_wait3A_341 = arith.constant 0 : i32
        %dma_wait3A_342 = arith.constant 0 : i32
        %dma_wait3A_343 = tpu.memref_slice %arg22[%dma_wait3A_341, %dma_wait3A_342] : memref<10240x64xf32, #tpu.memory_space<vmem_shared>> -> memref<10240x64xf32, #tpu.memory_space<vmem_shared>>
        tpu.wait_indirect_dma semaphore(%run_scoped3A : memref<!tpu.dma_semaphore, #tpu.memory_space<semaphore_mem>>) src(%arg13 : memref<128x64xf32, #tpu.memory_space<vmem>>) dst(%dma_wait3A_343 : memref<10240x64xf32, #tpu.memory_space<vmem_shared>>)
        tpu.yield
      }) : () -> ()
      "tpu.region"() ({
        %run_scoped3A = tpu.sem_alloc : memref<!tpu.dma_semaphore, #tpu.memory_space<semaphore_mem>>
        %dma_start3A_332 = arith.constant 0 : i32
        %dma_start3A_333 = tpu.memref_slice %arg11[%add3A_248, %dma_start3A_332] : memref<80x128xi32, #tpu.memory_space<vmem>> -> memref<1x128xi32, #tpu.memory_space<vmem>>
        %dma_start3A_334 = tpu.memref_squeeze %dma_start3A_333 : memref<1x128xi32, #tpu.memory_space<vmem>> -> memref<128xi32, #tpu.memory_space<vmem>>
        %dma_start3A_335 = arith.constant 0 : i32
        %dma_start3A_336 = arith.constant 0 : i32
        %dma_start3A_337 = tpu.memref_slice %arg23[%dma_start3A_335, %dma_start3A_336] : memref<10240x16xf32, #tpu.memory_space<vmem_shared>> -> memref<10240x16xf32, #tpu.memory_space<vmem_shared>>
        tpu.enqueue_indirect_dma source(%arg20 : memref<128x16xf32, #tpu.memory_space<vmem>>) target(%dma_start3A_337 : memref<10240x16xf32, #tpu.memory_space<vmem_shared>>) offsets(%dma_start3A_334 : memref<128xi32, #tpu.memory_space<vmem>>) semaphore(%run_scoped3A : memref<!tpu.dma_semaphore, #tpu.memory_space<semaphore_mem>>) {add = true}
        %dma_wait3A_338 = arith.constant 0 : i32
        %dma_wait3A_339 = tpu.memref_slice %arg11[%add3A_248, %dma_wait3A_338] : memref<80x128xi32, #tpu.memory_space<vmem>> -> memref<1x128xi32, #tpu.memory_space<vmem>>
        %dma_wait3A_340 = tpu.memref_squeeze %dma_wait3A_339 : memref<1x128xi32, #tpu.memory_space<vmem>> -> memref<128xi32, #tpu.memory_space<vmem>>
        %dma_wait3A_341 = arith.constant 0 : i32
        %dma_wait3A_342 = arith.constant 0 : i32
        %dma_wait3A_343 = tpu.memref_slice %arg23[%dma_wait3A_341, %dma_wait3A_342] : memref<10240x16xf32, #tpu.memory_space<vmem_shared>> -> memref<10240x16xf32, #tpu.memory_space<vmem_shared>>
        tpu.wait_indirect_dma semaphore(%run_scoped3A : memref<!tpu.dma_semaphore, #tpu.memory_space<semaphore_mem>>) src(%arg20 : memref<128x16xf32, #tpu.memory_space<vmem>>) dst(%dma_wait3A_343 : memref<10240x16xf32, #tpu.memory_space<vmem_shared>>)
        tpu.yield
      }) : () -> ()
      %add3A_260 = arith.constant 4 : i32
      %add3A_261 = arith.addi %add3A_248, %add3A_260 : i32
      %min3A_262 = arith.constant 79 : i32
      %min3A_263 = arith.minsi %add3A_261, %min3A_262 : i32
      %dma_start3A_264 = arith.constant 0 : i32
      %dma_start3A_265 = tpu.memref_slice %arg10[%min3A_263, %dma_start3A_264] : memref<80x128xi32, #tpu.memory_space<vmem>> -> memref<1x128xi32, #tpu.memory_space<vmem>>
      %dma_start3A_266 = tpu.memref_squeeze %dma_start3A_265 : memref<1x128xi32, #tpu.memory_space<vmem>> -> memref<128xi32, #tpu.memory_space<vmem>>
      %dma_start3A_267 = arith.constant 0 : i32
      %dma_start3A_268 = arith.constant 0 : i32
      %dma_start3A_269 = tpu.memref_slice %arg4[%arg0, %dma_start3A_267, %dma_start3A_268] : memref<2x10000x64xf32, #tpu.memory_space<hbm>> -> memref<1x10000x64xf32, #tpu.memory_space<hbm>>
      %dma_start3A_270 = tpu.memref_squeeze %dma_start3A_269 : memref<1x10000x64xf32, #tpu.memory_space<hbm>> -> memref<10000x64xf32, #tpu.memory_space<hbm>>
      %dma_start3A_271 = arith.constant 0 : i32
      %dma_start3A_272 = arith.constant 0 : i32
      %dma_start3A_273 = tpu.memref_slice %dma_start3A_270[%dma_start3A_271, %dma_start3A_272] : memref<10000x64xf32, #tpu.memory_space<hbm>> -> memref<10000x64xf32, #tpu.memory_space<hbm>>
      tpu.enqueue_indirect_dma source(%dma_start3A_273 : memref<10000x64xf32, #tpu.memory_space<hbm>>) target(%arg13 : memref<128x64xf32, #tpu.memory_space<vmem>>) offsets(%dma_start3A_266 : memref<128xi32, #tpu.memory_space<vmem>>) semaphore(%arg17 : memref<!tpu.dma_semaphore, #tpu.memory_space<semaphore_mem>>)
      %mul3A_274 = arith.constant 4 : i32
      %mul3A_275 = arith.muli %mul3A_274, %scan3A_216 : i32
      %add3A_276 = arith.constant 2 : i32
      %add3A_277 = arith.addi %mul3A_275, %add3A_276 : i32
      %dma_wait3A_278 = arith.constant 2 : i32
      %dma_wait3A_279 = arith.constant 0 : i32
      %dma_wait3A_280 = tpu.memref_slice %arg10[%dma_wait3A_278, %dma_wait3A_279] : memref<80x128xi32, #tpu.memory_space<vmem>> -> memref<1x128xi32, #tpu.memory_space<vmem>>
      %dma_wait3A_281 = tpu.memref_squeeze %dma_wait3A_280 : memref<1x128xi32, #tpu.memory_space<vmem>> -> memref<128xi32, #tpu.memory_space<vmem>>
      %dma_wait3A_282 = arith.constant 0 : i32
      %dma_wait3A_283 = arith.constant 0 : i32
      %dma_wait3A_284 = tpu.memref_slice %arg4[%arg0, %dma_wait3A_282, %dma_wait3A_283] : memref<2x10000x64xf32, #tpu.memory_space<hbm>> -> memref<1x10000x64xf32, #tpu.memory_space<hbm>>
      %dma_wait3A_285 = tpu.memref_squeeze %dma_wait3A_284 : memref<1x10000x64xf32, #tpu.memory_space<hbm>> -> memref<10000x64xf32, #tpu.memory_space<hbm>>
      %dma_wait3A_286 = arith.constant 0 : i32
      %dma_wait3A_287 = arith.constant 0 : i32
      %dma_wait3A_288 = tpu.memref_slice %dma_wait3A_285[%dma_wait3A_286, %dma_wait3A_287] : memref<10000x64xf32, #tpu.memory_space<hbm>> -> memref<10000x64xf32, #tpu.memory_space<hbm>>
      tpu.wait_indirect_dma semaphore(%arg18 : memref<!tpu.dma_semaphore, #tpu.memory_space<semaphore_mem>>) src(%dma_wait3A_288 : memref<10000x64xf32, #tpu.memory_space<hbm>>) dst(%arg14 : memref<128x64xf32, #tpu.memory_space<vmem>>)
      "tpu.region"() ({
        %run_scoped3A = tpu.sem_alloc : memref<!tpu.dma_semaphore, #tpu.memory_space<semaphore_mem>>
        %dma_start3A_332 = arith.constant 0 : i32
        %dma_start3A_333 = tpu.memref_slice %arg11[%add3A_277, %dma_start3A_332] : memref<80x128xi32, #tpu.memory_space<vmem>> -> memref<1x128xi32, #tpu.memory_space<vmem>>
        %dma_start3A_334 = tpu.memref_squeeze %dma_start3A_333 : memref<1x128xi32, #tpu.memory_space<vmem>> -> memref<128xi32, #tpu.memory_space<vmem>>
        %dma_start3A_335 = arith.constant 0 : i32
        %dma_start3A_336 = arith.constant 0 : i32
        %dma_start3A_337 = tpu.memref_slice %arg22[%dma_start3A_335, %dma_start3A_336] : memref<10240x64xf32, #tpu.memory_space<vmem_shared>> -> memref<10240x64xf32, #tpu.memory_space<vmem_shared>>
        tpu.enqueue_indirect_dma source(%arg14 : memref<128x64xf32, #tpu.memory_space<vmem>>) target(%dma_start3A_337 : memref<10240x64xf32, #tpu.memory_space<vmem_shared>>) offsets(%dma_start3A_334 : memref<128xi32, #tpu.memory_space<vmem>>) semaphore(%run_scoped3A : memref<!tpu.dma_semaphore, #tpu.memory_space<semaphore_mem>>) {add = true}
        %dma_wait3A_338 = arith.constant 0 : i32
        %dma_wait3A_339 = tpu.memref_slice %arg11[%add3A_277, %dma_wait3A_338] : memref<80x128xi32, #tpu.memory_space<vmem>> -> memref<1x128xi32, #tpu.memory_space<vmem>>
        %dma_wait3A_340 = tpu.memref_squeeze %dma_wait3A_339 : memref<1x128xi32, #tpu.memory_space<vmem>> -> memref<128xi32, #tpu.memory_space<vmem>>
        %dma_wait3A_341 = arith.constant 0 : i32
        %dma_wait3A_342 = arith.constant 0 : i32
        %dma_wait3A_343 = tpu.memref_slice %arg22[%dma_wait3A_341, %dma_wait3A_342] : memref<10240x64xf32, #tpu.memory_space<vmem_shared>> -> memref<10240x64xf32, #tpu.memory_space<vmem_shared>>
        tpu.wait_indirect_dma semaphore(%run_scoped3A : memref<!tpu.dma_semaphore, #tpu.memory_space<semaphore_mem>>) src(%arg14 : memref<128x64xf32, #tpu.memory_space<vmem>>) dst(%dma_wait3A_343 : memref<10240x64xf32, #tpu.memory_space<vmem_shared>>)
        tpu.yield
      }) : () -> ()
      "tpu.region"() ({
        %run_scoped3A = tpu.sem_alloc : memref<!tpu.dma_semaphore, #tpu.memory_space<semaphore_mem>>
        %dma_start3A_332 = arith.constant 0 : i32
        %dma_start3A_333 = tpu.memref_slice %arg11[%add3A_277, %dma_start3A_332] : memref<80x128xi32, #tpu.memory_space<vmem>> -> memref<1x128xi32, #tpu.memory_space<vmem>>
        %dma_start3A_334 = tpu.memref_squeeze %dma_start3A_333 : memref<1x128xi32, #tpu.memory_space<vmem>> -> memref<128xi32, #tpu.memory_space<vmem>>
        %dma_start3A_335 = arith.constant 0 : i32
        %dma_start3A_336 = arith.constant 0 : i32
        %dma_start3A_337 = tpu.memref_slice %arg23[%dma_start3A_335, %dma_start3A_336] : memref<10240x16xf32, #tpu.memory_space<vmem_shared>> -> memref<10240x16xf32, #tpu.memory_space<vmem_shared>>
        tpu.enqueue_indirect_dma source(%arg20 : memref<128x16xf32, #tpu.memory_space<vmem>>) target(%dma_start3A_337 : memref<10240x16xf32, #tpu.memory_space<vmem_shared>>) offsets(%dma_start3A_334 : memref<128xi32, #tpu.memory_space<vmem>>) semaphore(%run_scoped3A : memref<!tpu.dma_semaphore, #tpu.memory_space<semaphore_mem>>) {add = true}
        %dma_wait3A_338 = arith.constant 0 : i32
        %dma_wait3A_339 = tpu.memref_slice %arg11[%add3A_277, %dma_wait3A_338] : memref<80x128xi32, #tpu.memory_space<vmem>> -> memref<1x128xi32, #tpu.memory_space<vmem>>
        %dma_wait3A_340 = tpu.memref_squeeze %dma_wait3A_339 : memref<1x128xi32, #tpu.memory_space<vmem>> -> memref<128xi32, #tpu.memory_space<vmem>>
        %dma_wait3A_341 = arith.constant 0 : i32
        %dma_wait3A_342 = arith.constant 0 : i32
        %dma_wait3A_343 = tpu.memref_slice %arg23[%dma_wait3A_341, %dma_wait3A_342] : memref<10240x16xf32, #tpu.memory_space<vmem_shared>> -> memref<10240x16xf32, #tpu.memory_space<vmem_shared>>
        tpu.wait_indirect_dma semaphore(%run_scoped3A : memref<!tpu.dma_semaphore, #tpu.memory_space<semaphore_mem>>) src(%arg20 : memref<128x16xf32, #tpu.memory_space<vmem>>) dst(%dma_wait3A_343 : memref<10240x16xf32, #tpu.memory_space<vmem_shared>>)
        tpu.yield
      }) : () -> ()
      %add3A_289 = arith.constant 4 : i32
      %add3A_290 = arith.addi %add3A_277, %add3A_289 : i32
      %min3A_291 = arith.constant 79 : i32
      %min3A_292 = arith.minsi %add3A_290, %min3A_291 : i32
      %dma_start3A_293 = arith.constant 0 : i32
      %dma_start3A_294 = tpu.memref_slice %arg10[%min3A_292, %dma_start3A_293] : memref<80x128xi32, #tpu.memory_space<vmem>> -> memref<1x128xi32, #tpu.memory_space<vmem>>
      %dma_start3A_295 = tpu.memref_squeeze %dma_start3A_294 : memref<1x128xi32, #tpu.memory_space<vmem>> -> memref<128xi32, #tpu.memory_space<vmem>>
      %dma_start3A_296 = arith.constant 0 : i32
      %dma_start3A_297 = arith.constant 0 : i32
      %dma_start3A_298 = tpu.memref_slice %arg4[%arg0, %dma_start3A_296, %dma_start3A_297] : memref<2x10000x64xf32, #tpu.memory_space<hbm>> -> memref<1x10000x64xf32, #tpu.memory_space<hbm>>
      %dma_start3A_299 = tpu.memref_squeeze %dma_start3A_298 : memref<1x10000x64xf32, #tpu.memory_space<hbm>> -> memref<10000x64xf32, #tpu.memory_space<hbm>>
      %dma_start3A_300 = arith.constant 0 : i32
      %dma_start3A_301 = arith.constant 0 : i32
      %dma_start3A_302 = tpu.memref_slice %dma_start3A_299[%dma_start3A_300, %dma_start3A_301] : memref<10000x64xf32, #tpu.memory_space<hbm>> -> memref<10000x64xf32, #tpu.memory_space<hbm>>
      tpu.enqueue_indirect_dma source(%dma_start3A_302 : memref<10000x64xf32, #tpu.memory_space<hbm>>) target(%arg14 : memref<128x64xf32, #tpu.memory_space<vmem>>) offsets(%dma_start3A_295 : memref<128xi32, #tpu.memory_space<vmem>>) semaphore(%arg18 : memref<!tpu.dma_semaphore, #tpu.memory_space<semaphore_mem>>)
      %mul3A_303 = arith.constant 4 : i32
      %mul3A_304 = arith.muli %mul3A_303, %scan3A_216 : i32
      %add3A_305 = arith.constant 3 : i32
      %add3A_306 = arith.addi %mul3A_304, %add3A_305 : i32
      %dma_wait3A_307 = arith.constant 3 : i32
      %dma_wait3A_308 = arith.constant 0 : i32
      %dma_wait3A_309 = tpu.memref_slice %arg10[%dma_wait3A_307, %dma_wait3A_308] : memref<80x128xi32, #tpu.memory_space<vmem>> -> memref<1x128xi32, #tpu.memory_space<vmem>>
      %dma_wait3A_310 = tpu.memref_squeeze %dma_wait3A_309 : memref<1x128xi32, #tpu.memory_space<vmem>> -> memref<128xi32, #tpu.memory_space<vmem>>
      %dma_wait3A_311 = arith.constant 0 : i32
      %dma_wait3A_312 = arith.constant 0 : i32
      %dma_wait3A_313 = tpu.memref_slice %arg4[%arg0, %dma_wait3A_311, %dma_wait3A_312] : memref<2x10000x64xf32, #tpu.memory_space<hbm>> -> memref<1x10000x64xf32, #tpu.memory_space<hbm>>
      %dma_wait3A_314 = tpu.memref_squeeze %dma_wait3A_313 : memref<1x10000x64xf32, #tpu.memory_space<hbm>> -> memref<10000x64xf32, #tpu.memory_space<hbm>>
      %dma_wait3A_315 = arith.constant 0 : i32
      %dma_wait3A_316 = arith.constant 0 : i32
      %dma_wait3A_317 = tpu.memref_slice %dma_wait3A_314[%dma_wait3A_315, %dma_wait3A_316] : memref<10000x64xf32, #tpu.memory_space<hbm>> -> memref<10000x64xf32, #tpu.memory_space<hbm>>
      tpu.wait_indirect_dma semaphore(%arg19 : memref<!tpu.dma_semaphore, #tpu.memory_space<semaphore_mem>>) src(%dma_wait3A_317 : memref<10000x64xf32, #tpu.memory_space<hbm>>) dst(%arg15 : memref<128x64xf32, #tpu.memory_space<vmem>>)
      "tpu.region"() ({
        %run_scoped3A = tpu.sem_alloc : memref<!tpu.dma_semaphore, #tpu.memory_space<semaphore_mem>>
        %dma_start3A_332 = arith.constant 0 : i32
        %dma_start3A_333 = tpu.memref_slice %arg11[%add3A_306, %dma_start3A_332] : memref<80x128xi32, #tpu.memory_space<vmem>> -> memref<1x128xi32, #tpu.memory_space<vmem>>
        %dma_start3A_334 = tpu.memref_squeeze %dma_start3A_333 : memref<1x128xi32, #tpu.memory_space<vmem>> -> memref<128xi32, #tpu.memory_space<vmem>>
        %dma_start3A_335 = arith.constant 0 : i32
        %dma_start3A_336 = arith.constant 0 : i32
        %dma_start3A_337 = tpu.memref_slice %arg22[%dma_start3A_335, %dma_start3A_336] : memref<10240x64xf32, #tpu.memory_space<vmem_shared>> -> memref<10240x64xf32, #tpu.memory_space<vmem_shared>>
        tpu.enqueue_indirect_dma source(%arg15 : memref<128x64xf32, #tpu.memory_space<vmem>>) target(%dma_start3A_337 : memref<10240x64xf32, #tpu.memory_space<vmem_shared>>) offsets(%dma_start3A_334 : memref<128xi32, #tpu.memory_space<vmem>>) semaphore(%run_scoped3A : memref<!tpu.dma_semaphore, #tpu.memory_space<semaphore_mem>>) {add = true}
        %dma_wait3A_338 = arith.constant 0 : i32
        %dma_wait3A_339 = tpu.memref_slice %arg11[%add3A_306, %dma_wait3A_338] : memref<80x128xi32, #tpu.memory_space<vmem>> -> memref<1x128xi32, #tpu.memory_space<vmem>>
        %dma_wait3A_340 = tpu.memref_squeeze %dma_wait3A_339 : memref<1x128xi32, #tpu.memory_space<vmem>> -> memref<128xi32, #tpu.memory_space<vmem>>
        %dma_wait3A_341 = arith.constant 0 : i32
        %dma_wait3A_342 = arith.constant 0 : i32
        %dma_wait3A_343 = tpu.memref_slice %arg22[%dma_wait3A_341, %dma_wait3A_342] : memref<10240x64xf32, #tpu.memory_space<vmem_shared>> -> memref<10240x64xf32, #tpu.memory_space<vmem_shared>>
        tpu.wait_indirect_dma semaphore(%run_scoped3A : memref<!tpu.dma_semaphore, #tpu.memory_space<semaphore_mem>>) src(%arg15 : memref<128x64xf32, #tpu.memory_space<vmem>>) dst(%dma_wait3A_343 : memref<10240x64xf32, #tpu.memory_space<vmem_shared>>)
        tpu.yield
      }) : () -> ()
      "tpu.region"() ({
        %run_scoped3A = tpu.sem_alloc : memref<!tpu.dma_semaphore, #tpu.memory_space<semaphore_mem>>
        %dma_start3A_332 = arith.constant 0 : i32
        %dma_start3A_333 = tpu.memref_slice %arg11[%add3A_306, %dma_start3A_332] : memref<80x128xi32, #tpu.memory_space<vmem>> -> memref<1x128xi32, #tpu.memory_space<vmem>>
        %dma_start3A_334 = tpu.memref_squeeze %dma_start3A_333 : memref<1x128xi32, #tpu.memory_space<vmem>> -> memref<128xi32, #tpu.memory_space<vmem>>
        %dma_start3A_335 = arith.constant 0 : i32
        %dma_start3A_336 = arith.constant 0 : i32
        %dma_start3A_337 = tpu.memref_slice %arg23[%dma_start3A_335, %dma_start3A_336] : memref<10240x16xf32, #tpu.memory_space<vmem_shared>> -> memref<10240x16xf32, #tpu.memory_space<vmem_shared>>
        tpu.enqueue_indirect_dma source(%arg20 : memref<128x16xf32, #tpu.memory_space<vmem>>) target(%dma_start3A_337 : memref<10240x16xf32, #tpu.memory_space<vmem_shared>>) offsets(%dma_start3A_334 : memref<128xi32, #tpu.memory_space<vmem>>) semaphore(%run_scoped3A : memref<!tpu.dma_semaphore, #tpu.memory_space<semaphore_mem>>) {add = true}
        %dma_wait3A_338 = arith.constant 0 : i32
        %dma_wait3A_339 = tpu.memref_slice %arg11[%add3A_306, %dma_wait3A_338] : memref<80x128xi32, #tpu.memory_space<vmem>> -> memref<1x128xi32, #tpu.memory_space<vmem>>
        %dma_wait3A_340 = tpu.memref_squeeze %dma_wait3A_339 : memref<1x128xi32, #tpu.memory_space<vmem>> -> memref<128xi32, #tpu.memory_space<vmem>>
        %dma_wait3A_341 = arith.constant 0 : i32
        %dma_wait3A_342 = arith.constant 0 : i32
        %dma_wait3A_343 = tpu.memref_slice %arg23[%dma_wait3A_341, %dma_wait3A_342] : memref<10240x16xf32, #tpu.memory_space<vmem_shared>> -> memref<10240x16xf32, #tpu.memory_space<vmem_shared>>
        tpu.wait_indirect_dma semaphore(%run_scoped3A : memref<!tpu.dma_semaphore, #tpu.memory_space<semaphore_mem>>) src(%arg20 : memref<128x16xf32, #tpu.memory_space<vmem>>) dst(%dma_wait3A_343 : memref<10240x16xf32, #tpu.memory_space<vmem_shared>>)
        tpu.yield
      }) : () -> ()
      %add3A_318 = arith.constant 4 : i32
      %add3A_319 = arith.addi %add3A_306, %add3A_318 : i32
      %min3A_320 = arith.constant 79 : i32
      %min3A_321 = arith.minsi %add3A_319, %min3A_320 : i32
      %dma_start3A_322 = arith.constant 0 : i32
      %dma_start3A_323 = tpu.memref_slice %arg10[%min3A_321, %dma_start3A_322] : memref<80x128xi32, #tpu.memory_space<vmem>> -> memref<1x128xi32, #tpu.memory_space<vmem>>
      %dma_start3A_324 = tpu.memref_squeeze %dma_start3A_323 : memref<1x128xi32, #tpu.memory_space<vmem>> -> memref<128xi32, #tpu.memory_space<vmem>>
      %dma_start3A_325 = arith.constant 0 : i32
      %dma_start3A_326 = arith.constant 0 : i32
      %dma_start3A_327 = tpu.memref_slice %arg4[%arg0, %dma_start3A_325, %dma_start3A_326] : memref<2x10000x64xf32, #tpu.memory_space<hbm>> -> memref<1x10000x64xf32, #tpu.memory_space<hbm>>
      %dma_start3A_328 = tpu.memref_squeeze %dma_start3A_327 : memref<1x10000x64xf32, #tpu.memory_space<hbm>> -> memref<10000x64xf32, #tpu.memory_space<hbm>>
      %dma_start3A_329 = arith.constant 0 : i32
      %dma_start3A_330 = arith.constant 0 : i32
      %dma_start3A_331 = tpu.memref_slice %dma_start3A_328[%dma_start3A_329, %dma_start3A_330] : memref<10000x64xf32, #tpu.memory_space<hbm>> -> memref<10000x64xf32, #tpu.memory_space<hbm>>
      tpu.enqueue_indirect_dma source(%dma_start3A_331 : memref<10000x64xf32, #tpu.memory_space<hbm>>) target(%arg15 : memref<128x64xf32, #tpu.memory_space<vmem>>) offsets(%dma_start3A_324 : memref<128xi32, #tpu.memory_space<vmem>>) semaphore(%arg19 : memref<!tpu.dma_semaphore, #tpu.memory_space<semaphore_mem>>)
    }
    %scan3A_67 = arith.constant 20 : i32
    %dma_wait3A = arith.constant 0 : i32
    %dma_wait3A_68 = arith.constant 0 : i32
    %dma_wait3A_69 = tpu.memref_slice %arg10[%dma_wait3A, %dma_wait3A_68] : memref<80x128xi32, #tpu.memory_space<vmem>> -> memref<1x128xi32, #tpu.memory_space<vmem>>
    %dma_wait3A_70 = tpu.memref_squeeze %dma_wait3A_69 : memref<1x128xi32, #tpu.memory_space<vmem>> -> memref<128xi32, #tpu.memory_space<vmem>>
    %dma_wait3A_71 = arith.constant 0 : i32
    %dma_wait3A_72 = arith.constant 0 : i32
    %dma_wait3A_73 = tpu.memref_slice %arg4[%arg0, %dma_wait3A_71, %dma_wait3A_72] : memref<2x10000x64xf32, #tpu.memory_space<hbm>> -> memref<1x10000x64xf32, #tpu.memory_space<hbm>>
    %dma_wait3A_74 = tpu.memref_squeeze %dma_wait3A_73 : memref<1x10000x64xf32, #tpu.memory_space<hbm>> -> memref<10000x64xf32, #tpu.memory_space<hbm>>
    %dma_wait3A_75 = arith.constant 0 : i32
    %dma_wait3A_76 = arith.constant 0 : i32
    %dma_wait3A_77 = tpu.memref_slice %dma_wait3A_74[%dma_wait3A_75, %dma_wait3A_76] : memref<10000x64xf32, #tpu.memory_space<hbm>> -> memref<10000x64xf32, #tpu.memory_space<hbm>>
    tpu.wait_indirect_dma semaphore(%arg16 : memref<!tpu.dma_semaphore, #tpu.memory_space<semaphore_mem>>) src(%dma_wait3A_77 : memref<10000x64xf32, #tpu.memory_space<hbm>>) dst(%arg12 : memref<128x64xf32, #tpu.memory_space<vmem>>)
    %dma_wait3A_78 = arith.constant 1 : i32
    %dma_wait3A_79 = arith.constant 0 : i32
    %dma_wait3A_80 = tpu.memref_slice %arg10[%dma_wait3A_78, %dma_wait3A_79] : memref<80x128xi32, #tpu.memory_space<vmem>> -> memref<1x128xi32, #tpu.memory_space<vmem>>
    %dma_wait3A_81 = tpu.memref_squeeze %dma_wait3A_80 : memref<1x128xi32, #tpu.memory_space<vmem>> -> memref<128xi32, #tpu.memory_space<vmem>>
    %dma_wait3A_82 = arith.constant 0 : i32
    %dma_wait3A_83 = arith.constant 0 : i32
    %dma_wait3A_84 = tpu.memref_slice %arg4[%arg0, %dma_wait3A_82, %dma_wait3A_83] : memref<2x10000x64xf32, #tpu.memory_space<hbm>> -> memref<1x10000x64xf32, #tpu.memory_space<hbm>>
    %dma_wait3A_85 = tpu.memref_squeeze %dma_wait3A_84 : memref<1x10000x64xf32, #tpu.memory_space<hbm>> -> memref<10000x64xf32, #tpu.memory_space<hbm>>
    %dma_wait3A_86 = arith.constant 0 : i32
    %dma_wait3A_87 = arith.constant 0 : i32
    %dma_wait3A_88 = tpu.memref_slice %dma_wait3A_85[%dma_wait3A_86, %dma_wait3A_87] : memref<10000x64xf32, #tpu.memory_space<hbm>> -> memref<10000x64xf32, #tpu.memory_space<hbm>>
    tpu.wait_indirect_dma semaphore(%arg17 : memref<!tpu.dma_semaphore, #tpu.memory_space<semaphore_mem>>) src(%dma_wait3A_88 : memref<10000x64xf32, #tpu.memory_space<hbm>>) dst(%arg13 : memref<128x64xf32, #tpu.memory_space<vmem>>)
    %dma_wait3A_89 = arith.constant 2 : i32
    %dma_wait3A_90 = arith.constant 0 : i32
    %dma_wait3A_91 = tpu.memref_slice %arg10[%dma_wait3A_89, %dma_wait3A_90] : memref<80x128xi32, #tpu.memory_space<vmem>> -> memref<1x128xi32, #tpu.memory_space<vmem>>
    %dma_wait3A_92 = tpu.memref_squeeze %dma_wait3A_91 : memref<1x128xi32, #tpu.memory_space<vmem>> -> memref<128xi32, #tpu.memory_space<vmem>>
    %dma_wait3A_93 = arith.constant 0 : i32
    %dma_wait3A_94 = arith.constant 0 : i32
    %dma_wait3A_95 = tpu.memref_slice %arg4[%arg0, %dma_wait3A_93, %dma_wait3A_94] : memref<2x10000x64xf32, #tpu.memory_space<hbm>> -> memref<1x10000x64xf32, #tpu.memory_space<hbm>>
    %dma_wait3A_96 = tpu.memref_squeeze %dma_wait3A_95 : memref<1x10000x64xf32, #tpu.memory_space<hbm>> -> memref<10000x64xf32, #tpu.memory_space<hbm>>
    %dma_wait3A_97 = arith.constant 0 : i32
    %dma_wait3A_98 = arith.constant 0 : i32
    %dma_wait3A_99 = tpu.memref_slice %dma_wait3A_96[%dma_wait3A_97, %dma_wait3A_98] : memref<10000x64xf32, #tpu.memory_space<hbm>> -> memref<10000x64xf32, #tpu.memory_space<hbm>>
    tpu.wait_indirect_dma semaphore(%arg18 : memref<!tpu.dma_semaphore, #tpu.memory_space<semaphore_mem>>) src(%dma_wait3A_99 : memref<10000x64xf32, #tpu.memory_space<hbm>>) dst(%arg14 : memref<128x64xf32, #tpu.memory_space<vmem>>)
    %dma_wait3A_100 = arith.constant 3 : i32
    %dma_wait3A_101 = arith.constant 0 : i32
    %dma_wait3A_102 = tpu.memref_slice %arg10[%dma_wait3A_100, %dma_wait3A_101] : memref<80x128xi32, #tpu.memory_space<vmem>> -> memref<1x128xi32, #tpu.memory_space<vmem>>
    %dma_wait3A_103 = tpu.memref_squeeze %dma_wait3A_102 : memref<1x128xi32, #tpu.memory_space<vmem>> -> memref<128xi32, #tpu.memory_space<vmem>>
    %dma_wait3A_104 = arith.constant 0 : i32
    %dma_wait3A_105 = arith.constant 0 : i32
    %dma_wait3A_106 = tpu.memref_slice %arg4[%arg0, %dma_wait3A_104, %dma_wait3A_105] : memref<2x10000x64xf32, #tpu.memory_space<hbm>> -> memref<1x10000x64xf32, #tpu.memory_space<hbm>>
    %dma_wait3A_107 = tpu.memref_squeeze %dma_wait3A_106 : memref<1x10000x64xf32, #tpu.memory_space<hbm>> -> memref<10000x64xf32, #tpu.memory_space<hbm>>
    %dma_wait3A_108 = arith.constant 0 : i32
    %dma_wait3A_109 = arith.constant 0 : i32
    %dma_wait3A_110 = tpu.memref_slice %dma_wait3A_107[%dma_wait3A_108, %dma_wait3A_109] : memref<10000x64xf32, #tpu.memory_space<hbm>> -> memref<10000x64xf32, #tpu.memory_space<hbm>>
    tpu.wait_indirect_dma semaphore(%arg19 : memref<!tpu.dma_semaphore, #tpu.memory_space<semaphore_mem>>) src(%dma_wait3A_110 : memref<10000x64xf32, #tpu.memory_space<hbm>>) dst(%arg15 : memref<128x64xf32, #tpu.memory_space<vmem>>)
    "tpu.region"() ({
      %run_scoped3A = tpu.sem_alloc : memref<!tpu.dma_semaphore, #tpu.memory_space<semaphore_mem>>
      %dma_start3A_216 = arith.constant 80 : i32
      %dma_start3A_217 = arith.constant 0 : i32
      %dma_start3A_218 = tpu.memref_slice %arg2[%arg1, %dma_start3A_216, %dma_start3A_217] : memref<16x160x128xi32, #tpu.memory_space<hbm>> -> memref<1x80x128xi32, #tpu.memory_space<hbm>>
      %dma_start3A_219 = tpu.memref_squeeze %dma_start3A_218 : memref<1x80x128xi32, #tpu.memory_space<hbm>> -> memref<80x128xi32, #tpu.memory_space<hbm>>
      %dma_start3A_220 = arith.constant 80 : i32
      %dma_start3A_221 = arith.constant 0 : i32
      %dma_start3A_222 = tpu.memref_slice %arg2[%arg1, %dma_start3A_220, %dma_start3A_221] : memref<16x160x128xi32, #tpu.memory_space<hbm>> -> memref<1x80x128xi32, #tpu.memory_space<hbm>>
      %dma_start3A_223 = tpu.memref_squeeze %dma_start3A_222 : memref<1x80x128xi32, #tpu.memory_space<hbm>> -> memref<80x128xi32, #tpu.memory_space<hbm>>
      tpu.enqueue_dma source(%dma_start3A_223 : memref<80x128xi32, #tpu.memory_space<hbm>>) target(%arg10 : memref<80x128xi32, #tpu.memory_space<vmem>>) target_semaphore(%run_scoped3A : memref<!tpu.dma_semaphore, #tpu.memory_space<semaphore_mem>>)
      %dma_wait3A_224 = arith.constant 80 : i32
      %dma_wait3A_225 = arith.constant 0 : i32
      %dma_wait3A_226 = tpu.memref_slice %arg2[%arg1, %dma_wait3A_224, %dma_wait3A_225] : memref<16x160x128xi32, #tpu.memory_space<hbm>> -> memref<1x80x128xi32, #tpu.memory_space<hbm>>
      %dma_wait3A_227 = tpu.memref_squeeze %dma_wait3A_226 : memref<1x80x128xi32, #tpu.memory_space<hbm>> -> memref<80x128xi32, #tpu.memory_space<hbm>>
      %dma_wait3A_228 = arith.constant 80 : i32
      %dma_wait3A_229 = arith.constant 0 : i32
      %dma_wait3A_230 = tpu.memref_slice %arg2[%arg1, %dma_wait3A_228, %dma_wait3A_229] : memref<16x160x128xi32, #tpu.memory_space<hbm>> -> memref<1x80x128xi32, #tpu.memory_space<hbm>>
      %dma_wait3A_231 = tpu.memref_squeeze %dma_wait3A_230 : memref<1x80x128xi32, #tpu.memory_space<hbm>> -> memref<80x128xi32, #tpu.memory_space<hbm>>
      tpu.wait_dma2 semaphore(%run_scoped3A : memref<!tpu.dma_semaphore, #tpu.memory_space<semaphore_mem>>) src(%dma_wait3A_231 : memref<80x128xi32, #tpu.memory_space<hbm>>) dst(%arg10 : memref<80x128xi32, #tpu.memory_space<vmem>>)
      tpu.yield
    }) : () -> ()
    "tpu.region"() ({
      %run_scoped3A = tpu.sem_alloc : memref<!tpu.dma_semaphore, #tpu.memory_space<semaphore_mem>>
      %dma_start3A_216 = arith.constant 80 : i32
      %dma_start3A_217 = arith.constant 0 : i32
      %dma_start3A_218 = tpu.memref_slice %arg3[%arg1, %dma_start3A_216, %dma_start3A_217] : memref<16x160x128xi32, #tpu.memory_space<hbm>> -> memref<1x80x128xi32, #tpu.memory_space<hbm>>
      %dma_start3A_219 = tpu.memref_squeeze %dma_start3A_218 : memref<1x80x128xi32, #tpu.memory_space<hbm>> -> memref<80x128xi32, #tpu.memory_space<hbm>>
      %dma_start3A_220 = arith.constant 80 : i32
      %dma_start3A_221 = arith.constant 0 : i32
      %dma_start3A_222 = tpu.memref_slice %arg3[%arg1, %dma_start3A_220, %dma_start3A_221] : memref<16x160x128xi32, #tpu.memory_space<hbm>> -> memref<1x80x128xi32, #tpu.memory_space<hbm>>
      %dma_start3A_223 = tpu.memref_squeeze %dma_start3A_222 : memref<1x80x128xi32, #tpu.memory_space<hbm>> -> memref<80x128xi32, #tpu.memory_space<hbm>>
      tpu.enqueue_dma source(%dma_start3A_223 : memref<80x128xi32, #tpu.memory_space<hbm>>) target(%arg11 : memref<80x128xi32, #tpu.memory_space<vmem>>) target_semaphore(%run_scoped3A : memref<!tpu.dma_semaphore, #tpu.memory_space<semaphore_mem>>)
      %dma_wait3A_224 = arith.constant 80 : i32
      %dma_wait3A_225 = arith.constant 0 : i32
      %dma_wait3A_226 = tpu.memref_slice %arg3[%arg1, %dma_wait3A_224, %dma_wait3A_225] : memref<16x160x128xi32, #tpu.memory_space<hbm>> -> memref<1x80x128xi32, #tpu.memory_space<hbm>>
      %dma_wait3A_227 = tpu.memref_squeeze %dma_wait3A_226 : memref<1x80x128xi32, #tpu.memory_space<hbm>> -> memref<80x128xi32, #tpu.memory_space<hbm>>
      %dma_wait3A_228 = arith.constant 80 : i32
      %dma_wait3A_229 = arith.constant 0 : i32
      %dma_wait3A_230 = tpu.memref_slice %arg3[%arg1, %dma_wait3A_228, %dma_wait3A_229] : memref<16x160x128xi32, #tpu.memory_space<hbm>> -> memref<1x80x128xi32, #tpu.memory_space<hbm>>
      %dma_wait3A_231 = tpu.memref_squeeze %dma_wait3A_230 : memref<1x80x128xi32, #tpu.memory_space<hbm>> -> memref<80x128xi32, #tpu.memory_space<hbm>>
      tpu.wait_dma2 semaphore(%run_scoped3A : memref<!tpu.dma_semaphore, #tpu.memory_space<semaphore_mem>>) src(%dma_wait3A_231 : memref<80x128xi32, #tpu.memory_space<hbm>>) dst(%arg11 : memref<80x128xi32, #tpu.memory_space<vmem>>)
      tpu.yield
    }) : () -> ()
    %dma_start3A_111 = arith.constant 0 : i32
    %dma_start3A_112 = arith.constant 0 : i32
    %dma_start3A_113 = tpu.memref_slice %arg10[%dma_start3A_111, %dma_start3A_112] : memref<80x128xi32, #tpu.memory_space<vmem>> -> memref<1x128xi32, #tpu.memory_space<vmem>>
    %dma_start3A_114 = tpu.memref_squeeze %dma_start3A_113 : memref<1x128xi32, #tpu.memory_space<vmem>> -> memref<128xi32, #tpu.memory_space<vmem>>
    %dma_start3A_115 = arith.constant 0 : i32
    %dma_start3A_116 = arith.constant 0 : i32
    %dma_start3A_117 = tpu.memref_slice %arg4[%arg0, %dma_start3A_115, %dma_start3A_116] : memref<2x10000x64xf32, #tpu.memory_space<hbm>> -> memref<1x10000x64xf32, #tpu.memory_space<hbm>>
    %dma_start3A_118 = tpu.memref_squeeze %dma_start3A_117 : memref<1x10000x64xf32, #tpu.memory_space<hbm>> -> memref<10000x64xf32, #tpu.memory_space<hbm>>
    %dma_start3A_119 = arith.constant 0 : i32
    %dma_start3A_120 = arith.constant 0 : i32
    %dma_start3A_121 = tpu.memref_slice %dma_start3A_118[%dma_start3A_119, %dma_start3A_120] : memref<10000x64xf32, #tpu.memory_space<hbm>> -> memref<10000x64xf32, #tpu.memory_space<hbm>>
    tpu.enqueue_indirect_dma source(%dma_start3A_121 : memref<10000x64xf32, #tpu.memory_space<hbm>>) target(%arg12 : memref<128x64xf32, #tpu.memory_space<vmem>>) offsets(%dma_start3A_114 : memref<128xi32, #tpu.memory_space<vmem>>) semaphore(%arg16 : memref<!tpu.dma_semaphore, #tpu.memory_space<semaphore_mem>>)
    %dma_start3A_122 = arith.constant 1 : i32
    %dma_start3A_123 = arith.constant 0 : i32
    %dma_start3A_124 = tpu.memref_slice %arg10[%dma_start3A_122, %dma_start3A_123] : memref<80x128xi32, #tpu.memory_space<vmem>> -> memref<1x128xi32, #tpu.memory_space<vmem>>
    %dma_start3A_125 = tpu.memref_squeeze %dma_start3A_124 : memref<1x128xi32, #tpu.memory_space<vmem>> -> memref<128xi32, #tpu.memory_space<vmem>>
    %dma_start3A_126 = arith.constant 0 : i32
    %dma_start3A_127 = arith.constant 0 : i32
    %dma_start3A_128 = tpu.memref_slice %arg4[%arg0, %dma_start3A_126, %dma_start3A_127] : memref<2x10000x64xf32, #tpu.memory_space<hbm>> -> memref<1x10000x64xf32, #tpu.memory_space<hbm>>
    %dma_start3A_129 = tpu.memref_squeeze %dma_start3A_128 : memref<1x10000x64xf32, #tpu.memory_space<hbm>> -> memref<10000x64xf32, #tpu.memory_space<hbm>>
    %dma_start3A_130 = arith.constant 0 : i32
    %dma_start3A_131 = arith.constant 0 : i32
    %dma_start3A_132 = tpu.memref_slice %dma_start3A_129[%dma_start3A_130, %dma_start3A_131] : memref<10000x64xf32, #tpu.memory_space<hbm>> -> memref<10000x64xf32, #tpu.memory_space<hbm>>
    tpu.enqueue_indirect_dma source(%dma_start3A_132 : memref<10000x64xf32, #tpu.memory_space<hbm>>) target(%arg13 : memref<128x64xf32, #tpu.memory_space<vmem>>) offsets(%dma_start3A_125 : memref<128xi32, #tpu.memory_space<vmem>>) semaphore(%arg17 : memref<!tpu.dma_semaphore, #tpu.memory_space<semaphore_mem>>)
    %dma_start3A_133 = arith.constant 2 : i32
    %dma_start3A_134 = arith.constant 0 : i32
    %dma_start3A_135 = tpu.memref_slice %arg10[%dma_start3A_133, %dma_start3A_134] : memref<80x128xi32, #tpu.memory_space<vmem>> -> memref<1x128xi32, #tpu.memory_space<vmem>>
    %dma_start3A_136 = tpu.memref_squeeze %dma_start3A_135 : memref<1x128xi32, #tpu.memory_space<vmem>> -> memref<128xi32, #tpu.memory_space<vmem>>
    %dma_start3A_137 = arith.constant 0 : i32
    %dma_start3A_138 = arith.constant 0 : i32
    %dma_start3A_139 = tpu.memref_slice %arg4[%arg0, %dma_start3A_137, %dma_start3A_138] : memref<2x10000x64xf32, #tpu.memory_space<hbm>> -> memref<1x10000x64xf32, #tpu.memory_space<hbm>>
    %dma_start3A_140 = tpu.memref_squeeze %dma_start3A_139 : memref<1x10000x64xf32, #tpu.memory_space<hbm>> -> memref<10000x64xf32, #tpu.memory_space<hbm>>
    %dma_start3A_141 = arith.constant 0 : i32
    %dma_start3A_142 = arith.constant 0 : i32
    %dma_start3A_143 = tpu.memref_slice %dma_start3A_140[%dma_start3A_141, %dma_start3A_142] : memref<10000x64xf32, #tpu.memory_space<hbm>> -> memref<10000x64xf32, #tpu.memory_space<hbm>>
    tpu.enqueue_indirect_dma source(%dma_start3A_143 : memref<10000x64xf32, #tpu.memory_space<hbm>>) target(%arg14 : memref<128x64xf32, #tpu.memory_space<vmem>>) offsets(%dma_start3A_136 : memref<128xi32, #tpu.memory_space<vmem>>) semaphore(%arg18 : memref<!tpu.dma_semaphore, #tpu.memory_space<semaphore_mem>>)
    %dma_start3A_144 = arith.constant 3 : i32
    %dma_start3A_145 = arith.constant 0 : i32
    %dma_start3A_146 = tpu.memref_slice %arg10[%dma_start3A_144, %dma_start3A_145] : memref<80x128xi32, #tpu.memory_space<vmem>> -> memref<1x128xi32, #tpu.memory_space<vmem>>
    %dma_start3A_147 = tpu.memref_squeeze %dma_start3A_146 : memref<1x128xi32, #tpu.memory_space<vmem>> -> memref<128xi32, #tpu.memory_space<vmem>>
    %dma_start3A_148 = arith.constant 0 : i32
    %dma_start3A_149 = arith.constant 0 : i32
    %dma_start3A_150 = tpu.memref_slice %arg4[%arg0, %dma_start3A_148, %dma_start3A_149] : memref<2x10000x64xf32, #tpu.memory_space<hbm>> -> memref<1x10000x64xf32, #tpu.memory_space<hbm>>
    %dma_start3A_151 = tpu.memref_squeeze %dma_start3A_150 : memref<1x10000x64xf32, #tpu.memory_space<hbm>> -> memref<10000x64xf32, #tpu.memory_space<hbm>>
    %dma_start3A_152 = arith.constant 0 : i32
    %dma_start3A_153 = arith.constant 0 : i32
    %dma_start3A_154 = tpu.memref_slice %dma_start3A_151[%dma_start3A_152, %dma_start3A_153] : memref<10000x64xf32, #tpu.memory_space<hbm>> -> memref<10000x64xf32, #tpu.memory_space<hbm>>
    tpu.enqueue_indirect_dma source(%dma_start3A_154 : memref<10000x64xf32, #tpu.memory_space<hbm>>) target(%arg15 : memref<128x64xf32, #tpu.memory_space<vmem>>) offsets(%dma_start3A_147 : memref<128xi32, #tpu.memory_space<vmem>>) semaphore(%arg19 : memref<!tpu.dma_semaphore, #tpu.memory_space<semaphore_mem>>)
    %scan3A_155 = arith.constant 0 : i32
    %scan3A_156 = arith.constant 0 : i32
    %scan3A_157 = arith.constant 20 : i32
    %scan3A_158 = arith.addi %scan3A_156, %scan3A_157 : i32
    %scan3A_159 = arith.constant 1 : i32
    scf.for %scan3A_216 = %scan3A_156 to %scan3A_158 step %scan3A_159  : i32 {
      %mul3A_217 = arith.constant 4 : i32
      %mul3A_218 = arith.muli %mul3A_217, %scan3A_216 : i32
      %add3A_219 = arith.constant 0 : i32
      %add3A_220 = arith.addi %mul3A_218, %add3A_219 : i32
      %dma_wait3A_221 = arith.constant 0 : i32
      %dma_wait3A_222 = arith.constant 0 : i32
      %dma_wait3A_223 = tpu.memref_slice %arg10[%dma_wait3A_221, %dma_wait3A_222] : memref<80x128xi32, #tpu.memory_space<vmem>> -> memref<1x128xi32, #tpu.memory_space<vmem>>
      %dma_wait3A_224 = tpu.memref_squeeze %dma_wait3A_223 : memref<1x128xi32, #tpu.memory_space<vmem>> -> memref<128xi32, #tpu.memory_space<vmem>>
      %dma_wait3A_225 = arith.constant 0 : i32
      %dma_wait3A_226 = arith.constant 0 : i32
      %dma_wait3A_227 = tpu.memref_slice %arg4[%arg0, %dma_wait3A_225, %dma_wait3A_226] : memref<2x10000x64xf32, #tpu.memory_space<hbm>> -> memref<1x10000x64xf32, #tpu.memory_space<hbm>>
      %dma_wait3A_228 = tpu.memref_squeeze %dma_wait3A_227 : memref<1x10000x64xf32, #tpu.memory_space<hbm>> -> memref<10000x64xf32, #tpu.memory_space<hbm>>
      %dma_wait3A_229 = arith.constant 0 : i32
      %dma_wait3A_230 = arith.constant 0 : i32
      %dma_wait3A_231 = tpu.memref_slice %dma_wait3A_228[%dma_wait3A_229, %dma_wait3A_230] : memref<10000x64xf32, #tpu.memory_space<hbm>> -> memref<10000x64xf32, #tpu.memory_space<hbm>>
      tpu.wait_indirect_dma semaphore(%arg16 : memref<!tpu.dma_semaphore, #tpu.memory_space<semaphore_mem>>) src(%dma_wait3A_231 : memref<10000x64xf32, #tpu.memory_space<hbm>>) dst(%arg12 : memref<128x64xf32, #tpu.memory_space<vmem>>)
      "tpu.region"() ({
        %run_scoped3A = tpu.sem_alloc : memref<!tpu.dma_semaphore, #tpu.memory_space<semaphore_mem>>
        %dma_start3A_332 = arith.constant 0 : i32
        %dma_start3A_333 = tpu.memref_slice %arg11[%add3A_220, %dma_start3A_332] : memref<80x128xi32, #tpu.memory_space<vmem>> -> memref<1x128xi32, #tpu.memory_space<vmem>>
        %dma_start3A_334 = tpu.memref_squeeze %dma_start3A_333 : memref<1x128xi32, #tpu.memory_space<vmem>> -> memref<128xi32, #tpu.memory_space<vmem>>
        %dma_start3A_335 = arith.constant 0 : i32
        %dma_start3A_336 = arith.constant 0 : i32
        %dma_start3A_337 = tpu.memref_slice %arg22[%dma_start3A_335, %dma_start3A_336] : memref<10240x64xf32, #tpu.memory_space<vmem_shared>> -> memref<10240x64xf32, #tpu.memory_space<vmem_shared>>
        tpu.enqueue_indirect_dma source(%arg12 : memref<128x64xf32, #tpu.memory_space<vmem>>) target(%dma_start3A_337 : memref<10240x64xf32, #tpu.memory_space<vmem_shared>>) offsets(%dma_start3A_334 : memref<128xi32, #tpu.memory_space<vmem>>) semaphore(%run_scoped3A : memref<!tpu.dma_semaphore, #tpu.memory_space<semaphore_mem>>) {add = true}
        %dma_wait3A_338 = arith.constant 0 : i32
        %dma_wait3A_339 = tpu.memref_slice %arg11[%add3A_220, %dma_wait3A_338] : memref<80x128xi32, #tpu.memory_space<vmem>> -> memref<1x128xi32, #tpu.memory_space<vmem>>
        %dma_wait3A_340 = tpu.memref_squeeze %dma_wait3A_339 : memref<1x128xi32, #tpu.memory_space<vmem>> -> memref<128xi32, #tpu.memory_space<vmem>>
        %dma_wait3A_341 = arith.constant 0 : i32
        %dma_wait3A_342 = arith.constant 0 : i32
        %dma_wait3A_343 = tpu.memref_slice %arg22[%dma_wait3A_341, %dma_wait3A_342] : memref<10240x64xf32, #tpu.memory_space<vmem_shared>> -> memref<10240x64xf32, #tpu.memory_space<vmem_shared>>
        tpu.wait_indirect_dma semaphore(%run_scoped3A : memref<!tpu.dma_semaphore, #tpu.memory_space<semaphore_mem>>) src(%arg12 : memref<128x64xf32, #tpu.memory_space<vmem>>) dst(%dma_wait3A_343 : memref<10240x64xf32, #tpu.memory_space<vmem_shared>>)
        tpu.yield
      }) : () -> ()
      "tpu.region"() ({
        %run_scoped3A = tpu.sem_alloc : memref<!tpu.dma_semaphore, #tpu.memory_space<semaphore_mem>>
        %dma_start3A_332 = arith.constant 0 : i32
        %dma_start3A_333 = tpu.memref_slice %arg11[%add3A_220, %dma_start3A_332] : memref<80x128xi32, #tpu.memory_space<vmem>> -> memref<1x128xi32, #tpu.memory_space<vmem>>
        %dma_start3A_334 = tpu.memref_squeeze %dma_start3A_333 : memref<1x128xi32, #tpu.memory_space<vmem>> -> memref<128xi32, #tpu.memory_space<vmem>>
        %dma_start3A_335 = arith.constant 0 : i32
        %dma_start3A_336 = arith.constant 0 : i32
        %dma_start3A_337 = tpu.memref_slice %arg23[%dma_start3A_335, %dma_start3A_336] : memref<10240x16xf32, #tpu.memory_space<vmem_shared>> -> memref<10240x16xf32, #tpu.memory_space<vmem_shared>>
        tpu.enqueue_indirect_dma source(%arg20 : memref<128x16xf32, #tpu.memory_space<vmem>>) target(%dma_start3A_337 : memref<10240x16xf32, #tpu.memory_space<vmem_shared>>) offsets(%dma_start3A_334 : memref<128xi32, #tpu.memory_space<vmem>>) semaphore(%run_scoped3A : memref<!tpu.dma_semaphore, #tpu.memory_space<semaphore_mem>>) {add = true}
        %dma_wait3A_338 = arith.constant 0 : i32
        %dma_wait3A_339 = tpu.memref_slice %arg11[%add3A_220, %dma_wait3A_338] : memref<80x128xi32, #tpu.memory_space<vmem>> -> memref<1x128xi32, #tpu.memory_space<vmem>>
        %dma_wait3A_340 = tpu.memref_squeeze %dma_wait3A_339 : memref<1x128xi32, #tpu.memory_space<vmem>> -> memref<128xi32, #tpu.memory_space<vmem>>
        %dma_wait3A_341 = arith.constant 0 : i32
        %dma_wait3A_342 = arith.constant 0 : i32
        %dma_wait3A_343 = tpu.memref_slice %arg23[%dma_wait3A_341, %dma_wait3A_342] : memref<10240x16xf32, #tpu.memory_space<vmem_shared>> -> memref<10240x16xf32, #tpu.memory_space<vmem_shared>>
        tpu.wait_indirect_dma semaphore(%run_scoped3A : memref<!tpu.dma_semaphore, #tpu.memory_space<semaphore_mem>>) src(%arg20 : memref<128x16xf32, #tpu.memory_space<vmem>>) dst(%dma_wait3A_343 : memref<10240x16xf32, #tpu.memory_space<vmem_shared>>)
        tpu.yield
      }) : () -> ()
      %add3A_232 = arith.constant 4 : i32
      %add3A_233 = arith.addi %add3A_220, %add3A_232 : i32
      %min3A = arith.constant 79 : i32
      %min3A_234 = arith.minsi %add3A_233, %min3A : i32
      %dma_start3A_235 = arith.constant 0 : i32
      %dma_start3A_236 = tpu.memref_slice %arg10[%min3A_234, %dma_start3A_235] : memref<80x128xi32, #tpu.memory_space<vmem>> -> memref<1x128xi32, #tpu.memory_space<vmem>>
      %dma_start3A_237 = tpu.memref_squeeze %dma_start3A_236 : memref<1x128xi32, #tpu.memory_space<vmem>> -> memref<128xi32, #tpu.memory_space<vmem>>
      %dma_start3A_238 = arith.constant 0 : i32
      %dma_start3A_239 = arith.constant 0 : i32
      %dma_start3A_240 = tpu.memref_slice %arg4[%arg0, %dma_start3A_238, %dma_start3A_239] : memref<2x10000x64xf32, #tpu.memory_space<hbm>> -> memref<1x10000x64xf32, #tpu.memory_space<hbm>>
      %dma_start3A_241 = tpu.memref_squeeze %dma_start3A_240 : memref<1x10000x64xf32, #tpu.memory_space<hbm>> -> memref<10000x64xf32, #tpu.memory_space<hbm>>
      %dma_start3A_242 = arith.constant 0 : i32
      %dma_start3A_243 = arith.constant 0 : i32
      %dma_start3A_244 = tpu.memref_slice %dma_start3A_241[%dma_start3A_242, %dma_start3A_243] : memref<10000x64xf32, #tpu.memory_space<hbm>> -> memref<10000x64xf32, #tpu.memory_space<hbm>>
      tpu.enqueue_indirect_dma source(%dma_start3A_244 : memref<10000x64xf32, #tpu.memory_space<hbm>>) target(%arg12 : memref<128x64xf32, #tpu.memory_space<vmem>>) offsets(%dma_start3A_237 : memref<128xi32, #tpu.memory_space<vmem>>) semaphore(%arg16 : memref<!tpu.dma_semaphore, #tpu.memory_space<semaphore_mem>>)
      %mul3A_245 = arith.constant 4 : i32
      %mul3A_246 = arith.muli %mul3A_245, %scan3A_216 : i32
      %add3A_247 = arith.constant 1 : i32
      %add3A_248 = arith.addi %mul3A_246, %add3A_247 : i32
      %dma_wait3A_249 = arith.constant 1 : i32
      %dma_wait3A_250 = arith.constant 0 : i32
      %dma_wait3A_251 = tpu.memref_slice %arg10[%dma_wait3A_249, %dma_wait3A_250] : memref<80x128xi32, #tpu.memory_space<vmem>> -> memref<1x128xi32, #tpu.memory_space<vmem>>
      %dma_wait3A_252 = tpu.memref_squeeze %dma_wait3A_251 : memref<1x128xi32, #tpu.memory_space<vmem>> -> memref<128xi32, #tpu.memory_space<vmem>>
      %dma_wait3A_253 = arith.constant 0 : i32
      %dma_wait3A_254 = arith.constant 0 : i32
      %dma_wait3A_255 = tpu.memref_slice %arg4[%arg0, %dma_wait3A_253, %dma_wait3A_254] : memref<2x10000x64xf32, #tpu.memory_space<hbm>> -> memref<1x10000x64xf32, #tpu.memory_space<hbm>>
      %dma_wait3A_256 = tpu.memref_squeeze %dma_wait3A_255 : memref<1x10000x64xf32, #tpu.memory_space<hbm>> -> memref<10000x64xf32, #tpu.memory_space<hbm>>
      %dma_wait3A_257 = arith.constant 0 : i32
      %dma_wait3A_258 = arith.constant 0 : i32
      %dma_wait3A_259 = tpu.memref_slice %dma_wait3A_256[%dma_wait3A_257, %dma_wait3A_258] : memref<10000x64xf32, #tpu.memory_space<hbm>> -> memref<10000x64xf32, #tpu.memory_space<hbm>>
      tpu.wait_indirect_dma semaphore(%arg17 : memref<!tpu.dma_semaphore, #tpu.memory_space<semaphore_mem>>) src(%dma_wait3A_259 : memref<10000x64xf32, #tpu.memory_space<hbm>>) dst(%arg13 : memref<128x64xf32, #tpu.memory_space<vmem>>)
      "tpu.region"() ({
        %run_scoped3A = tpu.sem_alloc : memref<!tpu.dma_semaphore, #tpu.memory_space<semaphore_mem>>
        %dma_start3A_332 = arith.constant 0 : i32
        %dma_start3A_333 = tpu.memref_slice %arg11[%add3A_248, %dma_start3A_332] : memref<80x128xi32, #tpu.memory_space<vmem>> -> memref<1x128xi32, #tpu.memory_space<vmem>>
        %dma_start3A_334 = tpu.memref_squeeze %dma_start3A_333 : memref<1x128xi32, #tpu.memory_space<vmem>> -> memref<128xi32, #tpu.memory_space<vmem>>
        %dma_start3A_335 = arith.constant 0 : i32
        %dma_start3A_336 = arith.constant 0 : i32
        %dma_start3A_337 = tpu.memref_slice %arg22[%dma_start3A_335, %dma_start3A_336] : memref<10240x64xf32, #tpu.memory_space<vmem_shared>> -> memref<10240x64xf32, #tpu.memory_space<vmem_shared>>
        tpu.enqueue_indirect_dma source(%arg13 : memref<128x64xf32, #tpu.memory_space<vmem>>) target(%dma_start3A_337 : memref<10240x64xf32, #tpu.memory_space<vmem_shared>>) offsets(%dma_start3A_334 : memref<128xi32, #tpu.memory_space<vmem>>) semaphore(%run_scoped3A : memref<!tpu.dma_semaphore, #tpu.memory_space<semaphore_mem>>) {add = true}
        %dma_wait3A_338 = arith.constant 0 : i32
        %dma_wait3A_339 = tpu.memref_slice %arg11[%add3A_248, %dma_wait3A_338] : memref<80x128xi32, #tpu.memory_space<vmem>> -> memref<1x128xi32, #tpu.memory_space<vmem>>
        %dma_wait3A_340 = tpu.memref_squeeze %dma_wait3A_339 : memref<1x128xi32, #tpu.memory_space<vmem>> -> memref<128xi32, #tpu.memory_space<vmem>>
        %dma_wait3A_341 = arith.constant 0 : i32
        %dma_wait3A_342 = arith.constant 0 : i32
        %dma_wait3A_343 = tpu.memref_slice %arg22[%dma_wait3A_341, %dma_wait3A_342] : memref<10240x64xf32, #tpu.memory_space<vmem_shared>> -> memref<10240x64xf32, #tpu.memory_space<vmem_shared>>
        tpu.wait_indirect_dma semaphore(%run_scoped3A : memref<!tpu.dma_semaphore, #tpu.memory_space<semaphore_mem>>) src(%arg13 : memref<128x64xf32, #tpu.memory_space<vmem>>) dst(%dma_wait3A_343 : memref<10240x64xf32, #tpu.memory_space<vmem_shared>>)
        tpu.yield
      }) : () -> ()
      "tpu.region"() ({
        %run_scoped3A = tpu.sem_alloc : memref<!tpu.dma_semaphore, #tpu.memory_space<semaphore_mem>>
        %dma_start3A_332 = arith.constant 0 : i32
        %dma_start3A_333 = tpu.memref_slice %arg11[%add3A_248, %dma_start3A_332] : memref<80x128xi32, #tpu.memory_space<vmem>> -> memref<1x128xi32, #tpu.memory_space<vmem>>
        %dma_start3A_334 = tpu.memref_squeeze %dma_start3A_333 : memref<1x128xi32, #tpu.memory_space<vmem>> -> memref<128xi32, #tpu.memory_space<vmem>>
        %dma_start3A_335 = arith.constant 0 : i32
        %dma_start3A_336 = arith.constant 0 : i32
        %dma_start3A_337 = tpu.memref_slice %arg23[%dma_start3A_335, %dma_start3A_336] : memref<10240x16xf32, #tpu.memory_space<vmem_shared>> -> memref<10240x16xf32, #tpu.memory_space<vmem_shared>>
        tpu.enqueue_indirect_dma source(%arg20 : memref<128x16xf32, #tpu.memory_space<vmem>>) target(%dma_start3A_337 : memref<10240x16xf32, #tpu.memory_space<vmem_shared>>) offsets(%dma_start3A_334 : memref<128xi32, #tpu.memory_space<vmem>>) semaphore(%run_scoped3A : memref<!tpu.dma_semaphore, #tpu.memory_space<semaphore_mem>>) {add = true}
        %dma_wait3A_338 = arith.constant 0 : i32
        %dma_wait3A_339 = tpu.memref_slice %arg11[%add3A_248, %dma_wait3A_338] : memref<80x128xi32, #tpu.memory_space<vmem>> -> memref<1x128xi32, #tpu.memory_space<vmem>>
        %dma_wait3A_340 = tpu.memref_squeeze %dma_wait3A_339 : memref<1x128xi32, #tpu.memory_space<vmem>> -> memref<128xi32, #tpu.memory_space<vmem>>
        %dma_wait3A_341 = arith.constant 0 : i32
        %dma_wait3A_342 = arith.constant 0 : i32
        %dma_wait3A_343 = tpu.memref_slice %arg23[%dma_wait3A_341, %dma_wait3A_342] : memref<10240x16xf32, #tpu.memory_space<vmem_shared>> -> memref<10240x16xf32, #tpu.memory_space<vmem_shared>>
        tpu.wait_indirect_dma semaphore(%run_scoped3A : memref<!tpu.dma_semaphore, #tpu.memory_space<semaphore_mem>>) src(%arg20 : memref<128x16xf32, #tpu.memory_space<vmem>>) dst(%dma_wait3A_343 : memref<10240x16xf32, #tpu.memory_space<vmem_shared>>)
        tpu.yield
      }) : () -> ()
      %add3A_260 = arith.constant 4 : i32
      %add3A_261 = arith.addi %add3A_248, %add3A_260 : i32
      %min3A_262 = arith.constant 79 : i32
      %min3A_263 = arith.minsi %add3A_261, %min3A_262 : i32
      %dma_start3A_264 = arith.constant 0 : i32
      %dma_start3A_265 = tpu.memref_slice %arg10[%min3A_263, %dma_start3A_264] : memref<80x128xi32, #tpu.memory_space<vmem>> -> memref<1x128xi32, #tpu.memory_space<vmem>>
      %dma_start3A_266 = tpu.memref_squeeze %dma_start3A_265 : memref<1x128xi32, #tpu.memory_space<vmem>> -> memref<128xi32, #tpu.memory_space<vmem>>
      %dma_start3A_267 = arith.constant 0 : i32
      %dma_start3A_268 = arith.constant 0 : i32
      %dma_start3A_269 = tpu.memref_slice %arg4[%arg0, %dma_start3A_267, %dma_start3A_268] : memref<2x10000x64xf32, #tpu.memory_space<hbm>> -> memref<1x10000x64xf32, #tpu.memory_space<hbm>>
      %dma_start3A_270 = tpu.memref_squeeze %dma_start3A_269 : memref<1x10000x64xf32, #tpu.memory_space<hbm>> -> memref<10000x64xf32, #tpu.memory_space<hbm>>
      %dma_start3A_271 = arith.constant 0 : i32
      %dma_start3A_272 = arith.constant 0 : i32
      %dma_start3A_273 = tpu.memref_slice %dma_start3A_270[%dma_start3A_271, %dma_start3A_272] : memref<10000x64xf32, #tpu.memory_space<hbm>> -> memref<10000x64xf32, #tpu.memory_space<hbm>>
      tpu.enqueue_indirect_dma source(%dma_start3A_273 : memref<10000x64xf32, #tpu.memory_space<hbm>>) target(%arg13 : memref<128x64xf32, #tpu.memory_space<vmem>>) offsets(%dma_start3A_266 : memref<128xi32, #tpu.memory_space<vmem>>) semaphore(%arg17 : memref<!tpu.dma_semaphore, #tpu.memory_space<semaphore_mem>>)
      %mul3A_274 = arith.constant 4 : i32
      %mul3A_275 = arith.muli %mul3A_274, %scan3A_216 : i32
      %add3A_276 = arith.constant 2 : i32
      %add3A_277 = arith.addi %mul3A_275, %add3A_276 : i32
      %dma_wait3A_278 = arith.constant 2 : i32
      %dma_wait3A_279 = arith.constant 0 : i32
      %dma_wait3A_280 = tpu.memref_slice %arg10[%dma_wait3A_278, %dma_wait3A_279] : memref<80x128xi32, #tpu.memory_space<vmem>> -> memref<1x128xi32, #tpu.memory_space<vmem>>
      %dma_wait3A_281 = tpu.memref_squeeze %dma_wait3A_280 : memref<1x128xi32, #tpu.memory_space<vmem>> -> memref<128xi32, #tpu.memory_space<vmem>>
      %dma_wait3A_282 = arith.constant 0 : i32
      %dma_wait3A_283 = arith.constant 0 : i32
      %dma_wait3A_284 = tpu.memref_slice %arg4[%arg0, %dma_wait3A_282, %dma_wait3A_283] : memref<2x10000x64xf32, #tpu.memory_space<hbm>> -> memref<1x10000x64xf32, #tpu.memory_space<hbm>>
      %dma_wait3A_285 = tpu.memref_squeeze %dma_wait3A_284 : memref<1x10000x64xf32, #tpu.memory_space<hbm>> -> memref<10000x64xf32, #tpu.memory_space<hbm>>
      %dma_wait3A_286 = arith.constant 0 : i32
      %dma_wait3A_287 = arith.constant 0 : i32
      %dma_wait3A_288 = tpu.memref_slice %dma_wait3A_285[%dma_wait3A_286, %dma_wait3A_287] : memref<10000x64xf32, #tpu.memory_space<hbm>> -> memref<10000x64xf32, #tpu.memory_space<hbm>>
      tpu.wait_indirect_dma semaphore(%arg18 : memref<!tpu.dma_semaphore, #tpu.memory_space<semaphore_mem>>) src(%dma_wait3A_288 : memref<10000x64xf32, #tpu.memory_space<hbm>>) dst(%arg14 : memref<128x64xf32, #tpu.memory_space<vmem>>)
      "tpu.region"() ({
        %run_scoped3A = tpu.sem_alloc : memref<!tpu.dma_semaphore, #tpu.memory_space<semaphore_mem>>
        %dma_start3A_332 = arith.constant 0 : i32
        %dma_start3A_333 = tpu.memref_slice %arg11[%add3A_277, %dma_start3A_332] : memref<80x128xi32, #tpu.memory_space<vmem>> -> memref<1x128xi32, #tpu.memory_space<vmem>>
        %dma_start3A_334 = tpu.memref_squeeze %dma_start3A_333 : memref<1x128xi32, #tpu.memory_space<vmem>> -> memref<128xi32, #tpu.memory_space<vmem>>
        %dma_start3A_335 = arith.constant 0 : i32
        %dma_start3A_336 = arith.constant 0 : i32
        %dma_start3A_337 = tpu.memref_slice %arg22[%dma_start3A_335, %dma_start3A_336] : memref<10240x64xf32, #tpu.memory_space<vmem_shared>> -> memref<10240x64xf32, #tpu.memory_space<vmem_shared>>
        tpu.enqueue_indirect_dma source(%arg14 : memref<128x64xf32, #tpu.memory_space<vmem>>) target(%dma_start3A_337 : memref<10240x64xf32, #tpu.memory_space<vmem_shared>>) offsets(%dma_start3A_334 : memref<128xi32, #tpu.memory_space<vmem>>) semaphore(%run_scoped3A : memref<!tpu.dma_semaphore, #tpu.memory_space<semaphore_mem>>) {add = true}
        %dma_wait3A_338 = arith.constant 0 : i32
        %dma_wait3A_339 = tpu.memref_slice %arg11[%add3A_277, %dma_wait3A_338] : memref<80x128xi32, #tpu.memory_space<vmem>> -> memref<1x128xi32, #tpu.memory_space<vmem>>
        %dma_wait3A_340 = tpu.memref_squeeze %dma_wait3A_339 : memref<1x128xi32, #tpu.memory_space<vmem>> -> memref<128xi32, #tpu.memory_space<vmem>>
        %dma_wait3A_341 = arith.constant 0 : i32
        %dma_wait3A_342 = arith.constant 0 : i32
        %dma_wait3A_343 = tpu.memref_slice %arg22[%dma_wait3A_341, %dma_wait3A_342] : memref<10240x64xf32, #tpu.memory_space<vmem_shared>> -> memref<10240x64xf32, #tpu.memory_space<vmem_shared>>
        tpu.wait_indirect_dma semaphore(%run_scoped3A : memref<!tpu.dma_semaphore, #tpu.memory_space<semaphore_mem>>) src(%arg14 : memref<128x64xf32, #tpu.memory_space<vmem>>) dst(%dma_wait3A_343 : memref<10240x64xf32, #tpu.memory_space<vmem_shared>>)
        tpu.yield
      }) : () -> ()
      "tpu.region"() ({
        %run_scoped3A = tpu.sem_alloc : memref<!tpu.dma_semaphore, #tpu.memory_space<semaphore_mem>>
        %dma_start3A_332 = arith.constant 0 : i32
        %dma_start3A_333 = tpu.memref_slice %arg11[%add3A_277, %dma_start3A_332] : memref<80x128xi32, #tpu.memory_space<vmem>> -> memref<1x128xi32, #tpu.memory_space<vmem>>
        %dma_start3A_334 = tpu.memref_squeeze %dma_start3A_333 : memref<1x128xi32, #tpu.memory_space<vmem>> -> memref<128xi32, #tpu.memory_space<vmem>>
        %dma_start3A_335 = arith.constant 0 : i32
        %dma_start3A_336 = arith.constant 0 : i32
        %dma_start3A_337 = tpu.memref_slice %arg23[%dma_start3A_335, %dma_start3A_336] : memref<10240x16xf32, #tpu.memory_space<vmem_shared>> -> memref<10240x16xf32, #tpu.memory_space<vmem_shared>>
        tpu.enqueue_indirect_dma source(%arg20 : memref<128x16xf32, #tpu.memory_space<vmem>>) target(%dma_start3A_337 : memref<10240x16xf32, #tpu.memory_space<vmem_shared>>) offsets(%dma_start3A_334 : memref<128xi32, #tpu.memory_space<vmem>>) semaphore(%run_scoped3A : memref<!tpu.dma_semaphore, #tpu.memory_space<semaphore_mem>>) {add = true}
        %dma_wait3A_338 = arith.constant 0 : i32
        %dma_wait3A_339 = tpu.memref_slice %arg11[%add3A_277, %dma_wait3A_338] : memref<80x128xi32, #tpu.memory_space<vmem>> -> memref<1x128xi32, #tpu.memory_space<vmem>>
        %dma_wait3A_340 = tpu.memref_squeeze %dma_wait3A_339 : memref<1x128xi32, #tpu.memory_space<vmem>> -> memref<128xi32, #tpu.memory_space<vmem>>
        %dma_wait3A_341 = arith.constant 0 : i32
        %dma_wait3A_342 = arith.constant 0 : i32
        %dma_wait3A_343 = tpu.memref_slice %arg23[%dma_wait3A_341, %dma_wait3A_342] : memref<10240x16xf32, #tpu.memory_space<vmem_shared>> -> memref<10240x16xf32, #tpu.memory_space<vmem_shared>>
        tpu.wait_indirect_dma semaphore(%run_scoped3A : memref<!tpu.dma_semaphore, #tpu.memory_space<semaphore_mem>>) src(%arg20 : memref<128x16xf32, #tpu.memory_space<vmem>>) dst(%dma_wait3A_343 : memref<10240x16xf32, #tpu.memory_space<vmem_shared>>)
        tpu.yield
      }) : () -> ()
      %add3A_289 = arith.constant 4 : i32
      %add3A_290 = arith.addi %add3A_277, %add3A_289 : i32
      %min3A_291 = arith.constant 79 : i32
      %min3A_292 = arith.minsi %add3A_290, %min3A_291 : i32
      %dma_start3A_293 = arith.constant 0 : i32
      %dma_start3A_294 = tpu.memref_slice %arg10[%min3A_292, %dma_start3A_293] : memref<80x128xi32, #tpu.memory_space<vmem>> -> memref<1x128xi32, #tpu.memory_space<vmem>>
      %dma_start3A_295 = tpu.memref_squeeze %dma_start3A_294 : memref<1x128xi32, #tpu.memory_space<vmem>> -> memref<128xi32, #tpu.memory_space<vmem>>
      %dma_start3A_296 = arith.constant 0 : i32
      %dma_start3A_297 = arith.constant 0 : i32
      %dma_start3A_298 = tpu.memref_slice %arg4[%arg0, %dma_start3A_296, %dma_start3A_297] : memref<2x10000x64xf32, #tpu.memory_space<hbm>> -> memref<1x10000x64xf32, #tpu.memory_space<hbm>>
      %dma_start3A_299 = tpu.memref_squeeze %dma_start3A_298 : memref<1x10000x64xf32, #tpu.memory_space<hbm>> -> memref<10000x64xf32, #tpu.memory_space<hbm>>
      %dma_start3A_300 = arith.constant 0 : i32
      %dma_start3A_301 = arith.constant 0 : i32
      %dma_start3A_302 = tpu.memref_slice %dma_start3A_299[%dma_start3A_300, %dma_start3A_301] : memref<10000x64xf32, #tpu.memory_space<hbm>> -> memref<10000x64xf32, #tpu.memory_space<hbm>>
      tpu.enqueue_indirect_dma source(%dma_start3A_302 : memref<10000x64xf32, #tpu.memory_space<hbm>>) target(%arg14 : memref<128x64xf32, #tpu.memory_space<vmem>>) offsets(%dma_start3A_295 : memref<128xi32, #tpu.memory_space<vmem>>) semaphore(%arg18 : memref<!tpu.dma_semaphore, #tpu.memory_space<semaphore_mem>>)
      %mul3A_303 = arith.constant 4 : i32
      %mul3A_304 = arith.muli %mul3A_303, %scan3A_216 : i32
      %add3A_305 = arith.constant 3 : i32
      %add3A_306 = arith.addi %mul3A_304, %add3A_305 : i32
      %dma_wait3A_307 = arith.constant 3 : i32
      %dma_wait3A_308 = arith.constant 0 : i32
      %dma_wait3A_309 = tpu.memref_slice %arg10[%dma_wait3A_307, %dma_wait3A_308] : memref<80x128xi32, #tpu.memory_space<vmem>> -> memref<1x128xi32, #tpu.memory_space<vmem>>
      %dma_wait3A_310 = tpu.memref_squeeze %dma_wait3A_309 : memref<1x128xi32, #tpu.memory_space<vmem>> -> memref<128xi32, #tpu.memory_space<vmem>>
      %dma_wait3A_311 = arith.constant 0 : i32
      %dma_wait3A_312 = arith.constant 0 : i32
      %dma_wait3A_313 = tpu.memref_slice %arg4[%arg0, %dma_wait3A_311, %dma_wait3A_312] : memref<2x10000x64xf32, #tpu.memory_space<hbm>> -> memref<1x10000x64xf32, #tpu.memory_space<hbm>>
      %dma_wait3A_314 = tpu.memref_squeeze %dma_wait3A_313 : memref<1x10000x64xf32, #tpu.memory_space<hbm>> -> memref<10000x64xf32, #tpu.memory_space<hbm>>
      %dma_wait3A_315 = arith.constant 0 : i32
      %dma_wait3A_316 = arith.constant 0 : i32
      %dma_wait3A_317 = tpu.memref_slice %dma_wait3A_314[%dma_wait3A_315, %dma_wait3A_316] : memref<10000x64xf32, #tpu.memory_space<hbm>> -> memref<10000x64xf32, #tpu.memory_space<hbm>>
      tpu.wait_indirect_dma semaphore(%arg19 : memref<!tpu.dma_semaphore, #tpu.memory_space<semaphore_mem>>) src(%dma_wait3A_317 : memref<10000x64xf32, #tpu.memory_space<hbm>>) dst(%arg15 : memref<128x64xf32, #tpu.memory_space<vmem>>)
      "tpu.region"() ({
        %run_scoped3A = tpu.sem_alloc : memref<!tpu.dma_semaphore, #tpu.memory_space<semaphore_mem>>
        %dma_start3A_332 = arith.constant 0 : i32
        %dma_start3A_333 = tpu.memref_slice %arg11[%add3A_306, %dma_start3A_332] : memref<80x128xi32, #tpu.memory_space<vmem>> -> memref<1x128xi32, #tpu.memory_space<vmem>>
        %dma_start3A_334 = tpu.memref_squeeze %dma_start3A_333 : memref<1x128xi32, #tpu.memory_space<vmem>> -> memref<128xi32, #tpu.memory_space<vmem>>
        %dma_start3A_335 = arith.constant 0 : i32
        %dma_start3A_336 = arith.constant 0 : i32
        %dma_start3A_337 = tpu.memref_slice %arg22[%dma_start3A_335, %dma_start3A_336] : memref<10240x64xf32, #tpu.memory_space<vmem_shared>> -> memref<10240x64xf32, #tpu.memory_space<vmem_shared>>
        tpu.enqueue_indirect_dma source(%arg15 : memref<128x64xf32, #tpu.memory_space<vmem>>) target(%dma_start3A_337 : memref<10240x64xf32, #tpu.memory_space<vmem_shared>>) offsets(%dma_start3A_334 : memref<128xi32, #tpu.memory_space<vmem>>) semaphore(%run_scoped3A : memref<!tpu.dma_semaphore, #tpu.memory_space<semaphore_mem>>) {add = true}
        %dma_wait3A_338 = arith.constant 0 : i32
        %dma_wait3A_339 = tpu.memref_slice %arg11[%add3A_306, %dma_wait3A_338] : memref<80x128xi32, #tpu.memory_space<vmem>> -> memref<1x128xi32, #tpu.memory_space<vmem>>
        %dma_wait3A_340 = tpu.memref_squeeze %dma_wait3A_339 : memref<1x128xi32, #tpu.memory_space<vmem>> -> memref<128xi32, #tpu.memory_space<vmem>>
        %dma_wait3A_341 = arith.constant 0 : i32
        %dma_wait3A_342 = arith.constant 0 : i32
        %dma_wait3A_343 = tpu.memref_slice %arg22[%dma_wait3A_341, %dma_wait3A_342] : memref<10240x64xf32, #tpu.memory_space<vmem_shared>> -> memref<10240x64xf32, #tpu.memory_space<vmem_shared>>
        tpu.wait_indirect_dma semaphore(%run_scoped3A : memref<!tpu.dma_semaphore, #tpu.memory_space<semaphore_mem>>) src(%arg15 : memref<128x64xf32, #tpu.memory_space<vmem>>) dst(%dma_wait3A_343 : memref<10240x64xf32, #tpu.memory_space<vmem_shared>>)
        tpu.yield
      }) : () -> ()
      "tpu.region"() ({
        %run_scoped3A = tpu.sem_alloc : memref<!tpu.dma_semaphore, #tpu.memory_space<semaphore_mem>>
        %dma_start3A_332 = arith.constant 0 : i32
        %dma_start3A_333 = tpu.memref_slice %arg11[%add3A_306, %dma_start3A_332] : memref<80x128xi32, #tpu.memory_space<vmem>> -> memref<1x128xi32, #tpu.memory_space<vmem>>
        %dma_start3A_334 = tpu.memref_squeeze %dma_start3A_333 : memref<1x128xi32, #tpu.memory_space<vmem>> -> memref<128xi32, #tpu.memory_space<vmem>>
        %dma_start3A_335 = arith.constant 0 : i32
        %dma_start3A_336 = arith.constant 0 : i32
        %dma_start3A_337 = tpu.memref_slice %arg23[%dma_start3A_335, %dma_start3A_336] : memref<10240x16xf32, #tpu.memory_space<vmem_shared>> -> memref<10240x16xf32, #tpu.memory_space<vmem_shared>>
        tpu.enqueue_indirect_dma source(%arg20 : memref<128x16xf32, #tpu.memory_space<vmem>>) target(%dma_start3A_337 : memref<10240x16xf32, #tpu.memory_space<vmem_shared>>) offsets(%dma_start3A_334 : memref<128xi32, #tpu.memory_space<vmem>>) semaphore(%run_scoped3A : memref<!tpu.dma_semaphore, #tpu.memory_space<semaphore_mem>>) {add = true}
        %dma_wait3A_338 = arith.constant 0 : i32
        %dma_wait3A_339 = tpu.memref_slice %arg11[%add3A_306, %dma_wait3A_338] : memref<80x128xi32, #tpu.memory_space<vmem>> -> memref<1x128xi32, #tpu.memory_space<vmem>>
        %dma_wait3A_340 = tpu.memref_squeeze %dma_wait3A_339 : memref<1x128xi32, #tpu.memory_space<vmem>> -> memref<128xi32, #tpu.memory_space<vmem>>
        %dma_wait3A_341 = arith.constant 0 : i32
        %dma_wait3A_342 = arith.constant 0 : i32
        %dma_wait3A_343 = tpu.memref_slice %arg23[%dma_wait3A_341, %dma_wait3A_342] : memref<10240x16xf32, #tpu.memory_space<vmem_shared>> -> memref<10240x16xf32, #tpu.memory_space<vmem_shared>>
        tpu.wait_indirect_dma semaphore(%run_scoped3A : memref<!tpu.dma_semaphore, #tpu.memory_space<semaphore_mem>>) src(%arg20 : memref<128x16xf32, #tpu.memory_space<vmem>>) dst(%dma_wait3A_343 : memref<10240x16xf32, #tpu.memory_space<vmem_shared>>)
        tpu.yield
      }) : () -> ()
      %add3A_318 = arith.constant 4 : i32
      %add3A_319 = arith.addi %add3A_306, %add3A_318 : i32
      %min3A_320 = arith.constant 79 : i32
      %min3A_321 = arith.minsi %add3A_319, %min3A_320 : i32
      %dma_start3A_322 = arith.constant 0 : i32
      %dma_start3A_323 = tpu.memref_slice %arg10[%min3A_321, %dma_start3A_322] : memref<80x128xi32, #tpu.memory_space<vmem>> -> memref<1x128xi32, #tpu.memory_space<vmem>>
      %dma_start3A_324 = tpu.memref_squeeze %dma_start3A_323 : memref<1x128xi32, #tpu.memory_space<vmem>> -> memref<128xi32, #tpu.memory_space<vmem>>
      %dma_start3A_325 = arith.constant 0 : i32
      %dma_start3A_326 = arith.constant 0 : i32
      %dma_start3A_327 = tpu.memref_slice %arg4[%arg0, %dma_start3A_325, %dma_start3A_326] : memref<2x10000x64xf32, #tpu.memory_space<hbm>> -> memref<1x10000x64xf32, #tpu.memory_space<hbm>>
      %dma_start3A_328 = tpu.memref_squeeze %dma_start3A_327 : memref<1x10000x64xf32, #tpu.memory_space<hbm>> -> memref<10000x64xf32, #tpu.memory_space<hbm>>
      %dma_start3A_329 = arith.constant 0 : i32
      %dma_start3A_330 = arith.constant 0 : i32
      %dma_start3A_331 = tpu.memref_slice %dma_start3A_328[%dma_start3A_329, %dma_start3A_330] : memref<10000x64xf32, #tpu.memory_space<hbm>> -> memref<10000x64xf32, #tpu.memory_space<hbm>>
      tpu.enqueue_indirect_dma source(%dma_start3A_331 : memref<10000x64xf32, #tpu.memory_space<hbm>>) target(%arg15 : memref<128x64xf32, #tpu.memory_space<vmem>>) offsets(%dma_start3A_324 : memref<128xi32, #tpu.memory_space<vmem>>) semaphore(%arg19 : memref<!tpu.dma_semaphore, #tpu.memory_space<semaphore_mem>>)
    }
    %scan3A_160 = arith.constant 20 : i32
    %dma_wait3A_161 = arith.constant 0 : i32
    %dma_wait3A_162 = arith.constant 0 : i32
    %dma_wait3A_163 = tpu.memref_slice %arg10[%dma_wait3A_161, %dma_wait3A_162] : memref<80x128xi32, #tpu.memory_space<vmem>> -> memref<1x128xi32, #tpu.memory_space<vmem>>
    %dma_wait3A_164 = tpu.memref_squeeze %dma_wait3A_163 : memref<1x128xi32, #tpu.memory_space<vmem>> -> memref<128xi32, #tpu.memory_space<vmem>>
    %dma_wait3A_165 = arith.constant 0 : i32
    %dma_wait3A_166 = arith.constant 0 : i32
    %dma_wait3A_167 = tpu.memref_slice %arg4[%arg0, %dma_wait3A_165, %dma_wait3A_166] : memref<2x10000x64xf32, #tpu.memory_space<hbm>> -> memref<1x10000x64xf32, #tpu.memory_space<hbm>>
    %dma_wait3A_168 = tpu.memref_squeeze %dma_wait3A_167 : memref<1x10000x64xf32, #tpu.memory_space<hbm>> -> memref<10000x64xf32, #tpu.memory_space<hbm>>
    %dma_wait3A_169 = arith.constant 0 : i32
    %dma_wait3A_170 = arith.constant 0 : i32
    %dma_wait3A_171 = tpu.memref_slice %dma_wait3A_168[%dma_wait3A_169, %dma_wait3A_170] : memref<10000x64xf32, #tpu.memory_space<hbm>> -> memref<10000x64xf32, #tpu.memory_space<hbm>>
    tpu.wait_indirect_dma semaphore(%arg16 : memref<!tpu.dma_semaphore, #tpu.memory_space<semaphore_mem>>) src(%dma_wait3A_171 : memref<10000x64xf32, #tpu.memory_space<hbm>>) dst(%arg12 : memref<128x64xf32, #tpu.memory_space<vmem>>)
    %dma_wait3A_172 = arith.constant 1 : i32
    %dma_wait3A_173 = arith.constant 0 : i32
    %dma_wait3A_174 = tpu.memref_slice %arg10[%dma_wait3A_172, %dma_wait3A_173] : memref<80x128xi32, #tpu.memory_space<vmem>> -> memref<1x128xi32, #tpu.memory_space<vmem>>
    %dma_wait3A_175 = tpu.memref_squeeze %dma_wait3A_174 : memref<1x128xi32, #tpu.memory_space<vmem>> -> memref<128xi32, #tpu.memory_space<vmem>>
    %dma_wait3A_176 = arith.constant 0 : i32
    %dma_wait3A_177 = arith.constant 0 : i32
    %dma_wait3A_178 = tpu.memref_slice %arg4[%arg0, %dma_wait3A_176, %dma_wait3A_177] : memref<2x10000x64xf32, #tpu.memory_space<hbm>> -> memref<1x10000x64xf32, #tpu.memory_space<hbm>>
    %dma_wait3A_179 = tpu.memref_squeeze %dma_wait3A_178 : memref<1x10000x64xf32, #tpu.memory_space<hbm>> -> memref<10000x64xf32, #tpu.memory_space<hbm>>
    %dma_wait3A_180 = arith.constant 0 : i32
    %dma_wait3A_181 = arith.constant 0 : i32
    %dma_wait3A_182 = tpu.memref_slice %dma_wait3A_179[%dma_wait3A_180, %dma_wait3A_181] : memref<10000x64xf32, #tpu.memory_space<hbm>> -> memref<10000x64xf32, #tpu.memory_space<hbm>>
    tpu.wait_indirect_dma semaphore(%arg17 : memref<!tpu.dma_semaphore, #tpu.memory_space<semaphore_mem>>) src(%dma_wait3A_182 : memref<10000x64xf32, #tpu.memory_space<hbm>>) dst(%arg13 : memref<128x64xf32, #tpu.memory_space<vmem>>)
    %dma_wait3A_183 = arith.constant 2 : i32
    %dma_wait3A_184 = arith.constant 0 : i32
    %dma_wait3A_185 = tpu.memref_slice %arg10[%dma_wait3A_183, %dma_wait3A_184] : memref<80x128xi32, #tpu.memory_space<vmem>> -> memref<1x128xi32, #tpu.memory_space<vmem>>
    %dma_wait3A_186 = tpu.memref_squeeze %dma_wait3A_185 : memref<1x128xi32, #tpu.memory_space<vmem>> -> memref<128xi32, #tpu.memory_space<vmem>>
    %dma_wait3A_187 = arith.constant 0 : i32
    %dma_wait3A_188 = arith.constant 0 : i32
    %dma_wait3A_189 = tpu.memref_slice %arg4[%arg0, %dma_wait3A_187, %dma_wait3A_188] : memref<2x10000x64xf32, #tpu.memory_space<hbm>> -> memref<1x10000x64xf32, #tpu.memory_space<hbm>>
    %dma_wait3A_190 = tpu.memref_squeeze %dma_wait3A_189 : memref<1x10000x64xf32, #tpu.memory_space<hbm>> -> memref<10000x64xf32, #tpu.memory_space<hbm>>
    %dma_wait3A_191 = arith.constant 0 : i32
    %dma_wait3A_192 = arith.constant 0 : i32
    %dma_wait3A_193 = tpu.memref_slice %dma_wait3A_190[%dma_wait3A_191, %dma_wait3A_192] : memref<10000x64xf32, #tpu.memory_space<hbm>> -> memref<10000x64xf32, #tpu.memory_space<hbm>>
    tpu.wait_indirect_dma semaphore(%arg18 : memref<!tpu.dma_semaphore, #tpu.memory_space<semaphore_mem>>) src(%dma_wait3A_193 : memref<10000x64xf32, #tpu.memory_space<hbm>>) dst(%arg14 : memref<128x64xf32, #tpu.memory_space<vmem>>)
    %dma_wait3A_194 = arith.constant 3 : i32
    %dma_wait3A_195 = arith.constant 0 : i32
    %dma_wait3A_196 = tpu.memref_slice %arg10[%dma_wait3A_194, %dma_wait3A_195] : memref<80x128xi32, #tpu.memory_space<vmem>> -> memref<1x128xi32, #tpu.memory_space<vmem>>
    %dma_wait3A_197 = tpu.memref_squeeze %dma_wait3A_196 : memref<1x128xi32, #tpu.memory_space<vmem>> -> memref<128xi32, #tpu.memory_space<vmem>>
    %dma_wait3A_198 = arith.constant 0 : i32
    %dma_wait3A_199 = arith.constant 0 : i32
    %dma_wait3A_200 = tpu.memref_slice %arg4[%arg0, %dma_wait3A_198, %dma_wait3A_199] : memref<2x10000x64xf32, #tpu.memory_space<hbm>> -> memref<1x10000x64xf32, #tpu.memory_space<hbm>>
    %dma_wait3A_201 = tpu.memref_squeeze %dma_wait3A_200 : memref<1x10000x64xf32, #tpu.memory_space<hbm>> -> memref<10000x64xf32, #tpu.memory_space<hbm>>
    %dma_wait3A_202 = arith.constant 0 : i32
    %dma_wait3A_203 = arith.constant 0 : i32
    %dma_wait3A_204 = tpu.memref_slice %dma_wait3A_201[%dma_wait3A_202, %dma_wait3A_203] : memref<10000x64xf32, #tpu.memory_space<hbm>> -> memref<10000x64xf32, #tpu.memory_space<hbm>>
    tpu.wait_indirect_dma semaphore(%arg19 : memref<!tpu.dma_semaphore, #tpu.memory_space<semaphore_mem>>) src(%dma_wait3A_204 : memref<10000x64xf32, #tpu.memory_space<hbm>>) dst(%arg15 : memref<128x64xf32, #tpu.memory_space<vmem>>)
    %barrier3A_205 = arith.constant 0 : index
    tpu.barrier barrier_id(%barrier3A_205)
    %add3A_206 = arith.constant 0 : i32
    %add3A_207 = arith.addi %mul3A_0, %add3A_206 : i32
    "tpu.region"() ({
      %run_scoped3A = tpu.sem_alloc : memref<!tpu.dma_semaphore, #tpu.memory_space<semaphore_mem>>
      %dma_start3A_216 = arith.constant 0 : i32
      %dma_start3A_217 = tpu.memref_slice %arg22[%add3A_207, %dma_start3A_216] : memref<10240x64xf32, #tpu.memory_space<vmem_shared>> -> memref<128x64xf32, #tpu.memory_space<vmem_shared>>
      %dma_start3A_218 = arith.constant 0 : i32
      %dma_start3A_219 = tpu.memref_slice %arg22[%add3A_207, %dma_start3A_218] : memref<10240x64xf32, #tpu.memory_space<vmem_shared>> -> memref<128x64xf32, #tpu.memory_space<vmem_shared>>
      tpu.enqueue_dma source(%dma_start3A_219 : memref<128x64xf32, #tpu.memory_space<vmem_shared>>) target(%arg12 : memref<128x64xf32, #tpu.memory_space<vmem>>) target_semaphore(%run_scoped3A : memref<!tpu.dma_semaphore, #tpu.memory_space<semaphore_mem>>)
      %dma_wait3A_220 = arith.constant 0 : i32
      %dma_wait3A_221 = tpu.memref_slice %arg22[%add3A_207, %dma_wait3A_220] : memref<10240x64xf32, #tpu.memory_space<vmem_shared>> -> memref<128x64xf32, #tpu.memory_space<vmem_shared>>
      %dma_wait3A_222 = arith.constant 0 : i32
      %dma_wait3A_223 = tpu.memref_slice %arg22[%add3A_207, %dma_wait3A_222] : memref<10240x64xf32, #tpu.memory_space<vmem_shared>> -> memref<128x64xf32, #tpu.memory_space<vmem_shared>>
      tpu.wait_dma2 semaphore(%run_scoped3A : memref<!tpu.dma_semaphore, #tpu.memory_space<semaphore_mem>>) src(%dma_wait3A_223 : memref<128x64xf32, #tpu.memory_space<vmem_shared>>) dst(%arg12 : memref<128x64xf32, #tpu.memory_space<vmem>>)
      tpu.yield
    }) : () -> ()
    "tpu.region"() ({
      %run_scoped3A = tpu.sem_alloc : memref<!tpu.dma_semaphore, #tpu.memory_space<semaphore_mem>>
      %dma_start3A_216 = arith.constant 0 : i32
      %dma_start3A_217 = tpu.memref_slice %arg8[%arg0, %add3A_207, %dma_start3A_216] : memref<2x10240x64xf32, #tpu.memory_space<hbm>> -> memref<1x128x64xf32, #tpu.memory_space<hbm>>
      %dma_start3A_218 = tpu.memref_squeeze %dma_start3A_217 : memref<1x128x64xf32, #tpu.memory_space<hbm>> -> memref<128x64xf32, #tpu.memory_space<hbm>>
      %dma_start3A_219 = arith.constant 0 : i32
      %dma_start3A_220 = tpu.memref_slice %arg8[%arg0, %add3A_207, %dma_start3A_219] : memref<2x10240x64xf32, #tpu.memory_space<hbm>> -> memref<1x128x64xf32, #tpu.memory_space<hbm>>
      %dma_start3A_221 = tpu.memref_squeeze %dma_start3A_220 : memref<1x128x64xf32, #tpu.memory_space<hbm>> -> memref<128x64xf32, #tpu.memory_space<hbm>>
      tpu.enqueue_dma source(%arg12 : memref<128x64xf32, #tpu.memory_space<vmem>>) target(%dma_start3A_221 : memref<128x64xf32, #tpu.memory_space<hbm>>) target_semaphore(%run_scoped3A : memref<!tpu.dma_semaphore, #tpu.memory_space<semaphore_mem>>)
      %dma_wait3A_222 = arith.constant 0 : i32
      %dma_wait3A_223 = tpu.memref_slice %arg8[%arg0, %add3A_207, %dma_wait3A_222] : memref<2x10240x64xf32, #tpu.memory_space<hbm>> -> memref<1x128x64xf32, #tpu.memory_space<hbm>>
      %dma_wait3A_224 = tpu.memref_squeeze %dma_wait3A_223 : memref<1x128x64xf32, #tpu.memory_space<hbm>> -> memref<128x64xf32, #tpu.memory_space<hbm>>
      %dma_wait3A_225 = arith.constant 0 : i32
      %dma_wait3A_226 = tpu.memref_slice %arg8[%arg0, %add3A_207, %dma_wait3A_225] : memref<2x10240x64xf32, #tpu.memory_space<hbm>> -> memref<1x128x64xf32, #tpu.memory_space<hbm>>
      %dma_wait3A_227 = tpu.memref_squeeze %dma_wait3A_226 : memref<1x128x64xf32, #tpu.memory_space<hbm>> -> memref<128x64xf32, #tpu.memory_space<hbm>>
      tpu.wait_dma2 semaphore(%run_scoped3A : memref<!tpu.dma_semaphore, #tpu.memory_space<semaphore_mem>>) src(%arg12 : memref<128x64xf32, #tpu.memory_space<vmem>>) dst(%dma_wait3A_227 : memref<128x64xf32, #tpu.memory_space<hbm>>)
      tpu.yield
    }) : () -> ()
    "tpu.region"() ({
      %run_scoped3A = tpu.sem_alloc : memref<!tpu.dma_semaphore, #tpu.memory_space<semaphore_mem>>
      %dma_start3A_216 = arith.constant 0 : i32
      %dma_start3A_217 = tpu.memref_slice %arg23[%add3A_207, %dma_start3A_216] : memref<10240x16xf32, #tpu.memory_space<vmem_shared>> -> memref<128x16xf32, #tpu.memory_space<vmem_shared>>
      %dma_start3A_218 = arith.constant 0 : i32
      %dma_start3A_219 = tpu.memref_slice %arg23[%add3A_207, %dma_start3A_218] : memref<10240x16xf32, #tpu.memory_space<vmem_shared>> -> memref<128x16xf32, #tpu.memory_space<vmem_shared>>
      tpu.enqueue_dma source(%dma_start3A_219 : memref<128x16xf32, #tpu.memory_space<vmem_shared>>) target(%arg21 : memref<128x16xf32, #tpu.memory_space<vmem>>) target_semaphore(%run_scoped3A : memref<!tpu.dma_semaphore, #tpu.memory_space<semaphore_mem>>)
      %dma_wait3A_220 = arith.constant 0 : i32
      %dma_wait3A_221 = tpu.memref_slice %arg23[%add3A_207, %dma_wait3A_220] : memref<10240x16xf32, #tpu.memory_space<vmem_shared>> -> memref<128x16xf32, #tpu.memory_space<vmem_shared>>
      %dma_wait3A_222 = arith.constant 0 : i32
      %dma_wait3A_223 = tpu.memref_slice %arg23[%add3A_207, %dma_wait3A_222] : memref<10240x16xf32, #tpu.memory_space<vmem_shared>> -> memref<128x16xf32, #tpu.memory_space<vmem_shared>>
      tpu.wait_dma2 semaphore(%run_scoped3A : memref<!tpu.dma_semaphore, #tpu.memory_space<semaphore_mem>>) src(%dma_wait3A_223 : memref<128x16xf32, #tpu.memory_space<vmem_shared>>) dst(%arg21 : memref<128x16xf32, #tpu.memory_space<vmem>>)
      tpu.yield
    }) : () -> ()
    "tpu.region"() ({
      %run_scoped3A = tpu.sem_alloc : memref<!tpu.dma_semaphore, #tpu.memory_space<semaphore_mem>>
      %dma_start3A_216 = arith.constant 0 : i32
      %dma_start3A_217 = tpu.memref_slice %arg9[%arg0, %add3A_207, %dma_start3A_216] : memref<2x10240x16xf32, #tpu.memory_space<hbm>> -> memref<1x128x16xf32, #tpu.memory_space<hbm>>
      %dma_start3A_218 = tpu.memref_squeeze %dma_start3A_217 : memref<1x128x16xf32, #tpu.memory_space<hbm>> -> memref<128x16xf32, #tpu.memory_space<hbm>>
      %dma_start3A_219 = arith.constant 0 : i32
      %dma_start3A_220 = tpu.memref_slice %arg9[%arg0, %add3A_207, %dma_start3A_219] : memref<2x10240x16xf32, #tpu.memory_space<hbm>> -> memref<1x128x16xf32, #tpu.memory_space<hbm>>
      %dma_start3A_221 = tpu.memref_squeeze %dma_start3A_220 : memref<1x128x16xf32, #tpu.memory_space<hbm>> -> memref<128x16xf32, #tpu.memory_space<hbm>>
      tpu.enqueue_dma source(%arg21 : memref<128x16xf32, #tpu.memory_space<vmem>>) target(%dma_start3A_221 : memref<128x16xf32, #tpu.memory_space<hbm>>) target_semaphore(%run_scoped3A : memref<!tpu.dma_semaphore, #tpu.memory_space<semaphore_mem>>)
      %dma_wait3A_222 = arith.constant 0 : i32
      %dma_wait3A_223 = tpu.memref_slice %arg9[%arg0, %add3A_207, %dma_wait3A_222] : memref<2x10240x16xf32, #tpu.memory_space<hbm>> -> memref<1x128x16xf32, #tpu.memory_space<hbm>>
      %dma_wait3A_224 = tpu.memref_squeeze %dma_wait3A_223 : memref<1x128x16xf32, #tpu.memory_space<hbm>> -> memref<128x16xf32, #tpu.memory_space<hbm>>
      %dma_wait3A_225 = arith.constant 0 : i32
      %dma_wait3A_226 = tpu.memref_slice %arg9[%arg0, %add3A_207, %dma_wait3A_225] : memref<2x10240x16xf32, #tpu.memory_space<hbm>> -> memref<1x128x16xf32, #tpu.memory_space<hbm>>
      %dma_wait3A_227 = tpu.memref_squeeze %dma_wait3A_226 : memref<1x128x16xf32, #tpu.memory_space<hbm>> -> memref<128x16xf32, #tpu.memory_space<hbm>>
      tpu.wait_dma2 semaphore(%run_scoped3A : memref<!tpu.dma_semaphore, #tpu.memory_space<semaphore_mem>>) src(%arg21 : memref<128x16xf32, #tpu.memory_space<vmem>>) dst(%dma_wait3A_227 : memref<128x16xf32, #tpu.memory_space<hbm>>)
      tpu.yield
    }) : () -> ()
    %add3A_208 = arith.constant 128 : i32
    %add3A_209 = arith.addi %mul3A_0, %add3A_208 : i32
    "tpu.region"() ({
      %run_scoped3A = tpu.sem_alloc : memref<!tpu.dma_semaphore, #tpu.memory_space<semaphore_mem>>
      %dma_start3A_216 = arith.constant 0 : i32
      %dma_start3A_217 = tpu.memref_slice %arg22[%add3A_209, %dma_start3A_216] : memref<10240x64xf32, #tpu.memory_space<vmem_shared>> -> memref<128x64xf32, #tpu.memory_space<vmem_shared>>
      %dma_start3A_218 = arith.constant 0 : i32
      %dma_start3A_219 = tpu.memref_slice %arg22[%add3A_209, %dma_start3A_218] : memref<10240x64xf32, #tpu.memory_space<vmem_shared>> -> memref<128x64xf32, #tpu.memory_space<vmem_shared>>
      tpu.enqueue_dma source(%dma_start3A_219 : memref<128x64xf32, #tpu.memory_space<vmem_shared>>) target(%arg12 : memref<128x64xf32, #tpu.memory_space<vmem>>) target_semaphore(%run_scoped3A : memref<!tpu.dma_semaphore, #tpu.memory_space<semaphore_mem>>)
      %dma_wait3A_220 = arith.constant 0 : i32
      %dma_wait3A_221 = tpu.memref_slice %arg22[%add3A_209, %dma_wait3A_220] : memref<10240x64xf32, #tpu.memory_space<vmem_shared>> -> memref<128x64xf32, #tpu.memory_space<vmem_shared>>
      %dma_wait3A_222 = arith.constant 0 : i32
      %dma_wait3A_223 = tpu.memref_slice %arg22[%add3A_209, %dma_wait3A_222] : memref<10240x64xf32, #tpu.memory_space<vmem_shared>> -> memref<128x64xf32, #tpu.memory_space<vmem_shared>>
      tpu.wait_dma2 semaphore(%run_scoped3A : memref<!tpu.dma_semaphore, #tpu.memory_space<semaphore_mem>>) src(%dma_wait3A_223 : memref<128x64xf32, #tpu.memory_space<vmem_shared>>) dst(%arg12 : memref<128x64xf32, #tpu.memory_space<vmem>>)
      tpu.yield
    }) : () -> ()
    "tpu.region"() ({
      %run_scoped3A = tpu.sem_alloc : memref<!tpu.dma_semaphore, #tpu.memory_space<semaphore_mem>>
      %dma_start3A_216 = arith.constant 0 : i32
      %dma_start3A_217 = tpu.memref_slice %arg8[%arg0, %add3A_209, %dma_start3A_216] : memref<2x10240x64xf32, #tpu.memory_space<hbm>> -> memref<1x128x64xf32, #tpu.memory_space<hbm>>
      %dma_start3A_218 = tpu.memref_squeeze %dma_start3A_217 : memref<1x128x64xf32, #tpu.memory_space<hbm>> -> memref<128x64xf32, #tpu.memory_space<hbm>>
      %dma_start3A_219 = arith.constant 0 : i32
      %dma_start3A_220 = tpu.memref_slice %arg8[%arg0, %add3A_209, %dma_start3A_219] : memref<2x10240x64xf32, #tpu.memory_space<hbm>> -> memref<1x128x64xf32, #tpu.memory_space<hbm>>
      %dma_start3A_221 = tpu.memref_squeeze %dma_start3A_220 : memref<1x128x64xf32, #tpu.memory_space<hbm>> -> memref<128x64xf32, #tpu.memory_space<hbm>>
      tpu.enqueue_dma source(%arg12 : memref<128x64xf32, #tpu.memory_space<vmem>>) target(%dma_start3A_221 : memref<128x64xf32, #tpu.memory_space<hbm>>) target_semaphore(%run_scoped3A : memref<!tpu.dma_semaphore, #tpu.memory_space<semaphore_mem>>)
      %dma_wait3A_222 = arith.constant 0 : i32
      %dma_wait3A_223 = tpu.memref_slice %arg8[%arg0, %add3A_209, %dma_wait3A_222] : memref<2x10240x64xf32, #tpu.memory_space<hbm>> -> memref<1x128x64xf32, #tpu.memory_space<hbm>>
      %dma_wait3A_224 = tpu.memref_squeeze %dma_wait3A_223 : memref<1x128x64xf32, #tpu.memory_space<hbm>> -> memref<128x64xf32, #tpu.memory_space<hbm>>
      %dma_wait3A_225 = arith.constant 0 : i32
      %dma_wait3A_226 = tpu.memref_slice %arg8[%arg0, %add3A_209, %dma_wait3A_225] : memref<2x10240x64xf32, #tpu.memory_space<hbm>> -> memref<1x128x64xf32, #tpu.memory_space<hbm>>
      %dma_wait3A_227 = tpu.memref_squeeze %dma_wait3A_226 : memref<1x128x64xf32, #tpu.memory_space<hbm>> -> memref<128x64xf32, #tpu.memory_space<hbm>>
      tpu.wait_dma2 semaphore(%run_scoped3A : memref<!tpu.dma_semaphore, #tpu.memory_space<semaphore_mem>>) src(%arg12 : memref<128x64xf32, #tpu.memory_space<vmem>>) dst(%dma_wait3A_227 : memref<128x64xf32, #tpu.memory_space<hbm>>)
      tpu.yield
    }) : () -> ()
    "tpu.region"() ({
      %run_scoped3A = tpu.sem_alloc : memref<!tpu.dma_semaphore, #tpu.memory_space<semaphore_mem>>
      %dma_start3A_216 = arith.constant 0 : i32
      %dma_start3A_217 = tpu.memref_slice %arg23[%add3A_209, %dma_start3A_216] : memref<10240x16xf32, #tpu.memory_space<vmem_shared>> -> memref<128x16xf32, #tpu.memory_space<vmem_shared>>
      %dma_start3A_218 = arith.constant 0 : i32
      %dma_start3A_219 = tpu.memref_slice %arg23[%add3A_209, %dma_start3A_218] : memref<10240x16xf32, #tpu.memory_space<vmem_shared>> -> memref<128x16xf32, #tpu.memory_space<vmem_shared>>
      tpu.enqueue_dma source(%dma_start3A_219 : memref<128x16xf32, #tpu.memory_space<vmem_shared>>) target(%arg21 : memref<128x16xf32, #tpu.memory_space<vmem>>) target_semaphore(%run_scoped3A : memref<!tpu.dma_semaphore, #tpu.memory_space<semaphore_mem>>)
      %dma_wait3A_220 = arith.constant 0 : i32
      %dma_wait3A_221 = tpu.memref_slice %arg23[%add3A_209, %dma_wait3A_220] : memref<10240x16xf32, #tpu.memory_space<vmem_shared>> -> memref<128x16xf32, #tpu.memory_space<vmem_shared>>
      %dma_wait3A_222 = arith.constant 0 : i32
      %dma_wait3A_223 = tpu.memref_slice %arg23[%add3A_209, %dma_wait3A_222] : memref<10240x16xf32, #tpu.memory_space<vmem_shared>> -> memref<128x16xf32, #tpu.memory_space<vmem_shared>>
      tpu.wait_dma2 semaphore(%run_scoped3A : memref<!tpu.dma_semaphore, #tpu.memory_space<semaphore_mem>>) src(%dma_wait3A_223 : memref<128x16xf32, #tpu.memory_space<vmem_shared>>) dst(%arg21 : memref<128x16xf32, #tpu.memory_space<vmem>>)
      tpu.yield
    }) : () -> ()
    "tpu.region"() ({
      %run_scoped3A = tpu.sem_alloc : memref<!tpu.dma_semaphore, #tpu.memory_space<semaphore_mem>>
      %dma_start3A_216 = arith.constant 0 : i32
      %dma_start3A_217 = tpu.memref_slice %arg9[%arg0, %add3A_209, %dma_start3A_216] : memref<2x10240x16xf32, #tpu.memory_space<hbm>> -> memref<1x128x16xf32, #tpu.memory_space<hbm>>
      %dma_start3A_218 = tpu.memref_squeeze %dma_start3A_217 : memref<1x128x16xf32, #tpu.memory_space<hbm>> -> memref<128x16xf32, #tpu.memory_space<hbm>>
      %dma_start3A_219 = arith.constant 0 : i32
      %dma_start3A_220 = tpu.memref_slice %arg9[%arg0, %add3A_209, %dma_start3A_219] : memref<2x10240x16xf32, #tpu.memory_space<hbm>> -> memref<1x128x16xf32, #tpu.memory_space<hbm>>
      %dma_start3A_221 = tpu.memref_squeeze %dma_start3A_220 : memref<1x128x16xf32, #tpu.memory_space<hbm>> -> memref<128x16xf32, #tpu.memory_space<hbm>>
      tpu.enqueue_dma source(%arg21 : memref<128x16xf32, #tpu.memory_space<vmem>>) target(%dma_start3A_221 : memref<128x16xf32, #tpu.memory_space<hbm>>) target_semaphore(%run_scoped3A : memref<!tpu.dma_semaphore, #tpu.memory_space<semaphore_mem>>)
      %dma_wait3A_222 = arith.constant 0 : i32
      %dma_wait3A_223 = tpu.memref_slice %arg9[%arg0, %add3A_209, %dma_wait3A_222] : memref<2x10240x16xf32, #tpu.memory_space<hbm>> -> memref<1x128x16xf32, #tpu.memory_space<hbm>>
      %dma_wait3A_224 = tpu.memref_squeeze %dma_wait3A_223 : memref<1x128x16xf32, #tpu.memory_space<hbm>> -> memref<128x16xf32, #tpu.memory_space<hbm>>
      %dma_wait3A_225 = arith.constant 0 : i32
      %dma_wait3A_226 = tpu.memref_slice %arg9[%arg0, %add3A_209, %dma_wait3A_225] : memref<2x10240x16xf32, #tpu.memory_space<hbm>> -> memref<1x128x16xf32, #tpu.memory_space<hbm>>
      %dma_wait3A_227 = tpu.memref_squeeze %dma_wait3A_226 : memref<1x128x16xf32, #tpu.memory_space<hbm>> -> memref<128x16xf32, #tpu.memory_space<hbm>>
      tpu.wait_dma2 semaphore(%run_scoped3A : memref<!tpu.dma_semaphore, #tpu.memory_space<semaphore_mem>>) src(%arg21 : memref<128x16xf32, #tpu.memory_space<vmem>>) dst(%dma_wait3A_227 : memref<128x16xf32, #tpu.memory_space<hbm>>)
      tpu.yield
    }) : () -> ()
    %add3A_210 = arith.constant 256 : i32
    %add3A_211 = arith.addi %mul3A_0, %add3A_210 : i32
    "tpu.region"() ({
      %run_scoped3A = tpu.sem_alloc : memref<!tpu.dma_semaphore, #tpu.memory_space<semaphore_mem>>
      %dma_start3A_216 = arith.constant 0 : i32
      %dma_start3A_217 = tpu.memref_slice %arg22[%add3A_211, %dma_start3A_216] : memref<10240x64xf32, #tpu.memory_space<vmem_shared>> -> memref<128x64xf32, #tpu.memory_space<vmem_shared>>
      %dma_start3A_218 = arith.constant 0 : i32
      %dma_start3A_219 = tpu.memref_slice %arg22[%add3A_211, %dma_start3A_218] : memref<10240x64xf32, #tpu.memory_space<vmem_shared>> -> memref<128x64xf32, #tpu.memory_space<vmem_shared>>
      tpu.enqueue_dma source(%dma_start3A_219 : memref<128x64xf32, #tpu.memory_space<vmem_shared>>) target(%arg12 : memref<128x64xf32, #tpu.memory_space<vmem>>) target_semaphore(%run_scoped3A : memref<!tpu.dma_semaphore, #tpu.memory_space<semaphore_mem>>)
      %dma_wait3A_220 = arith.constant 0 : i32
      %dma_wait3A_221 = tpu.memref_slice %arg22[%add3A_211, %dma_wait3A_220] : memref<10240x64xf32, #tpu.memory_space<vmem_shared>> -> memref<128x64xf32, #tpu.memory_space<vmem_shared>>
      %dma_wait3A_222 = arith.constant 0 : i32
      %dma_wait3A_223 = tpu.memref_slice %arg22[%add3A_211, %dma_wait3A_222] : memref<10240x64xf32, #tpu.memory_space<vmem_shared>> -> memref<128x64xf32, #tpu.memory_space<vmem_shared>>
      tpu.wait_dma2 semaphore(%run_scoped3A : memref<!tpu.dma_semaphore, #tpu.memory_space<semaphore_mem>>) src(%dma_wait3A_223 : memref<128x64xf32, #tpu.memory_space<vmem_shared>>) dst(%arg12 : memref<128x64xf32, #tpu.memory_space<vmem>>)
      tpu.yield
    }) : () -> ()
    "tpu.region"() ({
      %run_scoped3A = tpu.sem_alloc : memref<!tpu.dma_semaphore, #tpu.memory_space<semaphore_mem>>
      %dma_start3A_216 = arith.constant 0 : i32
      %dma_start3A_217 = tpu.memref_slice %arg8[%arg0, %add3A_211, %dma_start3A_216] : memref<2x10240x64xf32, #tpu.memory_space<hbm>> -> memref<1x128x64xf32, #tpu.memory_space<hbm>>
      %dma_start3A_218 = tpu.memref_squeeze %dma_start3A_217 : memref<1x128x64xf32, #tpu.memory_space<hbm>> -> memref<128x64xf32, #tpu.memory_space<hbm>>
      %dma_start3A_219 = arith.constant 0 : i32
      %dma_start3A_220 = tpu.memref_slice %arg8[%arg0, %add3A_211, %dma_start3A_219] : memref<2x10240x64xf32, #tpu.memory_space<hbm>> -> memref<1x128x64xf32, #tpu.memory_space<hbm>>
      %dma_start3A_221 = tpu.memref_squeeze %dma_start3A_220 : memref<1x128x64xf32, #tpu.memory_space<hbm>> -> memref<128x64xf32, #tpu.memory_space<hbm>>
      tpu.enqueue_dma source(%arg12 : memref<128x64xf32, #tpu.memory_space<vmem>>) target(%dma_start3A_221 : memref<128x64xf32, #tpu.memory_space<hbm>>) target_semaphore(%run_scoped3A : memref<!tpu.dma_semaphore, #tpu.memory_space<semaphore_mem>>)
      %dma_wait3A_222 = arith.constant 0 : i32
      %dma_wait3A_223 = tpu.memref_slice %arg8[%arg0, %add3A_211, %dma_wait3A_222] : memref<2x10240x64xf32, #tpu.memory_space<hbm>> -> memref<1x128x64xf32, #tpu.memory_space<hbm>>
      %dma_wait3A_224 = tpu.memref_squeeze %dma_wait3A_223 : memref<1x128x64xf32, #tpu.memory_space<hbm>> -> memref<128x64xf32, #tpu.memory_space<hbm>>
      %dma_wait3A_225 = arith.constant 0 : i32
      %dma_wait3A_226 = tpu.memref_slice %arg8[%arg0, %add3A_211, %dma_wait3A_225] : memref<2x10240x64xf32, #tpu.memory_space<hbm>> -> memref<1x128x64xf32, #tpu.memory_space<hbm>>
      %dma_wait3A_227 = tpu.memref_squeeze %dma_wait3A_226 : memref<1x128x64xf32, #tpu.memory_space<hbm>> -> memref<128x64xf32, #tpu.memory_space<hbm>>
      tpu.wait_dma2 semaphore(%run_scoped3A : memref<!tpu.dma_semaphore, #tpu.memory_space<semaphore_mem>>) src(%arg12 : memref<128x64xf32, #tpu.memory_space<vmem>>) dst(%dma_wait3A_227 : memref<128x64xf32, #tpu.memory_space<hbm>>)
      tpu.yield
    }) : () -> ()
    "tpu.region"() ({
      %run_scoped3A = tpu.sem_alloc : memref<!tpu.dma_semaphore, #tpu.memory_space<semaphore_mem>>
      %dma_start3A_216 = arith.constant 0 : i32
      %dma_start3A_217 = tpu.memref_slice %arg23[%add3A_211, %dma_start3A_216] : memref<10240x16xf32, #tpu.memory_space<vmem_shared>> -> memref<128x16xf32, #tpu.memory_space<vmem_shared>>
      %dma_start3A_218 = arith.constant 0 : i32
      %dma_start3A_219 = tpu.memref_slice %arg23[%add3A_211, %dma_start3A_218] : memref<10240x16xf32, #tpu.memory_space<vmem_shared>> -> memref<128x16xf32, #tpu.memory_space<vmem_shared>>
      tpu.enqueue_dma source(%dma_start3A_219 : memref<128x16xf32, #tpu.memory_space<vmem_shared>>) target(%arg21 : memref<128x16xf32, #tpu.memory_space<vmem>>) target_semaphore(%run_scoped3A : memref<!tpu.dma_semaphore, #tpu.memory_space<semaphore_mem>>)
      %dma_wait3A_220 = arith.constant 0 : i32
      %dma_wait3A_221 = tpu.memref_slice %arg23[%add3A_211, %dma_wait3A_220] : memref<10240x16xf32, #tpu.memory_space<vmem_shared>> -> memref<128x16xf32, #tpu.memory_space<vmem_shared>>
      %dma_wait3A_222 = arith.constant 0 : i32
      %dma_wait3A_223 = tpu.memref_slice %arg23[%add3A_211, %dma_wait3A_222] : memref<10240x16xf32, #tpu.memory_space<vmem_shared>> -> memref<128x16xf32, #tpu.memory_space<vmem_shared>>
      tpu.wait_dma2 semaphore(%run_scoped3A : memref<!tpu.dma_semaphore, #tpu.memory_space<semaphore_mem>>) src(%dma_wait3A_223 : memref<128x16xf32, #tpu.memory_space<vmem_shared>>) dst(%arg21 : memref<128x16xf32, #tpu.memory_space<vmem>>)
      tpu.yield
    }) : () -> ()
    "tpu.region"() ({
      %run_scoped3A = tpu.sem_alloc : memref<!tpu.dma_semaphore, #tpu.memory_space<semaphore_mem>>
      %dma_start3A_216 = arith.constant 0 : i32
      %dma_start3A_217 = tpu.memref_slice %arg9[%arg0, %add3A_211, %dma_start3A_216] : memref<2x10240x16xf32, #tpu.memory_space<hbm>> -> memref<1x128x16xf32, #tpu.memory_space<hbm>>
      %dma_start3A_218 = tpu.memref_squeeze %dma_start3A_217 : memref<1x128x16xf32, #tpu.memory_space<hbm>> -> memref<128x16xf32, #tpu.memory_space<hbm>>
      %dma_start3A_219 = arith.constant 0 : i32
      %dma_start3A_220 = tpu.memref_slice %arg9[%arg0, %add3A_211, %dma_start3A_219] : memref<2x10240x16xf32, #tpu.memory_space<hbm>> -> memref<1x128x16xf32, #tpu.memory_space<hbm>>
      %dma_start3A_221 = tpu.memref_squeeze %dma_start3A_220 : memref<1x128x16xf32, #tpu.memory_space<hbm>> -> memref<128x16xf32, #tpu.memory_space<hbm>>
      tpu.enqueue_dma source(%arg21 : memref<128x16xf32, #tpu.memory_space<vmem>>) target(%dma_start3A_221 : memref<128x16xf32, #tpu.memory_space<hbm>>) target_semaphore(%run_scoped3A : memref<!tpu.dma_semaphore, #tpu.memory_space<semaphore_mem>>)
      %dma_wait3A_222 = arith.constant 0 : i32
      %dma_wait3A_223 = tpu.memref_slice %arg9[%arg0, %add3A_211, %dma_wait3A_222] : memref<2x10240x16xf32, #tpu.memory_space<hbm>> -> memref<1x128x16xf32, #tpu.memory_space<hbm>>
      %dma_wait3A_224 = tpu.memref_squeeze %dma_wait3A_223 : memref<1x128x16xf32, #tpu.memory_space<hbm>> -> memref<128x16xf32, #tpu.memory_space<hbm>>
      %dma_wait3A_225 = arith.constant 0 : i32
      %dma_wait3A_226 = tpu.memref_slice %arg9[%arg0, %add3A_211, %dma_wait3A_225] : memref<2x10240x16xf32, #tpu.memory_space<hbm>> -> memref<1x128x16xf32, #tpu.memory_space<hbm>>
      %dma_wait3A_227 = tpu.memref_squeeze %dma_wait3A_226 : memref<1x128x16xf32, #tpu.memory_space<hbm>> -> memref<128x16xf32, #tpu.memory_space<hbm>>
      tpu.wait_dma2 semaphore(%run_scoped3A : memref<!tpu.dma_semaphore, #tpu.memory_space<semaphore_mem>>) src(%arg21 : memref<128x16xf32, #tpu.memory_space<vmem>>) dst(%dma_wait3A_227 : memref<128x16xf32, #tpu.memory_space<hbm>>)
      tpu.yield
    }) : () -> ()
    %add3A_212 = arith.constant 384 : i32
    %add3A_213 = arith.addi %mul3A_0, %add3A_212 : i32
    "tpu.region"() ({
      %run_scoped3A = tpu.sem_alloc : memref<!tpu.dma_semaphore, #tpu.memory_space<semaphore_mem>>
      %dma_start3A_216 = arith.constant 0 : i32
      %dma_start3A_217 = tpu.memref_slice %arg22[%add3A_213, %dma_start3A_216] : memref<10240x64xf32, #tpu.memory_space<vmem_shared>> -> memref<128x64xf32, #tpu.memory_space<vmem_shared>>
      %dma_start3A_218 = arith.constant 0 : i32
      %dma_start3A_219 = tpu.memref_slice %arg22[%add3A_213, %dma_start3A_218] : memref<10240x64xf32, #tpu.memory_space<vmem_shared>> -> memref<128x64xf32, #tpu.memory_space<vmem_shared>>
      tpu.enqueue_dma source(%dma_start3A_219 : memref<128x64xf32, #tpu.memory_space<vmem_shared>>) target(%arg12 : memref<128x64xf32, #tpu.memory_space<vmem>>) target_semaphore(%run_scoped3A : memref<!tpu.dma_semaphore, #tpu.memory_space<semaphore_mem>>)
      %dma_wait3A_220 = arith.constant 0 : i32
      %dma_wait3A_221 = tpu.memref_slice %arg22[%add3A_213, %dma_wait3A_220] : memref<10240x64xf32, #tpu.memory_space<vmem_shared>> -> memref<128x64xf32, #tpu.memory_space<vmem_shared>>
      %dma_wait3A_222 = arith.constant 0 : i32
      %dma_wait3A_223 = tpu.memref_slice %arg22[%add3A_213, %dma_wait3A_222] : memref<10240x64xf32, #tpu.memory_space<vmem_shared>> -> memref<128x64xf32, #tpu.memory_space<vmem_shared>>
      tpu.wait_dma2 semaphore(%run_scoped3A : memref<!tpu.dma_semaphore, #tpu.memory_space<semaphore_mem>>) src(%dma_wait3A_223 : memref<128x64xf32, #tpu.memory_space<vmem_shared>>) dst(%arg12 : memref<128x64xf32, #tpu.memory_space<vmem>>)
      tpu.yield
    }) : () -> ()
    "tpu.region"() ({
      %run_scoped3A = tpu.sem_alloc : memref<!tpu.dma_semaphore, #tpu.memory_space<semaphore_mem>>
      %dma_start3A_216 = arith.constant 0 : i32
      %dma_start3A_217 = tpu.memref_slice %arg8[%arg0, %add3A_213, %dma_start3A_216] : memref<2x10240x64xf32, #tpu.memory_space<hbm>> -> memref<1x128x64xf32, #tpu.memory_space<hbm>>
      %dma_start3A_218 = tpu.memref_squeeze %dma_start3A_217 : memref<1x128x64xf32, #tpu.memory_space<hbm>> -> memref<128x64xf32, #tpu.memory_space<hbm>>
      %dma_start3A_219 = arith.constant 0 : i32
      %dma_start3A_220 = tpu.memref_slice %arg8[%arg0, %add3A_213, %dma_start3A_219] : memref<2x10240x64xf32, #tpu.memory_space<hbm>> -> memref<1x128x64xf32, #tpu.memory_space<hbm>>
      %dma_start3A_221 = tpu.memref_squeeze %dma_start3A_220 : memref<1x128x64xf32, #tpu.memory_space<hbm>> -> memref<128x64xf32, #tpu.memory_space<hbm>>
      tpu.enqueue_dma source(%arg12 : memref<128x64xf32, #tpu.memory_space<vmem>>) target(%dma_start3A_221 : memref<128x64xf32, #tpu.memory_space<hbm>>) target_semaphore(%run_scoped3A : memref<!tpu.dma_semaphore, #tpu.memory_space<semaphore_mem>>)
      %dma_wait3A_222 = arith.constant 0 : i32
      %dma_wait3A_223 = tpu.memref_slice %arg8[%arg0, %add3A_213, %dma_wait3A_222] : memref<2x10240x64xf32, #tpu.memory_space<hbm>> -> memref<1x128x64xf32, #tpu.memory_space<hbm>>
      %dma_wait3A_224 = tpu.memref_squeeze %dma_wait3A_223 : memref<1x128x64xf32, #tpu.memory_space<hbm>> -> memref<128x64xf32, #tpu.memory_space<hbm>>
      %dma_wait3A_225 = arith.constant 0 : i32
      %dma_wait3A_226 = tpu.memref_slice %arg8[%arg0, %add3A_213, %dma_wait3A_225] : memref<2x10240x64xf32, #tpu.memory_space<hbm>> -> memref<1x128x64xf32, #tpu.memory_space<hbm>>
      %dma_wait3A_227 = tpu.memref_squeeze %dma_wait3A_226 : memref<1x128x64xf32, #tpu.memory_space<hbm>> -> memref<128x64xf32, #tpu.memory_space<hbm>>
      tpu.wait_dma2 semaphore(%run_scoped3A : memref<!tpu.dma_semaphore, #tpu.memory_space<semaphore_mem>>) src(%arg12 : memref<128x64xf32, #tpu.memory_space<vmem>>) dst(%dma_wait3A_227 : memref<128x64xf32, #tpu.memory_space<hbm>>)
      tpu.yield
    }) : () -> ()
    "tpu.region"() ({
      %run_scoped3A = tpu.sem_alloc : memref<!tpu.dma_semaphore, #tpu.memory_space<semaphore_mem>>
      %dma_start3A_216 = arith.constant 0 : i32
      %dma_start3A_217 = tpu.memref_slice %arg23[%add3A_213, %dma_start3A_216] : memref<10240x16xf32, #tpu.memory_space<vmem_shared>> -> memref<128x16xf32, #tpu.memory_space<vmem_shared>>
      %dma_start3A_218 = arith.constant 0 : i32
      %dma_start3A_219 = tpu.memref_slice %arg23[%add3A_213, %dma_start3A_218] : memref<10240x16xf32, #tpu.memory_space<vmem_shared>> -> memref<128x16xf32, #tpu.memory_space<vmem_shared>>
      tpu.enqueue_dma source(%dma_start3A_219 : memref<128x16xf32, #tpu.memory_space<vmem_shared>>) target(%arg21 : memref<128x16xf32, #tpu.memory_space<vmem>>) target_semaphore(%run_scoped3A : memref<!tpu.dma_semaphore, #tpu.memory_space<semaphore_mem>>)
      %dma_wait3A_220 = arith.constant 0 : i32
      %dma_wait3A_221 = tpu.memref_slice %arg23[%add3A_213, %dma_wait3A_220] : memref<10240x16xf32, #tpu.memory_space<vmem_shared>> -> memref<128x16xf32, #tpu.memory_space<vmem_shared>>
      %dma_wait3A_222 = arith.constant 0 : i32
      %dma_wait3A_223 = tpu.memref_slice %arg23[%add3A_213, %dma_wait3A_222] : memref<10240x16xf32, #tpu.memory_space<vmem_shared>> -> memref<128x16xf32, #tpu.memory_space<vmem_shared>>
      tpu.wait_dma2 semaphore(%run_scoped3A : memref<!tpu.dma_semaphore, #tpu.memory_space<semaphore_mem>>) src(%dma_wait3A_223 : memref<128x16xf32, #tpu.memory_space<vmem_shared>>) dst(%arg21 : memref<128x16xf32, #tpu.memory_space<vmem>>)
      tpu.yield
    }) : () -> ()
    "tpu.region"() ({
      %run_scoped3A = tpu.sem_alloc : memref<!tpu.dma_semaphore, #tpu.memory_space<semaphore_mem>>
      %dma_start3A_216 = arith.constant 0 : i32
      %dma_start3A_217 = tpu.memref_slice %arg9[%arg0, %add3A_213, %dma_start3A_216] : memref<2x10240x16xf32, #tpu.memory_space<hbm>> -> memref<1x128x16xf32, #tpu.memory_space<hbm>>
      %dma_start3A_218 = tpu.memref_squeeze %dma_start3A_217 : memref<1x128x16xf32, #tpu.memory_space<hbm>> -> memref<128x16xf32, #tpu.memory_space<hbm>>
      %dma_start3A_219 = arith.constant 0 : i32
      %dma_start3A_220 = tpu.memref_slice %arg9[%arg0, %add3A_213, %dma_start3A_219] : memref<2x10240x16xf32, #tpu.memory_space<hbm>> -> memref<1x128x16xf32, #tpu.memory_space<hbm>>
      %dma_start3A_221 = tpu.memref_squeeze %dma_start3A_220 : memref<1x128x16xf32, #tpu.memory_space<hbm>> -> memref<128x16xf32, #tpu.memory_space<hbm>>
      tpu.enqueue_dma source(%arg21 : memref<128x16xf32, #tpu.memory_space<vmem>>) target(%dma_start3A_221 : memref<128x16xf32, #tpu.memory_space<hbm>>) target_semaphore(%run_scoped3A : memref<!tpu.dma_semaphore, #tpu.memory_space<semaphore_mem>>)
      %dma_wait3A_222 = arith.constant 0 : i32
      %dma_wait3A_223 = tpu.memref_slice %arg9[%arg0, %add3A_213, %dma_wait3A_222] : memref<2x10240x16xf32, #tpu.memory_space<hbm>> -> memref<1x128x16xf32, #tpu.memory_space<hbm>>
      %dma_wait3A_224 = tpu.memref_squeeze %dma_wait3A_223 : memref<1x128x16xf32, #tpu.memory_space<hbm>> -> memref<128x16xf32, #tpu.memory_space<hbm>>
      %dma_wait3A_225 = arith.constant 0 : i32
      %dma_wait3A_226 = tpu.memref_slice %arg9[%arg0, %add3A_213, %dma_wait3A_225] : memref<2x10240x16xf32, #tpu.memory_space<hbm>> -> memref<1x128x16xf32, #tpu.memory_space<hbm>>
      %dma_wait3A_227 = tpu.memref_squeeze %dma_wait3A_226 : memref<1x128x16xf32, #tpu.memory_space<hbm>> -> memref<128x16xf32, #tpu.memory_space<hbm>>
      tpu.wait_dma2 semaphore(%run_scoped3A : memref<!tpu.dma_semaphore, #tpu.memory_space<semaphore_mem>>) src(%arg21 : memref<128x16xf32, #tpu.memory_space<vmem>>) dst(%dma_wait3A_227 : memref<128x16xf32, #tpu.memory_space<hbm>>)
      tpu.yield
    }) : () -> ()
    %add3A_214 = arith.constant 512 : i32
    %add3A_215 = arith.addi %mul3A_0, %add3A_214 : i32
    "tpu.region"() ({
      %run_scoped3A = tpu.sem_alloc : memref<!tpu.dma_semaphore, #tpu.memory_space<semaphore_mem>>
      %dma_start3A_216 = arith.constant 0 : i32
      %dma_start3A_217 = tpu.memref_slice %arg22[%add3A_215, %dma_start3A_216] : memref<10240x64xf32, #tpu.memory_space<vmem_shared>> -> memref<128x64xf32, #tpu.memory_space<vmem_shared>>
      %dma_start3A_218 = arith.constant 0 : i32
      %dma_start3A_219 = tpu.memref_slice %arg22[%add3A_215, %dma_start3A_218] : memref<10240x64xf32, #tpu.memory_space<vmem_shared>> -> memref<128x64xf32, #tpu.memory_space<vmem_shared>>
      tpu.enqueue_dma source(%dma_start3A_219 : memref<128x64xf32, #tpu.memory_space<vmem_shared>>) target(%arg12 : memref<128x64xf32, #tpu.memory_space<vmem>>) target_semaphore(%run_scoped3A : memref<!tpu.dma_semaphore, #tpu.memory_space<semaphore_mem>>)
      %dma_wait3A_220 = arith.constant 0 : i32
      %dma_wait3A_221 = tpu.memref_slice %arg22[%add3A_215, %dma_wait3A_220] : memref<10240x64xf32, #tpu.memory_space<vmem_shared>> -> memref<128x64xf32, #tpu.memory_space<vmem_shared>>
      %dma_wait3A_222 = arith.constant 0 : i32
      %dma_wait3A_223 = tpu.memref_slice %arg22[%add3A_215, %dma_wait3A_222] : memref<10240x64xf32, #tpu.memory_space<vmem_shared>> -> memref<128x64xf32, #tpu.memory_space<vmem_shared>>
      tpu.wait_dma2 semaphore(%run_scoped3A : memref<!tpu.dma_semaphore, #tpu.memory_space<semaphore_mem>>) src(%dma_wait3A_223 : memref<128x64xf32, #tpu.memory_space<vmem_shared>>) dst(%arg12 : memref<128x64xf32, #tpu.memory_space<vmem>>)
      tpu.yield
    }) : () -> ()
    "tpu.region"() ({
      %run_scoped3A = tpu.sem_alloc : memref<!tpu.dma_semaphore, #tpu.memory_space<semaphore_mem>>
      %dma_start3A_216 = arith.constant 0 : i32
      %dma_start3A_217 = tpu.memref_slice %arg8[%arg0, %add3A_215, %dma_start3A_216] : memref<2x10240x64xf32, #tpu.memory_space<hbm>> -> memref<1x128x64xf32, #tpu.memory_space<hbm>>
      %dma_start3A_218 = tpu.memref_squeeze %dma_start3A_217 : memref<1x128x64xf32, #tpu.memory_space<hbm>> -> memref<128x64xf32, #tpu.memory_space<hbm>>
      %dma_start3A_219 = arith.constant 0 : i32
      %dma_start3A_220 = tpu.memref_slice %arg8[%arg0, %add3A_215, %dma_start3A_219] : memref<2x10240x64xf32, #tpu.memory_space<hbm>> -> memref<1x128x64xf32, #tpu.memory_space<hbm>>
      %dma_start3A_221 = tpu.memref_squeeze %dma_start3A_220 : memref<1x128x64xf32, #tpu.memory_space<hbm>> -> memref<128x64xf32, #tpu.memory_space<hbm>>
      tpu.enqueue_dma source(%arg12 : memref<128x64xf32, #tpu.memory_space<vmem>>) target(%dma_start3A_221 : memref<128x64xf32, #tpu.memory_space<hbm>>) target_semaphore(%run_scoped3A : memref<!tpu.dma_semaphore, #tpu.memory_space<semaphore_mem>>)
      %dma_wait3A_222 = arith.constant 0 : i32
      %dma_wait3A_223 = tpu.memref_slice %arg8[%arg0, %add3A_215, %dma_wait3A_222] : memref<2x10240x64xf32, #tpu.memory_space<hbm>> -> memref<1x128x64xf32, #tpu.memory_space<hbm>>
      %dma_wait3A_224 = tpu.memref_squeeze %dma_wait3A_223 : memref<1x128x64xf32, #tpu.memory_space<hbm>> -> memref<128x64xf32, #tpu.memory_space<hbm>>
      %dma_wait3A_225 = arith.constant 0 : i32
      %dma_wait3A_226 = tpu.memref_slice %arg8[%arg0, %add3A_215, %dma_wait3A_225] : memref<2x10240x64xf32, #tpu.memory_space<hbm>> -> memref<1x128x64xf32, #tpu.memory_space<hbm>>
      %dma_wait3A_227 = tpu.memref_squeeze %dma_wait3A_226 : memref<1x128x64xf32, #tpu.memory_space<hbm>> -> memref<128x64xf32, #tpu.memory_space<hbm>>
      tpu.wait_dma2 semaphore(%run_scoped3A : memref<!tpu.dma_semaphore, #tpu.memory_space<semaphore_mem>>) src(%arg12 : memref<128x64xf32, #tpu.memory_space<vmem>>) dst(%dma_wait3A_227 : memref<128x64xf32, #tpu.memory_space<hbm>>)
      tpu.yield
    }) : () -> ()
    "tpu.region"() ({
      %run_scoped3A = tpu.sem_alloc : memref<!tpu.dma_semaphore, #tpu.memory_space<semaphore_mem>>
      %dma_start3A_216 = arith.constant 0 : i32
      %dma_start3A_217 = tpu.memref_slice %arg23[%add3A_215, %dma_start3A_216] : memref<10240x16xf32, #tpu.memory_space<vmem_shared>> -> memref<128x16xf32, #tpu.memory_space<vmem_shared>>
      %dma_start3A_218 = arith.constant 0 : i32
      %dma_start3A_219 = tpu.memref_slice %arg23[%add3A_215, %dma_start3A_218] : memref<10240x16xf32, #tpu.memory_space<vmem_shared>> -> memref<128x16xf32, #tpu.memory_space<vmem_shared>>
      tpu.enqueue_dma source(%dma_start3A_219 : memref<128x16xf32, #tpu.memory_space<vmem_shared>>) target(%arg21 : memref<128x16xf32, #tpu.memory_space<vmem>>) target_semaphore(%run_scoped3A : memref<!tpu.dma_semaphore, #tpu.memory_space<semaphore_mem>>)
      %dma_wait3A_220 = arith.constant 0 : i32
      %dma_wait3A_221 = tpu.memref_slice %arg23[%add3A_215, %dma_wait3A_220] : memref<10240x16xf32, #tpu.memory_space<vmem_shared>> -> memref<128x16xf32, #tpu.memory_space<vmem_shared>>
      %dma_wait3A_222 = arith.constant 0 : i32
      %dma_wait3A_223 = tpu.memref_slice %arg23[%add3A_215, %dma_wait3A_222] : memref<10240x16xf32, #tpu.memory_space<vmem_shared>> -> memref<128x16xf32, #tpu.memory_space<vmem_shared>>
      tpu.wait_dma2 semaphore(%run_scoped3A : memref<!tpu.dma_semaphore, #tpu.memory_space<semaphore_mem>>) src(%dma_wait3A_223 : memref<128x16xf32, #tpu.memory_space<vmem_shared>>) dst(%arg21 : memref<128x16xf32, #tpu.memory_space<vmem>>)
      tpu.yield
    }) : () -> ()
    "tpu.region"() ({
      %run_scoped3A = tpu.sem_alloc : memref<!tpu.dma_semaphore, #tpu.memory_space<semaphore_mem>>
      %dma_start3A_216 = arith.constant 0 : i32
      %dma_start3A_217 = tpu.memref_slice %arg9[%arg0, %add3A_215, %dma_start3A_216] : memref<2x10240x16xf32, #tpu.memory_space<hbm>> -> memref<1x128x16xf32, #tpu.memory_space<hbm>>
      %dma_start3A_218 = tpu.memref_squeeze %dma_start3A_217 : memref<1x128x16xf32, #tpu.memory_space<hbm>> -> memref<128x16xf32, #tpu.memory_space<hbm>>
      %dma_start3A_219 = arith.constant 0 : i32
      %dma_start3A_220 = tpu.memref_slice %arg9[%arg0, %add3A_215, %dma_start3A_219] : memref<2x10240x16xf32, #tpu.memory_space<hbm>> -> memref<1x128x16xf32, #tpu.memory_space<hbm>>
      %dma_start3A_221 = tpu.memref_squeeze %dma_start3A_220 : memref<1x128x16xf32, #tpu.memory_space<hbm>> -> memref<128x16xf32, #tpu.memory_space<hbm>>
      tpu.enqueue_dma source(%arg21 : memref<128x16xf32, #tpu.memory_space<vmem>>) target(%dma_start3A_221 : memref<128x16xf32, #tpu.memory_space<hbm>>) target_semaphore(%run_scoped3A : memref<!tpu.dma_semaphore, #tpu.memory_space<semaphore_mem>>)
      %dma_wait3A_222 = arith.constant 0 : i32
      %dma_wait3A_223 = tpu.memref_slice %arg9[%arg0, %add3A_215, %dma_wait3A_222] : memref<2x10240x16xf32, #tpu.memory_space<hbm>> -> memref<1x128x16xf32, #tpu.memory_space<hbm>>
      %dma_wait3A_224 = tpu.memref_squeeze %dma_wait3A_223 : memref<1x128x16xf32, #tpu.memory_space<hbm>> -> memref<128x16xf32, #tpu.memory_space<hbm>>
      %dma_wait3A_225 = arith.constant 0 : i32
      %dma_wait3A_226 = tpu.memref_slice %arg9[%arg0, %add3A_215, %dma_wait3A_225] : memref<2x10240x16xf32, #tpu.memory_space<hbm>> -> memref<1x128x16xf32, #tpu.memory_space<hbm>>
      %dma_wait3A_227 = tpu.memref_squeeze %dma_wait3A_226 : memref<1x128x16xf32, #tpu.memory_space<hbm>> -> memref<128x16xf32, #tpu.memory_space<hbm>>
      tpu.wait_dma2 semaphore(%run_scoped3A : memref<!tpu.dma_semaphore, #tpu.memory_space<semaphore_mem>>) src(%arg21 : memref<128x16xf32, #tpu.memory_space<vmem>>) dst(%dma_wait3A_227 : memref<128x16xf32, #tpu.memory_space<hbm>>)
      tpu.yield
    }) : () -> ()
    return
  }
}

#map = affine_map<(d0, d1) -> (0, 0, 0)>
#map1 = affine_map<(d0, d1) -> (0, 0)>
module attributes {stable_mosaic.version = 14 : i64} {
  func.func @body(%arg0: i32, %arg1: i32, %arg2: memref<16x160x128xi32, #tpu.memory_space<hbm>>, %arg3: memref<16x160x128xi32, #tpu.memory_space<hbm>>, %arg4: memref<2x10000x64xf32, #tpu.memory_space<hbm>>, %arg5: memref<128x64xf32, #tpu.memory_space<hbm>>, %arg6: memref<128x16xf32, #tpu.memory_space<hbm>>, %arg7: memref<128x16xf32, #tpu.memory_space<hbm>>, %arg8: memref<2x10240x64xf32, #tpu.memory_space<hbm>>, %arg9: memref<80x128xi32, #tpu.memory_space<vmem>>, %arg10: memref<80x128xi32, #tpu.memory_space<vmem>>, %arg11: memref<128x64xf32, #tpu.memory_space<vmem>>, %arg12: memref<128x64xf32, #tpu.memory_space<vmem>>, %arg13: memref<128x64xf32, #tpu.memory_space<vmem>>, %arg14: memref<128x64xf32, #tpu.memory_space<vmem>>, %arg15: memref<!tpu.dma_semaphore, #tpu.memory_space<semaphore_mem>>, %arg16: memref<!tpu.dma_semaphore, #tpu.memory_space<semaphore_mem>>, %arg17: memref<!tpu.dma_semaphore, #tpu.memory_space<semaphore_mem>>, %arg18: memref<!tpu.dma_semaphore, #tpu.memory_space<semaphore_mem>>, %arg19: memref<128x16xf32, #tpu.memory_space<vmem>>, %arg20: memref<128x16xf32, #tpu.memory_space<vmem>>, %arg21: memref<10240x64xf32, #tpu.memory_space<vmem_shared>>) attributes {dimension_semantics = [#tpu.dimension_semantics<core_parallel>, #tpu.dimension_semantics<subcore_parallel>], iteration_bounds = array<i64: 2, 16>, scalar_prefetch = 0 : i64, scratch_operands = 13 : i64, tpu.core_type = #tpu.core_type<sc_vector_subcore>, window_params = [{transform_indices = #map}, {transform_indices = #map}, {transform_indices = #map}, {transform_indices = #map1}, {transform_indices = #map1}, {transform_indices = #map1}, {transform_indices = #map}]} {
    %mul3A = arith.constant 640 : i32
    %mul3A_0 = arith.muli %arg1, %mul3A : i32
    "tpu.region"() ({
      %run_scoped3A = tpu.sem_alloc : memref<!tpu.dma_semaphore, #tpu.memory_space<semaphore_mem>>
      tpu.enqueue_dma source(%arg5 : memref<128x64xf32, #tpu.memory_space<hbm>>) target(%arg11 : memref<128x64xf32, #tpu.memory_space<vmem>>) target_semaphore(%run_scoped3A : memref<!tpu.dma_semaphore, #tpu.memory_space<semaphore_mem>>)
      tpu.wait_dma2 semaphore(%run_scoped3A : memref<!tpu.dma_semaphore, #tpu.memory_space<semaphore_mem>>) src(%arg5 : memref<128x64xf32, #tpu.memory_space<hbm>>) dst(%arg11 : memref<128x64xf32, #tpu.memory_space<vmem>>)
      tpu.yield
    }) : () -> ()
    %add3A = arith.constant 0 : i32
    %add3A_1 = arith.addi %mul3A_0, %add3A : i32
    "tpu.region"() ({
      %run_scoped3A = tpu.sem_alloc : memref<!tpu.dma_semaphore, #tpu.memory_space<semaphore_mem>>
      %dma_start3A_206 = arith.constant 0 : i32
      %dma_start3A_207 = tpu.memref_slice %arg21[%add3A_1, %dma_start3A_206] : memref<10240x64xf32, #tpu.memory_space<vmem_shared>> -> memref<128x64xf32, #tpu.memory_space<vmem_shared>>
      %dma_start3A_208 = arith.constant 0 : i32
      %dma_start3A_209 = tpu.memref_slice %arg21[%add3A_1, %dma_start3A_208] : memref<10240x64xf32, #tpu.memory_space<vmem_shared>> -> memref<128x64xf32, #tpu.memory_space<vmem_shared>>
      tpu.enqueue_dma source(%arg11 : memref<128x64xf32, #tpu.memory_space<vmem>>) target(%dma_start3A_209 : memref<128x64xf32, #tpu.memory_space<vmem_shared>>) target_semaphore(%run_scoped3A : memref<!tpu.dma_semaphore, #tpu.memory_space<semaphore_mem>>)
      %dma_wait3A_210 = arith.constant 0 : i32
      %dma_wait3A_211 = tpu.memref_slice %arg21[%add3A_1, %dma_wait3A_210] : memref<10240x64xf32, #tpu.memory_space<vmem_shared>> -> memref<128x64xf32, #tpu.memory_space<vmem_shared>>
      %dma_wait3A_212 = arith.constant 0 : i32
      %dma_wait3A_213 = tpu.memref_slice %arg21[%add3A_1, %dma_wait3A_212] : memref<10240x64xf32, #tpu.memory_space<vmem_shared>> -> memref<128x64xf32, #tpu.memory_space<vmem_shared>>
      tpu.wait_dma2 semaphore(%run_scoped3A : memref<!tpu.dma_semaphore, #tpu.memory_space<semaphore_mem>>) src(%arg11 : memref<128x64xf32, #tpu.memory_space<vmem>>) dst(%dma_wait3A_213 : memref<128x64xf32, #tpu.memory_space<vmem_shared>>)
      tpu.yield
    }) : () -> ()
    %add3A_2 = arith.constant 128 : i32
    %add3A_3 = arith.addi %mul3A_0, %add3A_2 : i32
    "tpu.region"() ({
      %run_scoped3A = tpu.sem_alloc : memref<!tpu.dma_semaphore, #tpu.memory_space<semaphore_mem>>
      %dma_start3A_206 = arith.constant 0 : i32
      %dma_start3A_207 = tpu.memref_slice %arg21[%add3A_3, %dma_start3A_206] : memref<10240x64xf32, #tpu.memory_space<vmem_shared>> -> memref<128x64xf32, #tpu.memory_space<vmem_shared>>
      %dma_start3A_208 = arith.constant 0 : i32
      %dma_start3A_209 = tpu.memref_slice %arg21[%add3A_3, %dma_start3A_208] : memref<10240x64xf32, #tpu.memory_space<vmem_shared>> -> memref<128x64xf32, #tpu.memory_space<vmem_shared>>
      tpu.enqueue_dma source(%arg11 : memref<128x64xf32, #tpu.memory_space<vmem>>) target(%dma_start3A_209 : memref<128x64xf32, #tpu.memory_space<vmem_shared>>) target_semaphore(%run_scoped3A : memref<!tpu.dma_semaphore, #tpu.memory_space<semaphore_mem>>)
      %dma_wait3A_210 = arith.constant 0 : i32
      %dma_wait3A_211 = tpu.memref_slice %arg21[%add3A_3, %dma_wait3A_210] : memref<10240x64xf32, #tpu.memory_space<vmem_shared>> -> memref<128x64xf32, #tpu.memory_space<vmem_shared>>
      %dma_wait3A_212 = arith.constant 0 : i32
      %dma_wait3A_213 = tpu.memref_slice %arg21[%add3A_3, %dma_wait3A_212] : memref<10240x64xf32, #tpu.memory_space<vmem_shared>> -> memref<128x64xf32, #tpu.memory_space<vmem_shared>>
      tpu.wait_dma2 semaphore(%run_scoped3A : memref<!tpu.dma_semaphore, #tpu.memory_space<semaphore_mem>>) src(%arg11 : memref<128x64xf32, #tpu.memory_space<vmem>>) dst(%dma_wait3A_213 : memref<128x64xf32, #tpu.memory_space<vmem_shared>>)
      tpu.yield
    }) : () -> ()
    %add3A_4 = arith.constant 256 : i32
    %add3A_5 = arith.addi %mul3A_0, %add3A_4 : i32
    "tpu.region"() ({
      %run_scoped3A = tpu.sem_alloc : memref<!tpu.dma_semaphore, #tpu.memory_space<semaphore_mem>>
      %dma_start3A_206 = arith.constant 0 : i32
      %dma_start3A_207 = tpu.memref_slice %arg21[%add3A_5, %dma_start3A_206] : memref<10240x64xf32, #tpu.memory_space<vmem_shared>> -> memref<128x64xf32, #tpu.memory_space<vmem_shared>>
      %dma_start3A_208 = arith.constant 0 : i32
      %dma_start3A_209 = tpu.memref_slice %arg21[%add3A_5, %dma_start3A_208] : memref<10240x64xf32, #tpu.memory_space<vmem_shared>> -> memref<128x64xf32, #tpu.memory_space<vmem_shared>>
      tpu.enqueue_dma source(%arg11 : memref<128x64xf32, #tpu.memory_space<vmem>>) target(%dma_start3A_209 : memref<128x64xf32, #tpu.memory_space<vmem_shared>>) target_semaphore(%run_scoped3A : memref<!tpu.dma_semaphore, #tpu.memory_space<semaphore_mem>>)
      %dma_wait3A_210 = arith.constant 0 : i32
      %dma_wait3A_211 = tpu.memref_slice %arg21[%add3A_5, %dma_wait3A_210] : memref<10240x64xf32, #tpu.memory_space<vmem_shared>> -> memref<128x64xf32, #tpu.memory_space<vmem_shared>>
      %dma_wait3A_212 = arith.constant 0 : i32
      %dma_wait3A_213 = tpu.memref_slice %arg21[%add3A_5, %dma_wait3A_212] : memref<10240x64xf32, #tpu.memory_space<vmem_shared>> -> memref<128x64xf32, #tpu.memory_space<vmem_shared>>
      tpu.wait_dma2 semaphore(%run_scoped3A : memref<!tpu.dma_semaphore, #tpu.memory_space<semaphore_mem>>) src(%arg11 : memref<128x64xf32, #tpu.memory_space<vmem>>) dst(%dma_wait3A_213 : memref<128x64xf32, #tpu.memory_space<vmem_shared>>)
      tpu.yield
    }) : () -> ()
    %add3A_6 = arith.constant 384 : i32
    %add3A_7 = arith.addi %mul3A_0, %add3A_6 : i32
    "tpu.region"() ({
      %run_scoped3A = tpu.sem_alloc : memref<!tpu.dma_semaphore, #tpu.memory_space<semaphore_mem>>
      %dma_start3A_206 = arith.constant 0 : i32
      %dma_start3A_207 = tpu.memref_slice %arg21[%add3A_7, %dma_start3A_206] : memref<10240x64xf32, #tpu.memory_space<vmem_shared>> -> memref<128x64xf32, #tpu.memory_space<vmem_shared>>
      %dma_start3A_208 = arith.constant 0 : i32
      %dma_start3A_209 = tpu.memref_slice %arg21[%add3A_7, %dma_start3A_208] : memref<10240x64xf32, #tpu.memory_space<vmem_shared>> -> memref<128x64xf32, #tpu.memory_space<vmem_shared>>
      tpu.enqueue_dma source(%arg11 : memref<128x64xf32, #tpu.memory_space<vmem>>) target(%dma_start3A_209 : memref<128x64xf32, #tpu.memory_space<vmem_shared>>) target_semaphore(%run_scoped3A : memref<!tpu.dma_semaphore, #tpu.memory_space<semaphore_mem>>)
      %dma_wait3A_210 = arith.constant 0 : i32
      %dma_wait3A_211 = tpu.memref_slice %arg21[%add3A_7, %dma_wait3A_210] : memref<10240x64xf32, #tpu.memory_space<vmem_shared>> -> memref<128x64xf32, #tpu.memory_space<vmem_shared>>
      %dma_wait3A_212 = arith.constant 0 : i32
      %dma_wait3A_213 = tpu.memref_slice %arg21[%add3A_7, %dma_wait3A_212] : memref<10240x64xf32, #tpu.memory_space<vmem_shared>> -> memref<128x64xf32, #tpu.memory_space<vmem_shared>>
      tpu.wait_dma2 semaphore(%run_scoped3A : memref<!tpu.dma_semaphore, #tpu.memory_space<semaphore_mem>>) src(%arg11 : memref<128x64xf32, #tpu.memory_space<vmem>>) dst(%dma_wait3A_213 : memref<128x64xf32, #tpu.memory_space<vmem_shared>>)
      tpu.yield
    }) : () -> ()
    %add3A_8 = arith.constant 512 : i32
    %add3A_9 = arith.addi %mul3A_0, %add3A_8 : i32
    "tpu.region"() ({
      %run_scoped3A = tpu.sem_alloc : memref<!tpu.dma_semaphore, #tpu.memory_space<semaphore_mem>>
      %dma_start3A_206 = arith.constant 0 : i32
      %dma_start3A_207 = tpu.memref_slice %arg21[%add3A_9, %dma_start3A_206] : memref<10240x64xf32, #tpu.memory_space<vmem_shared>> -> memref<128x64xf32, #tpu.memory_space<vmem_shared>>
      %dma_start3A_208 = arith.constant 0 : i32
      %dma_start3A_209 = tpu.memref_slice %arg21[%add3A_9, %dma_start3A_208] : memref<10240x64xf32, #tpu.memory_space<vmem_shared>> -> memref<128x64xf32, #tpu.memory_space<vmem_shared>>
      tpu.enqueue_dma source(%arg11 : memref<128x64xf32, #tpu.memory_space<vmem>>) target(%dma_start3A_209 : memref<128x64xf32, #tpu.memory_space<vmem_shared>>) target_semaphore(%run_scoped3A : memref<!tpu.dma_semaphore, #tpu.memory_space<semaphore_mem>>)
      %dma_wait3A_210 = arith.constant 0 : i32
      %dma_wait3A_211 = tpu.memref_slice %arg21[%add3A_9, %dma_wait3A_210] : memref<10240x64xf32, #tpu.memory_space<vmem_shared>> -> memref<128x64xf32, #tpu.memory_space<vmem_shared>>
      %dma_wait3A_212 = arith.constant 0 : i32
      %dma_wait3A_213 = tpu.memref_slice %arg21[%add3A_9, %dma_wait3A_212] : memref<10240x64xf32, #tpu.memory_space<vmem_shared>> -> memref<128x64xf32, #tpu.memory_space<vmem_shared>>
      tpu.wait_dma2 semaphore(%run_scoped3A : memref<!tpu.dma_semaphore, #tpu.memory_space<semaphore_mem>>) src(%arg11 : memref<128x64xf32, #tpu.memory_space<vmem>>) dst(%dma_wait3A_213 : memref<128x64xf32, #tpu.memory_space<vmem_shared>>)
      tpu.yield
    }) : () -> ()
    "tpu.region"() ({
      %run_scoped3A = tpu.sem_alloc : memref<!tpu.dma_semaphore, #tpu.memory_space<semaphore_mem>>
      %dma_start3A_206 = arith.constant 0 : i32
      %dma_start3A_207 = arith.constant 0 : i32
      %dma_start3A_208 = tpu.memref_slice %arg2[%arg1, %dma_start3A_206, %dma_start3A_207] : memref<16x160x128xi32, #tpu.memory_space<hbm>> -> memref<1x80x128xi32, #tpu.memory_space<hbm>>
      %dma_start3A_209 = tpu.memref_squeeze %dma_start3A_208 : memref<1x80x128xi32, #tpu.memory_space<hbm>> -> memref<80x128xi32, #tpu.memory_space<hbm>>
      %dma_start3A_210 = arith.constant 0 : i32
      %dma_start3A_211 = arith.constant 0 : i32
      %dma_start3A_212 = tpu.memref_slice %arg2[%arg1, %dma_start3A_210, %dma_start3A_211] : memref<16x160x128xi32, #tpu.memory_space<hbm>> -> memref<1x80x128xi32, #tpu.memory_space<hbm>>
      %dma_start3A_213 = tpu.memref_squeeze %dma_start3A_212 : memref<1x80x128xi32, #tpu.memory_space<hbm>> -> memref<80x128xi32, #tpu.memory_space<hbm>>
      tpu.enqueue_dma source(%dma_start3A_213 : memref<80x128xi32, #tpu.memory_space<hbm>>) target(%arg9 : memref<80x128xi32, #tpu.memory_space<vmem>>) target_semaphore(%run_scoped3A : memref<!tpu.dma_semaphore, #tpu.memory_space<semaphore_mem>>)
      %dma_wait3A_214 = arith.constant 0 : i32
      %dma_wait3A_215 = arith.constant 0 : i32
      %dma_wait3A_216 = tpu.memref_slice %arg2[%arg1, %dma_wait3A_214, %dma_wait3A_215] : memref<16x160x128xi32, #tpu.memory_space<hbm>> -> memref<1x80x128xi32, #tpu.memory_space<hbm>>
      %dma_wait3A_217 = tpu.memref_squeeze %dma_wait3A_216 : memref<1x80x128xi32, #tpu.memory_space<hbm>> -> memref<80x128xi32, #tpu.memory_space<hbm>>
      %dma_wait3A_218 = arith.constant 0 : i32
      %dma_wait3A_219 = arith.constant 0 : i32
      %dma_wait3A_220 = tpu.memref_slice %arg2[%arg1, %dma_wait3A_218, %dma_wait3A_219] : memref<16x160x128xi32, #tpu.memory_space<hbm>> -> memref<1x80x128xi32, #tpu.memory_space<hbm>>
      %dma_wait3A_221 = tpu.memref_squeeze %dma_wait3A_220 : memref<1x80x128xi32, #tpu.memory_space<hbm>> -> memref<80x128xi32, #tpu.memory_space<hbm>>
      tpu.wait_dma2 semaphore(%run_scoped3A : memref<!tpu.dma_semaphore, #tpu.memory_space<semaphore_mem>>) src(%dma_wait3A_221 : memref<80x128xi32, #tpu.memory_space<hbm>>) dst(%arg9 : memref<80x128xi32, #tpu.memory_space<vmem>>)
      tpu.yield
    }) : () -> ()
    "tpu.region"() ({
      %run_scoped3A = tpu.sem_alloc : memref<!tpu.dma_semaphore, #tpu.memory_space<semaphore_mem>>
      %dma_start3A_206 = arith.constant 0 : i32
      %dma_start3A_207 = arith.constant 0 : i32
      %dma_start3A_208 = tpu.memref_slice %arg3[%arg1, %dma_start3A_206, %dma_start3A_207] : memref<16x160x128xi32, #tpu.memory_space<hbm>> -> memref<1x80x128xi32, #tpu.memory_space<hbm>>
      %dma_start3A_209 = tpu.memref_squeeze %dma_start3A_208 : memref<1x80x128xi32, #tpu.memory_space<hbm>> -> memref<80x128xi32, #tpu.memory_space<hbm>>
      %dma_start3A_210 = arith.constant 0 : i32
      %dma_start3A_211 = arith.constant 0 : i32
      %dma_start3A_212 = tpu.memref_slice %arg3[%arg1, %dma_start3A_210, %dma_start3A_211] : memref<16x160x128xi32, #tpu.memory_space<hbm>> -> memref<1x80x128xi32, #tpu.memory_space<hbm>>
      %dma_start3A_213 = tpu.memref_squeeze %dma_start3A_212 : memref<1x80x128xi32, #tpu.memory_space<hbm>> -> memref<80x128xi32, #tpu.memory_space<hbm>>
      tpu.enqueue_dma source(%dma_start3A_213 : memref<80x128xi32, #tpu.memory_space<hbm>>) target(%arg10 : memref<80x128xi32, #tpu.memory_space<vmem>>) target_semaphore(%run_scoped3A : memref<!tpu.dma_semaphore, #tpu.memory_space<semaphore_mem>>)
      %dma_wait3A_214 = arith.constant 0 : i32
      %dma_wait3A_215 = arith.constant 0 : i32
      %dma_wait3A_216 = tpu.memref_slice %arg3[%arg1, %dma_wait3A_214, %dma_wait3A_215] : memref<16x160x128xi32, #tpu.memory_space<hbm>> -> memref<1x80x128xi32, #tpu.memory_space<hbm>>
      %dma_wait3A_217 = tpu.memref_squeeze %dma_wait3A_216 : memref<1x80x128xi32, #tpu.memory_space<hbm>> -> memref<80x128xi32, #tpu.memory_space<hbm>>
      %dma_wait3A_218 = arith.constant 0 : i32
      %dma_wait3A_219 = arith.constant 0 : i32
      %dma_wait3A_220 = tpu.memref_slice %arg3[%arg1, %dma_wait3A_218, %dma_wait3A_219] : memref<16x160x128xi32, #tpu.memory_space<hbm>> -> memref<1x80x128xi32, #tpu.memory_space<hbm>>
      %dma_wait3A_221 = tpu.memref_squeeze %dma_wait3A_220 : memref<1x80x128xi32, #tpu.memory_space<hbm>> -> memref<80x128xi32, #tpu.memory_space<hbm>>
      tpu.wait_dma2 semaphore(%run_scoped3A : memref<!tpu.dma_semaphore, #tpu.memory_space<semaphore_mem>>) src(%dma_wait3A_221 : memref<80x128xi32, #tpu.memory_space<hbm>>) dst(%arg10 : memref<80x128xi32, #tpu.memory_space<vmem>>)
      tpu.yield
    }) : () -> ()
    %dma_start3A = arith.constant 0 : i32
    %dma_start3A_10 = arith.constant 0 : i32
    %dma_start3A_11 = tpu.memref_slice %arg9[%dma_start3A, %dma_start3A_10] : memref<80x128xi32, #tpu.memory_space<vmem>> -> memref<1x128xi32, #tpu.memory_space<vmem>>
    %dma_start3A_12 = tpu.memref_squeeze %dma_start3A_11 : memref<1x128xi32, #tpu.memory_space<vmem>> -> memref<128xi32, #tpu.memory_space<vmem>>
    %dma_start3A_13 = arith.constant 0 : i32
    %dma_start3A_14 = arith.constant 0 : i32
    %dma_start3A_15 = tpu.memref_slice %arg4[%arg0, %dma_start3A_13, %dma_start3A_14] : memref<2x10000x64xf32, #tpu.memory_space<hbm>> -> memref<1x10000x64xf32, #tpu.memory_space<hbm>>
    %dma_start3A_16 = tpu.memref_squeeze %dma_start3A_15 : memref<1x10000x64xf32, #tpu.memory_space<hbm>> -> memref<10000x64xf32, #tpu.memory_space<hbm>>
    %dma_start3A_17 = arith.constant 0 : i32
    %dma_start3A_18 = arith.constant 0 : i32
    %dma_start3A_19 = tpu.memref_slice %dma_start3A_16[%dma_start3A_17, %dma_start3A_18] : memref<10000x64xf32, #tpu.memory_space<hbm>> -> memref<10000x64xf32, #tpu.memory_space<hbm>>
    tpu.enqueue_indirect_dma source(%dma_start3A_19 : memref<10000x64xf32, #tpu.memory_space<hbm>>) target(%arg11 : memref<128x64xf32, #tpu.memory_space<vmem>>) offsets(%dma_start3A_12 : memref<128xi32, #tpu.memory_space<vmem>>) semaphore(%arg15 : memref<!tpu.dma_semaphore, #tpu.memory_space<semaphore_mem>>)
    %dma_start3A_20 = arith.constant 1 : i32
    %dma_start3A_21 = arith.constant 0 : i32
    %dma_start3A_22 = tpu.memref_slice %arg9[%dma_start3A_20, %dma_start3A_21] : memref<80x128xi32, #tpu.memory_space<vmem>> -> memref<1x128xi32, #tpu.memory_space<vmem>>
    %dma_start3A_23 = tpu.memref_squeeze %dma_start3A_22 : memref<1x128xi32, #tpu.memory_space<vmem>> -> memref<128xi32, #tpu.memory_space<vmem>>
    %dma_start3A_24 = arith.constant 0 : i32
    %dma_start3A_25 = arith.constant 0 : i32
    %dma_start3A_26 = tpu.memref_slice %arg4[%arg0, %dma_start3A_24, %dma_start3A_25] : memref<2x10000x64xf32, #tpu.memory_space<hbm>> -> memref<1x10000x64xf32, #tpu.memory_space<hbm>>
    %dma_start3A_27 = tpu.memref_squeeze %dma_start3A_26 : memref<1x10000x64xf32, #tpu.memory_space<hbm>> -> memref<10000x64xf32, #tpu.memory_space<hbm>>
    %dma_start3A_28 = arith.constant 0 : i32
    %dma_start3A_29 = arith.constant 0 : i32
    %dma_start3A_30 = tpu.memref_slice %dma_start3A_27[%dma_start3A_28, %dma_start3A_29] : memref<10000x64xf32, #tpu.memory_space<hbm>> -> memref<10000x64xf32, #tpu.memory_space<hbm>>
    tpu.enqueue_indirect_dma source(%dma_start3A_30 : memref<10000x64xf32, #tpu.memory_space<hbm>>) target(%arg12 : memref<128x64xf32, #tpu.memory_space<vmem>>) offsets(%dma_start3A_23 : memref<128xi32, #tpu.memory_space<vmem>>) semaphore(%arg16 : memref<!tpu.dma_semaphore, #tpu.memory_space<semaphore_mem>>)
    %dma_start3A_31 = arith.constant 2 : i32
    %dma_start3A_32 = arith.constant 0 : i32
    %dma_start3A_33 = tpu.memref_slice %arg9[%dma_start3A_31, %dma_start3A_32] : memref<80x128xi32, #tpu.memory_space<vmem>> -> memref<1x128xi32, #tpu.memory_space<vmem>>
    %dma_start3A_34 = tpu.memref_squeeze %dma_start3A_33 : memref<1x128xi32, #tpu.memory_space<vmem>> -> memref<128xi32, #tpu.memory_space<vmem>>
    %dma_start3A_35 = arith.constant 0 : i32
    %dma_start3A_36 = arith.constant 0 : i32
    %dma_start3A_37 = tpu.memref_slice %arg4[%arg0, %dma_start3A_35, %dma_start3A_36] : memref<2x10000x64xf32, #tpu.memory_space<hbm>> -> memref<1x10000x64xf32, #tpu.memory_space<hbm>>
    %dma_start3A_38 = tpu.memref_squeeze %dma_start3A_37 : memref<1x10000x64xf32, #tpu.memory_space<hbm>> -> memref<10000x64xf32, #tpu.memory_space<hbm>>
    %dma_start3A_39 = arith.constant 0 : i32
    %dma_start3A_40 = arith.constant 0 : i32
    %dma_start3A_41 = tpu.memref_slice %dma_start3A_38[%dma_start3A_39, %dma_start3A_40] : memref<10000x64xf32, #tpu.memory_space<hbm>> -> memref<10000x64xf32, #tpu.memory_space<hbm>>
    tpu.enqueue_indirect_dma source(%dma_start3A_41 : memref<10000x64xf32, #tpu.memory_space<hbm>>) target(%arg13 : memref<128x64xf32, #tpu.memory_space<vmem>>) offsets(%dma_start3A_34 : memref<128xi32, #tpu.memory_space<vmem>>) semaphore(%arg17 : memref<!tpu.dma_semaphore, #tpu.memory_space<semaphore_mem>>)
    %dma_start3A_42 = arith.constant 3 : i32
    %dma_start3A_43 = arith.constant 0 : i32
    %dma_start3A_44 = tpu.memref_slice %arg9[%dma_start3A_42, %dma_start3A_43] : memref<80x128xi32, #tpu.memory_space<vmem>> -> memref<1x128xi32, #tpu.memory_space<vmem>>
    %dma_start3A_45 = tpu.memref_squeeze %dma_start3A_44 : memref<1x128xi32, #tpu.memory_space<vmem>> -> memref<128xi32, #tpu.memory_space<vmem>>
    %dma_start3A_46 = arith.constant 0 : i32
    %dma_start3A_47 = arith.constant 0 : i32
    %dma_start3A_48 = tpu.memref_slice %arg4[%arg0, %dma_start3A_46, %dma_start3A_47] : memref<2x10000x64xf32, #tpu.memory_space<hbm>> -> memref<1x10000x64xf32, #tpu.memory_space<hbm>>
    %dma_start3A_49 = tpu.memref_squeeze %dma_start3A_48 : memref<1x10000x64xf32, #tpu.memory_space<hbm>> -> memref<10000x64xf32, #tpu.memory_space<hbm>>
    %dma_start3A_50 = arith.constant 0 : i32
    %dma_start3A_51 = arith.constant 0 : i32
    %dma_start3A_52 = tpu.memref_slice %dma_start3A_49[%dma_start3A_50, %dma_start3A_51] : memref<10000x64xf32, #tpu.memory_space<hbm>> -> memref<10000x64xf32, #tpu.memory_space<hbm>>
    tpu.enqueue_indirect_dma source(%dma_start3A_52 : memref<10000x64xf32, #tpu.memory_space<hbm>>) target(%arg14 : memref<128x64xf32, #tpu.memory_space<vmem>>) offsets(%dma_start3A_45 : memref<128xi32, #tpu.memory_space<vmem>>) semaphore(%arg18 : memref<!tpu.dma_semaphore, #tpu.memory_space<semaphore_mem>>)
    %barrier3A = arith.constant 0 : index
    tpu.barrier barrier_id(%barrier3A)
    %scan3A = arith.constant 0 : i32
    %scan3A_53 = arith.constant 0 : i32
    %scan3A_54 = arith.constant 20 : i32
    %scan3A_55 = arith.addi %scan3A_53, %scan3A_54 : i32
    %scan3A_56 = arith.constant 1 : i32
    scf.for %scan3A_206 = %scan3A_53 to %scan3A_55 step %scan3A_56  : i32 {
      %mul3A_207 = arith.constant 4 : i32
      %mul3A_208 = arith.muli %mul3A_207, %scan3A_206 : i32
      %add3A_209 = arith.constant 0 : i32
      %add3A_210 = arith.addi %mul3A_208, %add3A_209 : i32
      %dma_wait3A_211 = arith.constant 0 : i32
      %dma_wait3A_212 = arith.constant 0 : i32
      %dma_wait3A_213 = tpu.memref_slice %arg9[%dma_wait3A_211, %dma_wait3A_212] : memref<80x128xi32, #tpu.memory_space<vmem>> -> memref<1x128xi32, #tpu.memory_space<vmem>>
      %dma_wait3A_214 = tpu.memref_squeeze %dma_wait3A_213 : memref<1x128xi32, #tpu.memory_space<vmem>> -> memref<128xi32, #tpu.memory_space<vmem>>
      %dma_wait3A_215 = arith.constant 0 : i32
      %dma_wait3A_216 = arith.constant 0 : i32
      %dma_wait3A_217 = tpu.memref_slice %arg4[%arg0, %dma_wait3A_215, %dma_wait3A_216] : memref<2x10000x64xf32, #tpu.memory_space<hbm>> -> memref<1x10000x64xf32, #tpu.memory_space<hbm>>
      %dma_wait3A_218 = tpu.memref_squeeze %dma_wait3A_217 : memref<1x10000x64xf32, #tpu.memory_space<hbm>> -> memref<10000x64xf32, #tpu.memory_space<hbm>>
      %dma_wait3A_219 = arith.constant 0 : i32
      %dma_wait3A_220 = arith.constant 0 : i32
      %dma_wait3A_221 = tpu.memref_slice %dma_wait3A_218[%dma_wait3A_219, %dma_wait3A_220] : memref<10000x64xf32, #tpu.memory_space<hbm>> -> memref<10000x64xf32, #tpu.memory_space<hbm>>
      tpu.wait_indirect_dma semaphore(%arg15 : memref<!tpu.dma_semaphore, #tpu.memory_space<semaphore_mem>>) src(%dma_wait3A_221 : memref<10000x64xf32, #tpu.memory_space<hbm>>) dst(%arg11 : memref<128x64xf32, #tpu.memory_space<vmem>>)
      "tpu.region"() ({
        %run_scoped3A = tpu.sem_alloc : memref<!tpu.dma_semaphore, #tpu.memory_space<semaphore_mem>>
        %dma_start3A_322 = arith.constant 0 : i32
        %dma_start3A_323 = tpu.memref_slice %arg10[%add3A_210, %dma_start3A_322] : memref<80x128xi32, #tpu.memory_space<vmem>> -> memref<1x128xi32, #tpu.memory_space<vmem>>
        %dma_start3A_324 = tpu.memref_squeeze %dma_start3A_323 : memref<1x128xi32, #tpu.memory_space<vmem>> -> memref<128xi32, #tpu.memory_space<vmem>>
        %dma_start3A_325 = arith.constant 0 : i32
        %dma_start3A_326 = arith.constant 0 : i32
        %dma_start3A_327 = tpu.memref_slice %arg21[%dma_start3A_325, %dma_start3A_326] : memref<10240x64xf32, #tpu.memory_space<vmem_shared>> -> memref<10240x64xf32, #tpu.memory_space<vmem_shared>>
        tpu.enqueue_indirect_dma source(%arg11 : memref<128x64xf32, #tpu.memory_space<vmem>>) target(%dma_start3A_327 : memref<10240x64xf32, #tpu.memory_space<vmem_shared>>) offsets(%dma_start3A_324 : memref<128xi32, #tpu.memory_space<vmem>>) semaphore(%run_scoped3A : memref<!tpu.dma_semaphore, #tpu.memory_space<semaphore_mem>>) {add = true}
        %dma_wait3A_328 = arith.constant 0 : i32
        %dma_wait3A_329 = tpu.memref_slice %arg10[%add3A_210, %dma_wait3A_328] : memref<80x128xi32, #tpu.memory_space<vmem>> -> memref<1x128xi32, #tpu.memory_space<vmem>>
        %dma_wait3A_330 = tpu.memref_squeeze %dma_wait3A_329 : memref<1x128xi32, #tpu.memory_space<vmem>> -> memref<128xi32, #tpu.memory_space<vmem>>
        %dma_wait3A_331 = arith.constant 0 : i32
        %dma_wait3A_332 = arith.constant 0 : i32
        %dma_wait3A_333 = tpu.memref_slice %arg21[%dma_wait3A_331, %dma_wait3A_332] : memref<10240x64xf32, #tpu.memory_space<vmem_shared>> -> memref<10240x64xf32, #tpu.memory_space<vmem_shared>>
        tpu.wait_indirect_dma semaphore(%run_scoped3A : memref<!tpu.dma_semaphore, #tpu.memory_space<semaphore_mem>>) src(%arg11 : memref<128x64xf32, #tpu.memory_space<vmem>>) dst(%dma_wait3A_333 : memref<10240x64xf32, #tpu.memory_space<vmem_shared>>)
        tpu.yield
      }) : () -> ()
      %add3A_222 = arith.constant 4 : i32
      %add3A_223 = arith.addi %add3A_210, %add3A_222 : i32
      %min3A = arith.constant 79 : i32
      %min3A_224 = arith.minsi %add3A_223, %min3A : i32
      %dma_start3A_225 = arith.constant 0 : i32
      %dma_start3A_226 = tpu.memref_slice %arg9[%min3A_224, %dma_start3A_225] : memref<80x128xi32, #tpu.memory_space<vmem>> -> memref<1x128xi32, #tpu.memory_space<vmem>>
      %dma_start3A_227 = tpu.memref_squeeze %dma_start3A_226 : memref<1x128xi32, #tpu.memory_space<vmem>> -> memref<128xi32, #tpu.memory_space<vmem>>
      %dma_start3A_228 = arith.constant 0 : i32
      %dma_start3A_229 = arith.constant 0 : i32
      %dma_start3A_230 = tpu.memref_slice %arg4[%arg0, %dma_start3A_228, %dma_start3A_229] : memref<2x10000x64xf32, #tpu.memory_space<hbm>> -> memref<1x10000x64xf32, #tpu.memory_space<hbm>>
      %dma_start3A_231 = tpu.memref_squeeze %dma_start3A_230 : memref<1x10000x64xf32, #tpu.memory_space<hbm>> -> memref<10000x64xf32, #tpu.memory_space<hbm>>
      %dma_start3A_232 = arith.constant 0 : i32
      %dma_start3A_233 = arith.constant 0 : i32
      %dma_start3A_234 = tpu.memref_slice %dma_start3A_231[%dma_start3A_232, %dma_start3A_233] : memref<10000x64xf32, #tpu.memory_space<hbm>> -> memref<10000x64xf32, #tpu.memory_space<hbm>>
      tpu.enqueue_indirect_dma source(%dma_start3A_234 : memref<10000x64xf32, #tpu.memory_space<hbm>>) target(%arg11 : memref<128x64xf32, #tpu.memory_space<vmem>>) offsets(%dma_start3A_227 : memref<128xi32, #tpu.memory_space<vmem>>) semaphore(%arg15 : memref<!tpu.dma_semaphore, #tpu.memory_space<semaphore_mem>>)
      %mul3A_235 = arith.constant 4 : i32
      %mul3A_236 = arith.muli %mul3A_235, %scan3A_206 : i32
      %add3A_237 = arith.constant 1 : i32
      %add3A_238 = arith.addi %mul3A_236, %add3A_237 : i32
      %dma_wait3A_239 = arith.constant 1 : i32
      %dma_wait3A_240 = arith.constant 0 : i32
      %dma_wait3A_241 = tpu.memref_slice %arg9[%dma_wait3A_239, %dma_wait3A_240] : memref<80x128xi32, #tpu.memory_space<vmem>> -> memref<1x128xi32, #tpu.memory_space<vmem>>
      %dma_wait3A_242 = tpu.memref_squeeze %dma_wait3A_241 : memref<1x128xi32, #tpu.memory_space<vmem>> -> memref<128xi32, #tpu.memory_space<vmem>>
      %dma_wait3A_243 = arith.constant 0 : i32
      %dma_wait3A_244 = arith.constant 0 : i32
      %dma_wait3A_245 = tpu.memref_slice %arg4[%arg0, %dma_wait3A_243, %dma_wait3A_244] : memref<2x10000x64xf32, #tpu.memory_space<hbm>> -> memref<1x10000x64xf32, #tpu.memory_space<hbm>>
      %dma_wait3A_246 = tpu.memref_squeeze %dma_wait3A_245 : memref<1x10000x64xf32, #tpu.memory_space<hbm>> -> memref<10000x64xf32, #tpu.memory_space<hbm>>
      %dma_wait3A_247 = arith.constant 0 : i32
      %dma_wait3A_248 = arith.constant 0 : i32
      %dma_wait3A_249 = tpu.memref_slice %dma_wait3A_246[%dma_wait3A_247, %dma_wait3A_248] : memref<10000x64xf32, #tpu.memory_space<hbm>> -> memref<10000x64xf32, #tpu.memory_space<hbm>>
      tpu.wait_indirect_dma semaphore(%arg16 : memref<!tpu.dma_semaphore, #tpu.memory_space<semaphore_mem>>) src(%dma_wait3A_249 : memref<10000x64xf32, #tpu.memory_space<hbm>>) dst(%arg12 : memref<128x64xf32, #tpu.memory_space<vmem>>)
      "tpu.region"() ({
        %run_scoped3A = tpu.sem_alloc : memref<!tpu.dma_semaphore, #tpu.memory_space<semaphore_mem>>
        %dma_start3A_322 = arith.constant 0 : i32
        %dma_start3A_323 = tpu.memref_slice %arg10[%add3A_238, %dma_start3A_322] : memref<80x128xi32, #tpu.memory_space<vmem>> -> memref<1x128xi32, #tpu.memory_space<vmem>>
        %dma_start3A_324 = tpu.memref_squeeze %dma_start3A_323 : memref<1x128xi32, #tpu.memory_space<vmem>> -> memref<128xi32, #tpu.memory_space<vmem>>
        %dma_start3A_325 = arith.constant 0 : i32
        %dma_start3A_326 = arith.constant 0 : i32
        %dma_start3A_327 = tpu.memref_slice %arg21[%dma_start3A_325, %dma_start3A_326] : memref<10240x64xf32, #tpu.memory_space<vmem_shared>> -> memref<10240x64xf32, #tpu.memory_space<vmem_shared>>
        tpu.enqueue_indirect_dma source(%arg12 : memref<128x64xf32, #tpu.memory_space<vmem>>) target(%dma_start3A_327 : memref<10240x64xf32, #tpu.memory_space<vmem_shared>>) offsets(%dma_start3A_324 : memref<128xi32, #tpu.memory_space<vmem>>) semaphore(%run_scoped3A : memref<!tpu.dma_semaphore, #tpu.memory_space<semaphore_mem>>) {add = true}
        %dma_wait3A_328 = arith.constant 0 : i32
        %dma_wait3A_329 = tpu.memref_slice %arg10[%add3A_238, %dma_wait3A_328] : memref<80x128xi32, #tpu.memory_space<vmem>> -> memref<1x128xi32, #tpu.memory_space<vmem>>
        %dma_wait3A_330 = tpu.memref_squeeze %dma_wait3A_329 : memref<1x128xi32, #tpu.memory_space<vmem>> -> memref<128xi32, #tpu.memory_space<vmem>>
        %dma_wait3A_331 = arith.constant 0 : i32
        %dma_wait3A_332 = arith.constant 0 : i32
        %dma_wait3A_333 = tpu.memref_slice %arg21[%dma_wait3A_331, %dma_wait3A_332] : memref<10240x64xf32, #tpu.memory_space<vmem_shared>> -> memref<10240x64xf32, #tpu.memory_space<vmem_shared>>
        tpu.wait_indirect_dma semaphore(%run_scoped3A : memref<!tpu.dma_semaphore, #tpu.memory_space<semaphore_mem>>) src(%arg12 : memref<128x64xf32, #tpu.memory_space<vmem>>) dst(%dma_wait3A_333 : memref<10240x64xf32, #tpu.memory_space<vmem_shared>>)
        tpu.yield
      }) : () -> ()
      %add3A_250 = arith.constant 4 : i32
      %add3A_251 = arith.addi %add3A_238, %add3A_250 : i32
      %min3A_252 = arith.constant 79 : i32
      %min3A_253 = arith.minsi %add3A_251, %min3A_252 : i32
      %dma_start3A_254 = arith.constant 0 : i32
      %dma_start3A_255 = tpu.memref_slice %arg9[%min3A_253, %dma_start3A_254] : memref<80x128xi32, #tpu.memory_space<vmem>> -> memref<1x128xi32, #tpu.memory_space<vmem>>
      %dma_start3A_256 = tpu.memref_squeeze %dma_start3A_255 : memref<1x128xi32, #tpu.memory_space<vmem>> -> memref<128xi32, #tpu.memory_space<vmem>>
      %dma_start3A_257 = arith.constant 0 : i32
      %dma_start3A_258 = arith.constant 0 : i32
      %dma_start3A_259 = tpu.memref_slice %arg4[%arg0, %dma_start3A_257, %dma_start3A_258] : memref<2x10000x64xf32, #tpu.memory_space<hbm>> -> memref<1x10000x64xf32, #tpu.memory_space<hbm>>
      %dma_start3A_260 = tpu.memref_squeeze %dma_start3A_259 : memref<1x10000x64xf32, #tpu.memory_space<hbm>> -> memref<10000x64xf32, #tpu.memory_space<hbm>>
      %dma_start3A_261 = arith.constant 0 : i32
      %dma_start3A_262 = arith.constant 0 : i32
      %dma_start3A_263 = tpu.memref_slice %dma_start3A_260[%dma_start3A_261, %dma_start3A_262] : memref<10000x64xf32, #tpu.memory_space<hbm>> -> memref<10000x64xf32, #tpu.memory_space<hbm>>
      tpu.enqueue_indirect_dma source(%dma_start3A_263 : memref<10000x64xf32, #tpu.memory_space<hbm>>) target(%arg12 : memref<128x64xf32, #tpu.memory_space<vmem>>) offsets(%dma_start3A_256 : memref<128xi32, #tpu.memory_space<vmem>>) semaphore(%arg16 : memref<!tpu.dma_semaphore, #tpu.memory_space<semaphore_mem>>)
      %mul3A_264 = arith.constant 4 : i32
      %mul3A_265 = arith.muli %mul3A_264, %scan3A_206 : i32
      %add3A_266 = arith.constant 2 : i32
      %add3A_267 = arith.addi %mul3A_265, %add3A_266 : i32
      %dma_wait3A_268 = arith.constant 2 : i32
      %dma_wait3A_269 = arith.constant 0 : i32
      %dma_wait3A_270 = tpu.memref_slice %arg9[%dma_wait3A_268, %dma_wait3A_269] : memref<80x128xi32, #tpu.memory_space<vmem>> -> memref<1x128xi32, #tpu.memory_space<vmem>>
      %dma_wait3A_271 = tpu.memref_squeeze %dma_wait3A_270 : memref<1x128xi32, #tpu.memory_space<vmem>> -> memref<128xi32, #tpu.memory_space<vmem>>
      %dma_wait3A_272 = arith.constant 0 : i32
      %dma_wait3A_273 = arith.constant 0 : i32
      %dma_wait3A_274 = tpu.memref_slice %arg4[%arg0, %dma_wait3A_272, %dma_wait3A_273] : memref<2x10000x64xf32, #tpu.memory_space<hbm>> -> memref<1x10000x64xf32, #tpu.memory_space<hbm>>
      %dma_wait3A_275 = tpu.memref_squeeze %dma_wait3A_274 : memref<1x10000x64xf32, #tpu.memory_space<hbm>> -> memref<10000x64xf32, #tpu.memory_space<hbm>>
      %dma_wait3A_276 = arith.constant 0 : i32
      %dma_wait3A_277 = arith.constant 0 : i32
      %dma_wait3A_278 = tpu.memref_slice %dma_wait3A_275[%dma_wait3A_276, %dma_wait3A_277] : memref<10000x64xf32, #tpu.memory_space<hbm>> -> memref<10000x64xf32, #tpu.memory_space<hbm>>
      tpu.wait_indirect_dma semaphore(%arg17 : memref<!tpu.dma_semaphore, #tpu.memory_space<semaphore_mem>>) src(%dma_wait3A_278 : memref<10000x64xf32, #tpu.memory_space<hbm>>) dst(%arg13 : memref<128x64xf32, #tpu.memory_space<vmem>>)
      "tpu.region"() ({
        %run_scoped3A = tpu.sem_alloc : memref<!tpu.dma_semaphore, #tpu.memory_space<semaphore_mem>>
        %dma_start3A_322 = arith.constant 0 : i32
        %dma_start3A_323 = tpu.memref_slice %arg10[%add3A_267, %dma_start3A_322] : memref<80x128xi32, #tpu.memory_space<vmem>> -> memref<1x128xi32, #tpu.memory_space<vmem>>
        %dma_start3A_324 = tpu.memref_squeeze %dma_start3A_323 : memref<1x128xi32, #tpu.memory_space<vmem>> -> memref<128xi32, #tpu.memory_space<vmem>>
        %dma_start3A_325 = arith.constant 0 : i32
        %dma_start3A_326 = arith.constant 0 : i32
        %dma_start3A_327 = tpu.memref_slice %arg21[%dma_start3A_325, %dma_start3A_326] : memref<10240x64xf32, #tpu.memory_space<vmem_shared>> -> memref<10240x64xf32, #tpu.memory_space<vmem_shared>>
        tpu.enqueue_indirect_dma source(%arg13 : memref<128x64xf32, #tpu.memory_space<vmem>>) target(%dma_start3A_327 : memref<10240x64xf32, #tpu.memory_space<vmem_shared>>) offsets(%dma_start3A_324 : memref<128xi32, #tpu.memory_space<vmem>>) semaphore(%run_scoped3A : memref<!tpu.dma_semaphore, #tpu.memory_space<semaphore_mem>>) {add = true}
        %dma_wait3A_328 = arith.constant 0 : i32
        %dma_wait3A_329 = tpu.memref_slice %arg10[%add3A_267, %dma_wait3A_328] : memref<80x128xi32, #tpu.memory_space<vmem>> -> memref<1x128xi32, #tpu.memory_space<vmem>>
        %dma_wait3A_330 = tpu.memref_squeeze %dma_wait3A_329 : memref<1x128xi32, #tpu.memory_space<vmem>> -> memref<128xi32, #tpu.memory_space<vmem>>
        %dma_wait3A_331 = arith.constant 0 : i32
        %dma_wait3A_332 = arith.constant 0 : i32
        %dma_wait3A_333 = tpu.memref_slice %arg21[%dma_wait3A_331, %dma_wait3A_332] : memref<10240x64xf32, #tpu.memory_space<vmem_shared>> -> memref<10240x64xf32, #tpu.memory_space<vmem_shared>>
        tpu.wait_indirect_dma semaphore(%run_scoped3A : memref<!tpu.dma_semaphore, #tpu.memory_space<semaphore_mem>>) src(%arg13 : memref<128x64xf32, #tpu.memory_space<vmem>>) dst(%dma_wait3A_333 : memref<10240x64xf32, #tpu.memory_space<vmem_shared>>)
        tpu.yield
      }) : () -> ()
      %add3A_279 = arith.constant 4 : i32
      %add3A_280 = arith.addi %add3A_267, %add3A_279 : i32
      %min3A_281 = arith.constant 79 : i32
      %min3A_282 = arith.minsi %add3A_280, %min3A_281 : i32
      %dma_start3A_283 = arith.constant 0 : i32
      %dma_start3A_284 = tpu.memref_slice %arg9[%min3A_282, %dma_start3A_283] : memref<80x128xi32, #tpu.memory_space<vmem>> -> memref<1x128xi32, #tpu.memory_space<vmem>>
      %dma_start3A_285 = tpu.memref_squeeze %dma_start3A_284 : memref<1x128xi32, #tpu.memory_space<vmem>> -> memref<128xi32, #tpu.memory_space<vmem>>
      %dma_start3A_286 = arith.constant 0 : i32
      %dma_start3A_287 = arith.constant 0 : i32
      %dma_start3A_288 = tpu.memref_slice %arg4[%arg0, %dma_start3A_286, %dma_start3A_287] : memref<2x10000x64xf32, #tpu.memory_space<hbm>> -> memref<1x10000x64xf32, #tpu.memory_space<hbm>>
      %dma_start3A_289 = tpu.memref_squeeze %dma_start3A_288 : memref<1x10000x64xf32, #tpu.memory_space<hbm>> -> memref<10000x64xf32, #tpu.memory_space<hbm>>
      %dma_start3A_290 = arith.constant 0 : i32
      %dma_start3A_291 = arith.constant 0 : i32
      %dma_start3A_292 = tpu.memref_slice %dma_start3A_289[%dma_start3A_290, %dma_start3A_291] : memref<10000x64xf32, #tpu.memory_space<hbm>> -> memref<10000x64xf32, #tpu.memory_space<hbm>>
      tpu.enqueue_indirect_dma source(%dma_start3A_292 : memref<10000x64xf32, #tpu.memory_space<hbm>>) target(%arg13 : memref<128x64xf32, #tpu.memory_space<vmem>>) offsets(%dma_start3A_285 : memref<128xi32, #tpu.memory_space<vmem>>) semaphore(%arg17 : memref<!tpu.dma_semaphore, #tpu.memory_space<semaphore_mem>>)
      %mul3A_293 = arith.constant 4 : i32
      %mul3A_294 = arith.muli %mul3A_293, %scan3A_206 : i32
      %add3A_295 = arith.constant 3 : i32
      %add3A_296 = arith.addi %mul3A_294, %add3A_295 : i32
      %dma_wait3A_297 = arith.constant 3 : i32
      %dma_wait3A_298 = arith.constant 0 : i32
      %dma_wait3A_299 = tpu.memref_slice %arg9[%dma_wait3A_297, %dma_wait3A_298] : memref<80x128xi32, #tpu.memory_space<vmem>> -> memref<1x128xi32, #tpu.memory_space<vmem>>
      %dma_wait3A_300 = tpu.memref_squeeze %dma_wait3A_299 : memref<1x128xi32, #tpu.memory_space<vmem>> -> memref<128xi32, #tpu.memory_space<vmem>>
      %dma_wait3A_301 = arith.constant 0 : i32
      %dma_wait3A_302 = arith.constant 0 : i32
      %dma_wait3A_303 = tpu.memref_slice %arg4[%arg0, %dma_wait3A_301, %dma_wait3A_302] : memref<2x10000x64xf32, #tpu.memory_space<hbm>> -> memref<1x10000x64xf32, #tpu.memory_space<hbm>>
      %dma_wait3A_304 = tpu.memref_squeeze %dma_wait3A_303 : memref<1x10000x64xf32, #tpu.memory_space<hbm>> -> memref<10000x64xf32, #tpu.memory_space<hbm>>
      %dma_wait3A_305 = arith.constant 0 : i32
      %dma_wait3A_306 = arith.constant 0 : i32
      %dma_wait3A_307 = tpu.memref_slice %dma_wait3A_304[%dma_wait3A_305, %dma_wait3A_306] : memref<10000x64xf32, #tpu.memory_space<hbm>> -> memref<10000x64xf32, #tpu.memory_space<hbm>>
      tpu.wait_indirect_dma semaphore(%arg18 : memref<!tpu.dma_semaphore, #tpu.memory_space<semaphore_mem>>) src(%dma_wait3A_307 : memref<10000x64xf32, #tpu.memory_space<hbm>>) dst(%arg14 : memref<128x64xf32, #tpu.memory_space<vmem>>)
      "tpu.region"() ({
        %run_scoped3A = tpu.sem_alloc : memref<!tpu.dma_semaphore, #tpu.memory_space<semaphore_mem>>
        %dma_start3A_322 = arith.constant 0 : i32
        %dma_start3A_323 = tpu.memref_slice %arg10[%add3A_296, %dma_start3A_322] : memref<80x128xi32, #tpu.memory_space<vmem>> -> memref<1x128xi32, #tpu.memory_space<vmem>>
        %dma_start3A_324 = tpu.memref_squeeze %dma_start3A_323 : memref<1x128xi32, #tpu.memory_space<vmem>> -> memref<128xi32, #tpu.memory_space<vmem>>
        %dma_start3A_325 = arith.constant 0 : i32
        %dma_start3A_326 = arith.constant 0 : i32
        %dma_start3A_327 = tpu.memref_slice %arg21[%dma_start3A_325, %dma_start3A_326] : memref<10240x64xf32, #tpu.memory_space<vmem_shared>> -> memref<10240x64xf32, #tpu.memory_space<vmem_shared>>
        tpu.enqueue_indirect_dma source(%arg14 : memref<128x64xf32, #tpu.memory_space<vmem>>) target(%dma_start3A_327 : memref<10240x64xf32, #tpu.memory_space<vmem_shared>>) offsets(%dma_start3A_324 : memref<128xi32, #tpu.memory_space<vmem>>) semaphore(%run_scoped3A : memref<!tpu.dma_semaphore, #tpu.memory_space<semaphore_mem>>) {add = true}
        %dma_wait3A_328 = arith.constant 0 : i32
        %dma_wait3A_329 = tpu.memref_slice %arg10[%add3A_296, %dma_wait3A_328] : memref<80x128xi32, #tpu.memory_space<vmem>> -> memref<1x128xi32, #tpu.memory_space<vmem>>
        %dma_wait3A_330 = tpu.memref_squeeze %dma_wait3A_329 : memref<1x128xi32, #tpu.memory_space<vmem>> -> memref<128xi32, #tpu.memory_space<vmem>>
        %dma_wait3A_331 = arith.constant 0 : i32
        %dma_wait3A_332 = arith.constant 0 : i32
        %dma_wait3A_333 = tpu.memref_slice %arg21[%dma_wait3A_331, %dma_wait3A_332] : memref<10240x64xf32, #tpu.memory_space<vmem_shared>> -> memref<10240x64xf32, #tpu.memory_space<vmem_shared>>
        tpu.wait_indirect_dma semaphore(%run_scoped3A : memref<!tpu.dma_semaphore, #tpu.memory_space<semaphore_mem>>) src(%arg14 : memref<128x64xf32, #tpu.memory_space<vmem>>) dst(%dma_wait3A_333 : memref<10240x64xf32, #tpu.memory_space<vmem_shared>>)
        tpu.yield
      }) : () -> ()
      %add3A_308 = arith.constant 4 : i32
      %add3A_309 = arith.addi %add3A_296, %add3A_308 : i32
      %min3A_310 = arith.constant 79 : i32
      %min3A_311 = arith.minsi %add3A_309, %min3A_310 : i32
      %dma_start3A_312 = arith.constant 0 : i32
      %dma_start3A_313 = tpu.memref_slice %arg9[%min3A_311, %dma_start3A_312] : memref<80x128xi32, #tpu.memory_space<vmem>> -> memref<1x128xi32, #tpu.memory_space<vmem>>
      %dma_start3A_314 = tpu.memref_squeeze %dma_start3A_313 : memref<1x128xi32, #tpu.memory_space<vmem>> -> memref<128xi32, #tpu.memory_space<vmem>>
      %dma_start3A_315 = arith.constant 0 : i32
      %dma_start3A_316 = arith.constant 0 : i32
      %dma_start3A_317 = tpu.memref_slice %arg4[%arg0, %dma_start3A_315, %dma_start3A_316] : memref<2x10000x64xf32, #tpu.memory_space<hbm>> -> memref<1x10000x64xf32, #tpu.memory_space<hbm>>
      %dma_start3A_318 = tpu.memref_squeeze %dma_start3A_317 : memref<1x10000x64xf32, #tpu.memory_space<hbm>> -> memref<10000x64xf32, #tpu.memory_space<hbm>>
      %dma_start3A_319 = arith.constant 0 : i32
      %dma_start3A_320 = arith.constant 0 : i32
      %dma_start3A_321 = tpu.memref_slice %dma_start3A_318[%dma_start3A_319, %dma_start3A_320] : memref<10000x64xf32, #tpu.memory_space<hbm>> -> memref<10000x64xf32, #tpu.memory_space<hbm>>
      tpu.enqueue_indirect_dma source(%dma_start3A_321 : memref<10000x64xf32, #tpu.memory_space<hbm>>) target(%arg14 : memref<128x64xf32, #tpu.memory_space<vmem>>) offsets(%dma_start3A_314 : memref<128xi32, #tpu.memory_space<vmem>>) semaphore(%arg18 : memref<!tpu.dma_semaphore, #tpu.memory_space<semaphore_mem>>)
    }
    %scan3A_57 = arith.constant 20 : i32
    %dma_wait3A = arith.constant 0 : i32
    %dma_wait3A_58 = arith.constant 0 : i32
    %dma_wait3A_59 = tpu.memref_slice %arg9[%dma_wait3A, %dma_wait3A_58] : memref<80x128xi32, #tpu.memory_space<vmem>> -> memref<1x128xi32, #tpu.memory_space<vmem>>
    %dma_wait3A_60 = tpu.memref_squeeze %dma_wait3A_59 : memref<1x128xi32, #tpu.memory_space<vmem>> -> memref<128xi32, #tpu.memory_space<vmem>>
    %dma_wait3A_61 = arith.constant 0 : i32
    %dma_wait3A_62 = arith.constant 0 : i32
    %dma_wait3A_63 = tpu.memref_slice %arg4[%arg0, %dma_wait3A_61, %dma_wait3A_62] : memref<2x10000x64xf32, #tpu.memory_space<hbm>> -> memref<1x10000x64xf32, #tpu.memory_space<hbm>>
    %dma_wait3A_64 = tpu.memref_squeeze %dma_wait3A_63 : memref<1x10000x64xf32, #tpu.memory_space<hbm>> -> memref<10000x64xf32, #tpu.memory_space<hbm>>
    %dma_wait3A_65 = arith.constant 0 : i32
    %dma_wait3A_66 = arith.constant 0 : i32
    %dma_wait3A_67 = tpu.memref_slice %dma_wait3A_64[%dma_wait3A_65, %dma_wait3A_66] : memref<10000x64xf32, #tpu.memory_space<hbm>> -> memref<10000x64xf32, #tpu.memory_space<hbm>>
    tpu.wait_indirect_dma semaphore(%arg15 : memref<!tpu.dma_semaphore, #tpu.memory_space<semaphore_mem>>) src(%dma_wait3A_67 : memref<10000x64xf32, #tpu.memory_space<hbm>>) dst(%arg11 : memref<128x64xf32, #tpu.memory_space<vmem>>)
    %dma_wait3A_68 = arith.constant 1 : i32
    %dma_wait3A_69 = arith.constant 0 : i32
    %dma_wait3A_70 = tpu.memref_slice %arg9[%dma_wait3A_68, %dma_wait3A_69] : memref<80x128xi32, #tpu.memory_space<vmem>> -> memref<1x128xi32, #tpu.memory_space<vmem>>
    %dma_wait3A_71 = tpu.memref_squeeze %dma_wait3A_70 : memref<1x128xi32, #tpu.memory_space<vmem>> -> memref<128xi32, #tpu.memory_space<vmem>>
    %dma_wait3A_72 = arith.constant 0 : i32
    %dma_wait3A_73 = arith.constant 0 : i32
    %dma_wait3A_74 = tpu.memref_slice %arg4[%arg0, %dma_wait3A_72, %dma_wait3A_73] : memref<2x10000x64xf32, #tpu.memory_space<hbm>> -> memref<1x10000x64xf32, #tpu.memory_space<hbm>>
    %dma_wait3A_75 = tpu.memref_squeeze %dma_wait3A_74 : memref<1x10000x64xf32, #tpu.memory_space<hbm>> -> memref<10000x64xf32, #tpu.memory_space<hbm>>
    %dma_wait3A_76 = arith.constant 0 : i32
    %dma_wait3A_77 = arith.constant 0 : i32
    %dma_wait3A_78 = tpu.memref_slice %dma_wait3A_75[%dma_wait3A_76, %dma_wait3A_77] : memref<10000x64xf32, #tpu.memory_space<hbm>> -> memref<10000x64xf32, #tpu.memory_space<hbm>>
    tpu.wait_indirect_dma semaphore(%arg16 : memref<!tpu.dma_semaphore, #tpu.memory_space<semaphore_mem>>) src(%dma_wait3A_78 : memref<10000x64xf32, #tpu.memory_space<hbm>>) dst(%arg12 : memref<128x64xf32, #tpu.memory_space<vmem>>)
    %dma_wait3A_79 = arith.constant 2 : i32
    %dma_wait3A_80 = arith.constant 0 : i32
    %dma_wait3A_81 = tpu.memref_slice %arg9[%dma_wait3A_79, %dma_wait3A_80] : memref<80x128xi32, #tpu.memory_space<vmem>> -> memref<1x128xi32, #tpu.memory_space<vmem>>
    %dma_wait3A_82 = tpu.memref_squeeze %dma_wait3A_81 : memref<1x128xi32, #tpu.memory_space<vmem>> -> memref<128xi32, #tpu.memory_space<vmem>>
    %dma_wait3A_83 = arith.constant 0 : i32
    %dma_wait3A_84 = arith.constant 0 : i32
    %dma_wait3A_85 = tpu.memref_slice %arg4[%arg0, %dma_wait3A_83, %dma_wait3A_84] : memref<2x10000x64xf32, #tpu.memory_space<hbm>> -> memref<1x10000x64xf32, #tpu.memory_space<hbm>>
    %dma_wait3A_86 = tpu.memref_squeeze %dma_wait3A_85 : memref<1x10000x64xf32, #tpu.memory_space<hbm>> -> memref<10000x64xf32, #tpu.memory_space<hbm>>
    %dma_wait3A_87 = arith.constant 0 : i32
    %dma_wait3A_88 = arith.constant 0 : i32
    %dma_wait3A_89 = tpu.memref_slice %dma_wait3A_86[%dma_wait3A_87, %dma_wait3A_88] : memref<10000x64xf32, #tpu.memory_space<hbm>> -> memref<10000x64xf32, #tpu.memory_space<hbm>>
    tpu.wait_indirect_dma semaphore(%arg17 : memref<!tpu.dma_semaphore, #tpu.memory_space<semaphore_mem>>) src(%dma_wait3A_89 : memref<10000x64xf32, #tpu.memory_space<hbm>>) dst(%arg13 : memref<128x64xf32, #tpu.memory_space<vmem>>)
    %dma_wait3A_90 = arith.constant 3 : i32
    %dma_wait3A_91 = arith.constant 0 : i32
    %dma_wait3A_92 = tpu.memref_slice %arg9[%dma_wait3A_90, %dma_wait3A_91] : memref<80x128xi32, #tpu.memory_space<vmem>> -> memref<1x128xi32, #tpu.memory_space<vmem>>
    %dma_wait3A_93 = tpu.memref_squeeze %dma_wait3A_92 : memref<1x128xi32, #tpu.memory_space<vmem>> -> memref<128xi32, #tpu.memory_space<vmem>>
    %dma_wait3A_94 = arith.constant 0 : i32
    %dma_wait3A_95 = arith.constant 0 : i32
    %dma_wait3A_96 = tpu.memref_slice %arg4[%arg0, %dma_wait3A_94, %dma_wait3A_95] : memref<2x10000x64xf32, #tpu.memory_space<hbm>> -> memref<1x10000x64xf32, #tpu.memory_space<hbm>>
    %dma_wait3A_97 = tpu.memref_squeeze %dma_wait3A_96 : memref<1x10000x64xf32, #tpu.memory_space<hbm>> -> memref<10000x64xf32, #tpu.memory_space<hbm>>
    %dma_wait3A_98 = arith.constant 0 : i32
    %dma_wait3A_99 = arith.constant 0 : i32
    %dma_wait3A_100 = tpu.memref_slice %dma_wait3A_97[%dma_wait3A_98, %dma_wait3A_99] : memref<10000x64xf32, #tpu.memory_space<hbm>> -> memref<10000x64xf32, #tpu.memory_space<hbm>>
    tpu.wait_indirect_dma semaphore(%arg18 : memref<!tpu.dma_semaphore, #tpu.memory_space<semaphore_mem>>) src(%dma_wait3A_100 : memref<10000x64xf32, #tpu.memory_space<hbm>>) dst(%arg14 : memref<128x64xf32, #tpu.memory_space<vmem>>)
    "tpu.region"() ({
      %run_scoped3A = tpu.sem_alloc : memref<!tpu.dma_semaphore, #tpu.memory_space<semaphore_mem>>
      %dma_start3A_206 = arith.constant 80 : i32
      %dma_start3A_207 = arith.constant 0 : i32
      %dma_start3A_208 = tpu.memref_slice %arg2[%arg1, %dma_start3A_206, %dma_start3A_207] : memref<16x160x128xi32, #tpu.memory_space<hbm>> -> memref<1x80x128xi32, #tpu.memory_space<hbm>>
      %dma_start3A_209 = tpu.memref_squeeze %dma_start3A_208 : memref<1x80x128xi32, #tpu.memory_space<hbm>> -> memref<80x128xi32, #tpu.memory_space<hbm>>
      %dma_start3A_210 = arith.constant 80 : i32
      %dma_start3A_211 = arith.constant 0 : i32
      %dma_start3A_212 = tpu.memref_slice %arg2[%arg1, %dma_start3A_210, %dma_start3A_211] : memref<16x160x128xi32, #tpu.memory_space<hbm>> -> memref<1x80x128xi32, #tpu.memory_space<hbm>>
      %dma_start3A_213 = tpu.memref_squeeze %dma_start3A_212 : memref<1x80x128xi32, #tpu.memory_space<hbm>> -> memref<80x128xi32, #tpu.memory_space<hbm>>
      tpu.enqueue_dma source(%dma_start3A_213 : memref<80x128xi32, #tpu.memory_space<hbm>>) target(%arg9 : memref<80x128xi32, #tpu.memory_space<vmem>>) target_semaphore(%run_scoped3A : memref<!tpu.dma_semaphore, #tpu.memory_space<semaphore_mem>>)
      %dma_wait3A_214 = arith.constant 80 : i32
      %dma_wait3A_215 = arith.constant 0 : i32
      %dma_wait3A_216 = tpu.memref_slice %arg2[%arg1, %dma_wait3A_214, %dma_wait3A_215] : memref<16x160x128xi32, #tpu.memory_space<hbm>> -> memref<1x80x128xi32, #tpu.memory_space<hbm>>
      %dma_wait3A_217 = tpu.memref_squeeze %dma_wait3A_216 : memref<1x80x128xi32, #tpu.memory_space<hbm>> -> memref<80x128xi32, #tpu.memory_space<hbm>>
      %dma_wait3A_218 = arith.constant 80 : i32
      %dma_wait3A_219 = arith.constant 0 : i32
      %dma_wait3A_220 = tpu.memref_slice %arg2[%arg1, %dma_wait3A_218, %dma_wait3A_219] : memref<16x160x128xi32, #tpu.memory_space<hbm>> -> memref<1x80x128xi32, #tpu.memory_space<hbm>>
      %dma_wait3A_221 = tpu.memref_squeeze %dma_wait3A_220 : memref<1x80x128xi32, #tpu.memory_space<hbm>> -> memref<80x128xi32, #tpu.memory_space<hbm>>
      tpu.wait_dma2 semaphore(%run_scoped3A : memref<!tpu.dma_semaphore, #tpu.memory_space<semaphore_mem>>) src(%dma_wait3A_221 : memref<80x128xi32, #tpu.memory_space<hbm>>) dst(%arg9 : memref<80x128xi32, #tpu.memory_space<vmem>>)
      tpu.yield
    }) : () -> ()
    "tpu.region"() ({
      %run_scoped3A = tpu.sem_alloc : memref<!tpu.dma_semaphore, #tpu.memory_space<semaphore_mem>>
      %dma_start3A_206 = arith.constant 80 : i32
      %dma_start3A_207 = arith.constant 0 : i32
      %dma_start3A_208 = tpu.memref_slice %arg3[%arg1, %dma_start3A_206, %dma_start3A_207] : memref<16x160x128xi32, #tpu.memory_space<hbm>> -> memref<1x80x128xi32, #tpu.memory_space<hbm>>
      %dma_start3A_209 = tpu.memref_squeeze %dma_start3A_208 : memref<1x80x128xi32, #tpu.memory_space<hbm>> -> memref<80x128xi32, #tpu.memory_space<hbm>>
      %dma_start3A_210 = arith.constant 80 : i32
      %dma_start3A_211 = arith.constant 0 : i32
      %dma_start3A_212 = tpu.memref_slice %arg3[%arg1, %dma_start3A_210, %dma_start3A_211] : memref<16x160x128xi32, #tpu.memory_space<hbm>> -> memref<1x80x128xi32, #tpu.memory_space<hbm>>
      %dma_start3A_213 = tpu.memref_squeeze %dma_start3A_212 : memref<1x80x128xi32, #tpu.memory_space<hbm>> -> memref<80x128xi32, #tpu.memory_space<hbm>>
      tpu.enqueue_dma source(%dma_start3A_213 : memref<80x128xi32, #tpu.memory_space<hbm>>) target(%arg10 : memref<80x128xi32, #tpu.memory_space<vmem>>) target_semaphore(%run_scoped3A : memref<!tpu.dma_semaphore, #tpu.memory_space<semaphore_mem>>)
      %dma_wait3A_214 = arith.constant 80 : i32
      %dma_wait3A_215 = arith.constant 0 : i32
      %dma_wait3A_216 = tpu.memref_slice %arg3[%arg1, %dma_wait3A_214, %dma_wait3A_215] : memref<16x160x128xi32, #tpu.memory_space<hbm>> -> memref<1x80x128xi32, #tpu.memory_space<hbm>>
      %dma_wait3A_217 = tpu.memref_squeeze %dma_wait3A_216 : memref<1x80x128xi32, #tpu.memory_space<hbm>> -> memref<80x128xi32, #tpu.memory_space<hbm>>
      %dma_wait3A_218 = arith.constant 80 : i32
      %dma_wait3A_219 = arith.constant 0 : i32
      %dma_wait3A_220 = tpu.memref_slice %arg3[%arg1, %dma_wait3A_218, %dma_wait3A_219] : memref<16x160x128xi32, #tpu.memory_space<hbm>> -> memref<1x80x128xi32, #tpu.memory_space<hbm>>
      %dma_wait3A_221 = tpu.memref_squeeze %dma_wait3A_220 : memref<1x80x128xi32, #tpu.memory_space<hbm>> -> memref<80x128xi32, #tpu.memory_space<hbm>>
      tpu.wait_dma2 semaphore(%run_scoped3A : memref<!tpu.dma_semaphore, #tpu.memory_space<semaphore_mem>>) src(%dma_wait3A_221 : memref<80x128xi32, #tpu.memory_space<hbm>>) dst(%arg10 : memref<80x128xi32, #tpu.memory_space<vmem>>)
      tpu.yield
    }) : () -> ()
    %dma_start3A_101 = arith.constant 0 : i32
    %dma_start3A_102 = arith.constant 0 : i32
    %dma_start3A_103 = tpu.memref_slice %arg9[%dma_start3A_101, %dma_start3A_102] : memref<80x128xi32, #tpu.memory_space<vmem>> -> memref<1x128xi32, #tpu.memory_space<vmem>>
    %dma_start3A_104 = tpu.memref_squeeze %dma_start3A_103 : memref<1x128xi32, #tpu.memory_space<vmem>> -> memref<128xi32, #tpu.memory_space<vmem>>
    %dma_start3A_105 = arith.constant 0 : i32
    %dma_start3A_106 = arith.constant 0 : i32
    %dma_start3A_107 = tpu.memref_slice %arg4[%arg0, %dma_start3A_105, %dma_start3A_106] : memref<2x10000x64xf32, #tpu.memory_space<hbm>> -> memref<1x10000x64xf32, #tpu.memory_space<hbm>>
    %dma_start3A_108 = tpu.memref_squeeze %dma_start3A_107 : memref<1x10000x64xf32, #tpu.memory_space<hbm>> -> memref<10000x64xf32, #tpu.memory_space<hbm>>
    %dma_start3A_109 = arith.constant 0 : i32
    %dma_start3A_110 = arith.constant 0 : i32
    %dma_start3A_111 = tpu.memref_slice %dma_start3A_108[%dma_start3A_109, %dma_start3A_110] : memref<10000x64xf32, #tpu.memory_space<hbm>> -> memref<10000x64xf32, #tpu.memory_space<hbm>>
    tpu.enqueue_indirect_dma source(%dma_start3A_111 : memref<10000x64xf32, #tpu.memory_space<hbm>>) target(%arg11 : memref<128x64xf32, #tpu.memory_space<vmem>>) offsets(%dma_start3A_104 : memref<128xi32, #tpu.memory_space<vmem>>) semaphore(%arg15 : memref<!tpu.dma_semaphore, #tpu.memory_space<semaphore_mem>>)
    %dma_start3A_112 = arith.constant 1 : i32
    %dma_start3A_113 = arith.constant 0 : i32
    %dma_start3A_114 = tpu.memref_slice %arg9[%dma_start3A_112, %dma_start3A_113] : memref<80x128xi32, #tpu.memory_space<vmem>> -> memref<1x128xi32, #tpu.memory_space<vmem>>
    %dma_start3A_115 = tpu.memref_squeeze %dma_start3A_114 : memref<1x128xi32, #tpu.memory_space<vmem>> -> memref<128xi32, #tpu.memory_space<vmem>>
    %dma_start3A_116 = arith.constant 0 : i32
    %dma_start3A_117 = arith.constant 0 : i32
    %dma_start3A_118 = tpu.memref_slice %arg4[%arg0, %dma_start3A_116, %dma_start3A_117] : memref<2x10000x64xf32, #tpu.memory_space<hbm>> -> memref<1x10000x64xf32, #tpu.memory_space<hbm>>
    %dma_start3A_119 = tpu.memref_squeeze %dma_start3A_118 : memref<1x10000x64xf32, #tpu.memory_space<hbm>> -> memref<10000x64xf32, #tpu.memory_space<hbm>>
    %dma_start3A_120 = arith.constant 0 : i32
    %dma_start3A_121 = arith.constant 0 : i32
    %dma_start3A_122 = tpu.memref_slice %dma_start3A_119[%dma_start3A_120, %dma_start3A_121] : memref<10000x64xf32, #tpu.memory_space<hbm>> -> memref<10000x64xf32, #tpu.memory_space<hbm>>
    tpu.enqueue_indirect_dma source(%dma_start3A_122 : memref<10000x64xf32, #tpu.memory_space<hbm>>) target(%arg12 : memref<128x64xf32, #tpu.memory_space<vmem>>) offsets(%dma_start3A_115 : memref<128xi32, #tpu.memory_space<vmem>>) semaphore(%arg16 : memref<!tpu.dma_semaphore, #tpu.memory_space<semaphore_mem>>)
    %dma_start3A_123 = arith.constant 2 : i32
    %dma_start3A_124 = arith.constant 0 : i32
    %dma_start3A_125 = tpu.memref_slice %arg9[%dma_start3A_123, %dma_start3A_124] : memref<80x128xi32, #tpu.memory_space<vmem>> -> memref<1x128xi32, #tpu.memory_space<vmem>>
    %dma_start3A_126 = tpu.memref_squeeze %dma_start3A_125 : memref<1x128xi32, #tpu.memory_space<vmem>> -> memref<128xi32, #tpu.memory_space<vmem>>
    %dma_start3A_127 = arith.constant 0 : i32
    %dma_start3A_128 = arith.constant 0 : i32
    %dma_start3A_129 = tpu.memref_slice %arg4[%arg0, %dma_start3A_127, %dma_start3A_128] : memref<2x10000x64xf32, #tpu.memory_space<hbm>> -> memref<1x10000x64xf32, #tpu.memory_space<hbm>>
    %dma_start3A_130 = tpu.memref_squeeze %dma_start3A_129 : memref<1x10000x64xf32, #tpu.memory_space<hbm>> -> memref<10000x64xf32, #tpu.memory_space<hbm>>
    %dma_start3A_131 = arith.constant 0 : i32
    %dma_start3A_132 = arith.constant 0 : i32
    %dma_start3A_133 = tpu.memref_slice %dma_start3A_130[%dma_start3A_131, %dma_start3A_132] : memref<10000x64xf32, #tpu.memory_space<hbm>> -> memref<10000x64xf32, #tpu.memory_space<hbm>>
    tpu.enqueue_indirect_dma source(%dma_start3A_133 : memref<10000x64xf32, #tpu.memory_space<hbm>>) target(%arg13 : memref<128x64xf32, #tpu.memory_space<vmem>>) offsets(%dma_start3A_126 : memref<128xi32, #tpu.memory_space<vmem>>) semaphore(%arg17 : memref<!tpu.dma_semaphore, #tpu.memory_space<semaphore_mem>>)
    %dma_start3A_134 = arith.constant 3 : i32
    %dma_start3A_135 = arith.constant 0 : i32
    %dma_start3A_136 = tpu.memref_slice %arg9[%dma_start3A_134, %dma_start3A_135] : memref<80x128xi32, #tpu.memory_space<vmem>> -> memref<1x128xi32, #tpu.memory_space<vmem>>
    %dma_start3A_137 = tpu.memref_squeeze %dma_start3A_136 : memref<1x128xi32, #tpu.memory_space<vmem>> -> memref<128xi32, #tpu.memory_space<vmem>>
    %dma_start3A_138 = arith.constant 0 : i32
    %dma_start3A_139 = arith.constant 0 : i32
    %dma_start3A_140 = tpu.memref_slice %arg4[%arg0, %dma_start3A_138, %dma_start3A_139] : memref<2x10000x64xf32, #tpu.memory_space<hbm>> -> memref<1x10000x64xf32, #tpu.memory_space<hbm>>
    %dma_start3A_141 = tpu.memref_squeeze %dma_start3A_140 : memref<1x10000x64xf32, #tpu.memory_space<hbm>> -> memref<10000x64xf32, #tpu.memory_space<hbm>>
    %dma_start3A_142 = arith.constant 0 : i32
    %dma_start3A_143 = arith.constant 0 : i32
    %dma_start3A_144 = tpu.memref_slice %dma_start3A_141[%dma_start3A_142, %dma_start3A_143] : memref<10000x64xf32, #tpu.memory_space<hbm>> -> memref<10000x64xf32, #tpu.memory_space<hbm>>
    tpu.enqueue_indirect_dma source(%dma_start3A_144 : memref<10000x64xf32, #tpu.memory_space<hbm>>) target(%arg14 : memref<128x64xf32, #tpu.memory_space<vmem>>) offsets(%dma_start3A_137 : memref<128xi32, #tpu.memory_space<vmem>>) semaphore(%arg18 : memref<!tpu.dma_semaphore, #tpu.memory_space<semaphore_mem>>)
    %scan3A_145 = arith.constant 0 : i32
    %scan3A_146 = arith.constant 0 : i32
    %scan3A_147 = arith.constant 20 : i32
    %scan3A_148 = arith.addi %scan3A_146, %scan3A_147 : i32
    %scan3A_149 = arith.constant 1 : i32
    scf.for %scan3A_206 = %scan3A_146 to %scan3A_148 step %scan3A_149  : i32 {
      %mul3A_207 = arith.constant 4 : i32
      %mul3A_208 = arith.muli %mul3A_207, %scan3A_206 : i32
      %add3A_209 = arith.constant 0 : i32
      %add3A_210 = arith.addi %mul3A_208, %add3A_209 : i32
      %dma_wait3A_211 = arith.constant 0 : i32
      %dma_wait3A_212 = arith.constant 0 : i32
      %dma_wait3A_213 = tpu.memref_slice %arg9[%dma_wait3A_211, %dma_wait3A_212] : memref<80x128xi32, #tpu.memory_space<vmem>> -> memref<1x128xi32, #tpu.memory_space<vmem>>
      %dma_wait3A_214 = tpu.memref_squeeze %dma_wait3A_213 : memref<1x128xi32, #tpu.memory_space<vmem>> -> memref<128xi32, #tpu.memory_space<vmem>>
      %dma_wait3A_215 = arith.constant 0 : i32
      %dma_wait3A_216 = arith.constant 0 : i32
      %dma_wait3A_217 = tpu.memref_slice %arg4[%arg0, %dma_wait3A_215, %dma_wait3A_216] : memref<2x10000x64xf32, #tpu.memory_space<hbm>> -> memref<1x10000x64xf32, #tpu.memory_space<hbm>>
      %dma_wait3A_218 = tpu.memref_squeeze %dma_wait3A_217 : memref<1x10000x64xf32, #tpu.memory_space<hbm>> -> memref<10000x64xf32, #tpu.memory_space<hbm>>
      %dma_wait3A_219 = arith.constant 0 : i32
      %dma_wait3A_220 = arith.constant 0 : i32
      %dma_wait3A_221 = tpu.memref_slice %dma_wait3A_218[%dma_wait3A_219, %dma_wait3A_220] : memref<10000x64xf32, #tpu.memory_space<hbm>> -> memref<10000x64xf32, #tpu.memory_space<hbm>>
      tpu.wait_indirect_dma semaphore(%arg15 : memref<!tpu.dma_semaphore, #tpu.memory_space<semaphore_mem>>) src(%dma_wait3A_221 : memref<10000x64xf32, #tpu.memory_space<hbm>>) dst(%arg11 : memref<128x64xf32, #tpu.memory_space<vmem>>)
      "tpu.region"() ({
        %run_scoped3A = tpu.sem_alloc : memref<!tpu.dma_semaphore, #tpu.memory_space<semaphore_mem>>
        %dma_start3A_322 = arith.constant 0 : i32
        %dma_start3A_323 = tpu.memref_slice %arg10[%add3A_210, %dma_start3A_322] : memref<80x128xi32, #tpu.memory_space<vmem>> -> memref<1x128xi32, #tpu.memory_space<vmem>>
        %dma_start3A_324 = tpu.memref_squeeze %dma_start3A_323 : memref<1x128xi32, #tpu.memory_space<vmem>> -> memref<128xi32, #tpu.memory_space<vmem>>
        %dma_start3A_325 = arith.constant 0 : i32
        %dma_start3A_326 = arith.constant 0 : i32
        %dma_start3A_327 = tpu.memref_slice %arg21[%dma_start3A_325, %dma_start3A_326] : memref<10240x64xf32, #tpu.memory_space<vmem_shared>> -> memref<10240x64xf32, #tpu.memory_space<vmem_shared>>
        tpu.enqueue_indirect_dma source(%arg11 : memref<128x64xf32, #tpu.memory_space<vmem>>) target(%dma_start3A_327 : memref<10240x64xf32, #tpu.memory_space<vmem_shared>>) offsets(%dma_start3A_324 : memref<128xi32, #tpu.memory_space<vmem>>) semaphore(%run_scoped3A : memref<!tpu.dma_semaphore, #tpu.memory_space<semaphore_mem>>) {add = true}
        %dma_wait3A_328 = arith.constant 0 : i32
        %dma_wait3A_329 = tpu.memref_slice %arg10[%add3A_210, %dma_wait3A_328] : memref<80x128xi32, #tpu.memory_space<vmem>> -> memref<1x128xi32, #tpu.memory_space<vmem>>
        %dma_wait3A_330 = tpu.memref_squeeze %dma_wait3A_329 : memref<1x128xi32, #tpu.memory_space<vmem>> -> memref<128xi32, #tpu.memory_space<vmem>>
        %dma_wait3A_331 = arith.constant 0 : i32
        %dma_wait3A_332 = arith.constant 0 : i32
        %dma_wait3A_333 = tpu.memref_slice %arg21[%dma_wait3A_331, %dma_wait3A_332] : memref<10240x64xf32, #tpu.memory_space<vmem_shared>> -> memref<10240x64xf32, #tpu.memory_space<vmem_shared>>
        tpu.wait_indirect_dma semaphore(%run_scoped3A : memref<!tpu.dma_semaphore, #tpu.memory_space<semaphore_mem>>) src(%arg11 : memref<128x64xf32, #tpu.memory_space<vmem>>) dst(%dma_wait3A_333 : memref<10240x64xf32, #tpu.memory_space<vmem_shared>>)
        tpu.yield
      }) : () -> ()
      %add3A_222 = arith.constant 4 : i32
      %add3A_223 = arith.addi %add3A_210, %add3A_222 : i32
      %min3A = arith.constant 79 : i32
      %min3A_224 = arith.minsi %add3A_223, %min3A : i32
      %dma_start3A_225 = arith.constant 0 : i32
      %dma_start3A_226 = tpu.memref_slice %arg9[%min3A_224, %dma_start3A_225] : memref<80x128xi32, #tpu.memory_space<vmem>> -> memref<1x128xi32, #tpu.memory_space<vmem>>
      %dma_start3A_227 = tpu.memref_squeeze %dma_start3A_226 : memref<1x128xi32, #tpu.memory_space<vmem>> -> memref<128xi32, #tpu.memory_space<vmem>>
      %dma_start3A_228 = arith.constant 0 : i32
      %dma_start3A_229 = arith.constant 0 : i32
      %dma_start3A_230 = tpu.memref_slice %arg4[%arg0, %dma_start3A_228, %dma_start3A_229] : memref<2x10000x64xf32, #tpu.memory_space<hbm>> -> memref<1x10000x64xf32, #tpu.memory_space<hbm>>
      %dma_start3A_231 = tpu.memref_squeeze %dma_start3A_230 : memref<1x10000x64xf32, #tpu.memory_space<hbm>> -> memref<10000x64xf32, #tpu.memory_space<hbm>>
      %dma_start3A_232 = arith.constant 0 : i32
      %dma_start3A_233 = arith.constant 0 : i32
      %dma_start3A_234 = tpu.memref_slice %dma_start3A_231[%dma_start3A_232, %dma_start3A_233] : memref<10000x64xf32, #tpu.memory_space<hbm>> -> memref<10000x64xf32, #tpu.memory_space<hbm>>
      tpu.enqueue_indirect_dma source(%dma_start3A_234 : memref<10000x64xf32, #tpu.memory_space<hbm>>) target(%arg11 : memref<128x64xf32, #tpu.memory_space<vmem>>) offsets(%dma_start3A_227 : memref<128xi32, #tpu.memory_space<vmem>>) semaphore(%arg15 : memref<!tpu.dma_semaphore, #tpu.memory_space<semaphore_mem>>)
      %mul3A_235 = arith.constant 4 : i32
      %mul3A_236 = arith.muli %mul3A_235, %scan3A_206 : i32
      %add3A_237 = arith.constant 1 : i32
      %add3A_238 = arith.addi %mul3A_236, %add3A_237 : i32
      %dma_wait3A_239 = arith.constant 1 : i32
      %dma_wait3A_240 = arith.constant 0 : i32
      %dma_wait3A_241 = tpu.memref_slice %arg9[%dma_wait3A_239, %dma_wait3A_240] : memref<80x128xi32, #tpu.memory_space<vmem>> -> memref<1x128xi32, #tpu.memory_space<vmem>>
      %dma_wait3A_242 = tpu.memref_squeeze %dma_wait3A_241 : memref<1x128xi32, #tpu.memory_space<vmem>> -> memref<128xi32, #tpu.memory_space<vmem>>
      %dma_wait3A_243 = arith.constant 0 : i32
      %dma_wait3A_244 = arith.constant 0 : i32
      %dma_wait3A_245 = tpu.memref_slice %arg4[%arg0, %dma_wait3A_243, %dma_wait3A_244] : memref<2x10000x64xf32, #tpu.memory_space<hbm>> -> memref<1x10000x64xf32, #tpu.memory_space<hbm>>
      %dma_wait3A_246 = tpu.memref_squeeze %dma_wait3A_245 : memref<1x10000x64xf32, #tpu.memory_space<hbm>> -> memref<10000x64xf32, #tpu.memory_space<hbm>>
      %dma_wait3A_247 = arith.constant 0 : i32
      %dma_wait3A_248 = arith.constant 0 : i32
      %dma_wait3A_249 = tpu.memref_slice %dma_wait3A_246[%dma_wait3A_247, %dma_wait3A_248] : memref<10000x64xf32, #tpu.memory_space<hbm>> -> memref<10000x64xf32, #tpu.memory_space<hbm>>
      tpu.wait_indirect_dma semaphore(%arg16 : memref<!tpu.dma_semaphore, #tpu.memory_space<semaphore_mem>>) src(%dma_wait3A_249 : memref<10000x64xf32, #tpu.memory_space<hbm>>) dst(%arg12 : memref<128x64xf32, #tpu.memory_space<vmem>>)
      "tpu.region"() ({
        %run_scoped3A = tpu.sem_alloc : memref<!tpu.dma_semaphore, #tpu.memory_space<semaphore_mem>>
        %dma_start3A_322 = arith.constant 0 : i32
        %dma_start3A_323 = tpu.memref_slice %arg10[%add3A_238, %dma_start3A_322] : memref<80x128xi32, #tpu.memory_space<vmem>> -> memref<1x128xi32, #tpu.memory_space<vmem>>
        %dma_start3A_324 = tpu.memref_squeeze %dma_start3A_323 : memref<1x128xi32, #tpu.memory_space<vmem>> -> memref<128xi32, #tpu.memory_space<vmem>>
        %dma_start3A_325 = arith.constant 0 : i32
        %dma_start3A_326 = arith.constant 0 : i32
        %dma_start3A_327 = tpu.memref_slice %arg21[%dma_start3A_325, %dma_start3A_326] : memref<10240x64xf32, #tpu.memory_space<vmem_shared>> -> memref<10240x64xf32, #tpu.memory_space<vmem_shared>>
        tpu.enqueue_indirect_dma source(%arg12 : memref<128x64xf32, #tpu.memory_space<vmem>>) target(%dma_start3A_327 : memref<10240x64xf32, #tpu.memory_space<vmem_shared>>) offsets(%dma_start3A_324 : memref<128xi32, #tpu.memory_space<vmem>>) semaphore(%run_scoped3A : memref<!tpu.dma_semaphore, #tpu.memory_space<semaphore_mem>>) {add = true}
        %dma_wait3A_328 = arith.constant 0 : i32
        %dma_wait3A_329 = tpu.memref_slice %arg10[%add3A_238, %dma_wait3A_328] : memref<80x128xi32, #tpu.memory_space<vmem>> -> memref<1x128xi32, #tpu.memory_space<vmem>>
        %dma_wait3A_330 = tpu.memref_squeeze %dma_wait3A_329 : memref<1x128xi32, #tpu.memory_space<vmem>> -> memref<128xi32, #tpu.memory_space<vmem>>
        %dma_wait3A_331 = arith.constant 0 : i32
        %dma_wait3A_332 = arith.constant 0 : i32
        %dma_wait3A_333 = tpu.memref_slice %arg21[%dma_wait3A_331, %dma_wait3A_332] : memref<10240x64xf32, #tpu.memory_space<vmem_shared>> -> memref<10240x64xf32, #tpu.memory_space<vmem_shared>>
        tpu.wait_indirect_dma semaphore(%run_scoped3A : memref<!tpu.dma_semaphore, #tpu.memory_space<semaphore_mem>>) src(%arg12 : memref<128x64xf32, #tpu.memory_space<vmem>>) dst(%dma_wait3A_333 : memref<10240x64xf32, #tpu.memory_space<vmem_shared>>)
        tpu.yield
      }) : () -> ()
      %add3A_250 = arith.constant 4 : i32
      %add3A_251 = arith.addi %add3A_238, %add3A_250 : i32
      %min3A_252 = arith.constant 79 : i32
      %min3A_253 = arith.minsi %add3A_251, %min3A_252 : i32
      %dma_start3A_254 = arith.constant 0 : i32
      %dma_start3A_255 = tpu.memref_slice %arg9[%min3A_253, %dma_start3A_254] : memref<80x128xi32, #tpu.memory_space<vmem>> -> memref<1x128xi32, #tpu.memory_space<vmem>>
      %dma_start3A_256 = tpu.memref_squeeze %dma_start3A_255 : memref<1x128xi32, #tpu.memory_space<vmem>> -> memref<128xi32, #tpu.memory_space<vmem>>
      %dma_start3A_257 = arith.constant 0 : i32
      %dma_start3A_258 = arith.constant 0 : i32
      %dma_start3A_259 = tpu.memref_slice %arg4[%arg0, %dma_start3A_257, %dma_start3A_258] : memref<2x10000x64xf32, #tpu.memory_space<hbm>> -> memref<1x10000x64xf32, #tpu.memory_space<hbm>>
      %dma_start3A_260 = tpu.memref_squeeze %dma_start3A_259 : memref<1x10000x64xf32, #tpu.memory_space<hbm>> -> memref<10000x64xf32, #tpu.memory_space<hbm>>
      %dma_start3A_261 = arith.constant 0 : i32
      %dma_start3A_262 = arith.constant 0 : i32
      %dma_start3A_263 = tpu.memref_slice %dma_start3A_260[%dma_start3A_261, %dma_start3A_262] : memref<10000x64xf32, #tpu.memory_space<hbm>> -> memref<10000x64xf32, #tpu.memory_space<hbm>>
      tpu.enqueue_indirect_dma source(%dma_start3A_263 : memref<10000x64xf32, #tpu.memory_space<hbm>>) target(%arg12 : memref<128x64xf32, #tpu.memory_space<vmem>>) offsets(%dma_start3A_256 : memref<128xi32, #tpu.memory_space<vmem>>) semaphore(%arg16 : memref<!tpu.dma_semaphore, #tpu.memory_space<semaphore_mem>>)
      %mul3A_264 = arith.constant 4 : i32
      %mul3A_265 = arith.muli %mul3A_264, %scan3A_206 : i32
      %add3A_266 = arith.constant 2 : i32
      %add3A_267 = arith.addi %mul3A_265, %add3A_266 : i32
      %dma_wait3A_268 = arith.constant 2 : i32
      %dma_wait3A_269 = arith.constant 0 : i32
      %dma_wait3A_270 = tpu.memref_slice %arg9[%dma_wait3A_268, %dma_wait3A_269] : memref<80x128xi32, #tpu.memory_space<vmem>> -> memref<1x128xi32, #tpu.memory_space<vmem>>
      %dma_wait3A_271 = tpu.memref_squeeze %dma_wait3A_270 : memref<1x128xi32, #tpu.memory_space<vmem>> -> memref<128xi32, #tpu.memory_space<vmem>>
      %dma_wait3A_272 = arith.constant 0 : i32
      %dma_wait3A_273 = arith.constant 0 : i32
      %dma_wait3A_274 = tpu.memref_slice %arg4[%arg0, %dma_wait3A_272, %dma_wait3A_273] : memref<2x10000x64xf32, #tpu.memory_space<hbm>> -> memref<1x10000x64xf32, #tpu.memory_space<hbm>>
      %dma_wait3A_275 = tpu.memref_squeeze %dma_wait3A_274 : memref<1x10000x64xf32, #tpu.memory_space<hbm>> -> memref<10000x64xf32, #tpu.memory_space<hbm>>
      %dma_wait3A_276 = arith.constant 0 : i32
      %dma_wait3A_277 = arith.constant 0 : i32
      %dma_wait3A_278 = tpu.memref_slice %dma_wait3A_275[%dma_wait3A_276, %dma_wait3A_277] : memref<10000x64xf32, #tpu.memory_space<hbm>> -> memref<10000x64xf32, #tpu.memory_space<hbm>>
      tpu.wait_indirect_dma semaphore(%arg17 : memref<!tpu.dma_semaphore, #tpu.memory_space<semaphore_mem>>) src(%dma_wait3A_278 : memref<10000x64xf32, #tpu.memory_space<hbm>>) dst(%arg13 : memref<128x64xf32, #tpu.memory_space<vmem>>)
      "tpu.region"() ({
        %run_scoped3A = tpu.sem_alloc : memref<!tpu.dma_semaphore, #tpu.memory_space<semaphore_mem>>
        %dma_start3A_322 = arith.constant 0 : i32
        %dma_start3A_323 = tpu.memref_slice %arg10[%add3A_267, %dma_start3A_322] : memref<80x128xi32, #tpu.memory_space<vmem>> -> memref<1x128xi32, #tpu.memory_space<vmem>>
        %dma_start3A_324 = tpu.memref_squeeze %dma_start3A_323 : memref<1x128xi32, #tpu.memory_space<vmem>> -> memref<128xi32, #tpu.memory_space<vmem>>
        %dma_start3A_325 = arith.constant 0 : i32
        %dma_start3A_326 = arith.constant 0 : i32
        %dma_start3A_327 = tpu.memref_slice %arg21[%dma_start3A_325, %dma_start3A_326] : memref<10240x64xf32, #tpu.memory_space<vmem_shared>> -> memref<10240x64xf32, #tpu.memory_space<vmem_shared>>
        tpu.enqueue_indirect_dma source(%arg13 : memref<128x64xf32, #tpu.memory_space<vmem>>) target(%dma_start3A_327 : memref<10240x64xf32, #tpu.memory_space<vmem_shared>>) offsets(%dma_start3A_324 : memref<128xi32, #tpu.memory_space<vmem>>) semaphore(%run_scoped3A : memref<!tpu.dma_semaphore, #tpu.memory_space<semaphore_mem>>) {add = true}
        %dma_wait3A_328 = arith.constant 0 : i32
        %dma_wait3A_329 = tpu.memref_slice %arg10[%add3A_267, %dma_wait3A_328] : memref<80x128xi32, #tpu.memory_space<vmem>> -> memref<1x128xi32, #tpu.memory_space<vmem>>
        %dma_wait3A_330 = tpu.memref_squeeze %dma_wait3A_329 : memref<1x128xi32, #tpu.memory_space<vmem>> -> memref<128xi32, #tpu.memory_space<vmem>>
        %dma_wait3A_331 = arith.constant 0 : i32
        %dma_wait3A_332 = arith.constant 0 : i32
        %dma_wait3A_333 = tpu.memref_slice %arg21[%dma_wait3A_331, %dma_wait3A_332] : memref<10240x64xf32, #tpu.memory_space<vmem_shared>> -> memref<10240x64xf32, #tpu.memory_space<vmem_shared>>
        tpu.wait_indirect_dma semaphore(%run_scoped3A : memref<!tpu.dma_semaphore, #tpu.memory_space<semaphore_mem>>) src(%arg13 : memref<128x64xf32, #tpu.memory_space<vmem>>) dst(%dma_wait3A_333 : memref<10240x64xf32, #tpu.memory_space<vmem_shared>>)
        tpu.yield
      }) : () -> ()
      %add3A_279 = arith.constant 4 : i32
      %add3A_280 = arith.addi %add3A_267, %add3A_279 : i32
      %min3A_281 = arith.constant 79 : i32
      %min3A_282 = arith.minsi %add3A_280, %min3A_281 : i32
      %dma_start3A_283 = arith.constant 0 : i32
      %dma_start3A_284 = tpu.memref_slice %arg9[%min3A_282, %dma_start3A_283] : memref<80x128xi32, #tpu.memory_space<vmem>> -> memref<1x128xi32, #tpu.memory_space<vmem>>
      %dma_start3A_285 = tpu.memref_squeeze %dma_start3A_284 : memref<1x128xi32, #tpu.memory_space<vmem>> -> memref<128xi32, #tpu.memory_space<vmem>>
      %dma_start3A_286 = arith.constant 0 : i32
      %dma_start3A_287 = arith.constant 0 : i32
      %dma_start3A_288 = tpu.memref_slice %arg4[%arg0, %dma_start3A_286, %dma_start3A_287] : memref<2x10000x64xf32, #tpu.memory_space<hbm>> -> memref<1x10000x64xf32, #tpu.memory_space<hbm>>
      %dma_start3A_289 = tpu.memref_squeeze %dma_start3A_288 : memref<1x10000x64xf32, #tpu.memory_space<hbm>> -> memref<10000x64xf32, #tpu.memory_space<hbm>>
      %dma_start3A_290 = arith.constant 0 : i32
      %dma_start3A_291 = arith.constant 0 : i32
      %dma_start3A_292 = tpu.memref_slice %dma_start3A_289[%dma_start3A_290, %dma_start3A_291] : memref<10000x64xf32, #tpu.memory_space<hbm>> -> memref<10000x64xf32, #tpu.memory_space<hbm>>
      tpu.enqueue_indirect_dma source(%dma_start3A_292 : memref<10000x64xf32, #tpu.memory_space<hbm>>) target(%arg13 : memref<128x64xf32, #tpu.memory_space<vmem>>) offsets(%dma_start3A_285 : memref<128xi32, #tpu.memory_space<vmem>>) semaphore(%arg17 : memref<!tpu.dma_semaphore, #tpu.memory_space<semaphore_mem>>)
      %mul3A_293 = arith.constant 4 : i32
      %mul3A_294 = arith.muli %mul3A_293, %scan3A_206 : i32
      %add3A_295 = arith.constant 3 : i32
      %add3A_296 = arith.addi %mul3A_294, %add3A_295 : i32
      %dma_wait3A_297 = arith.constant 3 : i32
      %dma_wait3A_298 = arith.constant 0 : i32
      %dma_wait3A_299 = tpu.memref_slice %arg9[%dma_wait3A_297, %dma_wait3A_298] : memref<80x128xi32, #tpu.memory_space<vmem>> -> memref<1x128xi32, #tpu.memory_space<vmem>>
      %dma_wait3A_300 = tpu.memref_squeeze %dma_wait3A_299 : memref<1x128xi32, #tpu.memory_space<vmem>> -> memref<128xi32, #tpu.memory_space<vmem>>
      %dma_wait3A_301 = arith.constant 0 : i32
      %dma_wait3A_302 = arith.constant 0 : i32
      %dma_wait3A_303 = tpu.memref_slice %arg4[%arg0, %dma_wait3A_301, %dma_wait3A_302] : memref<2x10000x64xf32, #tpu.memory_space<hbm>> -> memref<1x10000x64xf32, #tpu.memory_space<hbm>>
      %dma_wait3A_304 = tpu.memref_squeeze %dma_wait3A_303 : memref<1x10000x64xf32, #tpu.memory_space<hbm>> -> memref<10000x64xf32, #tpu.memory_space<hbm>>
      %dma_wait3A_305 = arith.constant 0 : i32
      %dma_wait3A_306 = arith.constant 0 : i32
      %dma_wait3A_307 = tpu.memref_slice %dma_wait3A_304[%dma_wait3A_305, %dma_wait3A_306] : memref<10000x64xf32, #tpu.memory_space<hbm>> -> memref<10000x64xf32, #tpu.memory_space<hbm>>
      tpu.wait_indirect_dma semaphore(%arg18 : memref<!tpu.dma_semaphore, #tpu.memory_space<semaphore_mem>>) src(%dma_wait3A_307 : memref<10000x64xf32, #tpu.memory_space<hbm>>) dst(%arg14 : memref<128x64xf32, #tpu.memory_space<vmem>>)
      "tpu.region"() ({
        %run_scoped3A = tpu.sem_alloc : memref<!tpu.dma_semaphore, #tpu.memory_space<semaphore_mem>>
        %dma_start3A_322 = arith.constant 0 : i32
        %dma_start3A_323 = tpu.memref_slice %arg10[%add3A_296, %dma_start3A_322] : memref<80x128xi32, #tpu.memory_space<vmem>> -> memref<1x128xi32, #tpu.memory_space<vmem>>
        %dma_start3A_324 = tpu.memref_squeeze %dma_start3A_323 : memref<1x128xi32, #tpu.memory_space<vmem>> -> memref<128xi32, #tpu.memory_space<vmem>>
        %dma_start3A_325 = arith.constant 0 : i32
        %dma_start3A_326 = arith.constant 0 : i32
        %dma_start3A_327 = tpu.memref_slice %arg21[%dma_start3A_325, %dma_start3A_326] : memref<10240x64xf32, #tpu.memory_space<vmem_shared>> -> memref<10240x64xf32, #tpu.memory_space<vmem_shared>>
        tpu.enqueue_indirect_dma source(%arg14 : memref<128x64xf32, #tpu.memory_space<vmem>>) target(%dma_start3A_327 : memref<10240x64xf32, #tpu.memory_space<vmem_shared>>) offsets(%dma_start3A_324 : memref<128xi32, #tpu.memory_space<vmem>>) semaphore(%run_scoped3A : memref<!tpu.dma_semaphore, #tpu.memory_space<semaphore_mem>>) {add = true}
        %dma_wait3A_328 = arith.constant 0 : i32
        %dma_wait3A_329 = tpu.memref_slice %arg10[%add3A_296, %dma_wait3A_328] : memref<80x128xi32, #tpu.memory_space<vmem>> -> memref<1x128xi32, #tpu.memory_space<vmem>>
        %dma_wait3A_330 = tpu.memref_squeeze %dma_wait3A_329 : memref<1x128xi32, #tpu.memory_space<vmem>> -> memref<128xi32, #tpu.memory_space<vmem>>
        %dma_wait3A_331 = arith.constant 0 : i32
        %dma_wait3A_332 = arith.constant 0 : i32
        %dma_wait3A_333 = tpu.memref_slice %arg21[%dma_wait3A_331, %dma_wait3A_332] : memref<10240x64xf32, #tpu.memory_space<vmem_shared>> -> memref<10240x64xf32, #tpu.memory_space<vmem_shared>>
        tpu.wait_indirect_dma semaphore(%run_scoped3A : memref<!tpu.dma_semaphore, #tpu.memory_space<semaphore_mem>>) src(%arg14 : memref<128x64xf32, #tpu.memory_space<vmem>>) dst(%dma_wait3A_333 : memref<10240x64xf32, #tpu.memory_space<vmem_shared>>)
        tpu.yield
      }) : () -> ()
      %add3A_308 = arith.constant 4 : i32
      %add3A_309 = arith.addi %add3A_296, %add3A_308 : i32
      %min3A_310 = arith.constant 79 : i32
      %min3A_311 = arith.minsi %add3A_309, %min3A_310 : i32
      %dma_start3A_312 = arith.constant 0 : i32
      %dma_start3A_313 = tpu.memref_slice %arg9[%min3A_311, %dma_start3A_312] : memref<80x128xi32, #tpu.memory_space<vmem>> -> memref<1x128xi32, #tpu.memory_space<vmem>>
      %dma_start3A_314 = tpu.memref_squeeze %dma_start3A_313 : memref<1x128xi32, #tpu.memory_space<vmem>> -> memref<128xi32, #tpu.memory_space<vmem>>
      %dma_start3A_315 = arith.constant 0 : i32
      %dma_start3A_316 = arith.constant 0 : i32
      %dma_start3A_317 = tpu.memref_slice %arg4[%arg0, %dma_start3A_315, %dma_start3A_316] : memref<2x10000x64xf32, #tpu.memory_space<hbm>> -> memref<1x10000x64xf32, #tpu.memory_space<hbm>>
      %dma_start3A_318 = tpu.memref_squeeze %dma_start3A_317 : memref<1x10000x64xf32, #tpu.memory_space<hbm>> -> memref<10000x64xf32, #tpu.memory_space<hbm>>
      %dma_start3A_319 = arith.constant 0 : i32
      %dma_start3A_320 = arith.constant 0 : i32
      %dma_start3A_321 = tpu.memref_slice %dma_start3A_318[%dma_start3A_319, %dma_start3A_320] : memref<10000x64xf32, #tpu.memory_space<hbm>> -> memref<10000x64xf32, #tpu.memory_space<hbm>>
      tpu.enqueue_indirect_dma source(%dma_start3A_321 : memref<10000x64xf32, #tpu.memory_space<hbm>>) target(%arg14 : memref<128x64xf32, #tpu.memory_space<vmem>>) offsets(%dma_start3A_314 : memref<128xi32, #tpu.memory_space<vmem>>) semaphore(%arg18 : memref<!tpu.dma_semaphore, #tpu.memory_space<semaphore_mem>>)
    }
    %scan3A_150 = arith.constant 20 : i32
    %dma_wait3A_151 = arith.constant 0 : i32
    %dma_wait3A_152 = arith.constant 0 : i32
    %dma_wait3A_153 = tpu.memref_slice %arg9[%dma_wait3A_151, %dma_wait3A_152] : memref<80x128xi32, #tpu.memory_space<vmem>> -> memref<1x128xi32, #tpu.memory_space<vmem>>
    %dma_wait3A_154 = tpu.memref_squeeze %dma_wait3A_153 : memref<1x128xi32, #tpu.memory_space<vmem>> -> memref<128xi32, #tpu.memory_space<vmem>>
    %dma_wait3A_155 = arith.constant 0 : i32
    %dma_wait3A_156 = arith.constant 0 : i32
    %dma_wait3A_157 = tpu.memref_slice %arg4[%arg0, %dma_wait3A_155, %dma_wait3A_156] : memref<2x10000x64xf32, #tpu.memory_space<hbm>> -> memref<1x10000x64xf32, #tpu.memory_space<hbm>>
    %dma_wait3A_158 = tpu.memref_squeeze %dma_wait3A_157 : memref<1x10000x64xf32, #tpu.memory_space<hbm>> -> memref<10000x64xf32, #tpu.memory_space<hbm>>
    %dma_wait3A_159 = arith.constant 0 : i32
    %dma_wait3A_160 = arith.constant 0 : i32
    %dma_wait3A_161 = tpu.memref_slice %dma_wait3A_158[%dma_wait3A_159, %dma_wait3A_160] : memref<10000x64xf32, #tpu.memory_space<hbm>> -> memref<10000x64xf32, #tpu.memory_space<hbm>>
    tpu.wait_indirect_dma semaphore(%arg15 : memref<!tpu.dma_semaphore, #tpu.memory_space<semaphore_mem>>) src(%dma_wait3A_161 : memref<10000x64xf32, #tpu.memory_space<hbm>>) dst(%arg11 : memref<128x64xf32, #tpu.memory_space<vmem>>)
    %dma_wait3A_162 = arith.constant 1 : i32
    %dma_wait3A_163 = arith.constant 0 : i32
    %dma_wait3A_164 = tpu.memref_slice %arg9[%dma_wait3A_162, %dma_wait3A_163] : memref<80x128xi32, #tpu.memory_space<vmem>> -> memref<1x128xi32, #tpu.memory_space<vmem>>
    %dma_wait3A_165 = tpu.memref_squeeze %dma_wait3A_164 : memref<1x128xi32, #tpu.memory_space<vmem>> -> memref<128xi32, #tpu.memory_space<vmem>>
    %dma_wait3A_166 = arith.constant 0 : i32
    %dma_wait3A_167 = arith.constant 0 : i32
    %dma_wait3A_168 = tpu.memref_slice %arg4[%arg0, %dma_wait3A_166, %dma_wait3A_167] : memref<2x10000x64xf32, #tpu.memory_space<hbm>> -> memref<1x10000x64xf32, #tpu.memory_space<hbm>>
    %dma_wait3A_169 = tpu.memref_squeeze %dma_wait3A_168 : memref<1x10000x64xf32, #tpu.memory_space<hbm>> -> memref<10000x64xf32, #tpu.memory_space<hbm>>
    %dma_wait3A_170 = arith.constant 0 : i32
    %dma_wait3A_171 = arith.constant 0 : i32
    %dma_wait3A_172 = tpu.memref_slice %dma_wait3A_169[%dma_wait3A_170, %dma_wait3A_171] : memref<10000x64xf32, #tpu.memory_space<hbm>> -> memref<10000x64xf32, #tpu.memory_space<hbm>>
    tpu.wait_indirect_dma semaphore(%arg16 : memref<!tpu.dma_semaphore, #tpu.memory_space<semaphore_mem>>) src(%dma_wait3A_172 : memref<10000x64xf32, #tpu.memory_space<hbm>>) dst(%arg12 : memref<128x64xf32, #tpu.memory_space<vmem>>)
    %dma_wait3A_173 = arith.constant 2 : i32
    %dma_wait3A_174 = arith.constant 0 : i32
    %dma_wait3A_175 = tpu.memref_slice %arg9[%dma_wait3A_173, %dma_wait3A_174] : memref<80x128xi32, #tpu.memory_space<vmem>> -> memref<1x128xi32, #tpu.memory_space<vmem>>
    %dma_wait3A_176 = tpu.memref_squeeze %dma_wait3A_175 : memref<1x128xi32, #tpu.memory_space<vmem>> -> memref<128xi32, #tpu.memory_space<vmem>>
    %dma_wait3A_177 = arith.constant 0 : i32
    %dma_wait3A_178 = arith.constant 0 : i32
    %dma_wait3A_179 = tpu.memref_slice %arg4[%arg0, %dma_wait3A_177, %dma_wait3A_178] : memref<2x10000x64xf32, #tpu.memory_space<hbm>> -> memref<1x10000x64xf32, #tpu.memory_space<hbm>>
    %dma_wait3A_180 = tpu.memref_squeeze %dma_wait3A_179 : memref<1x10000x64xf32, #tpu.memory_space<hbm>> -> memref<10000x64xf32, #tpu.memory_space<hbm>>
    %dma_wait3A_181 = arith.constant 0 : i32
    %dma_wait3A_182 = arith.constant 0 : i32
    %dma_wait3A_183 = tpu.memref_slice %dma_wait3A_180[%dma_wait3A_181, %dma_wait3A_182] : memref<10000x64xf32, #tpu.memory_space<hbm>> -> memref<10000x64xf32, #tpu.memory_space<hbm>>
    tpu.wait_indirect_dma semaphore(%arg17 : memref<!tpu.dma_semaphore, #tpu.memory_space<semaphore_mem>>) src(%dma_wait3A_183 : memref<10000x64xf32, #tpu.memory_space<hbm>>) dst(%arg13 : memref<128x64xf32, #tpu.memory_space<vmem>>)
    %dma_wait3A_184 = arith.constant 3 : i32
    %dma_wait3A_185 = arith.constant 0 : i32
    %dma_wait3A_186 = tpu.memref_slice %arg9[%dma_wait3A_184, %dma_wait3A_185] : memref<80x128xi32, #tpu.memory_space<vmem>> -> memref<1x128xi32, #tpu.memory_space<vmem>>
    %dma_wait3A_187 = tpu.memref_squeeze %dma_wait3A_186 : memref<1x128xi32, #tpu.memory_space<vmem>> -> memref<128xi32, #tpu.memory_space<vmem>>
    %dma_wait3A_188 = arith.constant 0 : i32
    %dma_wait3A_189 = arith.constant 0 : i32
    %dma_wait3A_190 = tpu.memref_slice %arg4[%arg0, %dma_wait3A_188, %dma_wait3A_189] : memref<2x10000x64xf32, #tpu.memory_space<hbm>> -> memref<1x10000x64xf32, #tpu.memory_space<hbm>>
    %dma_wait3A_191 = tpu.memref_squeeze %dma_wait3A_190 : memref<1x10000x64xf32, #tpu.memory_space<hbm>> -> memref<10000x64xf32, #tpu.memory_space<hbm>>
    %dma_wait3A_192 = arith.constant 0 : i32
    %dma_wait3A_193 = arith.constant 0 : i32
    %dma_wait3A_194 = tpu.memref_slice %dma_wait3A_191[%dma_wait3A_192, %dma_wait3A_193] : memref<10000x64xf32, #tpu.memory_space<hbm>> -> memref<10000x64xf32, #tpu.memory_space<hbm>>
    tpu.wait_indirect_dma semaphore(%arg18 : memref<!tpu.dma_semaphore, #tpu.memory_space<semaphore_mem>>) src(%dma_wait3A_194 : memref<10000x64xf32, #tpu.memory_space<hbm>>) dst(%arg14 : memref<128x64xf32, #tpu.memory_space<vmem>>)
    %barrier3A_195 = arith.constant 0 : index
    tpu.barrier barrier_id(%barrier3A_195)
    %add3A_196 = arith.constant 0 : i32
    %add3A_197 = arith.addi %mul3A_0, %add3A_196 : i32
    "tpu.region"() ({
      %run_scoped3A = tpu.sem_alloc : memref<!tpu.dma_semaphore, #tpu.memory_space<semaphore_mem>>
      %dma_start3A_206 = arith.constant 0 : i32
      %dma_start3A_207 = tpu.memref_slice %arg21[%add3A_197, %dma_start3A_206] : memref<10240x64xf32, #tpu.memory_space<vmem_shared>> -> memref<128x64xf32, #tpu.memory_space<vmem_shared>>
      %dma_start3A_208 = arith.constant 0 : i32
      %dma_start3A_209 = tpu.memref_slice %arg21[%add3A_197, %dma_start3A_208] : memref<10240x64xf32, #tpu.memory_space<vmem_shared>> -> memref<128x64xf32, #tpu.memory_space<vmem_shared>>
      tpu.enqueue_dma source(%dma_start3A_209 : memref<128x64xf32, #tpu.memory_space<vmem_shared>>) target(%arg11 : memref<128x64xf32, #tpu.memory_space<vmem>>) target_semaphore(%run_scoped3A : memref<!tpu.dma_semaphore, #tpu.memory_space<semaphore_mem>>)
      %dma_wait3A_210 = arith.constant 0 : i32
      %dma_wait3A_211 = tpu.memref_slice %arg21[%add3A_197, %dma_wait3A_210] : memref<10240x64xf32, #tpu.memory_space<vmem_shared>> -> memref<128x64xf32, #tpu.memory_space<vmem_shared>>
      %dma_wait3A_212 = arith.constant 0 : i32
      %dma_wait3A_213 = tpu.memref_slice %arg21[%add3A_197, %dma_wait3A_212] : memref<10240x64xf32, #tpu.memory_space<vmem_shared>> -> memref<128x64xf32, #tpu.memory_space<vmem_shared>>
      tpu.wait_dma2 semaphore(%run_scoped3A : memref<!tpu.dma_semaphore, #tpu.memory_space<semaphore_mem>>) src(%dma_wait3A_213 : memref<128x64xf32, #tpu.memory_space<vmem_shared>>) dst(%arg11 : memref<128x64xf32, #tpu.memory_space<vmem>>)
      tpu.yield
    }) : () -> ()
    "tpu.region"() ({
      %run_scoped3A = tpu.sem_alloc : memref<!tpu.dma_semaphore, #tpu.memory_space<semaphore_mem>>
      %dma_start3A_206 = arith.constant 0 : i32
      %dma_start3A_207 = tpu.memref_slice %arg8[%arg0, %add3A_197, %dma_start3A_206] : memref<2x10240x64xf32, #tpu.memory_space<hbm>> -> memref<1x128x64xf32, #tpu.memory_space<hbm>>
      %dma_start3A_208 = tpu.memref_squeeze %dma_start3A_207 : memref<1x128x64xf32, #tpu.memory_space<hbm>> -> memref<128x64xf32, #tpu.memory_space<hbm>>
      %dma_start3A_209 = arith.constant 0 : i32
      %dma_start3A_210 = tpu.memref_slice %arg8[%arg0, %add3A_197, %dma_start3A_209] : memref<2x10240x64xf32, #tpu.memory_space<hbm>> -> memref<1x128x64xf32, #tpu.memory_space<hbm>>
      %dma_start3A_211 = tpu.memref_squeeze %dma_start3A_210 : memref<1x128x64xf32, #tpu.memory_space<hbm>> -> memref<128x64xf32, #tpu.memory_space<hbm>>
      tpu.enqueue_dma source(%arg11 : memref<128x64xf32, #tpu.memory_space<vmem>>) target(%dma_start3A_211 : memref<128x64xf32, #tpu.memory_space<hbm>>) target_semaphore(%run_scoped3A : memref<!tpu.dma_semaphore, #tpu.memory_space<semaphore_mem>>)
      %dma_wait3A_212 = arith.constant 0 : i32
      %dma_wait3A_213 = tpu.memref_slice %arg8[%arg0, %add3A_197, %dma_wait3A_212] : memref<2x10240x64xf32, #tpu.memory_space<hbm>> -> memref<1x128x64xf32, #tpu.memory_space<hbm>>
      %dma_wait3A_214 = tpu.memref_squeeze %dma_wait3A_213 : memref<1x128x64xf32, #tpu.memory_space<hbm>> -> memref<128x64xf32, #tpu.memory_space<hbm>>
      %dma_wait3A_215 = arith.constant 0 : i32
      %dma_wait3A_216 = tpu.memref_slice %arg8[%arg0, %add3A_197, %dma_wait3A_215] : memref<2x10240x64xf32, #tpu.memory_space<hbm>> -> memref<1x128x64xf32, #tpu.memory_space<hbm>>
      %dma_wait3A_217 = tpu.memref_squeeze %dma_wait3A_216 : memref<1x128x64xf32, #tpu.memory_space<hbm>> -> memref<128x64xf32, #tpu.memory_space<hbm>>
      tpu.wait_dma2 semaphore(%run_scoped3A : memref<!tpu.dma_semaphore, #tpu.memory_space<semaphore_mem>>) src(%arg11 : memref<128x64xf32, #tpu.memory_space<vmem>>) dst(%dma_wait3A_217 : memref<128x64xf32, #tpu.memory_space<hbm>>)
      tpu.yield
    }) : () -> ()
    %add3A_198 = arith.constant 128 : i32
    %add3A_199 = arith.addi %mul3A_0, %add3A_198 : i32
    "tpu.region"() ({
      %run_scoped3A = tpu.sem_alloc : memref<!tpu.dma_semaphore, #tpu.memory_space<semaphore_mem>>
      %dma_start3A_206 = arith.constant 0 : i32
      %dma_start3A_207 = tpu.memref_slice %arg21[%add3A_199, %dma_start3A_206] : memref<10240x64xf32, #tpu.memory_space<vmem_shared>> -> memref<128x64xf32, #tpu.memory_space<vmem_shared>>
      %dma_start3A_208 = arith.constant 0 : i32
      %dma_start3A_209 = tpu.memref_slice %arg21[%add3A_199, %dma_start3A_208] : memref<10240x64xf32, #tpu.memory_space<vmem_shared>> -> memref<128x64xf32, #tpu.memory_space<vmem_shared>>
      tpu.enqueue_dma source(%dma_start3A_209 : memref<128x64xf32, #tpu.memory_space<vmem_shared>>) target(%arg11 : memref<128x64xf32, #tpu.memory_space<vmem>>) target_semaphore(%run_scoped3A : memref<!tpu.dma_semaphore, #tpu.memory_space<semaphore_mem>>)
      %dma_wait3A_210 = arith.constant 0 : i32
      %dma_wait3A_211 = tpu.memref_slice %arg21[%add3A_199, %dma_wait3A_210] : memref<10240x64xf32, #tpu.memory_space<vmem_shared>> -> memref<128x64xf32, #tpu.memory_space<vmem_shared>>
      %dma_wait3A_212 = arith.constant 0 : i32
      %dma_wait3A_213 = tpu.memref_slice %arg21[%add3A_199, %dma_wait3A_212] : memref<10240x64xf32, #tpu.memory_space<vmem_shared>> -> memref<128x64xf32, #tpu.memory_space<vmem_shared>>
      tpu.wait_dma2 semaphore(%run_scoped3A : memref<!tpu.dma_semaphore, #tpu.memory_space<semaphore_mem>>) src(%dma_wait3A_213 : memref<128x64xf32, #tpu.memory_space<vmem_shared>>) dst(%arg11 : memref<128x64xf32, #tpu.memory_space<vmem>>)
      tpu.yield
    }) : () -> ()
    "tpu.region"() ({
      %run_scoped3A = tpu.sem_alloc : memref<!tpu.dma_semaphore, #tpu.memory_space<semaphore_mem>>
      %dma_start3A_206 = arith.constant 0 : i32
      %dma_start3A_207 = tpu.memref_slice %arg8[%arg0, %add3A_199, %dma_start3A_206] : memref<2x10240x64xf32, #tpu.memory_space<hbm>> -> memref<1x128x64xf32, #tpu.memory_space<hbm>>
      %dma_start3A_208 = tpu.memref_squeeze %dma_start3A_207 : memref<1x128x64xf32, #tpu.memory_space<hbm>> -> memref<128x64xf32, #tpu.memory_space<hbm>>
      %dma_start3A_209 = arith.constant 0 : i32
      %dma_start3A_210 = tpu.memref_slice %arg8[%arg0, %add3A_199, %dma_start3A_209] : memref<2x10240x64xf32, #tpu.memory_space<hbm>> -> memref<1x128x64xf32, #tpu.memory_space<hbm>>
      %dma_start3A_211 = tpu.memref_squeeze %dma_start3A_210 : memref<1x128x64xf32, #tpu.memory_space<hbm>> -> memref<128x64xf32, #tpu.memory_space<hbm>>
      tpu.enqueue_dma source(%arg11 : memref<128x64xf32, #tpu.memory_space<vmem>>) target(%dma_start3A_211 : memref<128x64xf32, #tpu.memory_space<hbm>>) target_semaphore(%run_scoped3A : memref<!tpu.dma_semaphore, #tpu.memory_space<semaphore_mem>>)
      %dma_wait3A_212 = arith.constant 0 : i32
      %dma_wait3A_213 = tpu.memref_slice %arg8[%arg0, %add3A_199, %dma_wait3A_212] : memref<2x10240x64xf32, #tpu.memory_space<hbm>> -> memref<1x128x64xf32, #tpu.memory_space<hbm>>
      %dma_wait3A_214 = tpu.memref_squeeze %dma_wait3A_213 : memref<1x128x64xf32, #tpu.memory_space<hbm>> -> memref<128x64xf32, #tpu.memory_space<hbm>>
      %dma_wait3A_215 = arith.constant 0 : i32
      %dma_wait3A_216 = tpu.memref_slice %arg8[%arg0, %add3A_199, %dma_wait3A_215] : memref<2x10240x64xf32, #tpu.memory_space<hbm>> -> memref<1x128x64xf32, #tpu.memory_space<hbm>>
      %dma_wait3A_217 = tpu.memref_squeeze %dma_wait3A_216 : memref<1x128x64xf32, #tpu.memory_space<hbm>> -> memref<128x64xf32, #tpu.memory_space<hbm>>
      tpu.wait_dma2 semaphore(%run_scoped3A : memref<!tpu.dma_semaphore, #tpu.memory_space<semaphore_mem>>) src(%arg11 : memref<128x64xf32, #tpu.memory_space<vmem>>) dst(%dma_wait3A_217 : memref<128x64xf32, #tpu.memory_space<hbm>>)
      tpu.yield
    }) : () -> ()
    %add3A_200 = arith.constant 256 : i32
    %add3A_201 = arith.addi %mul3A_0, %add3A_200 : i32
    "tpu.region"() ({
      %run_scoped3A = tpu.sem_alloc : memref<!tpu.dma_semaphore, #tpu.memory_space<semaphore_mem>>
      %dma_start3A_206 = arith.constant 0 : i32
      %dma_start3A_207 = tpu.memref_slice %arg21[%add3A_201, %dma_start3A_206] : memref<10240x64xf32, #tpu.memory_space<vmem_shared>> -> memref<128x64xf32, #tpu.memory_space<vmem_shared>>
      %dma_start3A_208 = arith.constant 0 : i32
      %dma_start3A_209 = tpu.memref_slice %arg21[%add3A_201, %dma_start3A_208] : memref<10240x64xf32, #tpu.memory_space<vmem_shared>> -> memref<128x64xf32, #tpu.memory_space<vmem_shared>>
      tpu.enqueue_dma source(%dma_start3A_209 : memref<128x64xf32, #tpu.memory_space<vmem_shared>>) target(%arg11 : memref<128x64xf32, #tpu.memory_space<vmem>>) target_semaphore(%run_scoped3A : memref<!tpu.dma_semaphore, #tpu.memory_space<semaphore_mem>>)
      %dma_wait3A_210 = arith.constant 0 : i32
      %dma_wait3A_211 = tpu.memref_slice %arg21[%add3A_201, %dma_wait3A_210] : memref<10240x64xf32, #tpu.memory_space<vmem_shared>> -> memref<128x64xf32, #tpu.memory_space<vmem_shared>>
      %dma_wait3A_212 = arith.constant 0 : i32
      %dma_wait3A_213 = tpu.memref_slice %arg21[%add3A_201, %dma_wait3A_212] : memref<10240x64xf32, #tpu.memory_space<vmem_shared>> -> memref<128x64xf32, #tpu.memory_space<vmem_shared>>
      tpu.wait_dma2 semaphore(%run_scoped3A : memref<!tpu.dma_semaphore, #tpu.memory_space<semaphore_mem>>) src(%dma_wait3A_213 : memref<128x64xf32, #tpu.memory_space<vmem_shared>>) dst(%arg11 : memref<128x64xf32, #tpu.memory_space<vmem>>)
      tpu.yield
    }) : () -> ()
    "tpu.region"() ({
      %run_scoped3A = tpu.sem_alloc : memref<!tpu.dma_semaphore, #tpu.memory_space<semaphore_mem>>
      %dma_start3A_206 = arith.constant 0 : i32
      %dma_start3A_207 = tpu.memref_slice %arg8[%arg0, %add3A_201, %dma_start3A_206] : memref<2x10240x64xf32, #tpu.memory_space<hbm>> -> memref<1x128x64xf32, #tpu.memory_space<hbm>>
      %dma_start3A_208 = tpu.memref_squeeze %dma_start3A_207 : memref<1x128x64xf32, #tpu.memory_space<hbm>> -> memref<128x64xf32, #tpu.memory_space<hbm>>
      %dma_start3A_209 = arith.constant 0 : i32
      %dma_start3A_210 = tpu.memref_slice %arg8[%arg0, %add3A_201, %dma_start3A_209] : memref<2x10240x64xf32, #tpu.memory_space<hbm>> -> memref<1x128x64xf32, #tpu.memory_space<hbm>>
      %dma_start3A_211 = tpu.memref_squeeze %dma_start3A_210 : memref<1x128x64xf32, #tpu.memory_space<hbm>> -> memref<128x64xf32, #tpu.memory_space<hbm>>
      tpu.enqueue_dma source(%arg11 : memref<128x64xf32, #tpu.memory_space<vmem>>) target(%dma_start3A_211 : memref<128x64xf32, #tpu.memory_space<hbm>>) target_semaphore(%run_scoped3A : memref<!tpu.dma_semaphore, #tpu.memory_space<semaphore_mem>>)
      %dma_wait3A_212 = arith.constant 0 : i32
      %dma_wait3A_213 = tpu.memref_slice %arg8[%arg0, %add3A_201, %dma_wait3A_212] : memref<2x10240x64xf32, #tpu.memory_space<hbm>> -> memref<1x128x64xf32, #tpu.memory_space<hbm>>
      %dma_wait3A_214 = tpu.memref_squeeze %dma_wait3A_213 : memref<1x128x64xf32, #tpu.memory_space<hbm>> -> memref<128x64xf32, #tpu.memory_space<hbm>>
      %dma_wait3A_215 = arith.constant 0 : i32
      %dma_wait3A_216 = tpu.memref_slice %arg8[%arg0, %add3A_201, %dma_wait3A_215] : memref<2x10240x64xf32, #tpu.memory_space<hbm>> -> memref<1x128x64xf32, #tpu.memory_space<hbm>>
      %dma_wait3A_217 = tpu.memref_squeeze %dma_wait3A_216 : memref<1x128x64xf32, #tpu.memory_space<hbm>> -> memref<128x64xf32, #tpu.memory_space<hbm>>
      tpu.wait_dma2 semaphore(%run_scoped3A : memref<!tpu.dma_semaphore, #tpu.memory_space<semaphore_mem>>) src(%arg11 : memref<128x64xf32, #tpu.memory_space<vmem>>) dst(%dma_wait3A_217 : memref<128x64xf32, #tpu.memory_space<hbm>>)
      tpu.yield
    }) : () -> ()
    %add3A_202 = arith.constant 384 : i32
    %add3A_203 = arith.addi %mul3A_0, %add3A_202 : i32
    "tpu.region"() ({
      %run_scoped3A = tpu.sem_alloc : memref<!tpu.dma_semaphore, #tpu.memory_space<semaphore_mem>>
      %dma_start3A_206 = arith.constant 0 : i32
      %dma_start3A_207 = tpu.memref_slice %arg21[%add3A_203, %dma_start3A_206] : memref<10240x64xf32, #tpu.memory_space<vmem_shared>> -> memref<128x64xf32, #tpu.memory_space<vmem_shared>>
      %dma_start3A_208 = arith.constant 0 : i32
      %dma_start3A_209 = tpu.memref_slice %arg21[%add3A_203, %dma_start3A_208] : memref<10240x64xf32, #tpu.memory_space<vmem_shared>> -> memref<128x64xf32, #tpu.memory_space<vmem_shared>>
      tpu.enqueue_dma source(%dma_start3A_209 : memref<128x64xf32, #tpu.memory_space<vmem_shared>>) target(%arg11 : memref<128x64xf32, #tpu.memory_space<vmem>>) target_semaphore(%run_scoped3A : memref<!tpu.dma_semaphore, #tpu.memory_space<semaphore_mem>>)
      %dma_wait3A_210 = arith.constant 0 : i32
      %dma_wait3A_211 = tpu.memref_slice %arg21[%add3A_203, %dma_wait3A_210] : memref<10240x64xf32, #tpu.memory_space<vmem_shared>> -> memref<128x64xf32, #tpu.memory_space<vmem_shared>>
      %dma_wait3A_212 = arith.constant 0 : i32
      %dma_wait3A_213 = tpu.memref_slice %arg21[%add3A_203, %dma_wait3A_212] : memref<10240x64xf32, #tpu.memory_space<vmem_shared>> -> memref<128x64xf32, #tpu.memory_space<vmem_shared>>
      tpu.wait_dma2 semaphore(%run_scoped3A : memref<!tpu.dma_semaphore, #tpu.memory_space<semaphore_mem>>) src(%dma_wait3A_213 : memref<128x64xf32, #tpu.memory_space<vmem_shared>>) dst(%arg11 : memref<128x64xf32, #tpu.memory_space<vmem>>)
      tpu.yield
    }) : () -> ()
    "tpu.region"() ({
      %run_scoped3A = tpu.sem_alloc : memref<!tpu.dma_semaphore, #tpu.memory_space<semaphore_mem>>
      %dma_start3A_206 = arith.constant 0 : i32
      %dma_start3A_207 = tpu.memref_slice %arg8[%arg0, %add3A_203, %dma_start3A_206] : memref<2x10240x64xf32, #tpu.memory_space<hbm>> -> memref<1x128x64xf32, #tpu.memory_space<hbm>>
      %dma_start3A_208 = tpu.memref_squeeze %dma_start3A_207 : memref<1x128x64xf32, #tpu.memory_space<hbm>> -> memref<128x64xf32, #tpu.memory_space<hbm>>
      %dma_start3A_209 = arith.constant 0 : i32
      %dma_start3A_210 = tpu.memref_slice %arg8[%arg0, %add3A_203, %dma_start3A_209] : memref<2x10240x64xf32, #tpu.memory_space<hbm>> -> memref<1x128x64xf32, #tpu.memory_space<hbm>>
      %dma_start3A_211 = tpu.memref_squeeze %dma_start3A_210 : memref<1x128x64xf32, #tpu.memory_space<hbm>> -> memref<128x64xf32, #tpu.memory_space<hbm>>
      tpu.enqueue_dma source(%arg11 : memref<128x64xf32, #tpu.memory_space<vmem>>) target(%dma_start3A_211 : memref<128x64xf32, #tpu.memory_space<hbm>>) target_semaphore(%run_scoped3A : memref<!tpu.dma_semaphore, #tpu.memory_space<semaphore_mem>>)
      %dma_wait3A_212 = arith.constant 0 : i32
      %dma_wait3A_213 = tpu.memref_slice %arg8[%arg0, %add3A_203, %dma_wait3A_212] : memref<2x10240x64xf32, #tpu.memory_space<hbm>> -> memref<1x128x64xf32, #tpu.memory_space<hbm>>
      %dma_wait3A_214 = tpu.memref_squeeze %dma_wait3A_213 : memref<1x128x64xf32, #tpu.memory_space<hbm>> -> memref<128x64xf32, #tpu.memory_space<hbm>>
      %dma_wait3A_215 = arith.constant 0 : i32
      %dma_wait3A_216 = tpu.memref_slice %arg8[%arg0, %add3A_203, %dma_wait3A_215] : memref<2x10240x64xf32, #tpu.memory_space<hbm>> -> memref<1x128x64xf32, #tpu.memory_space<hbm>>
      %dma_wait3A_217 = tpu.memref_squeeze %dma_wait3A_216 : memref<1x128x64xf32, #tpu.memory_space<hbm>> -> memref<128x64xf32, #tpu.memory_space<hbm>>
      tpu.wait_dma2 semaphore(%run_scoped3A : memref<!tpu.dma_semaphore, #tpu.memory_space<semaphore_mem>>) src(%arg11 : memref<128x64xf32, #tpu.memory_space<vmem>>) dst(%dma_wait3A_217 : memref<128x64xf32, #tpu.memory_space<hbm>>)
      tpu.yield
    }) : () -> ()
    %add3A_204 = arith.constant 512 : i32
    %add3A_205 = arith.addi %mul3A_0, %add3A_204 : i32
    "tpu.region"() ({
      %run_scoped3A = tpu.sem_alloc : memref<!tpu.dma_semaphore, #tpu.memory_space<semaphore_mem>>
      %dma_start3A_206 = arith.constant 0 : i32
      %dma_start3A_207 = tpu.memref_slice %arg21[%add3A_205, %dma_start3A_206] : memref<10240x64xf32, #tpu.memory_space<vmem_shared>> -> memref<128x64xf32, #tpu.memory_space<vmem_shared>>
      %dma_start3A_208 = arith.constant 0 : i32
      %dma_start3A_209 = tpu.memref_slice %arg21[%add3A_205, %dma_start3A_208] : memref<10240x64xf32, #tpu.memory_space<vmem_shared>> -> memref<128x64xf32, #tpu.memory_space<vmem_shared>>
      tpu.enqueue_dma source(%dma_start3A_209 : memref<128x64xf32, #tpu.memory_space<vmem_shared>>) target(%arg11 : memref<128x64xf32, #tpu.memory_space<vmem>>) target_semaphore(%run_scoped3A : memref<!tpu.dma_semaphore, #tpu.memory_space<semaphore_mem>>)
      %dma_wait3A_210 = arith.constant 0 : i32
      %dma_wait3A_211 = tpu.memref_slice %arg21[%add3A_205, %dma_wait3A_210] : memref<10240x64xf32, #tpu.memory_space<vmem_shared>> -> memref<128x64xf32, #tpu.memory_space<vmem_shared>>
      %dma_wait3A_212 = arith.constant 0 : i32
      %dma_wait3A_213 = tpu.memref_slice %arg21[%add3A_205, %dma_wait3A_212] : memref<10240x64xf32, #tpu.memory_space<vmem_shared>> -> memref<128x64xf32, #tpu.memory_space<vmem_shared>>
      tpu.wait_dma2 semaphore(%run_scoped3A : memref<!tpu.dma_semaphore, #tpu.memory_space<semaphore_mem>>) src(%dma_wait3A_213 : memref<128x64xf32, #tpu.memory_space<vmem_shared>>) dst(%arg11 : memref<128x64xf32, #tpu.memory_space<vmem>>)
      tpu.yield
    }) : () -> ()
    "tpu.region"() ({
      %run_scoped3A = tpu.sem_alloc : memref<!tpu.dma_semaphore, #tpu.memory_space<semaphore_mem>>
      %dma_start3A_206 = arith.constant 0 : i32
      %dma_start3A_207 = tpu.memref_slice %arg8[%arg0, %add3A_205, %dma_start3A_206] : memref<2x10240x64xf32, #tpu.memory_space<hbm>> -> memref<1x128x64xf32, #tpu.memory_space<hbm>>
      %dma_start3A_208 = tpu.memref_squeeze %dma_start3A_207 : memref<1x128x64xf32, #tpu.memory_space<hbm>> -> memref<128x64xf32, #tpu.memory_space<hbm>>
      %dma_start3A_209 = arith.constant 0 : i32
      %dma_start3A_210 = tpu.memref_slice %arg8[%arg0, %add3A_205, %dma_start3A_209] : memref<2x10240x64xf32, #tpu.memory_space<hbm>> -> memref<1x128x64xf32, #tpu.memory_space<hbm>>
      %dma_start3A_211 = tpu.memref_squeeze %dma_start3A_210 : memref<1x128x64xf32, #tpu.memory_space<hbm>> -> memref<128x64xf32, #tpu.memory_space<hbm>>
      tpu.enqueue_dma source(%arg11 : memref<128x64xf32, #tpu.memory_space<vmem>>) target(%dma_start3A_211 : memref<128x64xf32, #tpu.memory_space<hbm>>) target_semaphore(%run_scoped3A : memref<!tpu.dma_semaphore, #tpu.memory_space<semaphore_mem>>)
      %dma_wait3A_212 = arith.constant 0 : i32
      %dma_wait3A_213 = tpu.memref_slice %arg8[%arg0, %add3A_205, %dma_wait3A_212] : memref<2x10240x64xf32, #tpu.memory_space<hbm>> -> memref<1x128x64xf32, #tpu.memory_space<hbm>>
      %dma_wait3A_214 = tpu.memref_squeeze %dma_wait3A_213 : memref<1x128x64xf32, #tpu.memory_space<hbm>> -> memref<128x64xf32, #tpu.memory_space<hbm>>
      %dma_wait3A_215 = arith.constant 0 : i32
      %dma_wait3A_216 = tpu.memref_slice %arg8[%arg0, %add3A_205, %dma_wait3A_215] : memref<2x10240x64xf32, #tpu.memory_space<hbm>> -> memref<1x128x64xf32, #tpu.memory_space<hbm>>
      %dma_wait3A_217 = tpu.memref_squeeze %dma_wait3A_216 : memref<1x128x64xf32, #tpu.memory_space<hbm>> -> memref<128x64xf32, #tpu.memory_space<hbm>>
      tpu.wait_dma2 semaphore(%run_scoped3A : memref<!tpu.dma_semaphore, #tpu.memory_space<semaphore_mem>>) src(%arg11 : memref<128x64xf32, #tpu.memory_space<vmem>>) dst(%dma_wait3A_217 : memref<128x64xf32, #tpu.memory_space<hbm>>)
      tpu.yield
    }) : () -> ()
    return
  }
}

module attributes {stable_mosaic.version = 14 : i64} {
  func.func @_mm2_body(%arg0: i32, %arg1: memref<1000x128xf32, #tpu.memory_space<vmem>>, %arg2: memref<128x256xf32, #tpu.memory_space<vmem>>, %arg3: memref<2x1000x64xf32, #tpu.memory_space<vmem>>, %arg4: memref<1000x128xf32, #tpu.memory_space<vmem>>) attributes {dimension_semantics = [#tpu.dimension_semantics<arbitrary>], iteration_bounds = array<i64: 10>, scalar_prefetch = 0 : i64, scratch_operands = 0 : i64, tpu.core_type = #tpu.core_type<tc>, window_params = [{transform_indices = @transform_0, window_bounds = array<i64: 1000, 128>}, {pipeline_mode = #tpu.pipeline_mode<synchronous>, transform_indices = @transform_1, window_bounds = array<i64: 128, 256>}, {transform_indices = @transform_2, window_bounds = array<i64: 2, 1000, 64>}, {transform_indices = @transform_3, window_bounds = array<i64: 1000, 128>}]} {
    %get3A = arith.constant 0 : index
    %get3A_0 = arith.constant 0 : index
    %get3A_1 = vector.load %arg1[%get3A, %get3A_0] : memref<1000x128xf32, #tpu.memory_space<vmem>>, vector<1000x128xf32>
    %get3A_2 = arith.constant 0 : index
    %get3A_3 = arith.constant 0 : index
    %get3A_4 = vector.load %arg2[%get3A_2, %get3A_3] : memref<128x256xf32, #tpu.memory_space<vmem>>, vector<128x256xf32>
    %dot_general3A = arith.constant dense<0.000000e+00> : vector<1000x256xf32>
    %dot_general3A_5 = tpu.matmul %get3A_1, %get3A_4, %dot_general3A {dimension_numbers = #tpu.dot_dimension_numbers<[1], [0], [0], [1], [0, 0, 1, 1], [], []>, transpose_lhs_hint = false} : vector<1000x128xf32>, vector<128x256xf32>, vector<1000x256xf32> -> vector<1000x256xf32>
    %slice3A = vector.extract_strided_slice %dot_general3A_5 {offsets = [0, 0], sizes = [1000, 64], strides = [1, 1]} : vector<1000x256xf32> to vector<1000x64xf32>
    %swap3A = arith.constant 0 : index
    %swap3A_6 = arith.constant 0 : index
    %swap3A_7 = arith.constant 0 : index
    %swap3A_8 = vector.load %arg3[%swap3A, %swap3A_6, %swap3A_7] : memref<2x1000x64xf32, #tpu.memory_space<vmem>>, vector<1x1000x64xf32>
    %swap3A_9 = vector.shape_cast %swap3A_8 : vector<1x1000x64xf32> to vector<1000x64xf32>
    %swap3A_10 = vector.shape_cast %slice3A : vector<1000x64xf32> to vector<1x1000x64xf32>
    tpu.vector_store %arg3[%swap3A, %swap3A_6, %swap3A_7], %swap3A_10 {strides = array<i32>} : memref<2x1000x64xf32, #tpu.memory_space<vmem>>, vector<1x1000x64xf32>,
    %slice3A_11 = vector.extract_strided_slice %dot_general3A_5 {offsets = [0, 64], sizes = [1000, 64], strides = [1, 1]} : vector<1000x256xf32> to vector<1000x64xf32>
    %swap3A_12 = arith.constant 1 : index
    %swap3A_13 = arith.constant 0 : index
    %swap3A_14 = arith.constant 0 : index
    %swap3A_15 = vector.load %arg3[%swap3A_12, %swap3A_13, %swap3A_14] : memref<2x1000x64xf32, #tpu.memory_space<vmem>>, vector<1x1000x64xf32>
    %swap3A_16 = vector.shape_cast %swap3A_15 : vector<1x1000x64xf32> to vector<1000x64xf32>
    %swap3A_17 = vector.shape_cast %slice3A_11 : vector<1000x64xf32> to vector<1x1000x64xf32>
    tpu.vector_store %arg3[%swap3A_12, %swap3A_13, %swap3A_14], %swap3A_17 {strides = array<i32>} : memref<2x1000x64xf32, #tpu.memory_space<vmem>>, vector<1x1000x64xf32>,
    %slice3A_18 = vector.extract_strided_slice %dot_general3A_5 {offsets = [0, 128], sizes = [1000, 128], strides = [1, 1]} : vector<1000x256xf32> to vector<1000x128xf32>
    %swap3A_19 = arith.constant 0 : index
    %swap3A_20 = arith.constant 0 : index
    %swap3A_21 = vector.load %arg4[%swap3A_19, %swap3A_20] : memref<1000x128xf32, #tpu.memory_space<vmem>>, vector<1000x128xf32>
    tpu.vector_store %arg4[%swap3A_19, %swap3A_20], %slice3A_18 {strides = array<i32>} : memref<1000x128xf32, #tpu.memory_space<vmem>>, vector<1000x128xf32>,
    return
  }
  func.func @transform_0(%arg0: i32) -> (i32, i32) {
    %c0_i32 = arith.constant 0 : i32
    %c0_i32_0 = arith.constant 0 : i32
    return %arg0, %c0_i32 : i32, i32
  }
  func.func @transform_1(%arg0: i32) -> (i32, i32) {
    %c0_i32 = arith.constant 0 : i32
    %c0_i32_0 = arith.constant 0 : i32
    %c0_i32_1 = arith.constant 0 : i32
    return %c0_i32, %c0_i32_0 : i32, i32
  }
  func.func @transform_2(%arg0: i32) -> (i32, i32, i32) {
    %c0_i32 = arith.constant 0 : i32
    %c0_i32_0 = arith.constant 0 : i32
    %c0_i32_1 = arith.constant 0 : i32
    return %c0_i32, %arg0, %c0_i32_0 : i32, i32, i32
  }
  func.func @transform_3(%arg0: i32) -> (i32, i32) {
    %c0_i32 = arith.constant 0 : i32
    %c0_i32_0 = arith.constant 0 : i32
    return %arg0, %c0_i32 : i32, i32
  }
}

module attributes {stable_mosaic.version = 14 : i64} {
  func.func @_mid_body(%arg0: i32, %arg1: memref<2x1000x64xf32, #tpu.memory_space<vmem>>, %arg2: memref<1x1000x16xf32, #tpu.memory_space<vmem>>, %arg3: memref<1000x128xf32, #tpu.memory_space<vmem>>, %arg4: memref<1x128xf32, #tpu.memory_space<vmem>>, %arg5: memref<128x256xf32, #tpu.memory_space<vmem>>, %arg6: memref<2x1000x64xf32, #tpu.memory_space<vmem>>, %arg7: memref<1000x128xf32, #tpu.memory_space<vmem>>) attributes {dimension_semantics = [#tpu.dimension_semantics<arbitrary>], iteration_bounds = array<i64: 10>, scalar_prefetch = 0 : i64, scratch_operands = 0 : i64, tpu.core_type = #tpu.core_type<tc>, window_params = [{transform_indices = @transform_0, window_bounds = array<i64: 2, 1000, 64>}, {transform_indices = @transform_1, window_bounds = array<i64: 1, 1000, 16>}, {transform_indices = @transform_2, window_bounds = array<i64: 1000, 128>}, {pipeline_mode = #tpu.pipeline_mode<synchronous>, transform_indices = @transform_3, window_bounds = array<i64: 1, 128>}, {pipeline_mode = #tpu.pipeline_mode<synchronous>, transform_indices = @transform_4, window_bounds = array<i64: 128, 256>}, {transform_indices = @transform_5, window_bounds = array<i64: 2, 1000, 64>}, {transform_indices = @transform_6, window_bounds = array<i64: 1000, 128>}]} {
    %get3A = arith.constant 0 : index
    %get3A_0 = arith.constant 0 : index
    %get3A_1 = arith.constant 0 : index
    %get3A_2 = vector.load %arg2[%get3A, %get3A_0, %get3A_1] : memref<1x1000x16xf32, #tpu.memory_space<vmem>>, vector<1x1000x1xf32>
    %get3A_3 = vector.shape_cast %get3A_2 : vector<1x1000x1xf32> to vector<1000x1xf32>
    %max3A = arith.constant 1.000000e+00 : f32
    %max3A_4 = vector.broadcast %max3A : f32 to vector<1000x1xf32>
    %max3A_5 = arith.maximumf %get3A_3, %max3A_4 : vector<1000x1xf32>
    %div3A = arith.constant 1.000000e+00 : f32
    %div3A_6 = vector.broadcast %div3A : f32 to vector<1000x1xf32>
    %div3A_7 = arith.divf %div3A_6, %max3A_5 : vector<1000x1xf32>
    %get3A_8 = arith.constant 0 : index
    %get3A_9 = arith.constant 0 : index
    %get3A_10 = arith.constant 0 : index
    %get3A_11 = vector.load %arg1[%get3A_8, %get3A_9, %get3A_10] : memref<2x1000x64xf32, #tpu.memory_space<vmem>>, vector<1x1000x64xf32>
    %get3A_12 = vector.shape_cast %get3A_11 : vector<1x1000x64xf32> to vector<1000x64xf32>
    %get3A_13 = arith.constant 1 : index
    %get3A_14 = arith.constant 0 : index
    %get3A_15 = arith.constant 0 : index
    %get3A_16 = vector.load %arg1[%get3A_13, %get3A_14, %get3A_15] : memref<2x1000x64xf32, #tpu.memory_space<vmem>>, vector<1x1000x64xf32>
    %get3A_17 = vector.shape_cast %get3A_16 : vector<1x1000x64xf32> to vector<1000x64xf32>
    %concatenate3A = tpu.concatenate %get3A_12, %get3A_17 in 1 : vector<1000x64xf32>, vector<1000x64xf32> -> vector<1000x128xf32>
    %mul3A = vector.broadcast %div3A_7 : vector<1000x1xf32> to vector<1000x128xf32>
    %mul3A_18 = arith.mulf %concatenate3A, %mul3A : vector<1000x128xf32>
    %get3A_19 = arith.constant 0 : index
    %get3A_20 = arith.constant 0 : index
    %get3A_21 = vector.load %arg3[%get3A_19, %get3A_20] : memref<1000x128xf32, #tpu.memory_space<vmem>>, vector<1000x128xf32>
    %add3A = arith.addf %mul3A_18, %get3A_21 : vector<1000x128xf32>
    %get3A_22 = arith.constant 0 : index
    %get3A_23 = arith.constant 0 : index
    %get3A_24 = vector.load %arg4[%get3A_22, %get3A_23] : memref<1x128xf32, #tpu.memory_space<vmem>>, vector<1x128xf32>
    %add3A_25 = vector.broadcast %get3A_24 : vector<1x128xf32> to vector<1000x128xf32>
    %add3A_26 = arith.addf %add3A, %add3A_25 : vector<1000x128xf32>
    %max3A_27 = arith.constant 0.000000e+00 : f32
    %max3A_28 = vector.broadcast %max3A_27 : f32 to vector<1000x128xf32>
    %max3A_29 = arith.maximumf %add3A_26, %max3A_28 : vector<1000x128xf32>
    %get3A_30 = arith.constant 0 : index
    %get3A_31 = arith.constant 0 : index
    %get3A_32 = vector.load %arg5[%get3A_30, %get3A_31] : memref<128x256xf32, #tpu.memory_space<vmem>>, vector<128x256xf32>
    %dot_general3A = arith.constant dense<0.000000e+00> : vector<1000x256xf32>
    %dot_general3A_33 = tpu.matmul %max3A_29, %get3A_32, %dot_general3A {dimension_numbers = #tpu.dot_dimension_numbers<[1], [0], [0], [1], [0, 0, 1, 1], [], []>, transpose_lhs_hint = false} : vector<1000x128xf32>, vector<128x256xf32>, vector<1000x256xf32> -> vector<1000x256xf32>
    %slice3A = vector.extract_strided_slice %dot_general3A_33 {offsets = [0, 0], sizes = [1000, 64], strides = [1, 1]} : vector<1000x256xf32> to vector<1000x64xf32>
    %swap3A = arith.constant 0 : index
    %swap3A_34 = arith.constant 0 : index
    %swap3A_35 = arith.constant 0 : index
    %swap3A_36 = vector.load %arg6[%swap3A, %swap3A_34, %swap3A_35] : memref<2x1000x64xf32, #tpu.memory_space<vmem>>, vector<1x1000x64xf32>
    %swap3A_37 = vector.shape_cast %swap3A_36 : vector<1x1000x64xf32> to vector<1000x64xf32>
    %swap3A_38 = vector.shape_cast %slice3A : vector<1000x64xf32> to vector<1x1000x64xf32>
    tpu.vector_store %arg6[%swap3A, %swap3A_34, %swap3A_35], %swap3A_38 {strides = array<i32>} : memref<2x1000x64xf32, #tpu.memory_space<vmem>>, vector<1x1000x64xf32>,
    %slice3A_39 = vector.extract_strided_slice %dot_general3A_33 {offsets = [0, 64], sizes = [1000, 64], strides = [1, 1]} : vector<1000x256xf32> to vector<1000x64xf32>
    %swap3A_40 = arith.constant 1 : index
    %swap3A_41 = arith.constant 0 : index
    %swap3A_42 = arith.constant 0 : index
    %swap3A_43 = vector.load %arg6[%swap3A_40, %swap3A_41, %swap3A_42] : memref<2x1000x64xf32, #tpu.memory_space<vmem>>, vector<1x1000x64xf32>
    %swap3A_44 = vector.shape_cast %swap3A_43 : vector<1x1000x64xf32> to vector<1000x64xf32>
    %swap3A_45 = vector.shape_cast %slice3A_39 : vector<1000x64xf32> to vector<1x1000x64xf32>
    tpu.vector_store %arg6[%swap3A_40, %swap3A_41, %swap3A_42], %swap3A_45 {strides = array<i32>} : memref<2x1000x64xf32, #tpu.memory_space<vmem>>, vector<1x1000x64xf32>,
    %slice3A_46 = vector.extract_strided_slice %dot_general3A_33 {offsets = [0, 128], sizes = [1000, 128], strides = [1, 1]} : vector<1000x256xf32> to vector<1000x128xf32>
    %swap3A_47 = arith.constant 0 : index
    %swap3A_48 = arith.constant 0 : index
    %swap3A_49 = vector.load %arg7[%swap3A_47, %swap3A_48] : memref<1000x128xf32, #tpu.memory_space<vmem>>, vector<1000x128xf32>
    tpu.vector_store %arg7[%swap3A_47, %swap3A_48], %slice3A_46 {strides = array<i32>} : memref<1000x128xf32, #tpu.memory_space<vmem>>, vector<1000x128xf32>,
    return
  }
  func.func @transform_0(%arg0: i32) -> (i32, i32, i32) {
    %c0_i32 = arith.constant 0 : i32
    %c0_i32_0 = arith.constant 0 : i32
    %c0_i32_1 = arith.constant 0 : i32
    return %c0_i32, %arg0, %c0_i32_0 : i32, i32, i32
  }
  func.func @transform_1(%arg0: i32) -> (i32, i32, i32) {
    %c0_i32 = arith.constant 0 : i32
    %c0_i32_0 = arith.constant 0 : i32
    %c0_i32_1 = arith.constant 0 : i32
    return %c0_i32, %arg0, %c0_i32_0 : i32, i32, i32
  }
  func.func @transform_2(%arg0: i32) -> (i32, i32) {
    %c0_i32 = arith.constant 0 : i32
    %c0_i32_0 = arith.constant 0 : i32
    return %arg0, %c0_i32 : i32, i32
  }
  func.func @transform_3(%arg0: i32) -> (i32, i32) {
    %c0_i32 = arith.constant 0 : i32
    %c0_i32_0 = arith.constant 0 : i32
    %c0_i32_1 = arith.constant 0 : i32
    return %c0_i32, %c0_i32_0 : i32, i32
  }
  func.func @transform_4(%arg0: i32) -> (i32, i32) {
    %c0_i32 = arith.constant 0 : i32
    %c0_i32_0 = arith.constant 0 : i32
    %c0_i32_1 = arith.constant 0 : i32
    return %c0_i32, %c0_i32_0 : i32, i32
  }
  func.func @transform_5(%arg0: i32) -> (i32, i32, i32) {
    %c0_i32 = arith.constant 0 : i32
    %c0_i32_0 = arith.constant 0 : i32
    %c0_i32_1 = arith.constant 0 : i32
    return %c0_i32, %arg0, %c0_i32_0 : i32, i32, i32
  }
  func.func @transform_6(%arg0: i32) -> (i32, i32) {
    %c0_i32 = arith.constant 0 : i32
    %c0_i32_0 = arith.constant 0 : i32
    return %arg0, %c0_i32 : i32, i32
  }
}

module attributes {stable_mosaic.version = 14 : i64} {
  func.func @_fin_body(%arg0: i32, %arg1: memref<2x1000x64xf32, #tpu.memory_space<vmem>>, %arg2: memref<1x1000x16xf32, #tpu.memory_space<vmem>>, %arg3: memref<1000x128xf32, #tpu.memory_space<vmem>>, %arg4: memref<1x128xf32, #tpu.memory_space<vmem>>, %arg5: memref<1000x128xf32, #tpu.memory_space<vmem>>) attributes {dimension_semantics = [#tpu.dimension_semantics<arbitrary>], iteration_bounds = array<i64: 10>, scalar_prefetch = 0 : i64, scratch_operands = 0 : i64, tpu.core_type = #tpu.core_type<tc>, window_params = [{transform_indices = @transform_0, window_bounds = array<i64: 2, 1000, 64>}, {transform_indices = @transform_1, window_bounds = array<i64: 1, 1000, 16>}, {transform_indices = @transform_2, window_bounds = array<i64: 1000, 128>}, {pipeline_mode = #tpu.pipeline_mode<synchronous>, transform_indices = @transform_3, window_bounds = array<i64: 1, 128>}, {transform_indices = @transform_4, window_bounds = array<i64: 1000, 128>}]} {
    %get3A = arith.constant 0 : index
    %get3A_0 = arith.constant 0 : index
    %get3A_1 = arith.constant 0 : index
    %get3A_2 = vector.load %arg2[%get3A, %get3A_0, %get3A_1] : memref<1x1000x16xf32, #tpu.memory_space<vmem>>, vector<1x1000x1xf32>
    %get3A_3 = vector.shape_cast %get3A_2 : vector<1x1000x1xf32> to vector<1000x1xf32>
    %max3A = arith.constant 1.000000e+00 : f32
    %max3A_4 = vector.broadcast %max3A : f32 to vector<1000x1xf32>
    %max3A_5 = arith.maximumf %get3A_3, %max3A_4 : vector<1000x1xf32>
    %div3A = arith.constant 1.000000e+00 : f32
    %div3A_6 = vector.broadcast %div3A : f32 to vector<1000x1xf32>
    %div3A_7 = arith.divf %div3A_6, %max3A_5 : vector<1000x1xf32>
    %get3A_8 = arith.constant 0 : index
    %get3A_9 = arith.constant 0 : index
    %get3A_10 = arith.constant 0 : index
    %get3A_11 = vector.load %arg1[%get3A_8, %get3A_9, %get3A_10] : memref<2x1000x64xf32, #tpu.memory_space<vmem>>, vector<1x1000x64xf32>
    %get3A_12 = vector.shape_cast %get3A_11 : vector<1x1000x64xf32> to vector<1000x64xf32>
    %get3A_13 = arith.constant 1 : index
    %get3A_14 = arith.constant 0 : index
    %get3A_15 = arith.constant 0 : index
    %get3A_16 = vector.load %arg1[%get3A_13, %get3A_14, %get3A_15] : memref<2x1000x64xf32, #tpu.memory_space<vmem>>, vector<1x1000x64xf32>
    %get3A_17 = vector.shape_cast %get3A_16 : vector<1x1000x64xf32> to vector<1000x64xf32>
    %concatenate3A = tpu.concatenate %get3A_12, %get3A_17 in 1 : vector<1000x64xf32>, vector<1000x64xf32> -> vector<1000x128xf32>
    %mul3A = vector.broadcast %div3A_7 : vector<1000x1xf32> to vector<1000x128xf32>
    %mul3A_18 = arith.mulf %concatenate3A, %mul3A : vector<1000x128xf32>
    %get3A_19 = arith.constant 0 : index
    %get3A_20 = arith.constant 0 : index
    %get3A_21 = vector.load %arg3[%get3A_19, %get3A_20] : memref<1000x128xf32, #tpu.memory_space<vmem>>, vector<1000x128xf32>
    %add3A = arith.addf %mul3A_18, %get3A_21 : vector<1000x128xf32>
    %get3A_22 = arith.constant 0 : index
    %get3A_23 = arith.constant 0 : index
    %get3A_24 = vector.load %arg4[%get3A_22, %get3A_23] : memref<1x128xf32, #tpu.memory_space<vmem>>, vector<1x128xf32>
    %add3A_25 = vector.broadcast %get3A_24 : vector<1x128xf32> to vector<1000x128xf32>
    %add3A_26 = arith.addf %add3A, %add3A_25 : vector<1000x128xf32>
    %swap3A = arith.constant 0 : index
    %swap3A_27 = arith.constant 0 : index
    %swap3A_28 = vector.load %arg5[%swap3A, %swap3A_27] : memref<1000x128xf32, #tpu.memory_space<vmem>>, vector<1000x128xf32>
    tpu.vector_store %arg5[%swap3A, %swap3A_27], %add3A_26 {strides = array<i32>} : memref<1000x128xf32, #tpu.memory_space<vmem>>, vector<1000x128xf32>,
    return
  }
  func.func @transform_0(%arg0: i32) -> (i32, i32, i32) {
    %c0_i32 = arith.constant 0 : i32
    %c0_i32_0 = arith.constant 0 : i32
    %c0_i32_1 = arith.constant 0 : i32
    return %c0_i32, %arg0, %c0_i32_0 : i32, i32, i32
  }
  func.func @transform_1(%arg0: i32) -> (i32, i32, i32) {
    %c0_i32 = arith.constant 0 : i32
    %c0_i32_0 = arith.constant 0 : i32
    %c0_i32_1 = arith.constant 0 : i32
    return %c0_i32, %arg0, %c0_i32_0 : i32, i32, i32
  }
  func.func @transform_2(%arg0: i32) -> (i32, i32) {
    %c0_i32 = arith.constant 0 : i32
    %c0_i32_0 = arith.constant 0 : i32
    return %arg0, %c0_i32 : i32, i32
  }
  func.func @transform_3(%arg0: i32) -> (i32, i32) {
    %c0_i32 = arith.constant 0 : i32
    %c0_i32_0 = arith.constant 0 : i32
    %c0_i32_1 = arith.constant 0 : i32
    return %c0_i32, %c0_i32_0 : i32, i32
  }
  func.func @transform_4(%arg0: i32) -> (i32, i32) {
    %c0_i32 = arith.constant 0 : i32
    %c0_i32_0 = arith.constant 0 : i32
    return %arg0, %c0_i32 : i32, i32
  }
}

</mosaic_0001>

<sc_bundles>
// kernel: _run.10.cloned.1.call-start
scs
__scs_entry_jumppad:
0x0: {  	(pc) =	sbr.rel $0x88, $3  }
0x1: {  	(tag) =	ssettag $0x0;
	lr =	simm.s32 $0x1  }
0x2: {  	[smem:$0x3F98] =	sst lr;
	_ =	strace $0xD0000000  }
0x3: {  	_ = 	snop  }
0x4: {  	_ = 	snop  }
0x5: {  	_ = 	snop  }
0x6: {  	_ = 	snop  }
0x7: {  	_ = 	snop  }
__scs_overlays_trampoline_lowered:
0x8: {  	[smem:$0x3FA7] =	sst s0  }
0x9: {  	[smem:$0x3FA8] =	sst s1  }
0xa: {  	[smem:$0x3FA9] =	sst s2  }
0xb: {  	[smem:$0x3FAA] =	sst s3  }
0xc: {  	[smem:$0x3FAB] =	sst s4  }
0xd: {  	[smem:$0x3FAC] =	sst s5  }
0xe: {  	[smem:$0x3FAD] =	sst s6  }
0xf: {  	[smem:$0x3FAE] =	sst s7  }
0x10: {  	[smem:$0x3FAF] =	sst s8  }
0x11: {  	[smem:$0x3FB0] =	sst s9;
	s0 =	simm.s32 @!p0 $0x0  }
0x12: {  	s1 =	sld [smem:$0x3F96];
	s0 =	simm.s32 @p0 $0x1  }
0x13: {  	[smem:$0x3FB1] =	sst s0;
	s0 =	simm.s32 @!p1 $0x0  }
0x14: {  	s2 =	sld [smem:$0x3F95];
	s0 =	simm.s32 @p1 $0x1  }
0x15: {  	[smem:$0x3FB2] =	sst s0;
	s0 =	simm.s32 @!p2 $0x0  }
0x16: {  	s3 =	sld [smem:$0x3FDB];
	s0 =	simm.s32 @p2 $0x1  }
0x17: {  	s4 =	simm.s32 $0x1BF5;
	[smem:$0x3FB4] =	sst s0  }
0x18: {  	s0 =	sld [smem:$0x3F97];
	_ =	swait.ge [sflag:s4], $0x0  }
0x19: {  	s7 =	sld [smem:$0x3F98]  }
0x1a: {  	s8 =	sadd.s32 $0xFFFFE003, lr  }
0x1b: {  	s9 =	sadd.s32 $0xFFFFFEF7, lr;
	s5 =	simm.s32 $0xFFFFFFFF;
	p2 =	slt.u32 s8, $0xFFFFF086  }
0x1c: {  	p1 =	slt.u32 s9, $0xF7A;
	s5 =	simm.s32 @!p2 $0x0  }
0x1d: {  	s5 =	simm.s32 @p1 $0x1;
	p0 =	seq.s32 s7, s2  }
0x1e: {  	s7 =	smul.u32 @!p0 $0xF7A, s2;
	p2 =	seq.s32 @!p0 s5, $0x0  }
0x1f: {  	s9 =	smul.u32 $0xF7A, s1;
	s8 =	simm.s32 @!p0 $0x1BF5;
	p2 =	por !p2, p0  }
0x20: {  	[sflag:s8] =	ssyncset.s32 @!p0 $0xFFFFF086;
	s6 =	sadd.s32 @!p0 s3, s7;
	s7 =	simm.s32 @!p0 $0x108  }
0x21: {  	s3 =	sadd.s32 s3, s9;
	s6 =	sadd.s32 @!p0 $0x88, s6;
	s7 =	simm.s32 @p2 $0x1082  }
0x22: {  	[simem:s7], [sflag:s8] =	dma.local @!p0 [hbm:s6], $0xF7A  }
0x23: {  	s9 =	sor.u32 $0xD0000000, s2;
	s6 =	simm.s32 $0x108;
	_ =	swait.ge @!p0 [sflag:s8], $0x0  }
0x24: {  	s3 =	sadd.s32 $0x88, s3;
	s6 =	simm.s32 @!p1 $0x1082;
	[sflag:s4] =	ssyncset.s32 $0xFFFFF086  }
0x25: {  	[simem:s6], [sflag:s4] =	dma.local [hbm:s3], $0xF7A  }
0x26: {  	[smem:$0x3F98] =	sst s1;
	(tag) =	ssettag s2;
	_ =	strace s9  }
0x27: {  	s1 =	sld [smem:$0x3FA8]  }
0x28: {  	s2 =	sld [smem:$0x3FA9]  }
0x29: {  	s4 =	sld [smem:$0x3FAB]  }
0x2a: {  	p0 =	seq.s32 s5, $0x0;
	s5 =	sld [smem:$0x3FAC]  }
0x2b: {  	s6 =	sld [smem:$0x3FAD]  }
0x2c: {  	s7 =	sld [smem:$0x3FAE]  }
0x2d: {  	s3 =	simm.s32 $0x108;
	s8 =	sld [smem:$0x3FAF]  }
0x2e: {  	s3 =	simm.s32 @!p0 $0x1082;
	s9 =	sld [smem:$0x3FB0]  }
0x2f: {  	lr =	sadd.s32 s0, s3;
	s0 =	sld [smem:$0x3FA7]  }
0x30: {  	s3 =	sld [smem:$0x3FAA]  }
0x31: {  	[smem:$0x3FB3] =	sst s10  }
0x32: {  	s10 =	sld [smem:$0x3FB1];
	_ =	sdelay $0x3  }
0x33: {  	p0 =	seq.s32 s10, $0x1;
	s10 =	sld [smem:$0x3FB3];
	_ =	sdelay $0x3  }
0x34: {  	[smem:$0x3FB3] =	sst s10  }
0x35: {  	s10 =	sld [smem:$0x3FB2];
	_ =	sdelay $0x3  }
0x36: {  	p1 =	seq.s32 s10, $0x1;
	s10 =	sld [smem:$0x3FB3];
	_ =	sdelay $0x3  }
0x37: {  	[smem:$0x3FB3] =	sst s10  }
0x38: {  	s10 =	sld [smem:$0x3FB4]  }
0x39: {  	_ = 	snop;
	(pc) =	sbr.ind lr, $3  }
0x3a: {  	_ = 	snop  }
0x3b: {  	_ = 	snop  }
0x3c: {  	p2 =	seq.s32 s10, $0x1;
	s10 =	sld [smem:$0x3FB3]  }
0x3d: {  	_ =	shalt  }
0x3e: {  	_ =	shalt  }
0x3f: {  	_ =	shalt  }
0x40: {  	_ =	shalt  }
0x41: {  	_ =	shalt  }
0x42: {  	_ =	shalt  }
0x43: {  	_ =	shalt  }
0x44: {  	_ =	shalt  }
0x45: {  	_ =	shalt  }
0x46: {  	_ =	shalt  }
0x47: {  	_ =	shalt  }
0x48: {  	_ =	shalt  }
0x49: {  	_ =	shalt  }
0x4a: {  	_ =	shalt  }
0x4b: {  	_ =	shalt  }
0x4c: {  	_ =	shalt  }
0x4d: {  	_ =	shalt  }
0x4e: {  	_ =	shalt  }
0x4f: {  	_ =	shalt  }
0x50: {  	_ =	shalt  }
0x51: {  	_ =	shalt  }
0x52: {  	_ =	shalt  }
0x53: {  	_ =	shalt  }
0x54: {  	_ =	shalt  }
0x55: {  	_ =	shalt  }
0x56: {  	_ =	shalt  }
0x57: {  	_ =	shalt  }
0x58: {  	_ =	shalt  }
0x59: {  	_ =	shalt  }
0x5a: {  	_ =	shalt  }
0x5b: {  	_ =	shalt  }
0x5c: {  	_ =	shalt  }
0x5d: {  	_ =	shalt  }
0x5e: {  	_ =	shalt  }
0x5f: {  	_ =	shalt  }
0x60: {  	_ =	shalt  }
0x61: {  	_ =	shalt  }
0x62: {  	_ =	shalt  }
0x63: {  	_ =	shalt  }
0x64: {  	_ =	shalt  }
0x65: {  	_ =	shalt  }
0x66: {  	_ =	shalt  }
0x67: {  	_ =	shalt  }
0x68: {  	_ =	shalt  }
0x69: {  	_ =	shalt  }
0x6a: {  	_ =	shalt  }
0x6b: {  	_ =	shalt  }
0x6c: {  	_ =	shalt  }
0x6d: {  	_ =	shalt  }
0x6e: {  	_ =	shalt  }
0x6f: {  	_ =	shalt  }
0x70: {  	_ =	shalt  }
0x71: {  	_ =	shalt  }
0x72: {  	_ =	shalt  }
0x73: {  	_ =	shalt  }
0x74: {  	_ =	shalt  }
0x75: {  	_ =	shalt  }
0x76: {  	_ =	shalt  }
0x77: {  	_ =	shalt  }
0x78: {  	_ =	shalt  }
0x79: {  	_ =	shalt  }
0x7a: {  	_ =	shalt  }
0x7b: {  	_ =	shalt  }
0x7c: {  	_ =	shalt  }
0x7d: {  	_ =	shalt  }
0x7e: {  	_ =	shalt  }
0x7f: {  	_ =	shalt  }
0x80: {  	_ =	shalt  }
0x81: {  	_ =	shalt  }
0x82: {  	_ =	shalt  }
0x83: {  	_ =	shalt  }
0x84: {  	_ =	shalt  }
0x85: {  	_ =	shalt  }
0x86: {  	_ =	shalt  }
0x87: {  	_ =	shalt  }
.Lfunc_end0:
.L_simem_size_0:
called_computation.1_lowered:
.L_overlay_start_0:
0x88: {  	s2 =	sld [smem:$0x3FD9]  }
0x89: {  	s3 =	sld [smem:$0x3FFE];
	_ =	sdelay $0x1  }
0x8a: {  	s1 =	srdreg.scid  }
0x8b: {  	s0 =	sand.u32 $0x1, s1  }
0x8c: {  	s17 =	sshll.u32 s0, $0xA;
	s2 =	sadd.s32 s3, s2  }
0x8d: {  	s2 =	sadd.s32 s2, s17  }
0x8e: {  	[smem:$0x3FBF] =	sst s2  }
0x8f: {  	_ = 	snop  }
0x90: {  	s2 =	sld [smem:$0x3FD0];
	(tm) =	ssettm $0x1  }
0x91: {  	s18 =	sld [smem:$0x3FFB];
	_ =	sdelay $0x3  }
0x92: {  	_ =	strace s18  }
0x93: {  	s3 =	sld [smem:$0x3FFC];
	_ =	sdelay $0x3  }
0x94: {  	_ =	strace s3  }
0x95: {  	s3 =	sld [smem:$0x3FFD];
	_ =	sdelay $0x3  }
0x96: {  	_ =	strace s3  }
0x97: {  	_ =	strace $0x8FFFFFFF  }
0x98: {  	s19 =	sld [smem:$0x3FDB];
	_ =	sdelay $0x1  }
0x99: {  	s4 =	simm.s32 $_scs_section_size  }
0x9a: {  	s5 =	simm.s32 $_size__tile_overlayer_lowered;
	s6 =	simm.s32 $_tile_overlayer_lowered  }
0x9b: {  	s22 =	simm.s32 $0x1BFF;
	s21 =	sshll.u32 s6, $0x1;
	s3 =	sadd.s32 s4, s19  }
0x9c: {  	s7 =	simm.s32 $0x0;
	s20 =	sshll.u32 s5, $0x1;
	s5 =	sadd.s32 s21, s3  }
0x9d: {  	[timem:s7], [sflag:s22] =	dma.local [hbm:s5], s20  }
0x9e: {  	_ =	swait.ge [sflag:s22], s20  }
0x9f: {  	s4 =	ssub.s32 $0x0, s20;
	[sflag:s22] =	ssyncset.done $0x0  }
0xa0: {  	[sflag:s22] =	ssyncadd.s32 s4;
	_ =	sdelay $0x1  }
0xa1: {  	s23 =	simm.s32 $0x1B8B  }
0xa2: {  	_ =	swait.ge [sflag:s23], $0x1  }
0xa3: {  	[sflag:s23] =	ssyncset.done $0x0  }
0xa4: {  	s25 =	simm.s32 $0x1B8E;
	s24 =	sld [smem:$0x3FFE];
	[sflag:s23] =	ssyncadd.s32 $0xFFFFFFFF  }
0xa5: {  	s26 =	simm.s32 $execute0_lowered;
	[smem:$0x3FD2] =	sst s25  }
0xa6: {  	s5 =	sshll.u32 s26, $0x1;
	_ =	strace $0x80000049;
	[dreg:$0x1] =	wrdreg $0xFFFFFFFF  }
0xa7: {  	s28 =	simm.s32 $_size_execute0_lowered;
	s3 =	sadd.s32 s3, s5;
	[dreg:$0x0] =	wrdreg $0x0  }
0xa8: {  	s5 =	sshll.u32 s28, $0x1;
	[dreg:$0x2] =	wrdreg s3  }
0xa9: {  	[dreg:$0x3] =	wrdreg s5  }
0xaa: {  	[dreg:$0x4] =	wrdreg $0xC0  }
0xab: {  	_ =	task [dreg:s7], $0x5FFFF  }
0xac: {  	[dreg:$0x1] =	wrdreg $0xFFFFFFFF  }
0xad: {  	[dreg:$0x0] =	wrdreg $0x60  }
0xae: {  	[dreg:$0x2] =	wrdreg s24  }
0xaf: {  	[dreg:$0x3] =	wrdreg s2  }
0xb0: {  	[dreg:$0x4] =	wrdreg $0xD0000  }
0xb1: {  	[dreg:$0x5] =	wrdreg $0x9  }
0xb2: {  	_ =	task.clear_ibuf [dreg:s7], $0x6FFFF;
	_ =	strace $0x90000049  }
0xb3: {  	s29 =	simm.s32 $0x9;
	_ =	strace $0x8000004B  }
0xb4: {  	_ =	swait.ge [sflag:s29], $0x1  }
0xb5: {  	[sflag:s29] =	ssyncadd.s32 $0xFFFFFFFF  }
0xb6: {  	_ =	strace $0x9000004B  }
0xb7: {  	_ =	sfence  }
0xb8: {  	s30 =	sld [smem:$0x0];
	_ =	sdelay $0x2  }
0xb9: {  	s31 =	sshll.u32 s1, $0xD;
	s1 =	sshrl.u32 s1, $0x2  }
0xba: {  	s3 =	sand.u32 $0x4000, s31;
	s1 =	sadd.s32 s1, s30  }
0xbb: {  	s0 =	sor.u32 s3, s0;
	s1 =	sshll.u32 s1, $0x11  }
0xbc: {  	s0 =	sor.u32 s1, s0  }
0xbd: {  	s0 =	sadd.s32 $0x8F2B, s0  }
0xbe: {  	[sflag:s0] =	ssyncadd.remote.s32 $0x1  }
0xbf: {  	_ =	sfence.sel $0xFFFF  }
0xc0: {  	[dreg:$0x0] =	wrdreg $0xFFFFFFFF;
	(pc) =	sbr.abs _section_cstart, $3  }
0xc1: {  	[dreg:$0x1] =	wrdreg $0xFFFFFFFF  }
0xc2: {  	_ =	task.clear_ibuf [dreg:s7], $0x2FFFF;
	_ =	strace $0x9FFFFFFF  }
0xc3: {  	(tm) =	ssettm $0x7FFFFFFF  }
tec
execute0_lowered:
.L_overlay_start_1:
0x0: {  	(tag) =	ssettag $0x1  }
0x1: {  	s0 =	rddreg [dreg:$0x0]  }
0x2: {  	s2 =	rddreg [dreg:$0x1]  }
0x3: {  	s1 =	rddreg [dreg:$0x2];
	s3 =	simm.s32 $0x0;
	s4 =	srdreg.scid  }
0x4: {  	s8 =	stileid.u32;
	s28 =	simm.s32 $0x9000;
	s30 =	simm.s32 $0xB000  }
0x5: {  	s31 =	simm.s32 $0x1;
	s29 =	simm.s32 $0x4F80;
	[smem:$0x7FF] =	sst s3  }
0x6: {  	s4 =	sand.u32 $0x1, s4;
	s10 =	sadd.s32 $0x2000, s0;
	s11 =	smul.u32 $0xA000, s8  }
0x7: {  	s13 =	sadd.s32 $0xC000, s0;
	s6 =	sadd.s32 $0x16400, s0;
	s12 =	smul.u32 $0x5000, s8  }
0x8: {  	s0 =	sadd.s32 $0x16800, s0;
	_ =	strace $0x8000004A;
	s19 =	smul.u32 $0x13880, s4  }
0x9: {  	s5 =	ssub.s32 $0x2, s4;
	[dreg:$0x4] =	wrdreg s6;
	s4 =	smul.u32 $0xA0000, s4  }
0xa: {  	s24 =	sshrl.u32 s5, $0x1;
	s15 =	sadd.s32 $0x2000, s11;
	s16 =	sadd.s32 $0x4000, s11  }
0xb: {  	s17 =	sadd.s32 $0x6000, s11;
	s18 =	sadd.s32 $0x8000, s11;
	s20 =	sshrl.u32 s12, $0x3  }
0xc: {  	s14 =	ssub.s32 s5, s24;
	s5 =	sadd.s32 s11, s1;
	s6 =	sadd.s32 s15, s1  }
0xd: {  	s7 =	sadd.s32 s16, s1;
	s8 =	sadd.s32 s17, s1;
	s9 =	sadd.s32 s18, s1  }
0xe: {  	s12 =	sadd.s32 s10, s20;
	s25 =	sadd.s32 s13, s20;
	s26 =	sadd.s32 $0x500, s20  }
0xf: {  	s11 =	sadd.s32 s11, s4;
	s15 =	sadd.s32 s4, s15;
	s23 =	sadd.s32 s4, s16  }
0x10: {  	s24 =	sadd.s32 s4, s17;
	s4 =	sadd.s32 s4, s18;
	s16 =	simm.s32 $0x2700  }
0x11: {  	s17 =	simm.s32 $0x2780;
	s18 =	simm.s32 $0x4E80;
	[dreg:$0x5] =	wrdreg s12  }
0x12: {  	[dreg:$0x6] =	wrdreg s25;
	s12 =	sadd.s32 s2, s19;
	s10 =	sadd.s32 s10, s26  }
0x13: {  	s19 =	sshrl.u32 s11, $0x3;
	s20 =	sshrl.u32 s15, $0x3;
	s2 =	sadd.s32 s13, s26  }
0x14: {  	s4 =	sshrl.u32 s4, $0x3;
	s26 =	smax.u32 s14, $0x1;
	[dreg:$0x7] =	wrdreg s10  }
0x15: {  	s14 =	simm.s32 $0x2680;
	s15 =	simm.s32 $0x4D00;
	[dreg:$0x8] =	wrdreg s2  }
0x16: {  	s21 =	sadd.s32 s0, s19;
	s22 =	sadd.s32 s0, s20;
	s2 =	sshrl.u32 s23, $0x3  }
0x17: {  	s10 =	sshrl.u32 s24, $0x3;
	[dreg:$0xe] =	wrdreg s26;
	s24 =	simm.s32 $0x80  }
0x18: {  	s23 =	simm.s32 $0x4D80;
	s26 =	simm.s32 $0x4E00;
	[dreg:$0x9] =	wrdreg s21  }
0x19: {  	s19 =	simm.s32 $0x4F00;
	[dreg:$0xa] =	wrdreg s22;
	s2 =	sadd.s32 s0, s2  }
0x1a: {  	s20 =	simm.s32 $0x0;
	s25 =	sadd.s32 s0, s10;
	[dreg:$0xb] =	wrdreg s2  }
0x1b: {  	s0 =	sadd.s32 s0, s4;
	s21 =	simm.s32 $0x5000;
	[dreg:$0xc] =	wrdreg s25  }
0x1c: {  	s22 =	simm.s32 $0x5;
	s4 =	simm.s32 $0x4;
	[dreg:$0xd] =	wrdreg s0  }
0x1d: {  	s25 =	simm.s32 $0x7000;
	s0 =	simm.s32 $0x2;
	s2 =	simm.s32 $0x3  }
.LBB2_1:
0x1e: {  	s10 =	rddreg [dreg:$0x4]  }
0x1f: {  	[tilespmem:s21], [sflag:$0x5] =	stream.linear.gather [hbm4b:s10+s3], $0x2000, $0x38;
	[tilespmem:$0x17000] =	vst v63  }
0x20: {  	_ =	swait.ge [sflag:s22], $0x2000  }
0x21: {  	[sflag:s22] =	ssyncset.done $0x0  }
0x22: {  	[sflag:s22] =	ssyncadd.s32 $0xFFFFE000  }
0x23: {  	[spmem:s5] =	stream.linear.scatter [tilespmem:s21], [sflag:$0x5], $0x2000, $0x38;
	[tilespmem:$0x17000] =	vst v63  }
0x24: {  	_ =	swait.ge [sflag:s22], $0x2000  }
0x25: {  	[sflag:s22] =	ssyncset.done $0x0  }
0x26: {  	[sflag:s22] =	ssyncadd.s32 $0xFFFFE000  }
0x27: {  	[spmem:s6] =	stream.linear.scatter [tilespmem:s21], [sflag:$0x5], $0x2000, $0x38;
	[tilespmem:$0x17000] =	vst v63  }
0x28: {  	_ =	swait.ge [sflag:s22], $0x2000  }
0x29: {  	[sflag:s22] =	ssyncset.done $0x0  }
0x2a: {  	[sflag:s22] =	ssyncadd.s32 $0xFFFFE000  }
0x2b: {  	[spmem:s7] =	stream.linear.scatter [tilespmem:s21], [sflag:$0x5], $0x2000, $0x38;
	[tilespmem:$0x17000] =	vst v63  }
0x2c: {  	_ =	swait.ge [sflag:s22], $0x2000  }
0x2d: {  	[sflag:s22] =	ssyncset.done $0x0  }
0x2e: {  	[sflag:s22] =	ssyncadd.s32 $0xFFFFE000  }
0x2f: {  	[spmem:s8] =	stream.linear.scatter [tilespmem:s21], [sflag:$0x5], $0x2000, $0x38;
	[tilespmem:$0x17000] =	vst v63  }
0x30: {  	_ =	swait.ge [sflag:s22], $0x2000  }
0x31: {  	[sflag:s22] =	ssyncset.done $0x0  }
0x32: {  	[sflag:s22] =	ssyncadd.s32 $0xFFFFE000  }
0x33: {  	[spmem:s9] =	stream.linear.scatter [tilespmem:s21], [sflag:$0x5], $0x2000, $0x38;
	[tilespmem:$0x17000] =	vst v63  }
0x34: {  	_ =	swait.ge [sflag:s22], $0x2000  }
0x35: {  	[sflag:s22] =	ssyncset.done $0x0  }
0x36: {  	s11 =	rddreg [dreg:$0x5];
	[sflag:s22] =	ssyncadd.s32 $0xFFFFE000  }
0x37: {  	[tilespmem:s3], [sflag:$0x5] =	stream.linear.gather [hbm4b:s11+s3], $0x2800, $0x38;
	[tilespmem:$0x17000] =	vst v63  }
0x38: {  	_ =	swait.ge [sflag:s22], $0x2800  }
0x39: {  	[sflag:s22] =	ssyncset.done $0x0  }
0x3a: {  	s11 =	simm.s32 $0x2800;
	s13 =	rddreg [dreg:$0x6];
	[sflag:s22] =	ssyncadd.s32 $0xFFFFD800  }
0x3b: {  	[tilespmem:s11], [sflag:$0x5] =	stream.linear.gather [hbm4b:s13+s3], $0x2800, $0x38;
	[tilespmem:$0x17000] =	vst v63  }
0x3c: {  	_ =	swait.ge [sflag:s22], $0x2800  }
0x3d: {  	[sflag:s22] =	ssyncset.done $0x0  }
0x3e: {  	[sflag:s22] =	ssyncadd.s32 $0xFFFFD800  }
0x3f: {  	[tilespmem:s21], [sflag:$0x1] =	stream.indirect.gather [hbm4b:s12+s24], $0x40, s3, s24, $0xb8;
	[tilespmem:$0x17000] =	vst v63  }
0x40: {  	_ = 	snop  }
0x41: {  	[tilespmem:s25], [sflag:$0x2] =	stream.indirect.gather [hbm4b:s12+s24], $0x40, s24, s24, $0xb8;
	[tilespmem:$0x17000] =	vst v63  }
0x42: {  	s13 =	simm.s32 $0x100  }
0x43: {  	[tilespmem:s28], [sflag:$0x3] =	stream.indirect.gather [hbm4b:s12+s24], $0x40, s13, s24, $0xb8;
	[tilespmem:$0x17000] =	vst v63  }
0x44: {  	s11 =	simm.s32 $0x180  }
0x45: {  	[tilespmem:s30], [sflag:$0x4] =	stream.indirect.gather [hbm4b:s12+s24], $0x40, s11, s24, $0xb8;
	[tilespmem:$0x17000] =	vst v63  }
0x46: {  	[bflag:$0x0] =	sbarrier.arrive $0xFFFF  }
0x47: {  	_ =	swait.ge [sflag:s31], $0x2000  }
0x48: {  	[sflag:s31] =	ssyncset.done $0x0  }
0x49: {  	s13 =	simm.s32 $0x2800;
	[sflag:s31] =	ssyncadd.s32 $0xFFFFE000  }
0x4a: {  	[spmem:s1] =	stream.indirect.scatter.add.f32 [tilespmem:s21], [sflag:$0x5], $0x40, s13, s24, $0xb8;
	[tilespmem:$0x17000] =	vst v63  }
0x4b: {  	_ =	swait.ge [sflag:s22], $0x2000  }
0x4c: {  	[sflag:s22] =	ssyncset.done $0x0  }
0x4d: {  	s11 =	simm.s32 $0x200;
	[sflag:s22] =	ssyncadd.s32 $0xFFFFE000  }
0x4e: {  	[tilespmem:s21], [sflag:$0x1] =	stream.indirect.gather [hbm4b:s12+s24], $0x40, s11, s24, $0xb8;
	[tilespmem:$0x17000] =	vst v63  }
0x4f: {  	_ =	swait.ge [sflag:s0], $0x2000  }
0x50: {  	[sflag:s0] =	ssyncset.done $0x0  }
0x51: {  	s13 =	simm.s32 $0x2880;
	[sflag:s0] =	ssyncadd.s32 $0xFFFFE000  }
0x52: {  	[spmem:s1] =	stream.indirect.scatter.add.f32 [tilespmem:s25], [sflag:$0x5], $0x40, s13, s24, $0xb8;
	[tilespmem:$0x17000] =	vst v63  }
0x53: {  	_ =	swait.ge [sflag:s22], $0x2000  }
0x54: {  	[sflag:s22] =	ssyncset.done $0x0  }
0x55: {  	s11 =	simm.s32 $0x280;
	[sflag:s22] =	ssyncadd.s32 $0xFFFFE000  }
0x56: {  	[tilespmem:s25], [sflag:$0x2] =	stream.indirect.gather [hbm4b:s12+s24], $0x40, s11, s24, $0xb8;
	[tilespmem:$0x17000] =	vst v63  }
0x57: {  	_ =	swait.ge [sflag:s2], $0x2000  }
0x58: {  	[sflag:s2] =	ssyncset.done $0x0  }
0x59: {  	s13 =	simm.s32 $0x2900;
	[sflag:s2] =	ssyncadd.s32 $0xFFFFE000  }
0x5a: {  	[spmem:s1] =	stream.indirect.scatter.add.f32 [tilespmem:s28], [sflag:$0x5], $0x40, s13, s24, $0xb8;
	[tilespmem:$0x17000] =	vst v63  }
0x5b: {  	_ =	swait.ge [sflag:s22], $0x2000  }
0x5c: {  	[sflag:s22] =	ssyncset.done $0x0  }
0x5d: {  	s11 =	simm.s32 $0x300;
	[sflag:s22] =	ssyncadd.s32 $0xFFFFE000  }
0x5e: {  	[tilespmem:s28], [sflag:$0x3] =	stream.indirect.gather [hbm4b:s12+s24], $0x40, s11, s24, $0xb8;
	[tilespmem:$0x17000] =	vst v63  }
0x5f: {  	_ =	swait.ge [sflag:s4], $0x2000  }
0x60: {  	[sflag:s4] =	ssyncset.done $0x0  }
0x61: {  	s13 =	simm.s32 $0x2980;
	[sflag:s4] =	ssyncadd.s32 $0xFFFFE000  }
0x62: {  	[spmem:s1] =	stream.indirect.scatter.add.f32 [tilespmem:s30], [sflag:$0x5], $0x40, s13, s24, $0xb8;
	[tilespmem:$0x17000] =	vst v63  }
0x63: {  	_ =	swait.ge [sflag:s22], $0x2000  }
0x64: {  	[sflag:s22] =	ssyncset.done $0x0  }
0x65: {  	s10 =	simm.s32 $0x800;
	s11 =	simm.s32 $0x380;
	[sflag:s22] =	ssyncadd.s32 $0xFFFFE000  }
.LBB2_2:
0x66: {  	[tilespmem:s30], [sflag:$0x4] =	stream.indirect.gather [hbm4b:s12+s24], $0x40, s11, s24, $0xb8;
	[tilespmem:$0x17000] =	vst v63  }
0x67: {  	s11 =	smov.u32 s10  }
0x68: {  	p0 =	sne.s32 s10, $0x8800;
	s10 =	sadd.s32 $0x800, s10;
	_ =	swait.ge [sflag:s31], $0x2000  }
0x69: {  	s11 =	sshra.s32 s11, $0x2;
	[sflag:s31] =	ssyncset.done $0x0  }
0x6a: {  	s13 =	sadd.s32 $0x2800, s11;
	[sflag:s31] =	ssyncadd.s32 $0xFFFFE000  }
0x6b: {  	[spmem:s1] =	stream.indirect.scatter.add.f32 [tilespmem:s21], [sflag:$0x5], $0x40, s13, s24, $0xb8;
	[tilespmem:$0x17000] =	vst v63  }
0x6c: {  	_ =	swait.ge [sflag:s22], $0x2000  }
0x6d: {  	[sflag:s22] =	ssyncset.done $0x0  }
0x6e: {  	s13 =	sadd.s32 $0x200, s11;
	[sflag:s22] =	ssyncadd.s32 $0xFFFFE000  }
0x6f: {  	[tilespmem:s21], [sflag:$0x1] =	stream.indirect.gather [hbm4b:s12+s24], $0x40, s13, s24, $0xb8;
	[tilespmem:$0x17000] =	vst v63  }
0x70: {  	_ =	swait.ge [sflag:s0], $0x2000  }
0x71: {  	[sflag:s0] =	ssyncset.done $0x0  }
0x72: {  	s13 =	sadd.s32 $0x2880, s11;
	[sflag:s0] =	ssyncadd.s32 $0xFFFFE000  }
0x73: {  	[spmem:s1] =	stream.indirect.scatter.add.f32 [tilespmem:s25], [sflag:$0x5], $0x40, s13, s24, $0xb8;
	[tilespmem:$0x17000] =	vst v63  }
0x74: {  	_ =	swait.ge [sflag:s22], $0x2000  }
0x75: {  	[sflag:s22] =	ssyncset.done $0x0  }
0x76: {  	s13 =	sadd.s32 $0x280, s11;
	[sflag:s22] =	ssyncadd.s32 $0xFFFFE000  }
0x77: {  	[tilespmem:s25], [sflag:$0x2] =	stream.indirect.gather [hbm4b:s12+s24], $0x40, s13, s24, $0xb8;
	[tilespmem:$0x17000] =	vst v63  }
0x78: {  	_ =	swait.ge [sflag:s2], $0x2000  }
0x79: {  	[sflag:s2] =	ssyncset.done $0x0  }
0x7a: {  	s13 =	sadd.s32 $0x2900, s11;
	[sflag:s2] =	ssyncadd.s32 $0xFFFFE000  }
0x7b: {  	[spmem:s1] =	stream.indirect.scatter.add.f32 [tilespmem:s28], [sflag:$0x5], $0x40, s13, s24, $0xb8;
	[tilespmem:$0x17000] =	vst v63  }
0x7c: {  	_ =	swait.ge [sflag:s22], $0x2000  }
0x7d: {  	[sflag:s22] =	ssyncset.done $0x0  }
0x7e: {  	s13 =	sadd.s32 $0x300, s11;
	[sflag:s22] =	ssyncadd.s32 $0xFFFFE000  }
0x7f: {  	[tilespmem:s28], [sflag:$0x3] =	stream.indirect.gather [hbm4b:s12+s24], $0x40, s13, s24, $0xb8;
	[tilespmem:$0x17000] =	vst v63  }
0x80: {  	_ =	swait.ge [sflag:s4], $0x2000  }
0x81: {  	[sflag:s4] =	ssyncset.done $0x0  }
.Ltmp0:
0x82: {  	s13 =	sadd.s32 $0x2980, s11;
	[sflag:s4] =	ssyncadd.s32 $0xFFFFE000;
	(pc) =	sbr.rel @p0 .LBB2_2-.Ltmp0, $4  }
0x83: {  	[spmem:s1] =	stream.indirect.scatter.add.f32 [tilespmem:s30], [sflag:$0x5], $0x40, s13, s24, $0xb8;
	[tilespmem:$0x17000] =	vst v63  }
0x84: {  	_ =	swait.ge [sflag:s22], $0x2000  }
0x85: {  	[sflag:s22] =	ssyncset.done $0x0  }
0x86: {  	s11 =	sadd.s32 $0x380, s11;
	[sflag:s22] =	ssyncadd.s32 $0xFFFFE000  }
0x87: {  	[tilespmem:s30], [sflag:$0x4] =	stream.indirect.gather [hbm4b:s12+s24], $0x40, s11, s24, $0xb8;
	[tilespmem:$0x17000] =	vst v63  }
0x88: {  	_ =	swait.ge [sflag:s31], $0x2000  }
0x89: {  	[sflag:s31] =	ssyncset.done $0x0  }
0x8a: {  	s10 =	simm.s32 $0x4C00;
	[sflag:s31] =	ssyncadd.s32 $0xFFFFE000  }
0x8b: {  	[spmem:s1] =	stream.indirect.scatter.add.f32 [tilespmem:s21], [sflag:$0x5], $0x40, s10, s24, $0xb8;
	[tilespmem:$0x17000] =	vst v63  }
0x8c: {  	_ =	swait.ge [sflag:s22], $0x2000  }
0x8d: {  	[sflag:s22] =	ssyncset.done $0x0  }
0x8e: {  	s13 =	simm.s32 $0x2600;
	[sflag:s22] =	ssyncadd.s32 $0xFFFFE000  }
0x8f: {  	[tilespmem:s21], [sflag:$0x1] =	stream.indirect.gather [hbm4b:s12+s24], $0x40, s13, s24, $0xb8;
	[tilespmem:$0x17000] =	vst v63  }
0x90: {  	_ =	swait.ge [sflag:s0], $0x2000  }
0x91: {  	[sflag:s0] =	ssyncset.done $0x0  }
0x92: {  	s11 =	simm.s32 $0x4C80;
	[sflag:s0] =	ssyncadd.s32 $0xFFFFE000  }
0x93: {  	[spmem:s1] =	stream.indirect.scatter.add.f32 [tilespmem:s25], [sflag:$0x5], $0x40, s11, s24, $0xb8;
	[tilespmem:$0x17000] =	vst v63  }
0x94: {  	_ =	swait.ge [sflag:s22], $0x2000  }
0x95: {  	[sflag:s22] =	ssyncset.done $0x0  }
0x96: {  	[sflag:s22] =	ssyncadd.s32 $0xFFFFE000  }
0x97: {  	[tilespmem:s25], [sflag:$0x2] =	stream.indirect.gather [hbm4b:s12+s24], $0x40, s14, s24, $0xb8;
	[tilespmem:$0x17000] =	vst v63  }
0x98: {  	_ =	swait.ge [sflag:s2], $0x2000  }
0x99: {  	[sflag:s2] =	ssyncset.done $0x0  }
0x9a: {  	[sflag:s2] =	ssyncadd.s32 $0xFFFFE000  }
0x9b: {  	[spmem:s1] =	stream.indirect.scatter.add.f32 [tilespmem:s28], [sflag:$0x5], $0x40, s15, s24, $0xb8;
	[tilespmem:$0x17000] =	vst v63  }
0x9c: {  	_ =	swait.ge [sflag:s22], $0x2000  }
0x9d: {  	[sflag:s22] =	ssyncset.done $0x0  }
0x9e: {  	[sflag:s22] =	ssyncadd.s32 $0xFFFFE000  }
0x9f: {  	[tilespmem:s28], [sflag:$0x3] =	stream.indirect.gather [hbm4b:s12+s24], $0x40, s16, s24, $0xb8;
	[tilespmem:$0x17000] =	vst v63  }
0xa0: {  	_ =	swait.ge [sflag:s4], $0x2000  }
0xa1: {  	[sflag:s4] =	ssyncset.done $0x0  }
0xa2: {  	[sflag:s4] =	ssyncadd.s32 $0xFFFFE000  }
0xa3: {  	[spmem:s1] =	stream.indirect.scatter.add.f32 [tilespmem:s30], [sflag:$0x5], $0x40, s23, s24, $0xb8;
	[tilespmem:$0x17000] =	vst v63  }
0xa4: {  	_ =	swait.ge [sflag:s22], $0x2000  }
0xa5: {  	[sflag:s22] =	ssyncset.done $0x0  }
0xa6: {  	[sflag:s22] =	ssyncadd.s32 $0xFFFFE000  }
0xa7: {  	[tilespmem:s30], [sflag:$0x4] =	stream.indirect.gather [hbm4b:s12+s24], $0x40, s17, s24, $0xb8;
	[tilespmem:$0x17000] =	vst v63  }
0xa8: {  	_ =	swait.ge [sflag:s31], $0x2000  }
0xa9: {  	[sflag:s31] =	ssyncset.done $0x0  }
0xaa: {  	[sflag:s31] =	ssyncadd.s32 $0xFFFFE000  }
0xab: {  	[spmem:s1] =	stream.indirect.scatter.add.f32 [tilespmem:s21], [sflag:$0x5], $0x40, s26, s24, $0xb8;
	[tilespmem:$0x17000] =	vst v63  }
0xac: {  	_ =	swait.ge [sflag:s22], $0x2000  }
0xad: {  	[sflag:s22] =	ssyncset.done $0x0  }
0xae: {  	[sflag:s22] =	ssyncadd.s32 $0xFFFFE000  }
0xaf: {  	[tilespmem:s21], [sflag:$0x1] =	stream.indirect.gather [hbm4b:s12+s24], $0x40, s17, s24, $0xb8;
	[tilespmem:$0x17000] =	vst v63  }
0xb0: {  	_ =	swait.ge [sflag:s0], $0x2000  }
0xb1: {  	[sflag:s0] =	ssyncset.done $0x0  }
0xb2: {  	[sflag:s0] =	ssyncadd.s32 $0xFFFFE000  }
0xb3: {  	[spmem:s1] =	stream.indirect.scatter.add.f32 [tilespmem:s25], [sflag:$0x5], $0x40, s18, s24, $0xb8;
	[tilespmem:$0x17000] =	vst v63  }
0xb4: {  	_ =	swait.ge [sflag:s22], $0x2000  }
0xb5: {  	[sflag:s22] =	ssyncset.done $0x0  }
0xb6: {  	[sflag:s22] =	ssyncadd.s32 $0xFFFFE000  }
0xb7: {  	[tilespmem:s25], [sflag:$0x2] =	stream.indirect.gather [hbm4b:s12+s24], $0x40, s17, s24, $0xb8;
	[tilespmem:$0x17000] =	vst v63  }
0xb8: {  	_ =	swait.ge [sflag:s2], $0x2000  }
0xb9: {  	[sflag:s2] =	ssyncset.done $0x0  }
0xba: {  	[sflag:s2] =	ssyncadd.s32 $0xFFFFE000  }
0xbb: {  	[spmem:s1] =	stream.indirect.scatter.add.f32 [tilespmem:s28], [sflag:$0x5], $0x40, s19, s24, $0xb8;
	[tilespmem:$0x17000] =	vst v63  }
0xbc: {  	_ =	swait.ge [sflag:s22], $0x2000  }
0xbd: {  	[sflag:s22] =	ssyncset.done $0x0  }
0xbe: {  	[sflag:s22] =	ssyncadd.s32 $0xFFFFE000  }
0xbf: {  	[tilespmem:s28], [sflag:$0x3] =	stream.indirect.gather [hbm4b:s12+s24], $0x40, s17, s24, $0xb8;
	[tilespmem:$0x17000] =	vst v63  }
0xc0: {  	_ =	swait.ge [sflag:s4], $0x2000  }
0xc1: {  	[sflag:s4] =	ssyncset.done $0x0  }
0xc2: {  	[sflag:s4] =	ssyncadd.s32 $0xFFFFE000  }
0xc3: {  	[spmem:s1] =	stream.indirect.scatter.add.f32 [tilespmem:s30], [sflag:$0x5], $0x40, s29, s24, $0xb8;
	[tilespmem:$0x17000] =	vst v63  }
0xc4: {  	_ =	swait.ge [sflag:s22], $0x2000  }
0xc5: {  	[sflag:s22] =	ssyncset.done $0x0  }
0xc6: {  	[sflag:s22] =	ssyncadd.s32 $0xFFFFE000  }
0xc7: {  	[tilespmem:s30], [sflag:$0x4] =	stream.indirect.gather [hbm4b:s12+s24], $0x40, s17, s24, $0xb8;
	[tilespmem:$0x17000] =	vst v63  }
0xc8: {  	_ =	swait.ge [sflag:s31], $0x2000  }
0xc9: {  	[sflag:s31] =	ssyncset.done $0x0  }
0xca: {  	[sflag:s31] =	ssyncadd.s32 $0xFFFFE000  }
0xcb: {  	_ =	swait.ge [sflag:s0], $0x2000  }
0xcc: {  	[sflag:s0] =	ssyncset.done $0x0  }
0xcd: {  	[sflag:s0] =	ssyncadd.s32 $0xFFFFE000  }
0xce: {  	_ =	swait.ge [sflag:s2], $0x2000  }
0xcf: {  	[sflag:s2] =	ssyncset.done $0x0  }
0xd0: {  	[sflag:s2] =	ssyncadd.s32 $0xFFFFE000  }
0xd1: {  	_ =	swait.ge [sflag:s4], $0x2000  }
0xd2: {  	[sflag:s4] =	ssyncset.done $0x0  }
0xd3: {  	s10 =	simm.s32 $0x0;
	s13 =	rddreg [dreg:$0x7];
	[sflag:s4] =	ssyncadd.s32 $0xFFFFE000  }
0xd4: {  	[tilespmem:s10], [sflag:$0x5] =	stream.linear.gather [hbm4b:s13+s10], $0x2800, $0x38;
	[tilespmem:$0x17000] =	vst v63  }
0xd5: {  	_ =	swait.ge [sflag:s22], $0x2800  }
0xd6: {  	[sflag:s22] =	ssyncset.done $0x0  }
0xd7: {  	s13 =	simm.s32 $0x2800;
	s11 =	rddreg [dreg:$0x8];
	[sflag:s22] =	ssyncadd.s32 $0xFFFFD800  }
0xd8: {  	[tilespmem:s13], [sflag:$0x5] =	stream.linear.gather [hbm4b:s11+s10], $0x2800, $0x38;
	[tilespmem:$0x17000] =	vst v63  }
0xd9: {  	_ =	swait.ge [sflag:s22], $0x2800  }
0xda: {  	[sflag:s22] =	ssyncset.done $0x0  }
0xdb: {  	[sflag:s22] =	ssyncadd.s32 $0xFFFFD800  }
0xdc: {  	[tilespmem:s21], [sflag:$0x1] =	stream.indirect.gather [hbm4b:s12+s24], $0x40, s10, s24, $0xb8;
	[tilespmem:$0x17000] =	vst v63  }
0xdd: {  	_ = 	snop  }
0xde: {  	[tilespmem:s25], [sflag:$0x2] =	stream.indirect.gather [hbm4b:s12+s24], $0x40, s24, s24, $0xb8;
	[tilespmem:$0x17000] =	vst v63  }
0xdf: {  	s13 =	simm.s32 $0x100  }
0xe0: {  	[tilespmem:s28], [sflag:$0x3] =	stream.indirect.gather [hbm4b:s12+s24], $0x40, s13, s24, $0xb8;
	[tilespmem:$0x17000] =	vst v63  }
0xe1: {  	s11 =	simm.s32 $0x180  }
0xe2: {  	[tilespmem:s30], [sflag:$0x4] =	stream.indirect.gather [hbm4b:s12+s24], $0x40, s11, s24, $0xb8;
	[tilespmem:$0x17000] =	vst v63  }
0xe3: {  	_ =	swait.ge [sflag:s31], $0x2000  }
0xe4: {  	[sflag:s31] =	ssyncset.done $0x0  }
0xe5: {  	s13 =	simm.s32 $0x2800;
	[sflag:s31] =	ssyncadd.s32 $0xFFFFE000  }
0xe6: {  	[spmem:s1] =	stream.indirect.scatter.add.f32 [tilespmem:s21], [sflag:$0x5], $0x40, s13, s24, $0xb8;
	[tilespmem:$0x17000] =	vst v63  }
0xe7: {  	_ =	swait.ge [sflag:s22], $0x2000  }
0xe8: {  	[sflag:s22] =	ssyncset.done $0x0  }
0xe9: {  	s11 =	simm.s32 $0x200;
	[sflag:s22] =	ssyncadd.s32 $0xFFFFE000  }
0xea: {  	[tilespmem:s21], [sflag:$0x1] =	stream.indirect.gather [hbm4b:s12+s24], $0x40, s11, s24, $0xb8;
	[tilespmem:$0x17000] =	vst v63  }
0xeb: {  	_ =	swait.ge [sflag:s0], $0x2000  }
0xec: {  	[sflag:s0] =	ssyncset.done $0x0  }
0xed: {  	s13 =	simm.s32 $0x2880;
	[sflag:s0] =	ssyncadd.s32 $0xFFFFE000  }
0xee: {  	[spmem:s1] =	stream.indirect.scatter.add.f32 [tilespmem:s25], [sflag:$0x5], $0x40, s13, s24, $0xb8;
	[tilespmem:$0x17000] =	vst v63  }
0xef: {  	_ =	swait.ge [sflag:s22], $0x2000  }
0xf0: {  	[sflag:s22] =	ssyncset.done $0x0  }
0xf1: {  	s11 =	simm.s32 $0x280;
	[sflag:s22] =	ssyncadd.s32 $0xFFFFE000  }
0xf2: {  	[tilespmem:s25], [sflag:$0x2] =	stream.indirect.gather [hbm4b:s12+s24], $0x40, s11, s24, $0xb8;
	[tilespmem:$0x17000] =	vst v63  }
0xf3: {  	_ =	swait.ge [sflag:s2], $0x2000  }
0xf4: {  	[sflag:s2] =	ssyncset.done $0x0  }
0xf5: {  	s13 =	simm.s32 $0x2900;
	[sflag:s2] =	ssyncadd.s32 $0xFFFFE000  }
0xf6: {  	[spmem:s1] =	stream.indirect.scatter.add.f32 [tilespmem:s28], [sflag:$0x5], $0x40, s13, s24, $0xb8;
	[tilespmem:$0x17000] =	vst v63  }
0xf7: {  	_ =	swait.ge [sflag:s22], $0x2000  }
0xf8: {  	[sflag:s22] =	ssyncset.done $0x0  }
0xf9: {  	s11 =	simm.s32 $0x300;
	[sflag:s22] =	ssyncadd.s32 $0xFFFFE000  }
0xfa: {  	[tilespmem:s28], [sflag:$0x3] =	stream.indirect.gather [hbm4b:s12+s24], $0x40, s11, s24, $0xb8;
	[tilespmem:$0x17000] =	vst v63  }
0xfb: {  	_ =	swait.ge [sflag:s4], $0x2000  }
0xfc: {  	[sflag:s4] =	ssyncset.done $0x0  }
0xfd: {  	s13 =	simm.s32 $0x2980;
	[sflag:s4] =	ssyncadd.s32 $0xFFFFE000  }
0xfe: {  	[spmem:s1] =	stream.indirect.scatter.add.f32 [tilespmem:s30], [sflag:$0x5], $0x40, s13, s24, $0xb8;
	[tilespmem:$0x17000] =	vst v63  }
0xff: {  	_ =	swait.ge [sflag:s22], $0x2000  }
0x100: {  	[sflag:s22] =	ssyncset.done $0x0  }
0x101: {  	s10 =	simm.s32 $0x800;
	s11 =	simm.s32 $0x380;
	[sflag:s22] =	ssyncadd.s32 $0xFFFFE000  }
.LBB2_4:
0x102: {  	[tilespmem:s30], [sflag:$0x4] =	stream.indirect.gather [hbm4b:s12+s24], $0x40, s11, s24, $0xb8;
	[tilespmem:$0x17000] =	vst v63  }
0x103: {  	s11 =	smov.u32 s10  }
0x104: {  	p0 =	sne.s32 s10, $0x8800;
	s10 =	sadd.s32 $0x800, s10;
	_ =	swait.ge [sflag:s31], $0x2000  }
0x105: {  	s11 =	sshra.s32 s11, $0x2;
	[sflag:s31] =	ssyncset.done $0x0  }
0x106: {  	s13 =	sadd.s32 $0x2800, s11;
	[sflag:s31] =	ssyncadd.s32 $0xFFFFE000  }
0x107: {  	[spmem:s1] =	stream.indirect.scatter.add.f32 [tilespmem:s21], [sflag:$0x5], $0x40, s13, s24, $0xb8;
	[tilespmem:$0x17000] =	vst v63  }
0x108: {  	_ =	swait.ge [sflag:s22], $0x2000  }
0x109: {  	[sflag:s22] =	ssyncset.done $0x0  }
0x10a: {  	s13 =	sadd.s32 $0x200, s11;
	[sflag:s22] =	ssyncadd.s32 $0xFFFFE000  }
0x10b: {  	[tilespmem:s21], [sflag:$0x1] =	stream.indirect.gather [hbm4b:s12+s24], $0x40, s13, s24, $0xb8;
	[tilespmem:$0x17000] =	vst v63  }
0x10c: {  	_ =	swait.ge [sflag:s0], $0x2000  }
0x10d: {  	[sflag:s0] =	ssyncset.done $0x0  }
0x10e: {  	s13 =	sadd.s32 $0x2880, s11;
	[sflag:s0] =	ssyncadd.s32 $0xFFFFE000  }
0x10f: {  	[spmem:s1] =	stream.indirect.scatter.add.f32 [tilespmem:s25], [sflag:$0x5], $0x40, s13, s24, $0xb8;
	[tilespmem:$0x17000] =	vst v63  }
0x110: {  	_ =	swait.ge [sflag:s22], $0x2000  }
0x111: {  	[sflag:s22] =	ssyncset.done $0x0  }
0x112: {  	s13 =	sadd.s32 $0x280, s11;
	[sflag:s22] =	ssyncadd.s32 $0xFFFFE000  }
0x113: {  	[tilespmem:s25], [sflag:$0x2] =	stream.indirect.gather [hbm4b:s12+s24], $0x40, s13, s24, $0xb8;
	[tilespmem:$0x17000] =	vst v63  }
0x114: {  	_ =	swait.ge [sflag:s2], $0x2000  }
0x115: {  	[sflag:s2] =	ssyncset.done $0x0  }
0x116: {  	s13 =	sadd.s32 $0x2900, s11;
	[sflag:s2] =	ssyncadd.s32 $0xFFFFE000  }
0x117: {  	[spmem:s1] =	stream.indirect.scatter.add.f32 [tilespmem:s28], [sflag:$0x5], $0x40, s13, s24, $0xb8;
	[tilespmem:$0x17000] =	vst v63  }
0x118: {  	_ =	swait.ge [sflag:s22], $0x2000  }
0x119: {  	[sflag:s22] =	ssyncset.done $0x0  }
0x11a: {  	s13 =	sadd.s32 $0x300, s11;
	[sflag:s22] =	ssyncadd.s32 $0xFFFFE000  }
0x11b: {  	[tilespmem:s28], [sflag:$0x3] =	stream.indirect.gather [hbm4b:s12+s24], $0x40, s13, s24, $0xb8;
	[tilespmem:$0x17000] =	vst v63  }
0x11c: {  	_ =	swait.ge [sflag:s4], $0x2000  }
0x11d: {  	[sflag:s4] =	ssyncset.done $0x0  }
.Ltmp1:
0x11e: {  	s13 =	sadd.s32 $0x2980, s11;
	[sflag:s4] =	ssyncadd.s32 $0xFFFFE000;
	(pc) =	sbr.rel @p0 .LBB2_4-.Ltmp1, $4  }
0x11f: {  	[spmem:s1] =	stream.indirect.scatter.add.f32 [tilespmem:s30], [sflag:$0x5], $0x40, s13, s24, $0xb8;
	[tilespmem:$0x17000] =	vst v63  }
0x120: {  	_ =	swait.ge [sflag:s22], $0x2000  }
0x121: {  	[sflag:s22] =	ssyncset.done $0x0  }
0x122: {  	s11 =	sadd.s32 $0x380, s11;
	[sflag:s22] =	ssyncadd.s32 $0xFFFFE000  }
0x123: {  	[tilespmem:s30], [sflag:$0x4] =	stream.indirect.gather [hbm4b:s12+s24], $0x40, s11, s24, $0xb8;
	[tilespmem:$0x17000] =	vst v63  }
0x124: {  	_ =	swait.ge [sflag:s31], $0x2000  }
0x125: {  	[sflag:s31] =	ssyncset.done $0x0  }
0x126: {  	s10 =	simm.s32 $0x4C00;
	[sflag:s31] =	ssyncadd.s32 $0xFFFFE000  }
0x127: {  	[spmem:s1] =	stream.indirect.scatter.add.f32 [tilespmem:s21], [sflag:$0x5], $0x40, s10, s24, $0xb8;
	[tilespmem:$0x17000] =	vst v63  }
0x128: {  	_ =	swait.ge [sflag:s22], $0x2000  }
0x129: {  	[sflag:s22] =	ssyncset.done $0x0  }
0x12a: {  	s11 =	simm.s32 $0x2600;
	[sflag:s22] =	ssyncadd.s32 $0xFFFFE000  }
0x12b: {  	[tilespmem:s21], [sflag:$0x1] =	stream.indirect.gather [hbm4b:s12+s24], $0x40, s11, s24, $0xb8;
	[tilespmem:$0x17000] =	vst v63  }
0x12c: {  	_ =	swait.ge [sflag:s0], $0x2000  }
0x12d: {  	[sflag:s0] =	ssyncset.done $0x0  }
0x12e: {  	s13 =	simm.s32 $0x4C80;
	[sflag:s0] =	ssyncadd.s32 $0xFFFFE000  }
0x12f: {  	[spmem:s1] =	stream.indirect.scatter.add.f32 [tilespmem:s25], [sflag:$0x5], $0x40, s13, s24, $0xb8;
	[tilespmem:$0x17000] =	vst v63  }
0x130: {  	_ =	swait.ge [sflag:s22], $0x2000  }
0x131: {  	[sflag:s22] =	ssyncset.done $0x0  }
0x132: {  	[sflag:s22] =	ssyncadd.s32 $0xFFFFE000  }
0x133: {  	[tilespmem:s25], [sflag:$0x2] =	stream.indirect.gather [hbm4b:s12+s24], $0x40, s14, s24, $0xb8;
	[tilespmem:$0x17000] =	vst v63  }
0x134: {  	_ =	swait.ge [sflag:s2], $0x2000  }
0x135: {  	[sflag:s2] =	ssyncset.done $0x0  }
0x136: {  	[sflag:s2] =	ssyncadd.s32 $0xFFFFE000  }
0x137: {  	[spmem:s1] =	stream.indirect.scatter.add.f32 [tilespmem:s28], [sflag:$0x5], $0x40, s15, s24, $0xb8;
	[tilespmem:$0x17000] =	vst v63  }
0x138: {  	_ =	swait.ge [sflag:s22], $0x2000  }
0x139: {  	[sflag:s22] =	ssyncset.done $0x0  }
0x13a: {  	[sflag:s22] =	ssyncadd.s32 $0xFFFFE000  }
0x13b: {  	[tilespmem:s28], [sflag:$0x3] =	stream.indirect.gather [hbm4b:s12+s24], $0x40, s16, s24, $0xb8;
	[tilespmem:$0x17000] =	vst v63  }
0x13c: {  	_ =	swait.ge [sflag:s4], $0x2000  }
0x13d: {  	[sflag:s4] =	ssyncset.done $0x0  }
0x13e: {  	[sflag:s4] =	ssyncadd.s32 $0xFFFFE000  }
0x13f: {  	[spmem:s1] =	stream.indirect.scatter.add.f32 [tilespmem:s30], [sflag:$0x5], $0x40, s23, s24, $0xb8;
	[tilespmem:$0x17000] =	vst v63  }
0x140: {  	_ =	swait.ge [sflag:s22], $0x2000  }
0x141: {  	[sflag:s22] =	ssyncset.done $0x0  }
0x142: {  	[sflag:s22] =	ssyncadd.s32 $0xFFFFE000  }
0x143: {  	[tilespmem:s30], [sflag:$0x4] =	stream.indirect.gather [hbm4b:s12+s24], $0x40, s17, s24, $0xb8;
	[tilespmem:$0x17000] =	vst v63  }
0x144: {  	_ =	swait.ge [sflag:s31], $0x2000  }
0x145: {  	[sflag:s31] =	ssyncset.done $0x0  }
0x146: {  	[sflag:s31] =	ssyncadd.s32 $0xFFFFE000  }
0x147: {  	[spmem:s1] =	stream.indirect.scatter.add.f32 [tilespmem:s21], [sflag:$0x5], $0x40, s26, s24, $0xb8;
	[tilespmem:$0x17000] =	vst v63  }
0x148: {  	_ =	swait.ge [sflag:s22], $0x2000  }
0x149: {  	[sflag:s22] =	ssyncset.done $0x0  }
0x14a: {  	[sflag:s22] =	ssyncadd.s32 $0xFFFFE000  }
0x14b: {  	[tilespmem:s21], [sflag:$0x1] =	stream.indirect.gather [hbm4b:s12+s24], $0x40, s17, s24, $0xb8;
	[tilespmem:$0x17000] =	vst v63  }
0x14c: {  	_ =	swait.ge [sflag:s0], $0x2000  }
0x14d: {  	[sflag:s0] =	ssyncset.done $0x0  }
0x14e: {  	[sflag:s0] =	ssyncadd.s32 $0xFFFFE000  }
0x14f: {  	[spmem:s1] =	stream.indirect.scatter.add.f32 [tilespmem:s25], [sflag:$0x5], $0x40, s18, s24, $0xb8;
	[tilespmem:$0x17000] =	vst v63  }
0x150: {  	_ =	swait.ge [sflag:s22], $0x2000  }
0x151: {  	[sflag:s22] =	ssyncset.done $0x0  }
0x152: {  	[sflag:s22] =	ssyncadd.s32 $0xFFFFE000  }
0x153: {  	[tilespmem:s25], [sflag:$0x2] =	stream.indirect.gather [hbm4b:s12+s24], $0x40, s17, s24, $0xb8;
	[tilespmem:$0x17000] =	vst v63  }
0x154: {  	_ =	swait.ge [sflag:s2], $0x2000  }
0x155: {  	[sflag:s2] =	ssyncset.done $0x0  }
0x156: {  	[sflag:s2] =	ssyncadd.s32 $0xFFFFE000  }
0x157: {  	[spmem:s1] =	stream.indirect.scatter.add.f32 [tilespmem:s28], [sflag:$0x5], $0x40, s19, s24, $0xb8;
	[tilespmem:$0x17000] =	vst v63  }
0x158: {  	_ =	swait.ge [sflag:s22], $0x2000  }
0x159: {  	[sflag:s22] =	ssyncset.done $0x0  }
0x15a: {  	[sflag:s22] =	ssyncadd.s32 $0xFFFFE000  }
0x15b: {  	[tilespmem:s28], [sflag:$0x3] =	stream.indirect.gather [hbm4b:s12+s24], $0x40, s17, s24, $0xb8;
	[tilespmem:$0x17000] =	vst v63  }
0x15c: {  	_ =	swait.ge [sflag:s4], $0x2000  }
0x15d: {  	[sflag:s4] =	ssyncset.done $0x0  }
0x15e: {  	[sflag:s4] =	ssyncadd.s32 $0xFFFFE000  }
0x15f: {  	[spmem:s1] =	stream.indirect.scatter.add.f32 [tilespmem:s30], [sflag:$0x5], $0x40, s29, s24, $0xb8;
	[tilespmem:$0x17000] =	vst v63  }
0x160: {  	_ =	swait.ge [sflag:s22], $0x2000  }
0x161: {  	[sflag:s22] =	ssyncset.done $0x0  }
0x162: {  	[sflag:s22] =	ssyncadd.s32 $0xFFFFE000  }
0x163: {  	[tilespmem:s30], [sflag:$0x4] =	stream.indirect.gather [hbm4b:s12+s24], $0x40, s17, s24, $0xb8;
	[tilespmem:$0x17000] =	vst v63  }
0x164: {  	_ =	swait.ge [sflag:s31], $0x2000  }
0x165: {  	[sflag:s31] =	ssyncset.done $0x0  }
0x166: {  	[sflag:s31] =	ssyncadd.s32 $0xFFFFE000  }
0x167: {  	_ =	swait.ge [sflag:s0], $0x2000  }
0x168: {  	[sflag:s0] =	ssyncset.done $0x0  }
0x169: {  	[sflag:s0] =	ssyncadd.s32 $0xFFFFE000  }
0x16a: {  	_ =	swait.ge [sflag:s2], $0x2000  }
0x16b: {  	[sflag:s2] =	ssyncset.done $0x0  }
0x16c: {  	[sflag:s2] =	ssyncadd.s32 $0xFFFFE000  }
0x16d: {  	_ =	swait.ge [sflag:s4], $0x2000  }
0x16e: {  	[sflag:s4] =	ssyncset.done $0x0  }
0x16f: {  	[sflag:s4] =	ssyncadd.s32 $0xFFFFE000  }
0x170: {  	[bflag:$0x0] =	sbarrier.arrive $0xFFFF  }
0x171: {  	[tilespmem:s21], [sflag:$0x5] =	stream.linear.gather [spmem:s5], $0x2000, $0x38;
	[tilespmem:$0x17000] =	vst v63  }
0x172: {  	_ =	swait.ge [sflag:s22], $0x2000  }
0x173: {  	[sflag:s22] =	ssyncset.done $0x0  }
0x174: {  	s11 =	rddreg [dreg:$0x9];
	[sflag:s22] =	ssyncadd.s32 $0xFFFFE000  }
0x175: {  	[hbm4b:s11+s3] =	stream.linear.scatter [tilespmem:s21], [sflag:$0x5], $0x2000, $0x38;
	[tilespmem:$0x17000] =	vst v63  }
0x176: {  	_ =	swait.ge [sflag:s22], $0x2000  }
0x177: {  	[sflag:s22] =	ssyncset.done $0x0  }
0x178: {  	[sflag:s22] =	ssyncadd.s32 $0xFFFFE000  }
0x179: {  	[tilespmem:s21], [sflag:$0x5] =	stream.linear.gather [spmem:s6], $0x2000, $0x38;
	[tilespmem:$0x17000] =	vst v63  }
0x17a: {  	_ =	swait.ge [sflag:s22], $0x2000  }
0x17b: {  	[sflag:s22] =	ssyncset.done $0x0  }
0x17c: {  	s13 =	rddreg [dreg:$0xa];
	[sflag:s22] =	ssyncadd.s32 $0xFFFFE000  }
0x17d: {  	[hbm4b:s13+s3] =	stream.linear.scatter [tilespmem:s21], [sflag:$0x5], $0x2000, $0x38;
	[tilespmem:$0x17000] =	vst v63  }
0x17e: {  	_ =	swait.ge [sflag:s22], $0x2000  }
0x17f: {  	[sflag:s22] =	ssyncset.done $0x0  }
0x180: {  	[sflag:s22] =	ssyncadd.s32 $0xFFFFE000  }
0x181: {  	[tilespmem:s21], [sflag:$0x5] =	stream.linear.gather [spmem:s7], $0x2000, $0x38;
	[tilespmem:$0x17000] =	vst v63  }
0x182: {  	_ =	swait.ge [sflag:s22], $0x2000  }
0x183: {  	[sflag:s22] =	ssyncset.done $0x0  }
0x184: {  	s11 =	rddreg [dreg:$0xb];
	[sflag:s22] =	ssyncadd.s32 $0xFFFFE000  }
0x185: {  	[hbm4b:s11+s3] =	stream.linear.scatter [tilespmem:s21], [sflag:$0x5], $0x2000, $0x38;
	[tilespmem:$0x17000] =	vst v63  }
0x186: {  	_ =	swait.ge [sflag:s22], $0x2000  }
0x187: {  	[sflag:s22] =	ssyncset.done $0x0  }
0x188: {  	[sflag:s22] =	ssyncadd.s32 $0xFFFFE000  }
0x189: {  	[tilespmem:s21], [sflag:$0x5] =	stream.linear.gather [spmem:s8], $0x2000, $0x38;
	[tilespmem:$0x17000] =	vst v63  }
0x18a: {  	_ =	swait.ge [sflag:s22], $0x2000  }
0x18b: {  	[sflag:s22] =	ssyncset.done $0x0  }
0x18c: {  	s13 =	rddreg [dreg:$0xc];
	[sflag:s22] =	ssyncadd.s32 $0xFFFFE000  }
0x18d: {  	[hbm4b:s13+s3] =	stream.linear.scatter [tilespmem:s21], [sflag:$0x5], $0x2000, $0x38;
	[tilespmem:$0x17000] =	vst v63  }
0x18e: {  	_ =	swait.ge [sflag:s22], $0x2000  }
0x18f: {  	[sflag:s22] =	ssyncset.done $0x0  }
0x190: {  	[sflag:s22] =	ssyncadd.s32 $0xFFFFE000  }
0x191: {  	[tilespmem:s21], [sflag:$0x5] =	stream.linear.gather [spmem:s9], $0x2000, $0x38;
	[tilespmem:$0x17000] =	vst v63  }
0x192: {  	_ =	swait.ge [sflag:s22], $0x2000  }
0x193: {  	[sflag:s22] =	ssyncset.done $0x0  }
0x194: {  	s11 =	rddreg [dreg:$0xd];
	[sflag:s22] =	ssyncadd.s32 $0xFFFFE000  }
0x195: {  	[hbm4b:s11+s3] =	stream.linear.scatter [tilespmem:s21], [sflag:$0x5], $0x2000, $0x38;
	[tilespmem:$0x17000] =	vst v63  }
0x196: {  	_ =	swait.ge [sflag:s22], $0x2000  }
0x197: {  	s20 =	sadd.s32 $0x1, s20;
	s13 =	rddreg [dreg:$0xe]  }
0x198: {  	p0 =	sne.s32 s20, s13  }
.Ltmp2:
0x199: {  	_ = 	snop;
	(pc) =	sbr.rel @p0 .LBB2_1-.Ltmp2, $3  }
0x19a: {  	_ =	sdelay $0x1  }
0x19b: {  	[sflag:s22] =	ssyncset.done $0x0  }
0x19c: {  	[sflag:s22] =	ssyncadd.s32 $0xFFFFE000  }
0x19d: {  	_ =	sfence.sel $0x180000  }
0x19e: {  	[bflag:$0x0] =	sbarrier.arrive $0xFFFF  }
0x19f: {  	_ =	strace $0x9000004A  }
0x1a0: {  	s0 =	stileid.u32;
	[bflag:$0x2] =	sbarrier.arrive $0xFFFF  }
0x1a1: {  	p0 =	sne.s32 s0, $0x0;
	s0 =	rddreg [dreg:$0x3]  }
0x1a2: {  	s0 =	sadd.s32 @!p0 $0x100000, s0  }
0x1a3: {  	[sflag:s0] =	ssyncadd.tile.s32 @!p0 $0x1;
	_ =	shalt  }
.Lfunc_end2:
_tile_overlayer_lowered:
.L_overlay_start_2:
0x1a4: {  	(tag) =	ssettag $0x2  }
0x1a5: {  	s0 =	rddreg [dreg:$0x0];
	s2 =	stileid.u32  }
0x1a6: {  	s1 =	rddreg [dreg:$0x1];
	p0 =	sne.s32 s2, $0x0  }
0x1a7: {  	s3 =	rddreg [dreg:$0x2];
	[bflag:$0x3] =	sbarrier.arrive $0xFFFF;
	s2 =	simm.s32 @!p0 $0x1C05  }
0x1a8: {  	[timem:s3], [sflag:s2] =	dma.local @!p0 [hbm:s0], s1  }
0x1a9: {  	s0 =	simm.s32 @!p0 $0x5  }
0x1aa: {  	_ =	swait.ge @!p0 [sflag:s0], s1  }
0x1ab: {  	s1 =	ssub.s32 @!p0 $0x0, s1;
	[sflag:s0] =	ssyncset.done @!p0 $0x0  }
0x1ac: {  	[sflag:s0] =	ssyncadd.s32 @!p0 s1  }
0x1ad: {  	[bflag:$0x3] =	sbarrier.arrive $0xFFFF  }
0x1ae: {  	_ =	shalt  }

// kernel: _run.7.cloned.1.call-start
scs
__scs_entry_jumppad:
0x0: {  	(pc) =	sbr.rel $0x88, $3  }
0x1: {  	(tag) =	ssettag $0x0;
	lr =	simm.s32 $0x1  }
0x2: {  	[smem:$0x3F98] =	sst lr;
	_ =	strace $0xD0000000  }
0x3: {  	_ = 	snop  }
0x4: {  	_ = 	snop  }
0x5: {  	_ = 	snop  }
0x6: {  	_ = 	snop  }
0x7: {  	_ = 	snop  }
__scs_overlays_trampoline_lowered:
0x8: {  	[smem:$0x3FA7] =	sst s0  }
0x9: {  	[smem:$0x3FA8] =	sst s1  }
0xa: {  	[smem:$0x3FA9] =	sst s2  }
0xb: {  	[smem:$0x3FAA] =	sst s3  }
0xc: {  	[smem:$0x3FAB] =	sst s4  }
0xd: {  	[smem:$0x3FAC] =	sst s5  }
0xe: {  	[smem:$0x3FAD] =	sst s6  }
0xf: {  	[smem:$0x3FAE] =	sst s7  }
0x10: {  	[smem:$0x3FAF] =	sst s8  }
0x11: {  	[smem:$0x3FB0] =	sst s9;
	s0 =	simm.s32 @!p0 $0x0  }
0x12: {  	s1 =	sld [smem:$0x3F96];
	s0 =	simm.s32 @p0 $0x1  }
0x13: {  	[smem:$0x3FB1] =	sst s0;
	s0 =	simm.s32 @!p1 $0x0  }
0x14: {  	s2 =	sld [smem:$0x3F95];
	s0 =	simm.s32 @p1 $0x1  }
0x15: {  	[smem:$0x3FB2] =	sst s0;
	s0 =	simm.s32 @!p2 $0x0  }
0x16: {  	s3 =	sld [smem:$0x3FDB];
	s0 =	simm.s32 @p2 $0x1  }
0x17: {  	s4 =	simm.s32 $0x1BF5;
	[smem:$0x3FB4] =	sst s0  }
0x18: {  	s0 =	sld [smem:$0x3F97];
	_ =	swait.ge [sflag:s4], $0x0  }
0x19: {  	s7 =	sld [smem:$0x3F98]  }
0x1a: {  	s8 =	sadd.s32 $0xFFFFE003, lr  }
0x1b: {  	s9 =	sadd.s32 $0xFFFFFEF7, lr;
	s5 =	simm.s32 $0xFFFFFFFF;
	p2 =	slt.u32 s8, $0xFFFFF086  }
0x1c: {  	p1 =	slt.u32 s9, $0xF7A;
	s5 =	simm.s32 @!p2 $0x0  }
0x1d: {  	s5 =	simm.s32 @p1 $0x1;
	p0 =	seq.s32 s7, s2  }
0x1e: {  	s7 =	smul.u32 @!p0 $0xF7A, s2;
	p2 =	seq.s32 @!p0 s5, $0x0  }
0x1f: {  	s9 =	smul.u32 $0xF7A, s1;
	s8 =	simm.s32 @!p0 $0x1BF5;
	p2 =	por !p2, p0  }
0x20: {  	[sflag:s8] =	ssyncset.s32 @!p0 $0xFFFFF086;
	s6 =	sadd.s32 @!p0 s3, s7;
	s7 =	simm.s32 @!p0 $0x108  }
0x21: {  	s3 =	sadd.s32 s3, s9;
	s6 =	sadd.s32 @!p0 $0x88, s6;
	s7 =	simm.s32 @p2 $0x1082  }
0x22: {  	[simem:s7], [sflag:s8] =	dma.local @!p0 [hbm:s6], $0xF7A  }
0x23: {  	s9 =	sor.u32 $0xD0000000, s2;
	s6 =	simm.s32 $0x108;
	_ =	swait.ge @!p0 [sflag:s8], $0x0  }
0x24: {  	s3 =	sadd.s32 $0x88, s3;
	s6 =	simm.s32 @!p1 $0x1082;
	[sflag:s4] =	ssyncset.s32 $0xFFFFF086  }
0x25: {  	[simem:s6], [sflag:s4] =	dma.local [hbm:s3], $0xF7A  }
0x26: {  	[smem:$0x3F98] =	sst s1;
	(tag) =	ssettag s2;
	_ =	strace s9  }
0x27: {  	s1 =	sld [smem:$0x3FA8]  }
0x28: {  	s2 =	sld [smem:$0x3FA9]  }
0x29: {  	s4 =	sld [smem:$0x3FAB]  }
0x2a: {  	p0 =	seq.s32 s5, $0x0;
	s5 =	sld [smem:$0x3FAC]  }
0x2b: {  	s6 =	sld [smem:$0x3FAD]  }
0x2c: {  	s7 =	sld [smem:$0x3FAE]  }
0x2d: {  	s3 =	simm.s32 $0x108;
	s8 =	sld [smem:$0x3FAF]  }
0x2e: {  	s3 =	simm.s32 @!p0 $0x1082;
	s9 =	sld [smem:$0x3FB0]  }
0x2f: {  	lr =	sadd.s32 s0, s3;
	s0 =	sld [smem:$0x3FA7]  }
0x30: {  	s3 =	sld [smem:$0x3FAA]  }
0x31: {  	[smem:$0x3FB3] =	sst s10  }
0x32: {  	s10 =	sld [smem:$0x3FB1];
	_ =	sdelay $0x3  }
0x33: {  	p0 =	seq.s32 s10, $0x1;
	s10 =	sld [smem:$0x3FB3];
	_ =	sdelay $0x3  }
0x34: {  	[smem:$0x3FB3] =	sst s10  }
0x35: {  	s10 =	sld [smem:$0x3FB2];
	_ =	sdelay $0x3  }
0x36: {  	p1 =	seq.s32 s10, $0x1;
	s10 =	sld [smem:$0x3FB3];
	_ =	sdelay $0x3  }
0x37: {  	[smem:$0x3FB3] =	sst s10  }
0x38: {  	s10 =	sld [smem:$0x3FB4]  }
0x39: {  	_ = 	snop;
	(pc) =	sbr.ind lr, $3  }
0x3a: {  	_ = 	snop  }
0x3b: {  	_ = 	snop  }
0x3c: {  	p2 =	seq.s32 s10, $0x1;
	s10 =	sld [smem:$0x3FB3]  }
0x3d: {  	_ =	shalt  }
0x3e: {  	_ =	shalt  }
0x3f: {  	_ =	shalt  }
0x40: {  	_ =	shalt  }
0x41: {  	_ =	shalt  }
0x42: {  	_ =	shalt  }
0x43: {  	_ =	shalt  }
0x44: {  	_ =	shalt  }
0x45: {  	_ =	shalt  }
0x46: {  	_ =	shalt  }
0x47: {  	_ =	shalt  }
0x48: {  	_ =	shalt  }
0x49: {  	_ =	shalt  }
0x4a: {  	_ =	shalt  }
0x4b: {  	_ =	shalt  }
0x4c: {  	_ =	shalt  }
0x4d: {  	_ =	shalt  }
0x4e: {  	_ =	shalt  }
0x4f: {  	_ =	shalt  }
0x50: {  	_ =	shalt  }
0x51: {  	_ =	shalt  }
0x52: {  	_ =	shalt  }
0x53: {  	_ =	shalt  }
0x54: {  	_ =	shalt  }
0x55: {  	_ =	shalt  }
0x56: {  	_ =	shalt  }
0x57: {  	_ =	shalt  }
0x58: {  	_ =	shalt  }
0x59: {  	_ =	shalt  }
0x5a: {  	_ =	shalt  }
0x5b: {  	_ =	shalt  }
0x5c: {  	_ =	shalt  }
0x5d: {  	_ =	shalt  }
0x5e: {  	_ =	shalt  }
0x5f: {  	_ =	shalt  }
0x60: {  	_ =	shalt  }
0x61: {  	_ =	shalt  }
0x62: {  	_ =	shalt  }
0x63: {  	_ =	shalt  }
0x64: {  	_ =	shalt  }
0x65: {  	_ =	shalt  }
0x66: {  	_ =	shalt  }
0x67: {  	_ =	shalt  }
0x68: {  	_ =	shalt  }
0x69: {  	_ =	shalt  }
0x6a: {  	_ =	shalt  }
0x6b: {  	_ =	shalt  }
0x6c: {  	_ =	shalt  }
0x6d: {  	_ =	shalt  }
0x6e: {  	_ =	shalt  }
0x6f: {  	_ =	shalt  }
0x70: {  	_ =	shalt  }
0x71: {  	_ =	shalt  }
0x72: {  	_ =	shalt  }
0x73: {  	_ =	shalt  }
0x74: {  	_ =	shalt  }
0x75: {  	_ =	shalt  }
0x76: {  	_ =	shalt  }
0x77: {  	_ =	shalt  }
0x78: {  	_ =	shalt  }
0x79: {  	_ =	shalt  }
0x7a: {  	_ =	shalt  }
0x7b: {  	_ =	shalt  }
0x7c: {  	_ =	shalt  }
0x7d: {  	_ =	shalt  }
0x7e: {  	_ =	shalt  }
0x7f: {  	_ =	shalt  }
0x80: {  	_ =	shalt  }
0x81: {  	_ =	shalt  }
0x82: {  	_ =	shalt  }
0x83: {  	_ =	shalt  }
0x84: {  	_ =	shalt  }
0x85: {  	_ =	shalt  }
0x86: {  	_ =	shalt  }
0x87: {  	_ =	shalt  }
.Lfunc_end0:
.L_simem_size_0:
called_computation_lowered:
.L_overlay_start_0:
0x88: {  	s2 =	sld [smem:$0x3FD9]  }
0x89: {  	s3 =	sld [smem:$0x3FFE];
	_ =	sdelay $0x1  }
0x8a: {  	s1 =	srdreg.scid  }
0x8b: {  	s0 =	sand.u32 $0x1, s1  }
0x8c: {  	s17 =	sshll.u32 s0, $0xA;
	s2 =	sadd.s32 s3, s2  }
0x8d: {  	s2 =	sadd.s32 s2, s17  }
0x8e: {  	[smem:$0x3FBF] =	sst s2  }
0x8f: {  	_ = 	snop  }
0x90: {  	s2 =	sld [smem:$0x3FD0];
	(tm) =	ssettm $0x1  }
0x91: {  	s18 =	sld [smem:$0x3FFB];
	_ =	sdelay $0x3  }
0x92: {  	_ =	strace s18  }
0x93: {  	s3 =	sld [smem:$0x3FFC];
	_ =	sdelay $0x3  }
0x94: {  	_ =	strace s3  }
0x95: {  	s3 =	sld [smem:$0x3FFD];
	_ =	sdelay $0x3  }
0x96: {  	_ =	strace s3  }
0x97: {  	_ =	strace $0x8FFFFFFF  }
0x98: {  	s19 =	sld [smem:$0x3FDB];
	_ =	sdelay $0x1  }
0x99: {  	s4 =	simm.s32 $_scs_section_size  }
0x9a: {  	s5 =	simm.s32 $_size__tile_overlayer_lowered;
	s6 =	simm.s32 $_tile_overlayer_lowered  }
0x9b: {  	s22 =	simm.s32 $0x1BFF;
	s21 =	sshll.u32 s6, $0x1;
	s3 =	sadd.s32 s4, s19  }
0x9c: {  	s7 =	simm.s32 $0x0;
	s20 =	sshll.u32 s5, $0x1;
	s5 =	sadd.s32 s21, s3  }
0x9d: {  	[timem:s7], [sflag:s22] =	dma.local [hbm:s5], s20  }
0x9e: {  	_ =	swait.ge [sflag:s22], s20  }
0x9f: {  	s4 =	ssub.s32 $0x0, s20;
	[sflag:s22] =	ssyncset.done $0x0  }
0xa0: {  	[sflag:s22] =	ssyncadd.s32 s4;
	_ =	sdelay $0x1  }
0xa1: {  	s23 =	simm.s32 $0x1B8B  }
0xa2: {  	_ =	swait.ge [sflag:s23], $0x1  }
0xa3: {  	[sflag:s23] =	ssyncset.done $0x0  }
0xa4: {  	s25 =	simm.s32 $0x1B8E;
	s24 =	sld [smem:$0x3FFE];
	[sflag:s23] =	ssyncadd.s32 $0xFFFFFFFF  }
0xa5: {  	s26 =	simm.s32 $execute0_lowered;
	[smem:$0x3FD2] =	sst s25  }
0xa6: {  	s5 =	sshll.u32 s26, $0x1;
	_ =	strace $0x80000046;
	[dreg:$0x1] =	wrdreg $0xFFFFFFFF  }
0xa7: {  	s28 =	simm.s32 $_size_execute0_lowered;
	s3 =	sadd.s32 s3, s5;
	[dreg:$0x0] =	wrdreg $0x0  }
0xa8: {  	s5 =	sshll.u32 s28, $0x1;
	[dreg:$0x2] =	wrdreg s3  }
0xa9: {  	[dreg:$0x3] =	wrdreg s5  }
0xaa: {  	[dreg:$0x4] =	wrdreg $0xC0  }
0xab: {  	_ =	task [dreg:s7], $0x5FFFF  }
0xac: {  	[dreg:$0x1] =	wrdreg $0xFFFFFFFF  }
0xad: {  	[dreg:$0x0] =	wrdreg $0x60  }
0xae: {  	[dreg:$0x2] =	wrdreg s24  }
0xaf: {  	[dreg:$0x3] =	wrdreg s2  }
0xb0: {  	[dreg:$0x4] =	wrdreg $0xE0000  }
0xb1: {  	[dreg:$0x5] =	wrdreg $0x180000  }
0xb2: {  	[dreg:$0x6] =	wrdreg $0x9  }
0xb3: {  	_ =	task.clear_ibuf [dreg:s7], $0x7FFFF;
	_ =	strace $0x90000046  }
0xb4: {  	s29 =	simm.s32 $0x9;
	_ =	strace $0x80000048  }
0xb5: {  	_ =	swait.ge [sflag:s29], $0x1  }
0xb6: {  	[sflag:s29] =	ssyncadd.s32 $0xFFFFFFFF  }
0xb7: {  	_ =	strace $0x90000048  }
0xb8: {  	_ =	sfence  }
0xb9: {  	s30 =	sld [smem:$0x0];
	_ =	sdelay $0x2  }
0xba: {  	s31 =	sshll.u32 s1, $0xD;
	s1 =	sshrl.u32 s1, $0x2  }
0xbb: {  	s3 =	sand.u32 $0x4000, s31;
	s1 =	sadd.s32 s1, s30  }
0xbc: {  	s0 =	sor.u32 s3, s0;
	s1 =	sshll.u32 s1, $0x11  }
0xbd: {  	s0 =	sor.u32 s1, s0  }
0xbe: {  	s0 =	sadd.s32 $0x8F2B, s0  }
0xbf: {  	[sflag:s0] =	ssyncadd.remote.s32 $0x1  }
0xc0: {  	_ =	sfence.sel $0xFFFF  }
0xc1: {  	[dreg:$0x0] =	wrdreg $0xFFFFFFFF;
	(pc) =	sbr.abs _section_cstart, $3  }
0xc2: {  	[dreg:$0x1] =	wrdreg $0xFFFFFFFF  }
0xc3: {  	_ =	task.clear_ibuf [dreg:s7], $0x2FFFF;
	_ =	strace $0x9FFFFFFF  }
0xc4: {  	(tm) =	ssettm $0x7FFFFFFF  }
0xc5: {  	_ =	shalt  }
tec
execute0_lowered:
.L_overlay_start_1:
0x0: {  	(tag) =	ssettag $0x1  }
0x1: {  	s0 =	rddreg [dreg:$0x0]  }
0x2: {  	s2 =	srdreg.scid;
	s16 =	stileid.u32  }
0x3: {  	s4 =	rddreg [dreg:$0x1];
	s8 =	smul.u32 $0x280, s16  }
0x4: {  	s1 =	simm.s32 $0x0;
	s6 =	sand.u32 $0x1, s2;
	s5 =	smul.u32 $0x2800, s16  }
0x5: {  	s28 =	simm.s32 $0x0;
	[smem:$0x7FF] =	sst s1;
	s17 =	smul.u32 $0x13880, s6  }
0x6: {  	s7 =	sadd.s32 $0x2000, s0;
	s9 =	sadd.s32 $0xC000, s0;
	s20 =	smul.u32 $0xA0000, s6  }
0x7: {  	s10 =	sadd.s32 $0x16800, s0;
	s2 =	ssub.s32 $0x2, s6;
	s6 =	smul.u32 $0x28000, s6  }
0x8: {  	s3 =	sshrl.u32 s2, $0x1;
	s11 =	sadd.s32 $0x80, s8;
	s12 =	sadd.s32 $0x100, s8  }
0x9: {  	s15 =	sadd.s32 $0x180, s8;
	s8 =	sadd.s32 $0x200, s8;
	s2 =	ssub.s32 s2, s3  }
0xa: {  	s3 =	smul.u32 $0xA000, s16;
	s13 =	sshll.u32 s11, $0x6;
	s14 =	sshll.u32 s12, $0x6  }
0xb: {  	s16 =	smul.u32 $0x5000, s16;
	s18 =	sshll.u32 s15, $0x6;
	s19 =	sshll.u32 s8, $0x6  }
0xc: {  	s11 =	sshll.u32 s11, $0x4;
	s12 =	sshll.u32 s12, $0x4;
	s4 =	sadd.s32 s4, s17  }
0xd: {  	s8 =	sshll.u32 s8, $0x4;
	s29 =	sadd.s32 s20, s13;
	s17 =	sadd.s32 s20, s14  }
0xe: {  	s22 =	sadd.s32 s20, s19;
	s2 =	smax.u32 s2, $0x1;
	s16 =	sshrl.u32 s16, $0x3  }
0xf: {  	s25 =	sadd.s32 s3, s20;
	s21 =	sadd.s32 s7, s16;
	s24 =	sadd.s32 s9, s16  }
0x10: {  	s16 =	sadd.s32 $0x500, s16;
	s26 =	sshrl.u32 s25, $0x3;
	[dreg:$0x5] =	wrdreg s21  }
0x11: {  	[dreg:$0x6] =	wrdreg s24;
	s7 =	sadd.s32 s7, s16;
	s9 =	sadd.s32 s9, s16  }
0x12: {  	s16 =	sshrl.u32 s29, $0x3;
	s21 =	sadd.s32 s20, s18;
	s24 =	sshrl.u32 s22, $0x3  }
0x13: {  	s29 =	sadd.s32 $0x3E800, s0;
	s20 =	sadd.s32 s6, s11;
	[dreg:$0x7] =	wrdreg s7  }
0x14: {  	[dreg:$0x8] =	wrdreg s9;
	s7 =	sadd.s32 s10, s26;
	s23 =	sshrl.u32 s21, $0x3  }
0x15: {  	s25 =	sadd.s32 s10, s24;
	s26 =	sadd.s32 s5, s6;
	[dreg:$0x9] =	wrdreg s7  }
0x16: {  	s9 =	sshll.u32 s15, $0x4;
	s21 =	sadd.s32 s6, s12;
	[dreg:$0xd] =	wrdreg s25  }
0x17: {  	s22 =	sshrl.u32 s20, $0x3;
	s7 =	sadd.s32 s10, s16;
	s16 =	rddreg [dreg:$0x2]  }
0x18: {  	s20 =	simm.s32 $0x3;
	s25 =	sadd.s32 s6, s9;
	[dreg:$0xa] =	wrdreg s7  }
0x19: {  	s6 =	sadd.s32 s6, s8;
	s7 =	sshrl.u32 s17, $0x3;
	s17 =	rddreg [dreg:$0x3]  }
0x1a: {  	s6 =	sshrl.u32 s6, $0x3;
	s30 =	sadd.s32 s3, s16;
	s31 =	sadd.s32 s13, s16  }
0x1b: {  	s15 =	sadd.s32 s19, s16;
	s3 =	simm.s32 $0x5000;
	s19 =	simm.s32 $0x2  }
0x1c: {  	s7 =	sadd.s32 s10, s7;
	s6 =	sadd.s32 s29, s6;
	s13 =	sadd.s32 s9, s17  }
0x1d: {  	s9 =	simm.s32 $0x80;
	[dreg:$0xb] =	wrdreg s7;
	s7 =	sadd.s32 s10, s23  }
0x1e: {  	s23 =	sshrl.u32 s21, $0x3;
	[dreg:$0xc] =	wrdreg s7;
	s7 =	sshrl.u32 s26, $0x3  }
0x1f: {  	[dreg:$0x12] =	wrdreg s6;
	s6 =	simm.s32 $0xD000;
	s7 =	sadd.s32 s29, s7  }
0x20: {  	s10 =	simm.s32 $0x7000;
	[dreg:$0xe] =	wrdreg s7;
	s7 =	sadd.s32 s29, s22  }
0x21: {  	s24 =	sadd.s32 s29, s23;
	[dreg:$0xf] =	wrdreg s7;
	s7 =	sshrl.u32 s25, $0x3  }
0x22: {  	s21 =	simm.s32 $0x4;
	[dreg:$0x10] =	wrdreg s24;
	s7 =	sadd.s32 s29, s7  }
0x23: {  	s26 =	sadd.s32 $0x16400, s0;
	s23 =	sadd.s32 s5, s17;
	[dreg:$0x11] =	wrdreg s7  }
0x24: {  	s29 =	sadd.s32 $0x16200, s0;
	_ =	strace $0x80000047;
	[dreg:$0x13] =	wrdreg s26  }
0x25: {  	s5 =	simm.s32 $0x5;
	s0 =	sadd.s32 $0x16000, s0;
	[dreg:$0x14] =	wrdreg s29  }
0x26: {  	s24 =	sadd.s32 s11, s17;
	s11 =	sadd.s32 s8, s17;
	[dreg:$0x15] =	wrdreg s0  }
0x27: {  	s8 =	simm.s32 $0x2780;
	s22 =	sadd.s32 s14, s16;
	[dreg:$0x19] =	wrdreg s2  }
0x28: {  	s14 =	simm.s32 $0xB000;
	s7 =	simm.s32 $0xD800;
	[dreg:$0x16] =	wrdreg s15  }
0x29: {  	s0 =	sadd.s32 s18, s16;
	s26 =	sadd.s32 s12, s17;
	[dreg:$0x18] =	wrdreg s11  }
0x2a: {  	s12 =	simm.s32 $0x9000;
	s18 =	simm.s32 $0x1;
	[dreg:$0x17] =	wrdreg s0  }
.LBB2_1:
0x2b: {  	s29 =	rddreg [dreg:$0x13]  }
0x2c: {  	[tilespmem:s3], [sflag:$0x5] =	stream.linear.gather [hbm4b:s29+s1], $0x2000, $0x38;
	[tilespmem:$0x1A800] =	vst v63  }
0x2d: {  	_ =	swait.ge [sflag:s5], $0x2000  }
0x2e: {  	[sflag:s5] =	ssyncset.done $0x0  }
0x2f: {  	[sflag:s5] =	ssyncadd.s32 $0xFFFFE000  }
0x30: {  	[spmem:s30] =	stream.linear.scatter [tilespmem:s3], [sflag:$0x5], $0x2000, $0x38;
	[tilespmem:$0x1A800] =	vst v63  }
0x31: {  	_ =	swait.ge [sflag:s5], $0x2000  }
0x32: {  	[sflag:s5] =	ssyncset.done $0x0  }
0x33: {  	[sflag:s5] =	ssyncadd.s32 $0xFFFFE000  }
0x34: {  	[spmem:s31] =	stream.linear.scatter [tilespmem:s3], [sflag:$0x5], $0x2000, $0x38;
	[tilespmem:$0x1A800] =	vst v63  }
0x35: {  	_ =	swait.ge [sflag:s5], $0x2000  }
0x36: {  	[sflag:s5] =	ssyncset.done $0x0  }
0x37: {  	[sflag:s5] =	ssyncadd.s32 $0xFFFFE000  }
0x38: {  	[spmem:s22] =	stream.linear.scatter [tilespmem:s3], [sflag:$0x5], $0x2000, $0x38;
	[tilespmem:$0x1A800] =	vst v63  }
0x39: {  	_ =	swait.ge [sflag:s5], $0x2000  }
0x3a: {  	s2 =	smov.u32 s15;
	[sflag:s5] =	ssyncset.done $0x0  }
0x3b: {  	s15 =	smov.u32 s30;
	s30 =	smov.u32 s0;
	[sflag:s5] =	ssyncadd.s32 $0xFFFFE000  }
0x3c: {  	[spmem:s30] =	stream.linear.scatter [tilespmem:s3], [sflag:$0x5], $0x2000, $0x38;
	[tilespmem:$0x1A800] =	vst v63  }
0x3d: {  	_ =	swait.ge [sflag:s5], $0x2000  }
0x3e: {  	[sflag:s5] =	ssyncset.done $0x0  }
0x3f: {  	[sflag:s5] =	ssyncadd.s32 $0xFFFFE000  }
0x40: {  	[spmem:s2] =	stream.linear.scatter [tilespmem:s3], [sflag:$0x5], $0x2000, $0x38;
	[tilespmem:$0x1A800] =	vst v63  }
0x41: {  	_ =	swait.ge [sflag:s5], $0x2000  }
0x42: {  	[sflag:s5] =	ssyncset.done $0x0  }
0x43: {  	s29 =	rddreg [dreg:$0x15];
	[sflag:s5] =	ssyncadd.s32 $0xFFFFE000  }
0x44: {  	[tilespmem:s6], [sflag:$0x5] =	stream.linear.gather [hbm4b:s29+s1], $0x800, $0x38;
	[tilespmem:$0x1A800] =	vst v63  }
0x45: {  	_ =	swait.ge [sflag:s5], $0x800  }
0x46: {  	[sflag:s5] =	ssyncset.done $0x0  }
0x47: {  	s29 =	rddreg [dreg:$0x14];
	[sflag:s5] =	ssyncadd.s32 $0xFFFFF800  }
0x48: {  	[tilespmem:s7], [sflag:$0x5] =	stream.linear.gather [hbm4b:s29+s1], $0x800, $0x38;
	[tilespmem:$0x1A800] =	vst v63  }
0x49: {  	_ =	swait.ge [sflag:s5], $0x800  }
0x4a: {  	[sflag:s5] =	ssyncset.done $0x0  }
0x4b: {  	[sflag:s5] =	ssyncadd.s32 $0xFFFFF800  }
0x4c: {  	[spmem:s23] =	stream.linear.scatter [tilespmem:s7], [sflag:$0x5], $0x800, $0x38;
	[tilespmem:$0x1A800] =	vst v63  }
0x4d: {  	_ =	swait.ge [sflag:s5], $0x800  }
0x4e: {  	[sflag:s5] =	ssyncset.done $0x0  }
0x4f: {  	[sflag:s5] =	ssyncadd.s32 $0xFFFFF800  }
0x50: {  	[spmem:s24] =	stream.linear.scatter [tilespmem:s7], [sflag:$0x5], $0x800, $0x38;
	[tilespmem:$0x1A800] =	vst v63  }
0x51: {  	_ =	swait.ge [sflag:s5], $0x800  }
0x52: {  	[sflag:s5] =	ssyncset.done $0x0  }
0x53: {  	[sflag:s5] =	ssyncadd.s32 $0xFFFFF800  }
0x54: {  	[spmem:s26] =	stream.linear.scatter [tilespmem:s7], [sflag:$0x5], $0x800, $0x38;
	[tilespmem:$0x1A800] =	vst v63  }
0x55: {  	_ =	swait.ge [sflag:s5], $0x800  }
0x56: {  	[sflag:s5] =	ssyncset.done $0x0  }
0x57: {  	[sflag:s5] =	ssyncadd.s32 $0xFFFFF800  }
0x58: {  	[spmem:s13] =	stream.linear.scatter [tilespmem:s7], [sflag:$0x5], $0x800, $0x38;
	[tilespmem:$0x1A800] =	vst v63  }
0x59: {  	_ =	swait.ge [sflag:s5], $0x800  }
0x5a: {  	[sflag:s5] =	ssyncset.done $0x0  }
0x5b: {  	[sflag:s5] =	ssyncadd.s32 $0xFFFFF800  }
0x5c: {  	[spmem:s11] =	stream.linear.scatter [tilespmem:s7], [sflag:$0x5], $0x800, $0x38;
	[tilespmem:$0x1A800] =	vst v63  }
0x5d: {  	_ =	swait.ge [sflag:s5], $0x800  }
0x5e: {  	[sflag:s5] =	ssyncset.done $0x0  }
0x5f: {  	s29 =	rddreg [dreg:$0x5];
	[sflag:s5] =	ssyncadd.s32 $0xFFFFF800  }
0x60: {  	[tilespmem:s1], [sflag:$0x5] =	stream.linear.gather [hbm4b:s29+s1], $0x2800, $0x38;
	[tilespmem:$0x1A800] =	vst v63  }
0x61: {  	_ =	swait.ge [sflag:s5], $0x2800  }
0x62: {  	[sflag:s5] =	ssyncset.done $0x0  }
0x63: {  	s11 =	simm.s32 $0x2800;
	s29 =	rddreg [dreg:$0x6];
	[sflag:s5] =	ssyncadd.s32 $0xFFFFD800  }
0x64: {  	[tilespmem:s11], [sflag:$0x5] =	stream.linear.gather [hbm4b:s29+s1], $0x2800, $0x38;
	[tilespmem:$0x1A800] =	vst v63  }
0x65: {  	_ =	swait.ge [sflag:s5], $0x2800  }
0x66: {  	[sflag:s5] =	ssyncset.done $0x0  }
0x67: {  	[sflag:s5] =	ssyncadd.s32 $0xFFFFD800  }
0x68: {  	[tilespmem:s3], [sflag:$0x1] =	stream.indirect.gather [hbm4b:s4+s9], $0x40, s1, s9, $0xb8;
	[tilespmem:$0x1A800] =	vst v63  }
0x69: {  	_ = 	snop  }
0x6a: {  	[tilespmem:s10], [sflag:$0x2] =	stream.indirect.gather [hbm4b:s4+s9], $0x40, s9, s9, $0xb8;
	[tilespmem:$0x1A800] =	vst v63  }
0x6b: {  	s25 =	smov.u32 s24;
	s24 =	simm.s32 $0x100  }
0x6c: {  	[tilespmem:s12], [sflag:$0x3] =	stream.indirect.gather [hbm4b:s4+s9], $0x40, s24, s9, $0xb8;
	[tilespmem:$0x1A800] =	vst v63  }
0x6d: {  	s0 =	smov.u32 s31;
	s31 =	simm.s32 $0x180  }
0x6e: {  	[tilespmem:s14], [sflag:$0x4] =	stream.indirect.gather [hbm4b:s4+s9], $0x40, s31, s9, $0xb8;
	[tilespmem:$0x1A800] =	vst v63  }
0x6f: {  	[bflag:$0x0] =	sbarrier.arrive $0xFFFF  }
0x70: {  	_ =	swait.ge [sflag:s18], $0x2000  }
0x71: {  	[sflag:s18] =	ssyncset.done $0x0  }
0x72: {  	s29 =	simm.s32 $0x2800;
	[sflag:s18] =	ssyncadd.s32 $0xFFFFE000  }
0x73: {  	[spmem:s16] =	stream.indirect.scatter.add.f32 [tilespmem:s3], [sflag:$0x5], $0x40, s29, s9, $0xb8;
	[tilespmem:$0x1A800] =	vst v63  }
0x74: {  	_ =	swait.ge [sflag:s5], $0x2000  }
0x75: {  	[sflag:s5] =	ssyncset.done $0x0  }
0x76: {  	[sflag:s5] =	ssyncadd.s32 $0xFFFFE000  }
0x77: {  	[spmem:s17] =	stream.indirect.scatter.add.f32 [tilespmem:s6], [sflag:$0x5], $0x10, s29, s9, $0xb8;
	[tilespmem:$0x1A800] =	vst v63  }
0x78: {  	_ =	swait.ge [sflag:s5], $0x800  }
0x79: {  	[sflag:s5] =	ssyncset.done $0x0  }
0x7a: {  	s29 =	simm.s32 $0x200;
	[sflag:s5] =	ssyncadd.s32 $0xFFFFF800  }
0x7b: {  	[tilespmem:s3], [sflag:$0x1] =	stream.indirect.gather [hbm4b:s4+s9], $0x40, s29, s9, $0xb8;
	[tilespmem:$0x1A800] =	vst v63  }
0x7c: {  	_ =	swait.ge [sflag:s19], $0x2000  }
0x7d: {  	[sflag:s19] =	ssyncset.done $0x0  }
0x7e: {  	s29 =	simm.s32 $0x2880;
	[sflag:s19] =	ssyncadd.s32 $0xFFFFE000  }
0x7f: {  	[spmem:s16] =	stream.indirect.scatter.add.f32 [tilespmem:s10], [sflag:$0x5], $0x40, s29, s9, $0xb8;
	[tilespmem:$0x1A800] =	vst v63  }
0x80: {  	_ =	swait.ge [sflag:s5], $0x2000  }
0x81: {  	[sflag:s5] =	ssyncset.done $0x0  }
0x82: {  	[sflag:s5] =	ssyncadd.s32 $0xFFFFE000  }
0x83: {  	[spmem:s17] =	stream.indirect.scatter.add.f32 [tilespmem:s6], [sflag:$0x5], $0x10, s29, s9, $0xb8;
	[tilespmem:$0x1A800] =	vst v63  }
0x84: {  	_ =	swait.ge [sflag:s5], $0x800  }
0x85: {  	[sflag:s5] =	ssyncset.done $0x0  }
0x86: {  	s29 =	simm.s32 $0x280;
	[sflag:s5] =	ssyncadd.s32 $0xFFFFF800  }
0x87: {  	[tilespmem:s10], [sflag:$0x2] =	stream.indirect.gather [hbm4b:s4+s9], $0x40, s29, s9, $0xb8;
	[tilespmem:$0x1A800] =	vst v63  }
0x88: {  	_ =	swait.ge [sflag:s20], $0x2000  }
0x89: {  	[sflag:s20] =	ssyncset.done $0x0  }
0x8a: {  	s29 =	simm.s32 $0x2900;
	[sflag:s20] =	ssyncadd.s32 $0xFFFFE000  }
0x8b: {  	[spmem:s16] =	stream.indirect.scatter.add.f32 [tilespmem:s12], [sflag:$0x5], $0x40, s29, s9, $0xb8;
	[tilespmem:$0x1A800] =	vst v63  }
0x8c: {  	_ =	swait.ge [sflag:s5], $0x2000  }
0x8d: {  	[sflag:s5] =	ssyncset.done $0x0  }
0x8e: {  	[sflag:s5] =	ssyncadd.s32 $0xFFFFE000  }
0x8f: {  	[spmem:s17] =	stream.indirect.scatter.add.f32 [tilespmem:s6], [sflag:$0x5], $0x10, s29, s9, $0xb8;
	[tilespmem:$0x1A800] =	vst v63  }
0x90: {  	_ =	swait.ge [sflag:s5], $0x800  }
0x91: {  	[sflag:s5] =	ssyncset.done $0x0  }
0x92: {  	s29 =	simm.s32 $0x300;
	[sflag:s5] =	ssyncadd.s32 $0xFFFFF800  }
0x93: {  	[tilespmem:s12], [sflag:$0x3] =	stream.indirect.gather [hbm4b:s4+s9], $0x40, s29, s9, $0xb8;
	[tilespmem:$0x1A800] =	vst v63  }
0x94: {  	_ =	swait.ge [sflag:s21], $0x2000  }
0x95: {  	[sflag:s21] =	ssyncset.done $0x0  }
0x96: {  	s29 =	simm.s32 $0x2980;
	[sflag:s21] =	ssyncadd.s32 $0xFFFFE000  }
0x97: {  	[spmem:s16] =	stream.indirect.scatter.add.f32 [tilespmem:s14], [sflag:$0x5], $0x40, s29, s9, $0xb8;
	[tilespmem:$0x1A800] =	vst v63  }
0x98: {  	_ =	swait.ge [sflag:s5], $0x2000  }
0x99: {  	[sflag:s5] =	ssyncset.done $0x0  }
0x9a: {  	[sflag:s5] =	ssyncadd.s32 $0xFFFFE000  }
0x9b: {  	[spmem:s17] =	stream.indirect.scatter.add.f32 [tilespmem:s6], [sflag:$0x5], $0x10, s29, s9, $0xb8;
	[tilespmem:$0x1A800] =	vst v63  }
0x9c: {  	_ =	swait.ge [sflag:s5], $0x800  }
0x9d: {  	s30 =	simm.s32 $0x380;
	[sflag:s5] =	ssyncset.done $0x0  }
0x9e: {  	s2 =	smov.u32 s23;
	s29 =	simm.s32 $0x800;
	[sflag:s5] =	ssyncadd.s32 $0xFFFFF800  }
.LBB2_2:
0x9f: {  	[tilespmem:s14], [sflag:$0x4] =	stream.indirect.gather [hbm4b:s4+s9], $0x40, s30, s9, $0xb8;
	[tilespmem:$0x1A800] =	vst v63  }
0xa0: {  	s30 =	smov.u32 s29  }
0xa1: {  	p0 =	sne.s32 s29, $0x8800;
	s29 =	sadd.s32 $0x800, s29;
	_ =	swait.ge [sflag:s18], $0x2000  }
0xa2: {  	s30 =	sshra.s32 s30, $0x2;
	[sflag:s18] =	ssyncset.done $0x0  }
0xa3: {  	s31 =	sadd.s32 $0x2800, s30;
	[sflag:s18] =	ssyncadd.s32 $0xFFFFE000  }
0xa4: {  	[spmem:s16] =	stream.indirect.scatter.add.f32 [tilespmem:s3], [sflag:$0x5], $0x40, s31, s9, $0xb8;
	[tilespmem:$0x1A800] =	vst v63  }
0xa5: {  	_ =	swait.ge [sflag:s5], $0x2000  }
0xa6: {  	[sflag:s5] =	ssyncset.done $0x0  }
0xa7: {  	[sflag:s5] =	ssyncadd.s32 $0xFFFFE000  }
0xa8: {  	[spmem:s17] =	stream.indirect.scatter.add.f32 [tilespmem:s6], [sflag:$0x5], $0x10, s31, s9, $0xb8;
	[tilespmem:$0x1A800] =	vst v63  }
0xa9: {  	_ =	swait.ge [sflag:s5], $0x800  }
0xaa: {  	[sflag:s5] =	ssyncset.done $0x0  }
0xab: {  	s31 =	sadd.s32 $0x200, s30;
	[sflag:s5] =	ssyncadd.s32 $0xFFFFF800  }
0xac: {  	[tilespmem:s3], [sflag:$0x1] =	stream.indirect.gather [hbm4b:s4+s9], $0x40, s31, s9, $0xb8;
	[tilespmem:$0x1A800] =	vst v63  }
0xad: {  	_ =	swait.ge [sflag:s19], $0x2000  }
0xae: {  	[sflag:s19] =	ssyncset.done $0x0  }
0xaf: {  	s31 =	sadd.s32 $0x2880, s30;
	[sflag:s19] =	ssyncadd.s32 $0xFFFFE000  }
0xb0: {  	[spmem:s16] =	stream.indirect.scatter.add.f32 [tilespmem:s10], [sflag:$0x5], $0x40, s31, s9, $0xb8;
	[tilespmem:$0x1A800] =	vst v63  }
0xb1: {  	_ =	swait.ge [sflag:s5], $0x2000  }
0xb2: {  	[sflag:s5] =	ssyncset.done $0x0  }
0xb3: {  	[sflag:s5] =	ssyncadd.s32 $0xFFFFE000  }
0xb4: {  	[spmem:s17] =	stream.indirect.scatter.add.f32 [tilespmem:s6], [sflag:$0x5], $0x10, s31, s9, $0xb8;
	[tilespmem:$0x1A800] =	vst v63  }
0xb5: {  	_ =	swait.ge [sflag:s5], $0x800  }
0xb6: {  	[sflag:s5] =	ssyncset.done $0x0  }
0xb7: {  	s31 =	sadd.s32 $0x280, s30;
	[sflag:s5] =	ssyncadd.s32 $0xFFFFF800  }
0xb8: {  	[tilespmem:s10], [sflag:$0x2] =	stream.indirect.gather [hbm4b:s4+s9], $0x40, s31, s9, $0xb8;
	[tilespmem:$0x1A800] =	vst v63  }
0xb9: {  	_ =	swait.ge [sflag:s20], $0x2000  }
0xba: {  	[sflag:s20] =	ssyncset.done $0x0  }
0xbb: {  	s31 =	sadd.s32 $0x2900, s30;
	[sflag:s20] =	ssyncadd.s32 $0xFFFFE000  }
0xbc: {  	[spmem:s16] =	stream.indirect.scatter.add.f32 [tilespmem:s12], [sflag:$0x5], $0x40, s31, s9, $0xb8;
	[tilespmem:$0x1A800] =	vst v63  }
0xbd: {  	_ =	swait.ge [sflag:s5], $0x2000  }
0xbe: {  	[sflag:s5] =	ssyncset.done $0x0  }
0xbf: {  	[sflag:s5] =	ssyncadd.s32 $0xFFFFE000  }
0xc0: {  	[spmem:s17] =	stream.indirect.scatter.add.f32 [tilespmem:s6], [sflag:$0x5], $0x10, s31, s9, $0xb8;
	[tilespmem:$0x1A800] =	vst v63  }
0xc1: {  	_ =	swait.ge [sflag:s5], $0x800  }
0xc2: {  	[sflag:s5] =	ssyncset.done $0x0  }
0xc3: {  	s31 =	sadd.s32 $0x300, s30;
	[sflag:s5] =	ssyncadd.s32 $0xFFFFF800  }
0xc4: {  	[tilespmem:s12], [sflag:$0x3] =	stream.indirect.gather [hbm4b:s4+s9], $0x40, s31, s9, $0xb8;
	[tilespmem:$0x1A800] =	vst v63  }
0xc5: {  	_ =	swait.ge [sflag:s21], $0x2000  }
0xc6: {  	[sflag:s21] =	ssyncset.done $0x0  }
0xc7: {  	s31 =	sadd.s32 $0x2980, s30;
	[sflag:s21] =	ssyncadd.s32 $0xFFFFE000  }
0xc8: {  	[spmem:s16] =	stream.indirect.scatter.add.f32 [tilespmem:s14], [sflag:$0x5], $0x40, s31, s9, $0xb8;
	[tilespmem:$0x1A800] =	vst v63  }
0xc9: {  	_ =	swait.ge [sflag:s5], $0x2000  }
0xca: {  	[sflag:s5] =	ssyncset.done $0x0  }
.Ltmp0:
0xcb: {  	[sflag:s5] =	ssyncadd.s32 $0xFFFFE000;
	(pc) =	sbr.rel @p0 .LBB2_2-.Ltmp0, $4  }
0xcc: {  	[spmem:s17] =	stream.indirect.scatter.add.f32 [tilespmem:s6], [sflag:$0x5], $0x10, s31, s9, $0xb8;
	[tilespmem:$0x1A800] =	vst v63  }
0xcd: {  	_ =	swait.ge [sflag:s5], $0x800  }
0xce: {  	[sflag:s5] =	ssyncset.done $0x0  }
0xcf: {  	s30 =	sadd.s32 $0x380, s30;
	[sflag:s5] =	ssyncadd.s32 $0xFFFFF800  }
0xd0: {  	[tilespmem:s14], [sflag:$0x4] =	stream.indirect.gather [hbm4b:s4+s9], $0x40, s30, s9, $0xb8;
	[tilespmem:$0x1A800] =	vst v63  }
0xd1: {  	_ =	swait.ge [sflag:s18], $0x2000  }
0xd2: {  	[sflag:s18] =	ssyncset.done $0x0  }
0xd3: {  	s11 =	simm.s32 $0x4C00;
	[sflag:s18] =	ssyncadd.s32 $0xFFFFE000  }
0xd4: {  	[spmem:s16] =	stream.indirect.scatter.add.f32 [tilespmem:s3], [sflag:$0x5], $0x40, s11, s9, $0xb8;
	[tilespmem:$0x1A800] =	vst v63  }
0xd5: {  	_ =	swait.ge [sflag:s5], $0x2000  }
0xd6: {  	[sflag:s5] =	ssyncset.done $0x0  }
0xd7: {  	[sflag:s5] =	ssyncadd.s32 $0xFFFFE000  }
0xd8: {  	[spmem:s17] =	stream.indirect.scatter.add.f32 [tilespmem:s6], [sflag:$0x5], $0x10, s11, s9, $0xb8;
	[tilespmem:$0x1A800] =	vst v63  }
0xd9: {  	_ =	swait.ge [sflag:s5], $0x800  }
0xda: {  	[sflag:s5] =	ssyncset.done $0x0  }
0xdb: {  	s31 =	simm.s32 $0x2600;
	[sflag:s5] =	ssyncadd.s32 $0xFFFFF800  }
0xdc: {  	[tilespmem:s3], [sflag:$0x1] =	stream.indirect.gather [hbm4b:s4+s9], $0x40, s31, s9, $0xb8;
	[tilespmem:$0x1A800] =	vst v63  }
0xdd: {  	_ =	swait.ge [sflag:s19], $0x2000  }
0xde: {  	[sflag:s19] =	ssyncset.done $0x0  }
0xdf: {  	s23 =	simm.s32 $0x4C80;
	[sflag:s19] =	ssyncadd.s32 $0xFFFFE000  }
0xe0: {  	[spmem:s16] =	stream.indirect.scatter.add.f32 [tilespmem:s10], [sflag:$0x5], $0x40, s23, s9, $0xb8;
	[tilespmem:$0x1A800] =	vst v63  }
0xe1: {  	_ =	swait.ge [sflag:s5], $0x2000  }
0xe2: {  	[sflag:s5] =	ssyncset.done $0x0  }
0xe3: {  	[sflag:s5] =	ssyncadd.s32 $0xFFFFE000  }
0xe4: {  	[spmem:s17] =	stream.indirect.scatter.add.f32 [tilespmem:s6], [sflag:$0x5], $0x10, s23, s9, $0xb8;
	[tilespmem:$0x1A800] =	vst v63  }
0xe5: {  	_ =	swait.ge [sflag:s5], $0x800  }
0xe6: {  	[sflag:s5] =	ssyncset.done $0x0  }
0xe7: {  	s24 =	simm.s32 $0x2680;
	[sflag:s5] =	ssyncadd.s32 $0xFFFFF800  }
0xe8: {  	[tilespmem:s10], [sflag:$0x2] =	stream.indirect.gather [hbm4b:s4+s9], $0x40, s24, s9, $0xb8;
	[tilespmem:$0x1A800] =	vst v63  }
0xe9: {  	_ =	swait.ge [sflag:s20], $0x2000  }
0xea: {  	[sflag:s20] =	ssyncset.done $0x0  }
0xeb: {  	s31 =	simm.s32 $0x4D00;
	[sflag:s20] =	ssyncadd.s32 $0xFFFFE000  }
0xec: {  	[spmem:s16] =	stream.indirect.scatter.add.f32 [tilespmem:s12], [sflag:$0x5], $0x40, s31, s9, $0xb8;
	[tilespmem:$0x1A800] =	vst v63  }
0xed: {  	_ =	swait.ge [sflag:s5], $0x2000  }
0xee: {  	[sflag:s5] =	ssyncset.done $0x0  }
0xef: {  	[sflag:s5] =	ssyncadd.s32 $0xFFFFE000  }
0xf0: {  	[spmem:s17] =	stream.indirect.scatter.add.f32 [tilespmem:s6], [sflag:$0x5], $0x10, s31, s9, $0xb8;
	[tilespmem:$0x1A800] =	vst v63  }
0xf1: {  	_ =	swait.ge [sflag:s5], $0x800  }
0xf2: {  	[sflag:s5] =	ssyncset.done $0x0  }
0xf3: {  	s23 =	simm.s32 $0x2700;
	[sflag:s5] =	ssyncadd.s32 $0xFFFFF800  }
0xf4: {  	[tilespmem:s12], [sflag:$0x3] =	stream.indirect.gather [hbm4b:s4+s9], $0x40, s23, s9, $0xb8;
	[tilespmem:$0x1A800] =	vst v63  }
0xf5: {  	_ =	swait.ge [sflag:s21], $0x2000  }
0xf6: {  	[sflag:s21] =	ssyncset.done $0x0  }
0xf7: {  	s24 =	simm.s32 $0x4D80;
	[sflag:s21] =	ssyncadd.s32 $0xFFFFE000  }
0xf8: {  	[spmem:s16] =	stream.indirect.scatter.add.f32 [tilespmem:s14], [sflag:$0x5], $0x40, s24, s9, $0xb8;
	[tilespmem:$0x1A800] =	vst v63  }
0xf9: {  	_ =	swait.ge [sflag:s5], $0x2000  }
0xfa: {  	[sflag:s5] =	ssyncset.done $0x0  }
0xfb: {  	[sflag:s5] =	ssyncadd.s32 $0xFFFFE000  }
0xfc: {  	[spmem:s17] =	stream.indirect.scatter.add.f32 [tilespmem:s6], [sflag:$0x5], $0x10, s24, s9, $0xb8;
	[tilespmem:$0x1A800] =	vst v63  }
0xfd: {  	_ =	swait.ge [sflag:s5], $0x800  }
0xfe: {  	[sflag:s5] =	ssyncset.done $0x0  }
0xff: {  	[sflag:s5] =	ssyncadd.s32 $0xFFFFF800  }
0x100: {  	[tilespmem:s14], [sflag:$0x4] =	stream.indirect.gather [hbm4b:s4+s9], $0x40, s8, s9, $0xb8;
	[tilespmem:$0x1A800] =	vst v63  }
0x101: {  	_ =	swait.ge [sflag:s18], $0x2000  }
0x102: {  	[sflag:s18] =	ssyncset.done $0x0  }
0x103: {  	s31 =	simm.s32 $0x4E00;
	[sflag:s18] =	ssyncadd.s32 $0xFFFFE000  }
0x104: {  	[spmem:s16] =	stream.indirect.scatter.add.f32 [tilespmem:s3], [sflag:$0x5], $0x40, s31, s9, $0xb8;
	[tilespmem:$0x1A800] =	vst v63  }
0x105: {  	_ =	swait.ge [sflag:s5], $0x2000  }
0x106: {  	[sflag:s5] =	ssyncset.done $0x0  }
0x107: {  	[sflag:s5] =	ssyncadd.s32 $0xFFFFE000  }
0x108: {  	[spmem:s17] =	stream.indirect.scatter.add.f32 [tilespmem:s6], [sflag:$0x5], $0x10, s31, s9, $0xb8;
	[tilespmem:$0x1A800] =	vst v63  }
0x109: {  	_ =	swait.ge [sflag:s5], $0x800  }
0x10a: {  	[sflag:s5] =	ssyncset.done $0x0  }
0x10b: {  	[sflag:s5] =	ssyncadd.s32 $0xFFFFF800  }
0x10c: {  	[tilespmem:s3], [sflag:$0x1] =	stream.indirect.gather [hbm4b:s4+s9], $0x40, s8, s9, $0xb8;
	[tilespmem:$0x1A800] =	vst v63  }
0x10d: {  	_ =	swait.ge [sflag:s19], $0x2000  }
0x10e: {  	[sflag:s19] =	ssyncset.done $0x0  }
0x10f: {  	s23 =	simm.s32 $0x4E80;
	[sflag:s19] =	ssyncadd.s32 $0xFFFFE000  }
0x110: {  	[spmem:s16] =	stream.indirect.scatter.add.f32 [tilespmem:s10], [sflag:$0x5], $0x40, s23, s9, $0xb8;
	[tilespmem:$0x1A800] =	vst v63  }
0x111: {  	_ =	swait.ge [sflag:s5], $0x2000  }
0x112: {  	[sflag:s5] =	ssyncset.done $0x0  }
0x113: {  	[sflag:s5] =	ssyncadd.s32 $0xFFFFE000  }
0x114: {  	[spmem:s17] =	stream.indirect.scatter.add.f32 [tilespmem:s6], [sflag:$0x5], $0x10, s23, s9, $0xb8;
	[tilespmem:$0x1A800] =	vst v63  }
0x115: {  	_ =	swait.ge [sflag:s5], $0x800  }
0x116: {  	[sflag:s5] =	ssyncset.done $0x0  }
0x117: {  	[sflag:s5] =	ssyncadd.s32 $0xFFFFF800  }
0x118: {  	[tilespmem:s10], [sflag:$0x2] =	stream.indirect.gather [hbm4b:s4+s9], $0x40, s8, s9, $0xb8;
	[tilespmem:$0x1A800] =	vst v63  }
0x119: {  	_ =	swait.ge [sflag:s20], $0x2000  }
0x11a: {  	[sflag:s20] =	ssyncset.done $0x0  }
0x11b: {  	s24 =	simm.s32 $0x4F00;
	[sflag:s20] =	ssyncadd.s32 $0xFFFFE000  }
0x11c: {  	[spmem:s16] =	stream.indirect.scatter.add.f32 [tilespmem:s12], [sflag:$0x5], $0x40, s24, s9, $0xb8;
	[tilespmem:$0x1A800] =	vst v63  }
0x11d: {  	_ =	swait.ge [sflag:s5], $0x2000  }
0x11e: {  	[sflag:s5] =	ssyncset.done $0x0  }
0x11f: {  	[sflag:s5] =	ssyncadd.s32 $0xFFFFE000  }
0x120: {  	[spmem:s17] =	stream.indirect.scatter.add.f32 [tilespmem:s6], [sflag:$0x5], $0x10, s24, s9, $0xb8;
	[tilespmem:$0x1A800] =	vst v63  }
0x121: {  	_ =	swait.ge [sflag:s5], $0x800  }
0x122: {  	[sflag:s5] =	ssyncset.done $0x0  }
0x123: {  	[sflag:s5] =	ssyncadd.s32 $0xFFFFF800  }
0x124: {  	[tilespmem:s12], [sflag:$0x3] =	stream.indirect.gather [hbm4b:s4+s9], $0x40, s8, s9, $0xb8;
	[tilespmem:$0x1A800] =	vst v63  }
0x125: {  	_ =	swait.ge [sflag:s21], $0x2000  }
0x126: {  	[sflag:s21] =	ssyncset.done $0x0  }
0x127: {  	s31 =	simm.s32 $0x4F80;
	[sflag:s21] =	ssyncadd.s32 $0xFFFFE000  }
0x128: {  	[spmem:s16] =	stream.indirect.scatter.add.f32 [tilespmem:s14], [sflag:$0x5], $0x40, s31, s9, $0xb8;
	[tilespmem:$0x1A800] =	vst v63  }
0x129: {  	_ =	swait.ge [sflag:s5], $0x2000  }
0x12a: {  	[sflag:s5] =	ssyncset.done $0x0  }
0x12b: {  	[sflag:s5] =	ssyncadd.s32 $0xFFFFE000  }
0x12c: {  	[spmem:s17] =	stream.indirect.scatter.add.f32 [tilespmem:s6], [sflag:$0x5], $0x10, s31, s9, $0xb8;
	[tilespmem:$0x1A800] =	vst v63  }
0x12d: {  	_ =	swait.ge [sflag:s5], $0x800  }
0x12e: {  	[sflag:s5] =	ssyncset.done $0x0  }
0x12f: {  	[sflag:s5] =	ssyncadd.s32 $0xFFFFF800  }
0x130: {  	[tilespmem:s14], [sflag:$0x4] =	stream.indirect.gather [hbm4b:s4+s9], $0x40, s8, s9, $0xb8;
	[tilespmem:$0x1A800] =	vst v63  }
0x131: {  	_ =	swait.ge [sflag:s18], $0x2000  }
0x132: {  	[sflag:s18] =	ssyncset.done $0x0  }
0x133: {  	[sflag:s18] =	ssyncadd.s32 $0xFFFFE000  }
0x134: {  	_ =	swait.ge [sflag:s19], $0x2000  }
0x135: {  	[sflag:s19] =	ssyncset.done $0x0  }
0x136: {  	[sflag:s19] =	ssyncadd.s32 $0xFFFFE000  }
0x137: {  	_ =	swait.ge [sflag:s20], $0x2000  }
0x138: {  	[sflag:s20] =	ssyncset.done $0x0  }
0x139: {  	[sflag:s20] =	ssyncadd.s32 $0xFFFFE000  }
0x13a: {  	_ =	swait.ge [sflag:s21], $0x2000  }
0x13b: {  	[sflag:s21] =	ssyncset.done $0x0  }
0x13c: {  	s29 =	simm.s32 $0x0;
	s30 =	rddreg [dreg:$0x7];
	[sflag:s21] =	ssyncadd.s32 $0xFFFFE000  }
0x13d: {  	[tilespmem:s29], [sflag:$0x5] =	stream.linear.gather [hbm4b:s30+s29], $0x2800, $0x38;
	[tilespmem:$0x1A800] =	vst v63  }
0x13e: {  	_ =	swait.ge [sflag:s5], $0x2800  }
0x13f: {  	[sflag:s5] =	ssyncset.done $0x0  }
0x140: {  	s23 =	simm.s32 $0x2800;
	s30 =	rddreg [dreg:$0x8];
	[sflag:s5] =	ssyncadd.s32 $0xFFFFD800  }
0x141: {  	[tilespmem:s23], [sflag:$0x5] =	stream.linear.gather [hbm4b:s30+s29], $0x2800, $0x38;
	[tilespmem:$0x1A800] =	vst v63  }
0x142: {  	_ =	swait.ge [sflag:s5], $0x2800  }
0x143: {  	[sflag:s5] =	ssyncset.done $0x0  }
0x144: {  	[sflag:s5] =	ssyncadd.s32 $0xFFFFD800  }
0x145: {  	[tilespmem:s3], [sflag:$0x1] =	stream.indirect.gather [hbm4b:s4+s9], $0x40, s29, s9, $0xb8;
	[tilespmem:$0x1A800] =	vst v63  }
0x146: {  	_ = 	snop  }
0x147: {  	[tilespmem:s10], [sflag:$0x2] =	stream.indirect.gather [hbm4b:s4+s9], $0x40, s9, s9, $0xb8;
	[tilespmem:$0x1A800] =	vst v63  }
0x148: {  	s24 =	simm.s32 $0x100  }
0x149: {  	[tilespmem:s12], [sflag:$0x3] =	stream.indirect.gather [hbm4b:s4+s9], $0x40, s24, s9, $0xb8;
	[tilespmem:$0x1A800] =	vst v63  }
0x14a: {  	s31 =	simm.s32 $0x180  }
0x14b: {  	[tilespmem:s14], [sflag:$0x4] =	stream.indirect.gather [hbm4b:s4+s9], $0x40, s31, s9, $0xb8;
	[tilespmem:$0x1A800] =	vst v63  }
0x14c: {  	_ =	swait.ge [sflag:s18], $0x2000  }
0x14d: {  	[sflag:s18] =	ssyncset.done $0x0  }
0x14e: {  	s29 =	simm.s32 $0x2800;
	[sflag:s18] =	ssyncadd.s32 $0xFFFFE000  }
0x14f: {  	[spmem:s16] =	stream.indirect.scatter.add.f32 [tilespmem:s3], [sflag:$0x5], $0x40, s29, s9, $0xb8;
	[tilespmem:$0x1A800] =	vst v63  }
0x150: {  	_ =	swait.ge [sflag:s5], $0x2000  }
0x151: {  	[sflag:s5] =	ssyncset.done $0x0  }
0x152: {  	[sflag:s5] =	ssyncadd.s32 $0xFFFFE000  }
0x153: {  	[spmem:s17] =	stream.indirect.scatter.add.f32 [tilespmem:s6], [sflag:$0x5], $0x10, s29, s9, $0xb8;
	[tilespmem:$0x1A800] =	vst v63  }
0x154: {  	_ =	swait.ge [sflag:s5], $0x800  }
0x155: {  	[sflag:s5] =	ssyncset.done $0x0  }
0x156: {  	s29 =	simm.s32 $0x200;
	[sflag:s5] =	ssyncadd.s32 $0xFFFFF800  }
0x157: {  	[tilespmem:s3], [sflag:$0x1] =	stream.indirect.gather [hbm4b:s4+s9], $0x40, s29, s9, $0xb8;
	[tilespmem:$0x1A800] =	vst v63  }
0x158: {  	_ =	swait.ge [sflag:s19], $0x2000  }
0x159: {  	[sflag:s19] =	ssyncset.done $0x0  }
0x15a: {  	s29 =	simm.s32 $0x2880;
	[sflag:s19] =	ssyncadd.s32 $0xFFFFE000  }
0x15b: {  	[spmem:s16] =	stream.indirect.scatter.add.f32 [tilespmem:s10], [sflag:$0x5], $0x40, s29, s9, $0xb8;
	[tilespmem:$0x1A800] =	vst v63  }
0x15c: {  	_ =	swait.ge [sflag:s5], $0x2000  }
0x15d: {  	[sflag:s5] =	ssyncset.done $0x0  }
0x15e: {  	[sflag:s5] =	ssyncadd.s32 $0xFFFFE000  }
0x15f: {  	[spmem:s17] =	stream.indirect.scatter.add.f32 [tilespmem:s6], [sflag:$0x5], $0x10, s29, s9, $0xb8;
	[tilespmem:$0x1A800] =	vst v63  }
0x160: {  	_ =	swait.ge [sflag:s5], $0x800  }
0x161: {  	[sflag:s5] =	ssyncset.done $0x0  }
0x162: {  	s29 =	simm.s32 $0x280;
	[sflag:s5] =	ssyncadd.s32 $0xFFFFF800  }
0x163: {  	[tilespmem:s10], [sflag:$0x2] =	stream.indirect.gather [hbm4b:s4+s9], $0x40, s29, s9, $0xb8;
	[tilespmem:$0x1A800] =	vst v63  }
0x164: {  	_ =	swait.ge [sflag:s20], $0x2000  }
0x165: {  	[sflag:s20] =	ssyncset.done $0x0  }
0x166: {  	s29 =	simm.s32 $0x2900;
	[sflag:s20] =	ssyncadd.s32 $0xFFFFE000  }
0x167: {  	[spmem:s16] =	stream.indirect.scatter.add.f32 [tilespmem:s12], [sflag:$0x5], $0x40, s29, s9, $0xb8;
	[tilespmem:$0x1A800] =	vst v63  }
0x168: {  	_ =	swait.ge [sflag:s5], $0x2000  }
0x169: {  	[sflag:s5] =	ssyncset.done $0x0  }
0x16a: {  	[sflag:s5] =	ssyncadd.s32 $0xFFFFE000  }
0x16b: {  	[spmem:s17] =	stream.indirect.scatter.add.f32 [tilespmem:s6], [sflag:$0x5], $0x10, s29, s9, $0xb8;
	[tilespmem:$0x1A800] =	vst v63  }
0x16c: {  	_ =	swait.ge [sflag:s5], $0x800  }
0x16d: {  	[sflag:s5] =	ssyncset.done $0x0  }
0x16e: {  	s29 =	simm.s32 $0x300;
	[sflag:s5] =	ssyncadd.s32 $0xFFFFF800  }
0x16f: {  	[tilespmem:s12], [sflag:$0x3] =	stream.indirect.gather [hbm4b:s4+s9], $0x40, s29, s9, $0xb8;
	[tilespmem:$0x1A800] =	vst v63  }
0x170: {  	_ =	swait.ge [sflag:s21], $0x2000  }
0x171: {  	[sflag:s21] =	ssyncset.done $0x0  }
0x172: {  	s29 =	simm.s32 $0x2980;
	[sflag:s21] =	ssyncadd.s32 $0xFFFFE000  }
0x173: {  	[spmem:s16] =	stream.indirect.scatter.add.f32 [tilespmem:s14], [sflag:$0x5], $0x40, s29, s9, $0xb8;
	[tilespmem:$0x1A800] =	vst v63  }
0x174: {  	_ =	swait.ge [sflag:s5], $0x2000  }
0x175: {  	[sflag:s5] =	ssyncset.done $0x0  }
0x176: {  	[sflag:s5] =	ssyncadd.s32 $0xFFFFE000  }
0x177: {  	[spmem:s17] =	stream.indirect.scatter.add.f32 [tilespmem:s6], [sflag:$0x5], $0x10, s29, s9, $0xb8;
	[tilespmem:$0x1A800] =	vst v63  }
0x178: {  	_ =	swait.ge [sflag:s5], $0x800  }
0x179: {  	[sflag:s5] =	ssyncset.done $0x0  }
0x17a: {  	s30 =	simm.s32 $0x380;
	s29 =	simm.s32 $0x800;
	[sflag:s5] =	ssyncadd.s32 $0xFFFFF800  }
.LBB2_4:
0x17b: {  	[tilespmem:s14], [sflag:$0x4] =	stream.indirect.gather [hbm4b:s4+s9], $0x40, s30, s9, $0xb8;
	[tilespmem:$0x1A800] =	vst v63  }
0x17c: {  	s30 =	smov.u32 s29  }
0x17d: {  	p0 =	sne.s32 s29, $0x8800;
	s29 =	sadd.s32 $0x800, s29;
	_ =	swait.ge [sflag:s18], $0x2000  }
0x17e: {  	s30 =	sshra.s32 s30, $0x2;
	[sflag:s18] =	ssyncset.done $0x0  }
0x17f: {  	s31 =	sadd.s32 $0x2800, s30;
	[sflag:s18] =	ssyncadd.s32 $0xFFFFE000  }
0x180: {  	[spmem:s16] =	stream.indirect.scatter.add.f32 [tilespmem:s3], [sflag:$0x5], $0x40, s31, s9, $0xb8;
	[tilespmem:$0x1A800] =	vst v63  }
0x181: {  	_ =	swait.ge [sflag:s5], $0x2000  }
0x182: {  	[sflag:s5] =	ssyncset.done $0x0  }
0x183: {  	[sflag:s5] =	ssyncadd.s32 $0xFFFFE000  }
0x184: {  	[spmem:s17] =	stream.indirect.scatter.add.f32 [tilespmem:s6], [sflag:$0x5], $0x10, s31, s9, $0xb8;
	[tilespmem:$0x1A800] =	vst v63  }
0x185: {  	_ =	swait.ge [sflag:s5], $0x800  }
0x186: {  	[sflag:s5] =	ssyncset.done $0x0  }
0x187: {  	s31 =	sadd.s32 $0x200, s30;
	[sflag:s5] =	ssyncadd.s32 $0xFFFFF800  }
0x188: {  	[tilespmem:s3], [sflag:$0x1] =	stream.indirect.gather [hbm4b:s4+s9], $0x40, s31, s9, $0xb8;
	[tilespmem:$0x1A800] =	vst v63  }
0x189: {  	_ =	swait.ge [sflag:s19], $0x2000  }
0x18a: {  	[sflag:s19] =	ssyncset.done $0x0  }
0x18b: {  	s31 =	sadd.s32 $0x2880, s30;
	[sflag:s19] =	ssyncadd.s32 $0xFFFFE000  }
0x18c: {  	[spmem:s16] =	stream.indirect.scatter.add.f32 [tilespmem:s10], [sflag:$0x5], $0x40, s31, s9, $0xb8;
	[tilespmem:$0x1A800] =	vst v63  }
0x18d: {  	_ =	swait.ge [sflag:s5], $0x2000  }
0x18e: {  	[sflag:s5] =	ssyncset.done $0x0  }
0x18f: {  	[sflag:s5] =	ssyncadd.s32 $0xFFFFE000  }
0x190: {  	[spmem:s17] =	stream.indirect.scatter.add.f32 [tilespmem:s6], [sflag:$0x5], $0x10, s31, s9, $0xb8;
	[tilespmem:$0x1A800] =	vst v63  }
0x191: {  	_ =	swait.ge [sflag:s5], $0x800  }
0x192: {  	[sflag:s5] =	ssyncset.done $0x0  }
0x193: {  	s31 =	sadd.s32 $0x280, s30;
	[sflag:s5] =	ssyncadd.s32 $0xFFFFF800  }
0x194: {  	[tilespmem:s10], [sflag:$0x2] =	stream.indirect.gather [hbm4b:s4+s9], $0x40, s31, s9, $0xb8;
	[tilespmem:$0x1A800] =	vst v63  }
0x195: {  	_ =	swait.ge [sflag:s20], $0x2000  }
0x196: {  	[sflag:s20] =	ssyncset.done $0x0  }
0x197: {  	s31 =	sadd.s32 $0x2900, s30;
	[sflag:s20] =	ssyncadd.s32 $0xFFFFE000  }
0x198: {  	[spmem:s16] =	stream.indirect.scatter.add.f32 [tilespmem:s12], [sflag:$0x5], $0x40, s31, s9, $0xb8;
	[tilespmem:$0x1A800] =	vst v63  }
0x199: {  	_ =	swait.ge [sflag:s5], $0x2000  }
0x19a: {  	[sflag:s5] =	ssyncset.done $0x0  }
0x19b: {  	[sflag:s5] =	ssyncadd.s32 $0xFFFFE000  }
0x19c: {  	[spmem:s17] =	stream.indirect.scatter.add.f32 [tilespmem:s6], [sflag:$0x5], $0x10, s31, s9, $0xb8;
	[tilespmem:$0x1A800] =	vst v63  }
0x19d: {  	_ =	swait.ge [sflag:s5], $0x800  }
0x19e: {  	[sflag:s5] =	ssyncset.done $0x0  }
0x19f: {  	s31 =	sadd.s32 $0x300, s30;
	[sflag:s5] =	ssyncadd.s32 $0xFFFFF800  }
0x1a0: {  	[tilespmem:s12], [sflag:$0x3] =	stream.indirect.gather [hbm4b:s4+s9], $0x40, s31, s9, $0xb8;
	[tilespmem:$0x1A800] =	vst v63  }
0x1a1: {  	_ =	swait.ge [sflag:s21], $0x2000  }
0x1a2: {  	[sflag:s21] =	ssyncset.done $0x0  }
0x1a3: {  	s31 =	sadd.s32 $0x2980, s30;
	[sflag:s21] =	ssyncadd.s32 $0xFFFFE000  }
0x1a4: {  	[spmem:s16] =	stream.indirect.scatter.add.f32 [tilespmem:s14], [sflag:$0x5], $0x40, s31, s9, $0xb8;
	[tilespmem:$0x1A800] =	vst v63  }
0x1a5: {  	_ =	swait.ge [sflag:s5], $0x2000  }
0x1a6: {  	[sflag:s5] =	ssyncset.done $0x0  }
.Ltmp1:
0x1a7: {  	[sflag:s5] =	ssyncadd.s32 $0xFFFFE000;
	(pc) =	sbr.rel @p0 .LBB2_4-.Ltmp1, $4  }
0x1a8: {  	[spmem:s17] =	stream.indirect.scatter.add.f32 [tilespmem:s6], [sflag:$0x5], $0x10, s31, s9, $0xb8;
	[tilespmem:$0x1A800] =	vst v63  }
0x1a9: {  	_ =	swait.ge [sflag:s5], $0x800  }
0x1aa: {  	[sflag:s5] =	ssyncset.done $0x0  }
0x1ab: {  	s30 =	sadd.s32 $0x380, s30;
	[sflag:s5] =	ssyncadd.s32 $0xFFFFF800  }
0x1ac: {  	[tilespmem:s14], [sflag:$0x4] =	stream.indirect.gather [hbm4b:s4+s9], $0x40, s30, s9, $0xb8;
	[tilespmem:$0x1A800] =	vst v63  }
0x1ad: {  	_ =	swait.ge [sflag:s18], $0x2000  }
0x1ae: {  	[sflag:s18] =	ssyncset.done $0x0  }
0x1af: {  	s11 =	simm.s32 $0x4C00;
	[sflag:s18] =	ssyncadd.s32 $0xFFFFE000  }
0x1b0: {  	[spmem:s16] =	stream.indirect.scatter.add.f32 [tilespmem:s3], [sflag:$0x5], $0x40, s11, s9, $0xb8;
	[tilespmem:$0x1A800] =	vst v63  }
0x1b1: {  	_ =	swait.ge [sflag:s5], $0x2000  }
0x1b2: {  	[sflag:s5] =	ssyncset.done $0x0  }
0x1b3: {  	[sflag:s5] =	ssyncadd.s32 $0xFFFFE000  }
0x1b4: {  	[spmem:s17] =	stream.indirect.scatter.add.f32 [tilespmem:s6], [sflag:$0x5], $0x10, s11, s9, $0xb8;
	[tilespmem:$0x1A800] =	vst v63  }
0x1b5: {  	_ =	swait.ge [sflag:s5], $0x800  }
0x1b6: {  	[sflag:s5] =	ssyncset.done $0x0  }
0x1b7: {  	s29 =	simm.s32 $0x2600;
	[sflag:s5] =	ssyncadd.s32 $0xFFFFF800  }
0x1b8: {  	[tilespmem:s3], [sflag:$0x1] =	stream.indirect.gather [hbm4b:s4+s9], $0x40, s29, s9, $0xb8;
	[tilespmem:$0x1A800] =	vst v63  }
0x1b9: {  	_ =	swait.ge [sflag:s19], $0x2000  }
0x1ba: {  	[sflag:s19] =	ssyncset.done $0x0  }
0x1bb: {  	s23 =	simm.s32 $0x4C80;
	[sflag:s19] =	ssyncadd.s32 $0xFFFFE000  }
0x1bc: {  	[spmem:s16] =	stream.indirect.scatter.add.f32 [tilespmem:s10], [sflag:$0x5], $0x40, s23, s9, $0xb8;
	[tilespmem:$0x1A800] =	vst v63  }
0x1bd: {  	_ =	swait.ge [sflag:s5], $0x2000  }
0x1be: {  	[sflag:s5] =	ssyncset.done $0x0  }
0x1bf: {  	[sflag:s5] =	ssyncadd.s32 $0xFFFFE000  }
0x1c0: {  	[spmem:s17] =	stream.indirect.scatter.add.f32 [tilespmem:s6], [sflag:$0x5], $0x10, s23, s9, $0xb8;
	[tilespmem:$0x1A800] =	vst v63  }
0x1c1: {  	_ =	swait.ge [sflag:s5], $0x800  }
0x1c2: {  	[sflag:s5] =	ssyncset.done $0x0  }
0x1c3: {  	s24 =	simm.s32 $0x2680;
	[sflag:s5] =	ssyncadd.s32 $0xFFFFF800  }
0x1c4: {  	[tilespmem:s10], [sflag:$0x2] =	stream.indirect.gather [hbm4b:s4+s9], $0x40, s24, s9, $0xb8;
	[tilespmem:$0x1A800] =	vst v63  }
0x1c5: {  	_ =	swait.ge [sflag:s20], $0x2000  }
0x1c6: {  	[sflag:s20] =	ssyncset.done $0x0  }
0x1c7: {  	s29 =	simm.s32 $0x4D00;
	[sflag:s20] =	ssyncadd.s32 $0xFFFFE000  }
0x1c8: {  	[spmem:s16] =	stream.indirect.scatter.add.f32 [tilespmem:s12], [sflag:$0x5], $0x40, s29, s9, $0xb8;
	[tilespmem:$0x1A800] =	vst v63  }
0x1c9: {  	_ =	swait.ge [sflag:s5], $0x2000  }
0x1ca: {  	[sflag:s5] =	ssyncset.done $0x0  }
0x1cb: {  	[sflag:s5] =	ssyncadd.s32 $0xFFFFE000  }
0x1cc: {  	[spmem:s17] =	stream.indirect.scatter.add.f32 [tilespmem:s6], [sflag:$0x5], $0x10, s29, s9, $0xb8;
	[tilespmem:$0x1A800] =	vst v63  }
0x1cd: {  	_ =	swait.ge [sflag:s5], $0x800  }
0x1ce: {  	[sflag:s5] =	ssyncset.done $0x0  }
0x1cf: {  	s23 =	simm.s32 $0x2700;
	[sflag:s5] =	ssyncadd.s32 $0xFFFFF800  }
0x1d0: {  	[tilespmem:s12], [sflag:$0x3] =	stream.indirect.gather [hbm4b:s4+s9], $0x40, s23, s9, $0xb8;
	[tilespmem:$0x1A800] =	vst v63  }
0x1d1: {  	_ =	swait.ge [sflag:s21], $0x2000  }
0x1d2: {  	[sflag:s21] =	ssyncset.done $0x0  }
0x1d3: {  	s24 =	simm.s32 $0x4D80;
	[sflag:s21] =	ssyncadd.s32 $0xFFFFE000  }
0x1d4: {  	[spmem:s16] =	stream.indirect.scatter.add.f32 [tilespmem:s14], [sflag:$0x5], $0x40, s24, s9, $0xb8;
	[tilespmem:$0x1A800] =	vst v63  }
0x1d5: {  	_ =	swait.ge [sflag:s5], $0x2000  }
0x1d6: {  	[sflag:s5] =	ssyncset.done $0x0  }
0x1d7: {  	[sflag:s5] =	ssyncadd.s32 $0xFFFFE000  }
0x1d8: {  	[spmem:s17] =	stream.indirect.scatter.add.f32 [tilespmem:s6], [sflag:$0x5], $0x10, s24, s9, $0xb8;
	[tilespmem:$0x1A800] =	vst v63  }
0x1d9: {  	_ =	swait.ge [sflag:s5], $0x800  }
0x1da: {  	[sflag:s5] =	ssyncset.done $0x0  }
0x1db: {  	[sflag:s5] =	ssyncadd.s32 $0xFFFFF800  }
0x1dc: {  	[tilespmem:s14], [sflag:$0x4] =	stream.indirect.gather [hbm4b:s4+s9], $0x40, s8, s9, $0xb8;
	[tilespmem:$0x1A800] =	vst v63  }
0x1dd: {  	_ =	swait.ge [sflag:s18], $0x2000  }
0x1de: {  	[sflag:s18] =	ssyncset.done $0x0  }
0x1df: {  	s29 =	simm.s32 $0x4E00;
	[sflag:s18] =	ssyncadd.s32 $0xFFFFE000  }
0x1e0: {  	[spmem:s16] =	stream.indirect.scatter.add.f32 [tilespmem:s3], [sflag:$0x5], $0x40, s29, s9, $0xb8;
	[tilespmem:$0x1A800] =	vst v63  }
0x1e1: {  	_ =	swait.ge [sflag:s5], $0x2000  }
0x1e2: {  	[sflag:s5] =	ssyncset.done $0x0  }
0x1e3: {  	[sflag:s5] =	ssyncadd.s32 $0xFFFFE000  }
0x1e4: {  	[spmem:s17] =	stream.indirect.scatter.add.f32 [tilespmem:s6], [sflag:$0x5], $0x10, s29, s9, $0xb8;
	[tilespmem:$0x1A800] =	vst v63  }
0x1e5: {  	_ =	swait.ge [sflag:s5], $0x800  }
0x1e6: {  	[sflag:s5] =	ssyncset.done $0x0  }
0x1e7: {  	[sflag:s5] =	ssyncadd.s32 $0xFFFFF800  }
0x1e8: {  	[tilespmem:s3], [sflag:$0x1] =	stream.indirect.gather [hbm4b:s4+s9], $0x40, s8, s9, $0xb8;
	[tilespmem:$0x1A800] =	vst v63  }
0x1e9: {  	_ =	swait.ge [sflag:s19], $0x2000  }
0x1ea: {  	[sflag:s19] =	ssyncset.done $0x0  }
0x1eb: {  	s23 =	simm.s32 $0x4E80;
	[sflag:s19] =	ssyncadd.s32 $0xFFFFE000  }
0x1ec: {  	[spmem:s16] =	stream.indirect.scatter.add.f32 [tilespmem:s10], [sflag:$0x5], $0x40, s23, s9, $0xb8;
	[tilespmem:$0x1A800] =	vst v63  }
0x1ed: {  	_ =	swait.ge [sflag:s5], $0x2000  }
0x1ee: {  	[sflag:s5] =	ssyncset.done $0x0  }
0x1ef: {  	[sflag:s5] =	ssyncadd.s32 $0xFFFFE000  }
0x1f0: {  	[spmem:s17] =	stream.indirect.scatter.add.f32 [tilespmem:s6], [sflag:$0x5], $0x10, s23, s9, $0xb8;
	[tilespmem:$0x1A800] =	vst v63  }
0x1f1: {  	_ =	swait.ge [sflag:s5], $0x800  }
0x1f2: {  	[sflag:s5] =	ssyncset.done $0x0  }
0x1f3: {  	[sflag:s5] =	ssyncadd.s32 $0xFFFFF800  }
0x1f4: {  	[tilespmem:s10], [sflag:$0x2] =	stream.indirect.gather [hbm4b:s4+s9], $0x40, s8, s9, $0xb8;
	[tilespmem:$0x1A800] =	vst v63  }
0x1f5: {  	_ =	swait.ge [sflag:s20], $0x2000  }
0x1f6: {  	[sflag:s20] =	ssyncset.done $0x0  }
0x1f7: {  	s24 =	simm.s32 $0x4F00;
	[sflag:s20] =	ssyncadd.s32 $0xFFFFE000  }
0x1f8: {  	[spmem:s16] =	stream.indirect.scatter.add.f32 [tilespmem:s12], [sflag:$0x5], $0x40, s24, s9, $0xb8;
	[tilespmem:$0x1A800] =	vst v63  }
0x1f9: {  	_ =	swait.ge [sflag:s5], $0x2000  }
0x1fa: {  	[sflag:s5] =	ssyncset.done $0x0  }
0x1fb: {  	[sflag:s5] =	ssyncadd.s32 $0xFFFFE000  }
0x1fc: {  	[spmem:s17] =	stream.indirect.scatter.add.f32 [tilespmem:s6], [sflag:$0x5], $0x10, s24, s9, $0xb8;
	[tilespmem:$0x1A800] =	vst v63  }
0x1fd: {  	_ =	swait.ge [sflag:s5], $0x800  }
0x1fe: {  	[sflag:s5] =	ssyncset.done $0x0  }
0x1ff: {  	[sflag:s5] =	ssyncadd.s32 $0xFFFFF800  }
0x200: {  	[tilespmem:s12], [sflag:$0x3] =	stream.indirect.gather [hbm4b:s4+s9], $0x40, s8, s9, $0xb8;
	[tilespmem:$0x1A800] =	vst v63  }
0x201: {  	_ =	swait.ge [sflag:s21], $0x2000  }
0x202: {  	[sflag:s21] =	ssyncset.done $0x0  }
0x203: {  	s29 =	simm.s32 $0x4F80;
	[sflag:s21] =	ssyncadd.s32 $0xFFFFE000  }
0x204: {  	[spmem:s16] =	stream.indirect.scatter.add.f32 [tilespmem:s14], [sflag:$0x5], $0x40, s29, s9, $0xb8;
	[tilespmem:$0x1A800] =	vst v63  }
0x205: {  	_ =	swait.ge [sflag:s5], $0x2000  }
0x206: {  	[sflag:s5] =	ssyncset.done $0x0  }
0x207: {  	[sflag:s5] =	ssyncadd.s32 $0xFFFFE000  }
0x208: {  	[spmem:s17] =	stream.indirect.scatter.add.f32 [tilespmem:s6], [sflag:$0x5], $0x10, s29, s9, $0xb8;
	[tilespmem:$0x1A800] =	vst v63  }
0x209: {  	_ =	swait.ge [sflag:s5], $0x800  }
0x20a: {  	[sflag:s5] =	ssyncset.done $0x0  }
0x20b: {  	[sflag:s5] =	ssyncadd.s32 $0xFFFFF800  }
0x20c: {  	[tilespmem:s14], [sflag:$0x4] =	stream.indirect.gather [hbm4b:s4+s9], $0x40, s8, s9, $0xb8;
	[tilespmem:$0x1A800] =	vst v63  }
0x20d: {  	_ =	swait.ge [sflag:s18], $0x2000  }
0x20e: {  	[sflag:s18] =	ssyncset.done $0x0  }
0x20f: {  	[sflag:s18] =	ssyncadd.s32 $0xFFFFE000  }
0x210: {  	_ =	swait.ge [sflag:s19], $0x2000  }
0x211: {  	[sflag:s19] =	ssyncset.done $0x0  }
0x212: {  	[sflag:s19] =	ssyncadd.s32 $0xFFFFE000  }
0x213: {  	_ =	swait.ge [sflag:s20], $0x2000  }
0x214: {  	[sflag:s20] =	ssyncset.done $0x0  }
0x215: {  	[sflag:s20] =	ssyncadd.s32 $0xFFFFE000  }
0x216: {  	_ =	swait.ge [sflag:s21], $0x2000  }
0x217: {  	[sflag:s21] =	ssyncset.done $0x0  }
0x218: {  	[sflag:s21] =	ssyncadd.s32 $0xFFFFE000  }
0x219: {  	[bflag:$0x0] =	sbarrier.arrive $0xFFFF  }
0x21a: {  	[tilespmem:s3], [sflag:$0x5] =	stream.linear.gather [spmem:s15], $0x2000, $0x38;
	[tilespmem:$0x1A800] =	vst v63  }
0x21b: {  	_ =	swait.ge [sflag:s5], $0x2000  }
0x21c: {  	[sflag:s5] =	ssyncset.done $0x0  }
0x21d: {  	s29 =	rddreg [dreg:$0x9];
	[sflag:s5] =	ssyncadd.s32 $0xFFFFE000  }
0x21e: {  	[hbm4b:s29+s1] =	stream.linear.scatter [tilespmem:s3], [sflag:$0x5], $0x2000, $0x38;
	[tilespmem:$0x1A800] =	vst v63  }
0x21f: {  	_ =	swait.ge [sflag:s5], $0x2000  }
0x220: {  	[sflag:s5] =	ssyncset.done $0x0  }
0x221: {  	[sflag:s5] =	ssyncadd.s32 $0xFFFFE000  }
0x222: {  	[tilespmem:s7], [sflag:$0x5] =	stream.linear.gather [spmem:s2], $0x800, $0x38;
	[tilespmem:$0x1A800] =	vst v63  }
0x223: {  	_ =	swait.ge [sflag:s5], $0x800  }
0x224: {  	[sflag:s5] =	ssyncset.done $0x0  }
0x225: {  	s11 =	rddreg [dreg:$0xe];
	[sflag:s5] =	ssyncadd.s32 $0xFFFFF800  }
0x226: {  	[hbm4b:s11+s1] =	stream.linear.scatter [tilespmem:s7], [sflag:$0x5], $0x800, $0x38;
	[tilespmem:$0x1A800] =	vst v63  }
0x227: {  	_ =	swait.ge [sflag:s5], $0x800  }
0x228: {  	[sflag:s5] =	ssyncset.done $0x0  }
0x229: {  	[sflag:s5] =	ssyncadd.s32 $0xFFFFF800  }
0x22a: {  	[tilespmem:s3], [sflag:$0x5] =	stream.linear.gather [spmem:s0], $0x2000, $0x38;
	[tilespmem:$0x1A800] =	vst v63  }
0x22b: {  	_ =	swait.ge [sflag:s5], $0x2000  }
0x22c: {  	[sflag:s5] =	ssyncset.done $0x0  }
0x22d: {  	s30 =	smov.u32 s15;
	s15 =	rddreg [dreg:$0xa];
	[sflag:s5] =	ssyncadd.s32 $0xFFFFE000  }
0x22e: {  	[hbm4b:s15+s1] =	stream.linear.scatter [tilespmem:s3], [sflag:$0x5], $0x2000, $0x38;
	[tilespmem:$0x1A800] =	vst v63  }
0x22f: {  	_ =	swait.ge [sflag:s5], $0x2000  }
0x230: {  	[sflag:s5] =	ssyncset.done $0x0  }
0x231: {  	[sflag:s5] =	ssyncadd.s32 $0xFFFFE000  }
0x232: {  	[tilespmem:s7], [sflag:$0x5] =	stream.linear.gather [spmem:s25], $0x800, $0x38;
	[tilespmem:$0x1A800] =	vst v63  }
0x233: {  	_ =	swait.ge [sflag:s5], $0x800  }
0x234: {  	[sflag:s5] =	ssyncset.done $0x0  }
0x235: {  	s23 =	rddreg [dreg:$0xf];
	[sflag:s5] =	ssyncadd.s32 $0xFFFFF800  }
0x236: {  	[hbm4b:s23+s1] =	stream.linear.scatter [tilespmem:s7], [sflag:$0x5], $0x800, $0x38;
	[tilespmem:$0x1A800] =	vst v63  }
0x237: {  	_ =	swait.ge [sflag:s5], $0x800  }
0x238: {  	[sflag:s5] =	ssyncset.done $0x0  }
0x239: {  	[sflag:s5] =	ssyncadd.s32 $0xFFFFF800  }
0x23a: {  	[tilespmem:s3], [sflag:$0x5] =	stream.linear.gather [spmem:s22], $0x2000, $0x38;
	[tilespmem:$0x1A800] =	vst v63  }
0x23b: {  	_ =	swait.ge [sflag:s5], $0x2000  }
0x23c: {  	[sflag:s5] =	ssyncset.done $0x0  }
0x23d: {  	s24 =	smov.u32 s25;
	s25 =	rddreg [dreg:$0xb];
	[sflag:s5] =	ssyncadd.s32 $0xFFFFE000  }
0x23e: {  	[hbm4b:s25+s1] =	stream.linear.scatter [tilespmem:s3], [sflag:$0x5], $0x2000, $0x38;
	[tilespmem:$0x1A800] =	vst v63  }
0x23f: {  	_ =	swait.ge [sflag:s5], $0x2000  }
0x240: {  	[sflag:s5] =	ssyncset.done $0x0  }
0x241: {  	[sflag:s5] =	ssyncadd.s32 $0xFFFFE000  }
0x242: {  	[tilespmem:s7], [sflag:$0x5] =	stream.linear.gather [spmem:s26], $0x800, $0x38;
	[tilespmem:$0x1A800] =	vst v63  }
0x243: {  	_ =	swait.ge [sflag:s5], $0x800  }
0x244: {  	[sflag:s5] =	ssyncset.done $0x0  }
0x245: {  	s31 =	smov.u32 s0;
	s0 =	rddreg [dreg:$0x10];
	[sflag:s5] =	ssyncadd.s32 $0xFFFFF800  }
0x246: {  	[hbm4b:s0+s1] =	stream.linear.scatter [tilespmem:s7], [sflag:$0x5], $0x800, $0x38;
	[tilespmem:$0x1A800] =	vst v63  }
0x247: {  	_ =	swait.ge [sflag:s5], $0x800  }
0x248: {  	[sflag:s5] =	ssyncset.done $0x0  }
0x249: {  	s0 =	rddreg [dreg:$0x17];
	[sflag:s5] =	ssyncadd.s32 $0xFFFFF800  }
0x24a: {  	[tilespmem:s3], [sflag:$0x5] =	stream.linear.gather [spmem:s0], $0x2000, $0x38;
	[tilespmem:$0x1A800] =	vst v63  }
0x24b: {  	_ =	swait.ge [sflag:s5], $0x2000  }
0x24c: {  	[sflag:s5] =	ssyncset.done $0x0  }
0x24d: {  	s11 =	rddreg [dreg:$0xc];
	[sflag:s5] =	ssyncadd.s32 $0xFFFFE000  }
0x24e: {  	[hbm4b:s11+s1] =	stream.linear.scatter [tilespmem:s3], [sflag:$0x5], $0x2000, $0x38;
	[tilespmem:$0x1A800] =	vst v63  }
0x24f: {  	_ =	swait.ge [sflag:s5], $0x2000  }
0x250: {  	[sflag:s5] =	ssyncset.done $0x0  }
0x251: {  	[sflag:s5] =	ssyncadd.s32 $0xFFFFE000  }
0x252: {  	[tilespmem:s7], [sflag:$0x5] =	stream.linear.gather [spmem:s13], $0x800, $0x38;
	[tilespmem:$0x1A800] =	vst v63  }
0x253: {  	_ =	swait.ge [sflag:s5], $0x800  }
0x254: {  	[sflag:s5] =	ssyncset.done $0x0  }
0x255: {  	s15 =	rddreg [dreg:$0x11];
	[sflag:s5] =	ssyncadd.s32 $0xFFFFF800  }
0x256: {  	[hbm4b:s15+s1] =	stream.linear.scatter [tilespmem:s7], [sflag:$0x5], $0x800, $0x38;
	[tilespmem:$0x1A800] =	vst v63  }
0x257: {  	_ =	swait.ge [sflag:s5], $0x800  }
0x258: {  	[sflag:s5] =	ssyncset.done $0x0  }
0x259: {  	s15 =	rddreg [dreg:$0x16];
	[sflag:s5] =	ssyncadd.s32 $0xFFFFF800  }
0x25a: {  	[tilespmem:s3], [sflag:$0x5] =	stream.linear.gather [spmem:s15], $0x2000, $0x38;
	[tilespmem:$0x1A800] =	vst v63  }
0x25b: {  	_ =	swait.ge [sflag:s5], $0x2000  }
0x25c: {  	[sflag:s5] =	ssyncset.done $0x0  }
0x25d: {  	s23 =	rddreg [dreg:$0xd];
	[sflag:s5] =	ssyncadd.s32 $0xFFFFE000  }
0x25e: {  	[hbm4b:s23+s1] =	stream.linear.scatter [tilespmem:s3], [sflag:$0x5], $0x2000, $0x38;
	[tilespmem:$0x1A800] =	vst v63  }
0x25f: {  	_ =	swait.ge [sflag:s5], $0x2000  }
0x260: {  	[sflag:s5] =	ssyncset.done $0x0  }
0x261: {  	s11 =	rddreg [dreg:$0x18];
	[sflag:s5] =	ssyncadd.s32 $0xFFFFE000  }
0x262: {  	[tilespmem:s7], [sflag:$0x5] =	stream.linear.gather [spmem:s11], $0x800, $0x38;
	[tilespmem:$0x1A800] =	vst v63  }
0x263: {  	_ =	swait.ge [sflag:s5], $0x800  }
0x264: {  	[sflag:s5] =	ssyncset.done $0x0  }
0x265: {  	s25 =	rddreg [dreg:$0x12];
	[sflag:s5] =	ssyncadd.s32 $0xFFFFF800  }
0x266: {  	[hbm4b:s25+s1] =	stream.linear.scatter [tilespmem:s7], [sflag:$0x5], $0x800, $0x38;
	[tilespmem:$0x1A800] =	vst v63  }
0x267: {  	_ =	swait.ge [sflag:s5], $0x800  }
0x268: {  	s28 =	sadd.s32 $0x1, s28;
	s23 =	rddreg [dreg:$0x19]  }
0x269: {  	p0 =	sne.s32 s28, s23  }
.Ltmp2:
0x26a: {  	_ = 	snop;
	(pc) =	sbr.rel @p0 .LBB2_1-.Ltmp2, $3  }
0x26b: {  	_ =	sdelay $0x1  }
0x26c: {  	[sflag:s5] =	ssyncset.done $0x0  }
0x26d: {  	[sflag:s5] =	ssyncadd.s32 $0xFFFFF800;
	s23 =	smov.u32 s2  }
0x26e: {  	_ =	sfence.sel $0x180000  }
0x26f: {  	[bflag:$0x0] =	sbarrier.arrive $0xFFFF  }
0x270: {  	_ =	strace $0x90000047  }
0x271: {  	s0 =	stileid.u32;
	[bflag:$0x2] =	sbarrier.arrive $0xFFFF  }
0x272: {  	p0 =	sne.s32 s0, $0x0;
	s0 =	rddreg [dreg:$0x4]  }
0x273: {  	s0 =	sadd.s32 @!p0 $0x100000, s0  }
0x274: {  	[sflag:s0] =	ssyncadd.tile.s32 @!p0 $0x1;
	_ =	shalt  }
.Lfunc_end2:
_tile_overlayer_lowered:
.L_overlay_start_2:
0x275: {  	(tag) =	ssettag $0x2  }
0x276: {  	s0 =	rddreg [dreg:$0x0];
	s2 =	stileid.u32  }
0x277: {  	s1 =	rddreg [dreg:$0x1];
	p0 =	sne.s32 s2, $0x0  }
0x278: {  	s3 =	rddreg [dreg:$0x2];
	[bflag:$0x3] =	sbarrier.arrive $0xFFFF;
	s2 =	simm.s32 @!p0 $0x1C05  }
0x279: {  	[timem:s3], [sflag:s2] =	dma.local @!p0 [hbm:s0], s1  }
0x27a: {  	s0 =	simm.s32 @!p0 $0x5  }
0x27b: {  	_ =	swait.ge @!p0 [sflag:s0], s1  }
0x27c: {  	s1 =	ssub.s32 @!p0 $0x0, s1;
	[sflag:s0] =	ssyncset.done @!p0 $0x0  }
0x27d: {  	[sflag:s0] =	ssyncadd.s32 @!p0 s1  }
0x27e: {  	[bflag:$0x3] =	sbarrier.arrive $0xFFFF  }
0x27f: {  	_ =	shalt  }

</sc_bundles>
